<compile_context>
chip_gen: v7x
topology: tpu7x:2x2x1
jax: 0.10.2.dev20260603
libtpu: 0.0.44.dev20260713+nightly
codegen_flags: <defaults>
</compile_context>

<pallas_src>
import functools

import jax
import jax.numpy as jnp
from jax import lax
from jax.experimental import pallas as pl
from jax.experimental.pallas import tpu as pltpu
from jax.experimental.pallas import tpu_sc as plsc

B = 16384
NF = 8
EMB = 32
H1 = 8

NC = 2
NS = 16
L = 16
NW = NC * NS
RPW = B // NW
OUT_W = 2 * NF
RPS = NF * 256 // NS
TBL = NF * 256 * 2

PB1 = EMB * H1 * L
PW2 = PB1 + H1 * L
PB2 = PW2 + H1 * 2 * L
PLEN = PB2 + 2 * L

_sc_mesh = plsc.VectorSubcoreMesh(core_axis_name="c", subcore_axis_name="s")


@functools.partial(
    pl.kernel,
    mesh=_sc_mesh,
    out_type=jax.ShapeDtypeStruct((B * OUT_W,), jnp.float32),
    scratch_types=[
        pltpu.VMEM((RPS * EMB,), jnp.float32),
        pltpu.VMEM((PLEN,), jnp.float32),
        pltpu.VMEM((RPS * 2,), jnp.float32),
        pltpu.VMEM((TBL,), jnp.float32),
        pltpu.VMEM((NF, RPW), jnp.int32),
        pltpu.VMEM((RPW * OUT_W,), jnp.float32),
        pltpu.VMEM_SHARED((TBL,), jnp.float32),
        pltpu.SemaphoreType.DMA,
    ],
    compiler_params=pltpu.CompilerParams(needs_layout_passes=False),
)
def _sc_all(emb_hbm, p_hbm, i1, i2, i3, i4, i5, i6, i7, i8, out_hbm,
            e_v, p_v, tloc_v, t_v, idx_v, out_v, shared, sem):
    s = lax.axis_index("s")
    cax = lax.axis_index("c")
    wid = s * NC + cax
    base = wid * RPW

    idx_hbms = (i1, i2, i3, i4, i5, i6, i7, i8)
    idx_copies = [
        pltpu.async_copy(idx_hbms[n].at[pl.ds(base, RPW)], idx_v.at[n], sem)
        for n in range(NF)
    ]

    f = s // 2
    lr0 = (s % 2) * RPS
    pltpu.sync_copy(emb_hbm.at[f, pl.ds(lr0 * EMB, RPS * EMB)], e_v)
    pltpu.sync_copy(p_hbm.at[f], p_v)

    lane = lax.iota(jnp.int32, L)
    lane2 = lane * 2
    lane_e = lane * EMB

    def tbody(c, _):
        ebase = lane_e + c * (L * EMB)
        cols = [plsc.load_gather(e_v, [ebase + k]) for k in range(EMB)]
        t0 = p_v[pl.ds(PB2, L)]
        t1 = p_v[pl.ds(PB2 + L, L)]
        for j in range(H1):
            acc = p_v[pl.ds(PB1 + j * L, L)]
            for k in range(EMB):
                acc = acc + cols[k] * p_v[pl.ds((k * H1 + j) * L, L)]
            h = jnp.maximum(acc, 0.0)
            t0 = t0 + h * p_v[pl.ds(PW2 + (j * 2) * L, L)]
            t1 = t1 + h * p_v[pl.ds(PW2 + (j * 2 + 1) * L, L)]
        pos = c * (2 * L) + lane2
        plsc.store_scatter(tloc_v, [pos], jnp.maximum(t0, 0.0))
        plsc.store_scatter(tloc_v, [pos + 1], jnp.maximum(t1, 0.0))
        return 0

    lax.fori_loop(0, RPS // L, tbody, 0)

    pltpu.sync_copy(tloc_v, shared.at[pl.ds(s * RPS * 2, RPS * 2)])
    plsc.subcore_barrier()
    pltpu.sync_copy(shared, t_v)

    for c in idx_copies:
        c.wait()

    nchunks = RPW // L
    for n in range(NF):
        pos_n = lane * OUT_W + 2 * n

        def gbody(c, _, n=n, pos_n=pos_n):
            g2 = (idx_v[n, pl.ds(c * L, L)] + n * 256) * 2
            v0 = plsc.load_gather(t_v, [g2])
            v1 = plsc.load_gather(t_v, [g2 + 1])
            pos = pos_n + c * (L * OUT_W)
            plsc.store_scatter(out_v, [pos], v0)
            plsc.store_scatter(out_v, [pos + 1], v1)
            return 0

        lax.fori_loop(0, nchunks, gbody, 0, unroll=4)

    pltpu.sync_copy(out_v, out_hbm.at[pl.ds(base * OUT_W, RPW * OUT_W)])


def kernel(idx_a1, idx_a2, idx_a3, idx_a4, idx_p1, idx_p2, idx_p3, idx_p4,
           emb_a1, emb_a2, emb_a3, emb_a4, emb_p1, emb_p2, emb_p3, emb_p4,
           Wa1_1, ba1_1, Wa2_1, ba2_1, Wa3_1, ba3_1, Wa4_1, ba4_1,
           Wp1_1, bp1_1, Wa1_2, ba1_2, Wp1_2, bp1_2):
    emb = jnp.stack([emb_a1, emb_a2, emb_a3, emb_a4,
                     emb_p1, emb_p2, emb_p3, emb_p4])
    emb_flat = emb.reshape(NF, 256 * EMB)

    w1 = jnp.stack([Wa1_1, Wa2_1, Wa3_1, Wa4_1,
                    Wp1_1, Wp1_1, Wp1_1, Wp1_1])
    b1 = jnp.stack([ba1_1, ba2_1, ba3_1, ba4_1,
                    bp1_1, bp1_1, bp1_1, bp1_1])
    w2 = jnp.stack([Wa1_2, Wa1_2, Wa1_2, Wa1_2,
                    Wp1_2, Wp1_2, Wp1_2, Wp1_2])
    b2 = jnp.stack([ba1_2, ba1_2, ba1_2, ba1_2,
                    bp1_2, bp1_2, bp1_2, bp1_2])
    p = jnp.concatenate([w1.reshape(NF, -1), b1,
                         w2.reshape(NF, -1), b2], axis=1)
    p_splat = jnp.repeat(p, L, axis=1)

    out_flat = _sc_all(emb_flat, p_splat,
                       idx_a1, idx_a2, idx_a3, idx_a4,
                       idx_p1, idx_p2, idx_p3, idx_p4)
    return out_flat.reshape(B, OUT_W)

# --- scband reference (transcript-rebuilt; emitter-appended) ---
"""Pipeline reference for scband-byte-encoder-23957327577099 (READ-ONLY COPY).

The authoritative reference and input builder live on the scoring server;
editing this copy changes nothing except your own understanding.
"""

import jax, jax.numpy as jnp
import numpy as np

B = 16384
EMB = 32

def setup_inputs(seed: int = 0) -> dict:
    key = jax.random.key(seed)
    names = ["a1", "a2", "a3", "a4", "p1", "p2", "p3", "p4"]
    d = {}
    k = key
    for n in names:
        k, sub = jax.random.split(k)
        d[f"idx_{n}"] = jax.random.randint(sub, (B,), 0, 256, dtype=jnp.int32)
    for n in names:
        k, sub = jax.random.split(k)
        d[f"emb_{n}"] = jax.random.normal(sub, (256, EMB), dtype=jnp.float32)
    # address layer-1 weights (all four distinct, as used in forward)
    for n in ["a1", "a2", "a3", "a4"]:
        k, sub = jax.random.split(k)
        d[f"W{n}_1"] = jax.random.normal(sub, (EMB, 8), dtype=jnp.float32) * 0.1
        d[f"b{n}_1"] = jnp.zeros((8,), dtype=jnp.float32)
    # NOTE: original forward reuses linear_first_pc_1 for all pc branches and
    # linear_first_address_2 / linear_first_pc_2 for all second layers (faithful bug replication)
    k, sub = jax.random.split(k)
    d["Wp1_1"] = jax.random.normal(sub, (EMB, 8), dtype=jnp.float32) * 0.1
    d["bp1_1"] = jnp.zeros((8,), dtype=jnp.float32)
    k, sub = jax.random.split(k)
    d["Wa1_2"] = jax.random.normal(sub, (8, 2), dtype=jnp.float32) * 0.1
    d["ba1_2"] = jnp.zeros((2,), dtype=jnp.float32)
    k, sub = jax.random.split(k)
    d["Wp1_2"] = jax.random.normal(sub, (8, 2), dtype=jnp.float32) * 0.1
    d["bp1_2"] = jnp.zeros((2,), dtype=jnp.float32)
    return d


def reference(idx_a1, idx_a2, idx_a3, idx_a4, idx_p1, idx_p2, idx_p3, idx_p4,
              emb_a1, emb_a2, emb_a3, emb_a4, emb_p1, emb_p2, emb_p3, emb_p4,
              Wa1_1, ba1_1, Wa2_1, ba2_1, Wa3_1, ba3_1, Wa4_1, ba4_1,
              Wp1_1, bp1_1, Wa1_2, ba1_2, Wp1_2, bp1_2):
    relu = jax.nn.relu
    # embedding gathers (SparseCore-friendly)
    ea1 = jnp.take(emb_a1, idx_a1, axis=0)
    ea2 = jnp.take(emb_a2, idx_a2, axis=0)
    ea3 = jnp.take(emb_a3, idx_a3, axis=0)
    ea4 = jnp.take(emb_a4, idx_a4, axis=0)
    ep1 = jnp.take(emb_p1, idx_p1, axis=0)
    ep2 = jnp.take(emb_p2, idx_p2, axis=0)
    ep3 = jnp.take(emb_p3, idx_p3, axis=0)
    ep4 = jnp.take(emb_p4, idx_p4, axis=0)
    # address first layer: distinct weights per branch
    a1 = relu(ea1 @ Wa1_1 + ba1_1)
    a2 = relu(ea2 @ Wa2_1 + ba2_1)
    a3 = relu(ea3 @ Wa3_1 + ba3_1)
    a4 = relu(ea4 @ Wa4_1 + ba4_1)
    # pc first layer: original forward reuses linear_first_pc_1 for all
    p1 = relu(ep1 @ Wp1_1 + bp1_1)
    p2 = relu(ep2 @ Wp1_1 + bp1_1)
    p3 = relu(ep3 @ Wp1_1 + bp1_1)
    p4 = relu(ep4 @ Wp1_1 + bp1_1)
    # second layers: original forward reuses linear_first_address_2 / linear_first_pc_2
    a1 = relu(a1 @ Wa1_2 + ba1_2)
    a2 = relu(a2 @ Wa1_2 + ba1_2)
    a3 = relu(a3 @ Wa1_2 + ba1_2)
    a4 = relu(a4 @ Wa1_2 + ba1_2)
    p1 = relu(p1 @ Wp1_2 + bp1_2)
    p2 = relu(p2 @ Wp1_2 + bp1_2)
    p3 = relu(p3 @ Wp1_2 + bp1_2)
    p4 = relu(p4 @ Wp1_2 + bp1_2)
    return jnp.concatenate([a1, a2, a3, a4, p1, p2, p3, p4], axis=-1)

if __name__ == "__main__":
    import jax
    _d = setup_inputs()
    print(jax.jit(kernel)(*tuple(_d.values())))

</pallas_src>

<mosaic_0001>
#map = affine_map<(d0, d1) -> (0, 0)>
#map1 = affine_map<(d0, d1) -> (0)>
module attributes {stable_mosaic.version = 14 : i64} {
  func.func @_sc_all(%arg0: i32, %arg1: i32, %arg2: memref<8x8192xf32, #tpu.memory_space<hbm>>, %arg3: memref<8x4512xf32, #tpu.memory_space<hbm>>, %arg4: memref<16384xi32, #tpu.memory_space<hbm>>, %arg5: memref<16384xi32, #tpu.memory_space<hbm>>, %arg6: memref<16384xi32, #tpu.memory_space<hbm>>, %arg7: memref<16384xi32, #tpu.memory_space<hbm>>, %arg8: memref<16384xi32, #tpu.memory_space<hbm>>, %arg9: memref<16384xi32, #tpu.memory_space<hbm>>, %arg10: memref<16384xi32, #tpu.memory_space<hbm>>, %arg11: memref<16384xi32, #tpu.memory_space<hbm>>, %arg12: memref<262144xf32, #tpu.memory_space<hbm>>, %arg13: memref<4096xf32, #tpu.memory_space<vmem>>, %arg14: memref<4512xf32, #tpu.memory_space<vmem>>, %arg15: memref<256xf32, #tpu.memory_space<vmem>>, %arg16: memref<4096xf32, #tpu.memory_space<vmem>>, %arg17: memref<8x512xi32, #tpu.memory_space<vmem>>, %arg18: memref<8192xf32, #tpu.memory_space<vmem>>, %arg19: memref<4096xf32, #tpu.memory_space<vmem_shared>>, %arg20: memref<!tpu.dma_semaphore, #tpu.memory_space<semaphore_mem>>) attributes {dimension_semantics = [#tpu.dimension_semantics<core_parallel>, #tpu.dimension_semantics<subcore_parallel>], iteration_bounds = array<i64: 2, 16>, scalar_prefetch = 0 : i64, scratch_operands = 8 : i64, tpu.core_type = #tpu.core_type<sc_vector_subcore>, window_params = [{transform_indices = #map}, {transform_indices = #map}, {transform_indices = #map1}, {transform_indices = #map1}, {transform_indices = #map1}, {transform_indices = #map1}, {transform_indices = #map1}, {transform_indices = #map1}, {transform_indices = #map1}, {transform_indices = #map1}, {transform_indices = #map1}]} {
    %mul3A = arith.constant 2 : i32
    %mul3A_0 = arith.muli %arg1, %mul3A : i32
    %add3A = arith.addi %mul3A_0, %arg0 : i32
    %mul3A_1 = arith.constant 512 : i32
    %mul3A_2 = arith.muli %add3A, %mul3A_1 : i32
    %dma_start3A = arith.constant 0 : i32
    %dma_start3A_3 = arith.constant 0 : i32
    %dma_start3A_4 = tpu.memref_slice %arg17[%dma_start3A, %dma_start3A_3] : memref<8x512xi32, #tpu.memory_space<vmem>> -> memref<1x512xi32, #tpu.memory_space<vmem>>
    %dma_start3A_5 = tpu.memref_squeeze %dma_start3A_4 : memref<1x512xi32, #tpu.memory_space<vmem>> -> memref<512xi32, #tpu.memory_space<vmem>>
    %dma_start3A_6 = tpu.memref_slice %arg4[%mul3A_2] : memref<16384xi32, #tpu.memory_space<hbm>> -> memref<512xi32, #tpu.memory_space<hbm>>
    %dma_start3A_7 = arith.constant 0 : i32
    %dma_start3A_8 = tpu.memref_slice %arg17[%dma_start3A, %dma_start3A_7] : memref<8x512xi32, #tpu.memory_space<vmem>> -> memref<1x512xi32, #tpu.memory_space<vmem>>
    %dma_start3A_9 = tpu.memref_squeeze %dma_start3A_8 : memref<1x512xi32, #tpu.memory_space<vmem>> -> memref<512xi32, #tpu.memory_space<vmem>>
    %dma_start3A_10 = tpu.memref_slice %arg4[%mul3A_2] : memref<16384xi32, #tpu.memory_space<hbm>> -> memref<512xi32, #tpu.memory_space<hbm>>
    tpu.enqueue_dma source(%dma_start3A_10 : memref<512xi32, #tpu.memory_space<hbm>>) target(%dma_start3A_9 : memref<512xi32, #tpu.memory_space<vmem>>) target_semaphore(%arg20 : memref<!tpu.dma_semaphore, #tpu.memory_space<semaphore_mem>>)
    %dma_start3A_11 = arith.constant 1 : i32
    %dma_start3A_12 = arith.constant 0 : i32
    %dma_start3A_13 = tpu.memref_slice %arg17[%dma_start3A_11, %dma_start3A_12] : memref<8x512xi32, #tpu.memory_space<vmem>> -> memref<1x512xi32, #tpu.memory_space<vmem>>
    %dma_start3A_14 = tpu.memref_squeeze %dma_start3A_13 : memref<1x512xi32, #tpu.memory_space<vmem>> -> memref<512xi32, #tpu.memory_space<vmem>>
    %dma_start3A_15 = tpu.memref_slice %arg5[%mul3A_2] : memref<16384xi32, #tpu.memory_space<hbm>> -> memref<512xi32, #tpu.memory_space<hbm>>
    %dma_start3A_16 = arith.constant 0 : i32
    %dma_start3A_17 = tpu.memref_slice %arg17[%dma_start3A_11, %dma_start3A_16] : memref<8x512xi32, #tpu.memory_space<vmem>> -> memref<1x512xi32, #tpu.memory_space<vmem>>
    %dma_start3A_18 = tpu.memref_squeeze %dma_start3A_17 : memref<1x512xi32, #tpu.memory_space<vmem>> -> memref<512xi32, #tpu.memory_space<vmem>>
    %dma_start3A_19 = tpu.memref_slice %arg5[%mul3A_2] : memref<16384xi32, #tpu.memory_space<hbm>> -> memref<512xi32, #tpu.memory_space<hbm>>
    tpu.enqueue_dma source(%dma_start3A_19 : memref<512xi32, #tpu.memory_space<hbm>>) target(%dma_start3A_18 : memref<512xi32, #tpu.memory_space<vmem>>) target_semaphore(%arg20 : memref<!tpu.dma_semaphore, #tpu.memory_space<semaphore_mem>>)
    %dma_start3A_20 = arith.constant 2 : i32
    %dma_start3A_21 = arith.constant 0 : i32
    %dma_start3A_22 = tpu.memref_slice %arg17[%dma_start3A_20, %dma_start3A_21] : memref<8x512xi32, #tpu.memory_space<vmem>> -> memref<1x512xi32, #tpu.memory_space<vmem>>
    %dma_start3A_23 = tpu.memref_squeeze %dma_start3A_22 : memref<1x512xi32, #tpu.memory_space<vmem>> -> memref<512xi32, #tpu.memory_space<vmem>>
    %dma_start3A_24 = tpu.memref_slice %arg6[%mul3A_2] : memref<16384xi32, #tpu.memory_space<hbm>> -> memref<512xi32, #tpu.memory_space<hbm>>
    %dma_start3A_25 = arith.constant 0 : i32
    %dma_start3A_26 = tpu.memref_slice %arg17[%dma_start3A_20, %dma_start3A_25] : memref<8x512xi32, #tpu.memory_space<vmem>> -> memref<1x512xi32, #tpu.memory_space<vmem>>
    %dma_start3A_27 = tpu.memref_squeeze %dma_start3A_26 : memref<1x512xi32, #tpu.memory_space<vmem>> -> memref<512xi32, #tpu.memory_space<vmem>>
    %dma_start3A_28 = tpu.memref_slice %arg6[%mul3A_2] : memref<16384xi32, #tpu.memory_space<hbm>> -> memref<512xi32, #tpu.memory_space<hbm>>
    tpu.enqueue_dma source(%dma_start3A_28 : memref<512xi32, #tpu.memory_space<hbm>>) target(%dma_start3A_27 : memref<512xi32, #tpu.memory_space<vmem>>) target_semaphore(%arg20 : memref<!tpu.dma_semaphore, #tpu.memory_space<semaphore_mem>>)
    %dma_start3A_29 = arith.constant 3 : i32
    %dma_start3A_30 = arith.constant 0 : i32
    %dma_start3A_31 = tpu.memref_slice %arg17[%dma_start3A_29, %dma_start3A_30] : memref<8x512xi32, #tpu.memory_space<vmem>> -> memref<1x512xi32, #tpu.memory_space<vmem>>
    %dma_start3A_32 = tpu.memref_squeeze %dma_start3A_31 : memref<1x512xi32, #tpu.memory_space<vmem>> -> memref<512xi32, #tpu.memory_space<vmem>>
    %dma_start3A_33 = tpu.memref_slice %arg7[%mul3A_2] : memref<16384xi32, #tpu.memory_space<hbm>> -> memref<512xi32, #tpu.memory_space<hbm>>
    %dma_start3A_34 = arith.constant 0 : i32
    %dma_start3A_35 = tpu.memref_slice %arg17[%dma_start3A_29, %dma_start3A_34] : memref<8x512xi32, #tpu.memory_space<vmem>> -> memref<1x512xi32, #tpu.memory_space<vmem>>
    %dma_start3A_36 = tpu.memref_squeeze %dma_start3A_35 : memref<1x512xi32, #tpu.memory_space<vmem>> -> memref<512xi32, #tpu.memory_space<vmem>>
    %dma_start3A_37 = tpu.memref_slice %arg7[%mul3A_2] : memref<16384xi32, #tpu.memory_space<hbm>> -> memref<512xi32, #tpu.memory_space<hbm>>
    tpu.enqueue_dma source(%dma_start3A_37 : memref<512xi32, #tpu.memory_space<hbm>>) target(%dma_start3A_36 : memref<512xi32, #tpu.memory_space<vmem>>) target_semaphore(%arg20 : memref<!tpu.dma_semaphore, #tpu.memory_space<semaphore_mem>>)
    %dma_start3A_38 = arith.constant 4 : i32
    %dma_start3A_39 = arith.constant 0 : i32
    %dma_start3A_40 = tpu.memref_slice %arg17[%dma_start3A_38, %dma_start3A_39] : memref<8x512xi32, #tpu.memory_space<vmem>> -> memref<1x512xi32, #tpu.memory_space<vmem>>
    %dma_start3A_41 = tpu.memref_squeeze %dma_start3A_40 : memref<1x512xi32, #tpu.memory_space<vmem>> -> memref<512xi32, #tpu.memory_space<vmem>>
    %dma_start3A_42 = tpu.memref_slice %arg8[%mul3A_2] : memref<16384xi32, #tpu.memory_space<hbm>> -> memref<512xi32, #tpu.memory_space<hbm>>
    %dma_start3A_43 = arith.constant 0 : i32
    %dma_start3A_44 = tpu.memref_slice %arg17[%dma_start3A_38, %dma_start3A_43] : memref<8x512xi32, #tpu.memory_space<vmem>> -> memref<1x512xi32, #tpu.memory_space<vmem>>
    %dma_start3A_45 = tpu.memref_squeeze %dma_start3A_44 : memref<1x512xi32, #tpu.memory_space<vmem>> -> memref<512xi32, #tpu.memory_space<vmem>>
    %dma_start3A_46 = tpu.memref_slice %arg8[%mul3A_2] : memref<16384xi32, #tpu.memory_space<hbm>> -> memref<512xi32, #tpu.memory_space<hbm>>
    tpu.enqueue_dma source(%dma_start3A_46 : memref<512xi32, #tpu.memory_space<hbm>>) target(%dma_start3A_45 : memref<512xi32, #tpu.memory_space<vmem>>) target_semaphore(%arg20 : memref<!tpu.dma_semaphore, #tpu.memory_space<semaphore_mem>>)
    %dma_start3A_47 = arith.constant 5 : i32
    %dma_start3A_48 = arith.constant 0 : i32
    %dma_start3A_49 = tpu.memref_slice %arg17[%dma_start3A_47, %dma_start3A_48] : memref<8x512xi32, #tpu.memory_space<vmem>> -> memref<1x512xi32, #tpu.memory_space<vmem>>
    %dma_start3A_50 = tpu.memref_squeeze %dma_start3A_49 : memref<1x512xi32, #tpu.memory_space<vmem>> -> memref<512xi32, #tpu.memory_space<vmem>>
    %dma_start3A_51 = tpu.memref_slice %arg9[%mul3A_2] : memref<16384xi32, #tpu.memory_space<hbm>> -> memref<512xi32, #tpu.memory_space<hbm>>
    %dma_start3A_52 = arith.constant 0 : i32
    %dma_start3A_53 = tpu.memref_slice %arg17[%dma_start3A_47, %dma_start3A_52] : memref<8x512xi32, #tpu.memory_space<vmem>> -> memref<1x512xi32, #tpu.memory_space<vmem>>
    %dma_start3A_54 = tpu.memref_squeeze %dma_start3A_53 : memref<1x512xi32, #tpu.memory_space<vmem>> -> memref<512xi32, #tpu.memory_space<vmem>>
    %dma_start3A_55 = tpu.memref_slice %arg9[%mul3A_2] : memref<16384xi32, #tpu.memory_space<hbm>> -> memref<512xi32, #tpu.memory_space<hbm>>
    tpu.enqueue_dma source(%dma_start3A_55 : memref<512xi32, #tpu.memory_space<hbm>>) target(%dma_start3A_54 : memref<512xi32, #tpu.memory_space<vmem>>) target_semaphore(%arg20 : memref<!tpu.dma_semaphore, #tpu.memory_space<semaphore_mem>>)
    %dma_start3A_56 = arith.constant 6 : i32
    %dma_start3A_57 = arith.constant 0 : i32
    %dma_start3A_58 = tpu.memref_slice %arg17[%dma_start3A_56, %dma_start3A_57] : memref<8x512xi32, #tpu.memory_space<vmem>> -> memref<1x512xi32, #tpu.memory_space<vmem>>
    %dma_start3A_59 = tpu.memref_squeeze %dma_start3A_58 : memref<1x512xi32, #tpu.memory_space<vmem>> -> memref<512xi32, #tpu.memory_space<vmem>>
    %dma_start3A_60 = tpu.memref_slice %arg10[%mul3A_2] : memref<16384xi32, #tpu.memory_space<hbm>> -> memref<512xi32, #tpu.memory_space<hbm>>
    %dma_start3A_61 = arith.constant 0 : i32
    %dma_start3A_62 = tpu.memref_slice %arg17[%dma_start3A_56, %dma_start3A_61] : memref<8x512xi32, #tpu.memory_space<vmem>> -> memref<1x512xi32, #tpu.memory_space<vmem>>
    %dma_start3A_63 = tpu.memref_squeeze %dma_start3A_62 : memref<1x512xi32, #tpu.memory_space<vmem>> -> memref<512xi32, #tpu.memory_space<vmem>>
    %dma_start3A_64 = tpu.memref_slice %arg10[%mul3A_2] : memref<16384xi32, #tpu.memory_space<hbm>> -> memref<512xi32, #tpu.memory_space<hbm>>
    tpu.enqueue_dma source(%dma_start3A_64 : memref<512xi32, #tpu.memory_space<hbm>>) target(%dma_start3A_63 : memref<512xi32, #tpu.memory_space<vmem>>) target_semaphore(%arg20 : memref<!tpu.dma_semaphore, #tpu.memory_space<semaphore_mem>>)
    %dma_start3A_65 = arith.constant 7 : i32
    %dma_start3A_66 = arith.constant 0 : i32
    %dma_start3A_67 = tpu.memref_slice %arg17[%dma_start3A_65, %dma_start3A_66] : memref<8x512xi32, #tpu.memory_space<vmem>> -> memref<1x512xi32, #tpu.memory_space<vmem>>
    %dma_start3A_68 = tpu.memref_squeeze %dma_start3A_67 : memref<1x512xi32, #tpu.memory_space<vmem>> -> memref<512xi32, #tpu.memory_space<vmem>>
    %dma_start3A_69 = tpu.memref_slice %arg11[%mul3A_2] : memref<16384xi32, #tpu.memory_space<hbm>> -> memref<512xi32, #tpu.memory_space<hbm>>
    %dma_start3A_70 = arith.constant 0 : i32
    %dma_start3A_71 = tpu.memref_slice %arg17[%dma_start3A_65, %dma_start3A_70] : memref<8x512xi32, #tpu.memory_space<vmem>> -> memref<1x512xi32, #tpu.memory_space<vmem>>
    %dma_start3A_72 = tpu.memref_squeeze %dma_start3A_71 : memref<1x512xi32, #tpu.memory_space<vmem>> -> memref<512xi32, #tpu.memory_space<vmem>>
    %dma_start3A_73 = tpu.memref_slice %arg11[%mul3A_2] : memref<16384xi32, #tpu.memory_space<hbm>> -> memref<512xi32, #tpu.memory_space<hbm>>
    tpu.enqueue_dma source(%dma_start3A_73 : memref<512xi32, #tpu.memory_space<hbm>>) target(%dma_start3A_72 : memref<512xi32, #tpu.memory_space<vmem>>) target_semaphore(%arg20 : memref<!tpu.dma_semaphore, #tpu.memory_space<semaphore_mem>>)
    %jit3A = arith.constant 2 : i32
    %div3A = arith.divsi %arg1, %jit3A : i32
    %sign3A = arith.constant 0 : i32
    %sign3A_74 = arith.cmpi sgt, %arg1, %sign3A : i32
    %sign3A_75 = arith.extui %sign3A_74 : i1 to i32
    %sign3A_76 = arith.constant 0 : i32
    %sign3A_77 = arith.cmpi slt, %arg1, %sign3A_76 : i32
    %sign3A_78 = arith.extui %sign3A_77 : i1 to i32
    %sign3A_79 = arith.subi %sign3A_75, %sign3A_78 : i32
    %sign3A_80 = arith.constant 0 : i32
    %sign3A_81 = arith.cmpi sgt, %jit3A, %sign3A_80 : i32
    %sign3A_82 = arith.extui %sign3A_81 : i1 to i32
    %sign3A_83 = arith.constant 0 : i32
    %sign3A_84 = arith.cmpi slt, %jit3A, %sign3A_83 : i32
    %sign3A_85 = arith.extui %sign3A_84 : i1 to i32
    %sign3A_86 = arith.subi %sign3A_82, %sign3A_85 : i32
    %ne3A = arith.cmpi ne, %sign3A_79, %sign3A_86 : i32
    %rem3A = arith.remsi %arg1, %jit3A : i32
    %ne3A_87 = arith.constant 0 : i32
    %ne3A_88 = arith.cmpi ne, %rem3A, %ne3A_87 : i32
    %and3A = arith.andi %ne3A, %ne3A_88 : i1
    %sub3A = arith.constant 1 : i32
    %sub3A_89 = arith.subi %div3A, %sub3A : i32
    %select_n3A = arith.select %and3A, %sub3A_89, %div3A : i32
    %jit3A_90 = arith.constant 2 : i32
    %eq3A = arith.constant 0 : i32
    %eq3A_91 = arith.cmpi eq, %jit3A_90, %eq3A : i32
    %jit3A_92 = arith.constant 1 : i32
    %select_n3A_93 = arith.select %eq3A_91, %jit3A_92, %jit3A_90 : i32
    %rem3A_94 = arith.remsi %arg1, %select_n3A_93 : i32
    %ne3A_95 = arith.constant 0 : i32
    %ne3A_96 = arith.cmpi ne, %rem3A_94, %ne3A_95 : i32
    %lt3A = arith.constant 0 : i32
    %lt3A_97 = arith.cmpi slt, %rem3A_94, %lt3A : i32
    %lt3A_98 = arith.constant 0 : i32
    %lt3A_99 = arith.cmpi slt, %select_n3A_93, %lt3A_98 : i32
    %ne3A_100 = arith.xori %lt3A_97, %lt3A_99 : i1
    %and3A_101 = arith.andi %ne3A_100, %ne3A_96 : i1
    %add3A_102 = arith.addi %rem3A_94, %select_n3A_93 : i32
    %select_n3A_103 = arith.select %and3A_101, %add3A_102, %rem3A_94 : i32
    %mul3A_104 = arith.constant 128 : i32
    %mul3A_105 = arith.muli %select_n3A_103, %mul3A_104 : i32
    %mul3A_106 = arith.constant 32 : i32
    %mul3A_107 = arith.muli %mul3A_105, %mul3A_106 : i32
    "tpu.region"() ({
      %run_scoped3A = tpu.sem_alloc : memref<!tpu.dma_semaphore, #tpu.memory_space<semaphore_mem>>
      %dma_start3A_301 = tpu.memref_slice %arg2[%select_n3A, %mul3A_107] : memref<8x8192xf32, #tpu.memory_space<hbm>> -> memref<1x4096xf32, #tpu.memory_space<hbm>>
      %dma_start3A_302 = tpu.memref_squeeze %dma_start3A_301 : memref<1x4096xf32, #tpu.memory_space<hbm>> -> memref<4096xf32, #tpu.memory_space<hbm>>
      %dma_start3A_303 = tpu.memref_slice %arg2[%select_n3A, %mul3A_107] : memref<8x8192xf32, #tpu.memory_space<hbm>> -> memref<1x4096xf32, #tpu.memory_space<hbm>>
      %dma_start3A_304 = tpu.memref_squeeze %dma_start3A_303 : memref<1x4096xf32, #tpu.memory_space<hbm>> -> memref<4096xf32, #tpu.memory_space<hbm>>
      tpu.enqueue_dma source(%dma_start3A_304 : memref<4096xf32, #tpu.memory_space<hbm>>) target(%arg13 : memref<4096xf32, #tpu.memory_space<vmem>>) target_semaphore(%run_scoped3A : memref<!tpu.dma_semaphore, #tpu.memory_space<semaphore_mem>>)
      %dma_wait3A_305 = tpu.memref_slice %arg2[%select_n3A, %mul3A_107] : memref<8x8192xf32, #tpu.memory_space<hbm>> -> memref<1x4096xf32, #tpu.memory_space<hbm>>
      %dma_wait3A_306 = tpu.memref_squeeze %dma_wait3A_305 : memref<1x4096xf32, #tpu.memory_space<hbm>> -> memref<4096xf32, #tpu.memory_space<hbm>>
      %dma_wait3A_307 = tpu.memref_slice %arg2[%select_n3A, %mul3A_107] : memref<8x8192xf32, #tpu.memory_space<hbm>> -> memref<1x4096xf32, #tpu.memory_space<hbm>>
      %dma_wait3A_308 = tpu.memref_squeeze %dma_wait3A_307 : memref<1x4096xf32, #tpu.memory_space<hbm>> -> memref<4096xf32, #tpu.memory_space<hbm>>
      tpu.wait_dma2 semaphore(%run_scoped3A : memref<!tpu.dma_semaphore, #tpu.memory_space<semaphore_mem>>) src(%dma_wait3A_308 : memref<4096xf32, #tpu.memory_space<hbm>>) dst(%arg13 : memref<4096xf32, #tpu.memory_space<vmem>>)
      tpu.yield
    }) : () -> ()
    "tpu.region"() ({
      %run_scoped3A = tpu.sem_alloc : memref<!tpu.dma_semaphore, #tpu.memory_space<semaphore_mem>>
      %dma_start3A_301 = arith.constant 0 : i32
      %dma_start3A_302 = tpu.memref_slice %arg3[%select_n3A, %dma_start3A_301] : memref<8x4512xf32, #tpu.memory_space<hbm>> -> memref<1x4512xf32, #tpu.memory_space<hbm>>
      %dma_start3A_303 = tpu.memref_squeeze %dma_start3A_302 : memref<1x4512xf32, #tpu.memory_space<hbm>> -> memref<4512xf32, #tpu.memory_space<hbm>>
      %dma_start3A_304 = arith.constant 0 : i32
      %dma_start3A_305 = tpu.memref_slice %arg3[%select_n3A, %dma_start3A_304] : memref<8x4512xf32, #tpu.memory_space<hbm>> -> memref<1x4512xf32, #tpu.memory_space<hbm>>
      %dma_start3A_306 = tpu.memref_squeeze %dma_start3A_305 : memref<1x4512xf32, #tpu.memory_space<hbm>> -> memref<4512xf32, #tpu.memory_space<hbm>>
      tpu.enqueue_dma source(%dma_start3A_306 : memref<4512xf32, #tpu.memory_space<hbm>>) target(%arg14 : memref<4512xf32, #tpu.memory_space<vmem>>) target_semaphore(%run_scoped3A : memref<!tpu.dma_semaphore, #tpu.memory_space<semaphore_mem>>)
      %dma_wait3A_307 = arith.constant 0 : i32
      %dma_wait3A_308 = tpu.memref_slice %arg3[%select_n3A, %dma_wait3A_307] : memref<8x4512xf32, #tpu.memory_space<hbm>> -> memref<1x4512xf32, #tpu.memory_space<hbm>>
      %dma_wait3A_309 = tpu.memref_squeeze %dma_wait3A_308 : memref<1x4512xf32, #tpu.memory_space<hbm>> -> memref<4512xf32, #tpu.memory_space<hbm>>
      %dma_wait3A_310 = arith.constant 0 : i32
      %dma_wait3A_311 = tpu.memref_slice %arg3[%select_n3A, %dma_wait3A_310] : memref<8x4512xf32, #tpu.memory_space<hbm>> -> memref<1x4512xf32, #tpu.memory_space<hbm>>
      %dma_wait3A_312 = tpu.memref_squeeze %dma_wait3A_311 : memref<1x4512xf32, #tpu.memory_space<hbm>> -> memref<4512xf32, #tpu.memory_space<hbm>>
      tpu.wait_dma2 semaphore(%run_scoped3A : memref<!tpu.dma_semaphore, #tpu.memory_space<semaphore_mem>>) src(%dma_wait3A_312 : memref<4512xf32, #tpu.memory_space<hbm>>) dst(%arg14 : memref<4512xf32, #tpu.memory_space<vmem>>)
      tpu.yield
    }) : () -> ()
    %iota3A = tpu.iota {dimensions = array<i32: 0>} : vector<16xi32>
    %mul3A_108 = arith.constant 2 : i32
    %mul3A_109 = vector.broadcast %mul3A_108 : i32 to vector<16xi32>
    %mul3A_110 = arith.muli %iota3A, %mul3A_109 : vector<16xi32>
    %mul3A_111 = arith.constant 32 : i32
    %mul3A_112 = vector.broadcast %mul3A_111 : i32 to vector<16xi32>
    %mul3A_113 = arith.muli %iota3A, %mul3A_112 : vector<16xi32>
    %scan3A = arith.constant 0 : i32
    %scan3A_114 = arith.constant 0 : i32
    %scan3A_115 = arith.constant 8 : i32
    %scan3A_116 = arith.addi %scan3A_114, %scan3A_115 : i32
    %scan3A_117 = arith.constant 1 : i32
    %scan3A_118 = scf.for %scan3A_301 = %scan3A_114 to %scan3A_116 step %scan3A_117 iter_args(%scan3A_302 = %scan3A) -> (i32)  : i32 {
      %mul3A_303 = arith.constant 512 : i32
      %mul3A_304 = arith.muli %scan3A_301, %mul3A_303 : i32
      %add3A_305 = vector.broadcast %mul3A_304 : i32 to vector<16xi32>
      %add3A_306 = arith.addi %mul3A_113, %add3A_305 : vector<16xi32>
      %add3A_307 = arith.constant 0 : i32
      %add3A_308 = vector.broadcast %add3A_307 : i32 to vector<16xi32>
      %add3A_309 = arith.addi %add3A_306, %add3A_308 : vector<16xi32>
      %gather3A = tpu.vector_load_idx %arg13[%add3A_309] : memref<4096xf32, #tpu.memory_space<vmem>>[vector<16xi32>], vector<16xf32>,
      %add3A_310 = arith.constant 1 : i32
      %add3A_311 = vector.broadcast %add3A_310 : i32 to vector<16xi32>
      %add3A_312 = arith.addi %add3A_306, %add3A_311 : vector<16xi32>
      %gather3A_313 = tpu.vector_load_idx %arg13[%add3A_312] : memref<4096xf32, #tpu.memory_space<vmem>>[vector<16xi32>], vector<16xf32>,
      %add3A_314 = arith.constant 2 : i32
      %add3A_315 = vector.broadcast %add3A_314 : i32 to vector<16xi32>
      %add3A_316 = arith.addi %add3A_306, %add3A_315 : vector<16xi32>
      %gather3A_317 = tpu.vector_load_idx %arg13[%add3A_316] : memref<4096xf32, #tpu.memory_space<vmem>>[vector<16xi32>], vector<16xf32>,
      %add3A_318 = arith.constant 3 : i32
      %add3A_319 = vector.broadcast %add3A_318 : i32 to vector<16xi32>
      %add3A_320 = arith.addi %add3A_306, %add3A_319 : vector<16xi32>
      %gather3A_321 = tpu.vector_load_idx %arg13[%add3A_320] : memref<4096xf32, #tpu.memory_space<vmem>>[vector<16xi32>], vector<16xf32>,
      %add3A_322 = arith.constant 4 : i32
      %add3A_323 = vector.broadcast %add3A_322 : i32 to vector<16xi32>
      %add3A_324 = arith.addi %add3A_306, %add3A_323 : vector<16xi32>
      %gather3A_325 = tpu.vector_load_idx %arg13[%add3A_324] : memref<4096xf32, #tpu.memory_space<vmem>>[vector<16xi32>], vector<16xf32>,
      %add3A_326 = arith.constant 5 : i32
      %add3A_327 = vector.broadcast %add3A_326 : i32 to vector<16xi32>
      %add3A_328 = arith.addi %add3A_306, %add3A_327 : vector<16xi32>
      %gather3A_329 = tpu.vector_load_idx %arg13[%add3A_328] : memref<4096xf32, #tpu.memory_space<vmem>>[vector<16xi32>], vector<16xf32>,
      %add3A_330 = arith.constant 6 : i32
      %add3A_331 = vector.broadcast %add3A_330 : i32 to vector<16xi32>
      %add3A_332 = arith.addi %add3A_306, %add3A_331 : vector<16xi32>
      %gather3A_333 = tpu.vector_load_idx %arg13[%add3A_332] : memref<4096xf32, #tpu.memory_space<vmem>>[vector<16xi32>], vector<16xf32>,
      %add3A_334 = arith.constant 7 : i32
      %add3A_335 = vector.broadcast %add3A_334 : i32 to vector<16xi32>
      %add3A_336 = arith.addi %add3A_306, %add3A_335 : vector<16xi32>
      %gather3A_337 = tpu.vector_load_idx %arg13[%add3A_336] : memref<4096xf32, #tpu.memory_space<vmem>>[vector<16xi32>], vector<16xf32>,
      %add3A_338 = arith.constant 8 : i32
      %add3A_339 = vector.broadcast %add3A_338 : i32 to vector<16xi32>
      %add3A_340 = arith.addi %add3A_306, %add3A_339 : vector<16xi32>
      %gather3A_341 = tpu.vector_load_idx %arg13[%add3A_340] : memref<4096xf32, #tpu.memory_space<vmem>>[vector<16xi32>], vector<16xf32>,
      %add3A_342 = arith.constant 9 : i32
      %add3A_343 = vector.broadcast %add3A_342 : i32 to vector<16xi32>
      %add3A_344 = arith.addi %add3A_306, %add3A_343 : vector<16xi32>
      %gather3A_345 = tpu.vector_load_idx %arg13[%add3A_344] : memref<4096xf32, #tpu.memory_space<vmem>>[vector<16xi32>], vector<16xf32>,
      %add3A_346 = arith.constant 10 : i32
      %add3A_347 = vector.broadcast %add3A_346 : i32 to vector<16xi32>
      %add3A_348 = arith.addi %add3A_306, %add3A_347 : vector<16xi32>
      %gather3A_349 = tpu.vector_load_idx %arg13[%add3A_348] : memref<4096xf32, #tpu.memory_space<vmem>>[vector<16xi32>], vector<16xf32>,
      %add3A_350 = arith.constant 11 : i32
      %add3A_351 = vector.broadcast %add3A_350 : i32 to vector<16xi32>
      %add3A_352 = arith.addi %add3A_306, %add3A_351 : vector<16xi32>
      %gather3A_353 = tpu.vector_load_idx %arg13[%add3A_352] : memref<4096xf32, #tpu.memory_space<vmem>>[vector<16xi32>], vector<16xf32>,
      %add3A_354 = arith.constant 12 : i32
      %add3A_355 = vector.broadcast %add3A_354 : i32 to vector<16xi32>
      %add3A_356 = arith.addi %add3A_306, %add3A_355 : vector<16xi32>
      %gather3A_357 = tpu.vector_load_idx %arg13[%add3A_356] : memref<4096xf32, #tpu.memory_space<vmem>>[vector<16xi32>], vector<16xf32>,
      %add3A_358 = arith.constant 13 : i32
      %add3A_359 = vector.broadcast %add3A_358 : i32 to vector<16xi32>
      %add3A_360 = arith.addi %add3A_306, %add3A_359 : vector<16xi32>
      %gather3A_361 = tpu.vector_load_idx %arg13[%add3A_360] : memref<4096xf32, #tpu.memory_space<vmem>>[vector<16xi32>], vector<16xf32>,
      %add3A_362 = arith.constant 14 : i32
      %add3A_363 = vector.broadcast %add3A_362 : i32 to vector<16xi32>
      %add3A_364 = arith.addi %add3A_306, %add3A_363 : vector<16xi32>
      %gather3A_365 = tpu.vector_load_idx %arg13[%add3A_364] : memref<4096xf32, #tpu.memory_space<vmem>>[vector<16xi32>], vector<16xf32>,
      %add3A_366 = arith.constant 15 : i32
      %add3A_367 = vector.broadcast %add3A_366 : i32 to vector<16xi32>
      %add3A_368 = arith.addi %add3A_306, %add3A_367 : vector<16xi32>
      %gather3A_369 = tpu.vector_load_idx %arg13[%add3A_368] : memref<4096xf32, #tpu.memory_space<vmem>>[vector<16xi32>], vector<16xf32>,
      %add3A_370 = arith.constant 16 : i32
      %add3A_371 = vector.broadcast %add3A_370 : i32 to vector<16xi32>
      %add3A_372 = arith.addi %add3A_306, %add3A_371 : vector<16xi32>
      %gather3A_373 = tpu.vector_load_idx %arg13[%add3A_372] : memref<4096xf32, #tpu.memory_space<vmem>>[vector<16xi32>], vector<16xf32>,
      %add3A_374 = arith.constant 17 : i32
      %add3A_375 = vector.broadcast %add3A_374 : i32 to vector<16xi32>
      %add3A_376 = arith.addi %add3A_306, %add3A_375 : vector<16xi32>
      %gather3A_377 = tpu.vector_load_idx %arg13[%add3A_376] : memref<4096xf32, #tpu.memory_space<vmem>>[vector<16xi32>], vector<16xf32>,
      %add3A_378 = arith.constant 18 : i32
      %add3A_379 = vector.broadcast %add3A_378 : i32 to vector<16xi32>
      %add3A_380 = arith.addi %add3A_306, %add3A_379 : vector<16xi32>
      %gather3A_381 = tpu.vector_load_idx %arg13[%add3A_380] : memref<4096xf32, #tpu.memory_space<vmem>>[vector<16xi32>], vector<16xf32>,
      %add3A_382 = arith.constant 19 : i32
      %add3A_383 = vector.broadcast %add3A_382 : i32 to vector<16xi32>
      %add3A_384 = arith.addi %add3A_306, %add3A_383 : vector<16xi32>
      %gather3A_385 = tpu.vector_load_idx %arg13[%add3A_384] : memref<4096xf32, #tpu.memory_space<vmem>>[vector<16xi32>], vector<16xf32>,
      %add3A_386 = arith.constant 20 : i32
      %add3A_387 = vector.broadcast %add3A_386 : i32 to vector<16xi32>
      %add3A_388 = arith.addi %add3A_306, %add3A_387 : vector<16xi32>
      %gather3A_389 = tpu.vector_load_idx %arg13[%add3A_388] : memref<4096xf32, #tpu.memory_space<vmem>>[vector<16xi32>], vector<16xf32>,
      %add3A_390 = arith.constant 21 : i32
      %add3A_391 = vector.broadcast %add3A_390 : i32 to vector<16xi32>
      %add3A_392 = arith.addi %add3A_306, %add3A_391 : vector<16xi32>
      %gather3A_393 = tpu.vector_load_idx %arg13[%add3A_392] : memref<4096xf32, #tpu.memory_space<vmem>>[vector<16xi32>], vector<16xf32>,
      %add3A_394 = arith.constant 22 : i32
      %add3A_395 = vector.broadcast %add3A_394 : i32 to vector<16xi32>
      %add3A_396 = arith.addi %add3A_306, %add3A_395 : vector<16xi32>
      %gather3A_397 = tpu.vector_load_idx %arg13[%add3A_396] : memref<4096xf32, #tpu.memory_space<vmem>>[vector<16xi32>], vector<16xf32>,
      %add3A_398 = arith.constant 23 : i32
      %add3A_399 = vector.broadcast %add3A_398 : i32 to vector<16xi32>
      %add3A_400 = arith.addi %add3A_306, %add3A_399 : vector<16xi32>
      %gather3A_401 = tpu.vector_load_idx %arg13[%add3A_400] : memref<4096xf32, #tpu.memory_space<vmem>>[vector<16xi32>], vector<16xf32>,
      %add3A_402 = arith.constant 24 : i32
      %add3A_403 = vector.broadcast %add3A_402 : i32 to vector<16xi32>
      %add3A_404 = arith.addi %add3A_306, %add3A_403 : vector<16xi32>
      %gather3A_405 = tpu.vector_load_idx %arg13[%add3A_404] : memref<4096xf32, #tpu.memory_space<vmem>>[vector<16xi32>], vector<16xf32>,
      %add3A_406 = arith.constant 25 : i32
      %add3A_407 = vector.broadcast %add3A_406 : i32 to vector<16xi32>
      %add3A_408 = arith.addi %add3A_306, %add3A_407 : vector<16xi32>
      %gather3A_409 = tpu.vector_load_idx %arg13[%add3A_408] : memref<4096xf32, #tpu.memory_space<vmem>>[vector<16xi32>], vector<16xf32>,
      %add3A_410 = arith.constant 26 : i32
      %add3A_411 = vector.broadcast %add3A_410 : i32 to vector<16xi32>
      %add3A_412 = arith.addi %add3A_306, %add3A_411 : vector<16xi32>
      %gather3A_413 = tpu.vector_load_idx %arg13[%add3A_412] : memref<4096xf32, #tpu.memory_space<vmem>>[vector<16xi32>], vector<16xf32>,
      %add3A_414 = arith.constant 27 : i32
      %add3A_415 = vector.broadcast %add3A_414 : i32 to vector<16xi32>
      %add3A_416 = arith.addi %add3A_306, %add3A_415 : vector<16xi32>
      %gather3A_417 = tpu.vector_load_idx %arg13[%add3A_416] : memref<4096xf32, #tpu.memory_space<vmem>>[vector<16xi32>], vector<16xf32>,
      %add3A_418 = arith.constant 28 : i32
      %add3A_419 = vector.broadcast %add3A_418 : i32 to vector<16xi32>
      %add3A_420 = arith.addi %add3A_306, %add3A_419 : vector<16xi32>
      %gather3A_421 = tpu.vector_load_idx %arg13[%add3A_420] : memref<4096xf32, #tpu.memory_space<vmem>>[vector<16xi32>], vector<16xf32>,
      %add3A_422 = arith.constant 29 : i32
      %add3A_423 = vector.broadcast %add3A_422 : i32 to vector<16xi32>
      %add3A_424 = arith.addi %add3A_306, %add3A_423 : vector<16xi32>
      %gather3A_425 = tpu.vector_load_idx %arg13[%add3A_424] : memref<4096xf32, #tpu.memory_space<vmem>>[vector<16xi32>], vector<16xf32>,
      %add3A_426 = arith.constant 30 : i32
      %add3A_427 = vector.broadcast %add3A_426 : i32 to vector<16xi32>
      %add3A_428 = arith.addi %add3A_306, %add3A_427 : vector<16xi32>
      %gather3A_429 = tpu.vector_load_idx %arg13[%add3A_428] : memref<4096xf32, #tpu.memory_space<vmem>>[vector<16xi32>], vector<16xf32>,
      %add3A_430 = arith.constant 31 : i32
      %add3A_431 = vector.broadcast %add3A_430 : i32 to vector<16xi32>
      %add3A_432 = arith.addi %add3A_306, %add3A_431 : vector<16xi32>
      %gather3A_433 = tpu.vector_load_idx %arg13[%add3A_432] : memref<4096xf32, #tpu.memory_space<vmem>>[vector<16xi32>], vector<16xf32>,
      %get3A = arith.constant 4480 : index
      %get3A_434 = tpu.vector_load %arg14[%get3A] {strides = array<i32>} : memref<4512xf32, #tpu.memory_space<vmem>>, vector<16xf32>,
      %get3A_435 = arith.constant 4496 : index
      %get3A_436 = tpu.vector_load %arg14[%get3A_435] {strides = array<i32>} : memref<4512xf32, #tpu.memory_space<vmem>>, vector<16xf32>,
      %get3A_437 = arith.constant 4096 : index
      %get3A_438 = tpu.vector_load %arg14[%get3A_437] {strides = array<i32>} : memref<4512xf32, #tpu.memory_space<vmem>>, vector<16xf32>,
      %get3A_439 = arith.constant 0 : index
      %get3A_440 = tpu.vector_load %arg14[%get3A_439] {strides = array<i32>} : memref<4512xf32, #tpu.memory_space<vmem>>, vector<16xf32>,
      %mul3A_441 = arith.mulf %gather3A, %get3A_440 : vector<16xf32>
      %add3A_442 = arith.addf %get3A_438, %mul3A_441 : vector<16xf32>
      %get3A_443 = arith.constant 128 : index
      %get3A_444 = tpu.vector_load %arg14[%get3A_443] {strides = array<i32>} : memref<4512xf32, #tpu.memory_space<vmem>>, vector<16xf32>,
      %mul3A_445 = arith.mulf %gather3A_313, %get3A_444 : vector<16xf32>
      %add3A_446 = arith.addf %add3A_442, %mul3A_445 : vector<16xf32>
      %get3A_447 = arith.constant 256 : index
      %get3A_448 = tpu.vector_load %arg14[%get3A_447] {strides = array<i32>} : memref<4512xf32, #tpu.memory_space<vmem>>, vector<16xf32>,
      %mul3A_449 = arith.mulf %gather3A_317, %get3A_448 : vector<16xf32>
      %add3A_450 = arith.addf %add3A_446, %mul3A_449 : vector<16xf32>
      %get3A_451 = arith.constant 384 : index
      %get3A_452 = tpu.vector_load %arg14[%get3A_451] {strides = array<i32>} : memref<4512xf32, #tpu.memory_space<vmem>>, vector<16xf32>,
      %mul3A_453 = arith.mulf %gather3A_321, %get3A_452 : vector<16xf32>
      %add3A_454 = arith.addf %add3A_450, %mul3A_453 : vector<16xf32>
      %get3A_455 = arith.constant 512 : index
      %get3A_456 = tpu.vector_load %arg14[%get3A_455] {strides = array<i32>} : memref<4512xf32, #tpu.memory_space<vmem>>, vector<16xf32>,
      %mul3A_457 = arith.mulf %gather3A_325, %get3A_456 : vector<16xf32>
      %add3A_458 = arith.addf %add3A_454, %mul3A_457 : vector<16xf32>
      %get3A_459 = arith.constant 640 : index
      %get3A_460 = tpu.vector_load %arg14[%get3A_459] {strides = array<i32>} : memref<4512xf32, #tpu.memory_space<vmem>>, vector<16xf32>,
      %mul3A_461 = arith.mulf %gather3A_329, %get3A_460 : vector<16xf32>
      %add3A_462 = arith.addf %add3A_458, %mul3A_461 : vector<16xf32>
      %get3A_463 = arith.constant 768 : index
      %get3A_464 = tpu.vector_load %arg14[%get3A_463] {strides = array<i32>} : memref<4512xf32, #tpu.memory_space<vmem>>, vector<16xf32>,
      %mul3A_465 = arith.mulf %gather3A_333, %get3A_464 : vector<16xf32>
      %add3A_466 = arith.addf %add3A_462, %mul3A_465 : vector<16xf32>
      %get3A_467 = arith.constant 896 : index
      %get3A_468 = tpu.vector_load %arg14[%get3A_467] {strides = array<i32>} : memref<4512xf32, #tpu.memory_space<vmem>>, vector<16xf32>,
      %mul3A_469 = arith.mulf %gather3A_337, %get3A_468 : vector<16xf32>
      %add3A_470 = arith.addf %add3A_466, %mul3A_469 : vector<16xf32>
      %get3A_471 = arith.constant 1024 : index
      %get3A_472 = tpu.vector_load %arg14[%get3A_471] {strides = array<i32>} : memref<4512xf32, #tpu.memory_space<vmem>>, vector<16xf32>,
      %mul3A_473 = arith.mulf %gather3A_341, %get3A_472 : vector<16xf32>
      %add3A_474 = arith.addf %add3A_470, %mul3A_473 : vector<16xf32>
      %get3A_475 = arith.constant 1152 : index
      %get3A_476 = tpu.vector_load %arg14[%get3A_475] {strides = array<i32>} : memref<4512xf32, #tpu.memory_space<vmem>>, vector<16xf32>,
      %mul3A_477 = arith.mulf %gather3A_345, %get3A_476 : vector<16xf32>
      %add3A_478 = arith.addf %add3A_474, %mul3A_477 : vector<16xf32>
      %get3A_479 = arith.constant 1280 : index
      %get3A_480 = tpu.vector_load %arg14[%get3A_479] {strides = array<i32>} : memref<4512xf32, #tpu.memory_space<vmem>>, vector<16xf32>,
      %mul3A_481 = arith.mulf %gather3A_349, %get3A_480 : vector<16xf32>
      %add3A_482 = arith.addf %add3A_478, %mul3A_481 : vector<16xf32>
      %get3A_483 = arith.constant 1408 : index
      %get3A_484 = tpu.vector_load %arg14[%get3A_483] {strides = array<i32>} : memref<4512xf32, #tpu.memory_space<vmem>>, vector<16xf32>,
      %mul3A_485 = arith.mulf %gather3A_353, %get3A_484 : vector<16xf32>
      %add3A_486 = arith.addf %add3A_482, %mul3A_485 : vector<16xf32>
      %get3A_487 = arith.constant 1536 : index
      %get3A_488 = tpu.vector_load %arg14[%get3A_487] {strides = array<i32>} : memref<4512xf32, #tpu.memory_space<vmem>>, vector<16xf32>,
      %mul3A_489 = arith.mulf %gather3A_357, %get3A_488 : vector<16xf32>
      %add3A_490 = arith.addf %add3A_486, %mul3A_489 : vector<16xf32>
      %get3A_491 = arith.constant 1664 : index
      %get3A_492 = tpu.vector_load %arg14[%get3A_491] {strides = array<i32>} : memref<4512xf32, #tpu.memory_space<vmem>>, vector<16xf32>,
      %mul3A_493 = arith.mulf %gather3A_361, %get3A_492 : vector<16xf32>
      %add3A_494 = arith.addf %add3A_490, %mul3A_493 : vector<16xf32>
      %get3A_495 = arith.constant 1792 : index
      %get3A_496 = tpu.vector_load %arg14[%get3A_495] {strides = array<i32>} : memref<4512xf32, #tpu.memory_space<vmem>>, vector<16xf32>,
      %mul3A_497 = arith.mulf %gather3A_365, %get3A_496 : vector<16xf32>
      %add3A_498 = arith.addf %add3A_494, %mul3A_497 : vector<16xf32>
      %get3A_499 = arith.constant 1920 : index
      %get3A_500 = tpu.vector_load %arg14[%get3A_499] {strides = array<i32>} : memref<4512xf32, #tpu.memory_space<vmem>>, vector<16xf32>,
      %mul3A_501 = arith.mulf %gather3A_369, %get3A_500 : vector<16xf32>
      %add3A_502 = arith.addf %add3A_498, %mul3A_501 : vector<16xf32>
      %get3A_503 = arith.constant 2048 : index
      %get3A_504 = tpu.vector_load %arg14[%get3A_503] {strides = array<i32>} : memref<4512xf32, #tpu.memory_space<vmem>>, vector<16xf32>,
      %mul3A_505 = arith.mulf %gather3A_373, %get3A_504 : vector<16xf32>
      %add3A_506 = arith.addf %add3A_502, %mul3A_505 : vector<16xf32>
      %get3A_507 = arith.constant 2176 : index
      %get3A_508 = tpu.vector_load %arg14[%get3A_507] {strides = array<i32>} : memref<4512xf32, #tpu.memory_space<vmem>>, vector<16xf32>,
      %mul3A_509 = arith.mulf %gather3A_377, %get3A_508 : vector<16xf32>
      %add3A_510 = arith.addf %add3A_506, %mul3A_509 : vector<16xf32>
      %get3A_511 = arith.constant 2304 : index
      %get3A_512 = tpu.vector_load %arg14[%get3A_511] {strides = array<i32>} : memref<4512xf32, #tpu.memory_space<vmem>>, vector<16xf32>,
      %mul3A_513 = arith.mulf %gather3A_381, %get3A_512 : vector<16xf32>
      %add3A_514 = arith.addf %add3A_510, %mul3A_513 : vector<16xf32>
      %get3A_515 = arith.constant 2432 : index
      %get3A_516 = tpu.vector_load %arg14[%get3A_515] {strides = array<i32>} : memref<4512xf32, #tpu.memory_space<vmem>>, vector<16xf32>,
      %mul3A_517 = arith.mulf %gather3A_385, %get3A_516 : vector<16xf32>
      %add3A_518 = arith.addf %add3A_514, %mul3A_517 : vector<16xf32>
      %get3A_519 = arith.constant 2560 : index
      %get3A_520 = tpu.vector_load %arg14[%get3A_519] {strides = array<i32>} : memref<4512xf32, #tpu.memory_space<vmem>>, vector<16xf32>,
      %mul3A_521 = arith.mulf %gather3A_389, %get3A_520 : vector<16xf32>
      %add3A_522 = arith.addf %add3A_518, %mul3A_521 : vector<16xf32>
      %get3A_523 = arith.constant 2688 : index
      %get3A_524 = tpu.vector_load %arg14[%get3A_523] {strides = array<i32>} : memref<4512xf32, #tpu.memory_space<vmem>>, vector<16xf32>,
      %mul3A_525 = arith.mulf %gather3A_393, %get3A_524 : vector<16xf32>
      %add3A_526 = arith.addf %add3A_522, %mul3A_525 : vector<16xf32>
      %get3A_527 = arith.constant 2816 : index
      %get3A_528 = tpu.vector_load %arg14[%get3A_527] {strides = array<i32>} : memref<4512xf32, #tpu.memory_space<vmem>>, vector<16xf32>,
      %mul3A_529 = arith.mulf %gather3A_397, %get3A_528 : vector<16xf32>
      %add3A_530 = arith.addf %add3A_526, %mul3A_529 : vector<16xf32>
      %get3A_531 = arith.constant 2944 : index
      %get3A_532 = tpu.vector_load %arg14[%get3A_531] {strides = array<i32>} : memref<4512xf32, #tpu.memory_space<vmem>>, vector<16xf32>,
      %mul3A_533 = arith.mulf %gather3A_401, %get3A_532 : vector<16xf32>
      %add3A_534 = arith.addf %add3A_530, %mul3A_533 : vector<16xf32>
      %get3A_535 = arith.constant 3072 : index
      %get3A_536 = tpu.vector_load %arg14[%get3A_535] {strides = array<i32>} : memref<4512xf32, #tpu.memory_space<vmem>>, vector<16xf32>,
      %mul3A_537 = arith.mulf %gather3A_405, %get3A_536 : vector<16xf32>
      %add3A_538 = arith.addf %add3A_534, %mul3A_537 : vector<16xf32>
      %get3A_539 = arith.constant 3200 : index
      %get3A_540 = tpu.vector_load %arg14[%get3A_539] {strides = array<i32>} : memref<4512xf32, #tpu.memory_space<vmem>>, vector<16xf32>,
      %mul3A_541 = arith.mulf %gather3A_409, %get3A_540 : vector<16xf32>
      %add3A_542 = arith.addf %add3A_538, %mul3A_541 : vector<16xf32>
      %get3A_543 = arith.constant 3328 : index
      %get3A_544 = tpu.vector_load %arg14[%get3A_543] {strides = array<i32>} : memref<4512xf32, #tpu.memory_space<vmem>>, vector<16xf32>,
      %mul3A_545 = arith.mulf %gather3A_413, %get3A_544 : vector<16xf32>
      %add3A_546 = arith.addf %add3A_542, %mul3A_545 : vector<16xf32>
      %get3A_547 = arith.constant 3456 : index
      %get3A_548 = tpu.vector_load %arg14[%get3A_547] {strides = array<i32>} : memref<4512xf32, #tpu.memory_space<vmem>>, vector<16xf32>,
      %mul3A_549 = arith.mulf %gather3A_417, %get3A_548 : vector<16xf32>
      %add3A_550 = arith.addf %add3A_546, %mul3A_549 : vector<16xf32>
      %get3A_551 = arith.constant 3584 : index
      %get3A_552 = tpu.vector_load %arg14[%get3A_551] {strides = array<i32>} : memref<4512xf32, #tpu.memory_space<vmem>>, vector<16xf32>,
      %mul3A_553 = arith.mulf %gather3A_421, %get3A_552 : vector<16xf32>
      %add3A_554 = arith.addf %add3A_550, %mul3A_553 : vector<16xf32>
      %get3A_555 = arith.constant 3712 : index
      %get3A_556 = tpu.vector_load %arg14[%get3A_555] {strides = array<i32>} : memref<4512xf32, #tpu.memory_space<vmem>>, vector<16xf32>,
      %mul3A_557 = arith.mulf %gather3A_425, %get3A_556 : vector<16xf32>
      %add3A_558 = arith.addf %add3A_554, %mul3A_557 : vector<16xf32>
      %get3A_559 = arith.constant 3840 : index
      %get3A_560 = tpu.vector_load %arg14[%get3A_559] {strides = array<i32>} : memref<4512xf32, #tpu.memory_space<vmem>>, vector<16xf32>,
      %mul3A_561 = arith.mulf %gather3A_429, %get3A_560 : vector<16xf32>
      %add3A_562 = arith.addf %add3A_558, %mul3A_561 : vector<16xf32>
      %get3A_563 = arith.constant 3968 : index
      %get3A_564 = tpu.vector_load %arg14[%get3A_563] {strides = array<i32>} : memref<4512xf32, #tpu.memory_space<vmem>>, vector<16xf32>,
      %mul3A_565 = arith.mulf %gather3A_433, %get3A_564 : vector<16xf32>
      %add3A_566 = arith.addf %add3A_562, %mul3A_565 : vector<16xf32>
      %max3A = arith.constant 0.000000e+00 : f32
      %max3A_567 = vector.broadcast %max3A : f32 to vector<16xf32>
      %max3A_568 = arith.maximumf %add3A_566, %max3A_567 : vector<16xf32>
      %get3A_569 = arith.constant 4224 : index
      %get3A_570 = tpu.vector_load %arg14[%get3A_569] {strides = array<i32>} : memref<4512xf32, #tpu.memory_space<vmem>>, vector<16xf32>,
      %mul3A_571 = arith.mulf %max3A_568, %get3A_570 : vector<16xf32>
      %add3A_572 = arith.addf %get3A_434, %mul3A_571 : vector<16xf32>
      %get3A_573 = arith.constant 4240 : index
      %get3A_574 = tpu.vector_load %arg14[%get3A_573] {strides = array<i32>} : memref<4512xf32, #tpu.memory_space<vmem>>, vector<16xf32>,
      %mul3A_575 = arith.mulf %max3A_568, %get3A_574 : vector<16xf32>
      %add3A_576 = arith.addf %get3A_436, %mul3A_575 : vector<16xf32>
      %get3A_577 = arith.constant 4112 : index
      %get3A_578 = tpu.vector_load %arg14[%get3A_577] {strides = array<i32>} : memref<4512xf32, #tpu.memory_space<vmem>>, vector<16xf32>,
      %get3A_579 = arith.constant 16 : index
      %get3A_580 = tpu.vector_load %arg14[%get3A_579] {strides = array<i32>} : memref<4512xf32, #tpu.memory_space<vmem>>, vector<16xf32>,
      %mul3A_581 = arith.mulf %gather3A, %get3A_580 : vector<16xf32>
      %add3A_582 = arith.addf %get3A_578, %mul3A_581 : vector<16xf32>
      %get3A_583 = arith.constant 144 : index
      %get3A_584 = tpu.vector_load %arg14[%get3A_583] {strides = array<i32>} : memref<4512xf32, #tpu.memory_space<vmem>>, vector<16xf32>,
      %mul3A_585 = arith.mulf %gather3A_313, %get3A_584 : vector<16xf32>
      %add3A_586 = arith.addf %add3A_582, %mul3A_585 : vector<16xf32>
      %get3A_587 = arith.constant 272 : index
      %get3A_588 = tpu.vector_load %arg14[%get3A_587] {strides = array<i32>} : memref<4512xf32, #tpu.memory_space<vmem>>, vector<16xf32>,
      %mul3A_589 = arith.mulf %gather3A_317, %get3A_588 : vector<16xf32>
      %add3A_590 = arith.addf %add3A_586, %mul3A_589 : vector<16xf32>
      %get3A_591 = arith.constant 400 : index
      %get3A_592 = tpu.vector_load %arg14[%get3A_591] {strides = array<i32>} : memref<4512xf32, #tpu.memory_space<vmem>>, vector<16xf32>,
      %mul3A_593 = arith.mulf %gather3A_321, %get3A_592 : vector<16xf32>
      %add3A_594 = arith.addf %add3A_590, %mul3A_593 : vector<16xf32>
      %get3A_595 = arith.constant 528 : index
      %get3A_596 = tpu.vector_load %arg14[%get3A_595] {strides = array<i32>} : memref<4512xf32, #tpu.memory_space<vmem>>, vector<16xf32>,
      %mul3A_597 = arith.mulf %gather3A_325, %get3A_596 : vector<16xf32>
      %add3A_598 = arith.addf %add3A_594, %mul3A_597 : vector<16xf32>
      %get3A_599 = arith.constant 656 : index
      %get3A_600 = tpu.vector_load %arg14[%get3A_599] {strides = array<i32>} : memref<4512xf32, #tpu.memory_space<vmem>>, vector<16xf32>,
      %mul3A_601 = arith.mulf %gather3A_329, %get3A_600 : vector<16xf32>
      %add3A_602 = arith.addf %add3A_598, %mul3A_601 : vector<16xf32>
      %get3A_603 = arith.constant 784 : index
      %get3A_604 = tpu.vector_load %arg14[%get3A_603] {strides = array<i32>} : memref<4512xf32, #tpu.memory_space<vmem>>, vector<16xf32>,
      %mul3A_605 = arith.mulf %gather3A_333, %get3A_604 : vector<16xf32>
      %add3A_606 = arith.addf %add3A_602, %mul3A_605 : vector<16xf32>
      %get3A_607 = arith.constant 912 : index
      %get3A_608 = tpu.vector_load %arg14[%get3A_607] {strides = array<i32>} : memref<4512xf32, #tpu.memory_space<vmem>>, vector<16xf32>,
      %mul3A_609 = arith.mulf %gather3A_337, %get3A_608 : vector<16xf32>
      %add3A_610 = arith.addf %add3A_606, %mul3A_609 : vector<16xf32>
      %get3A_611 = arith.constant 1040 : index
      %get3A_612 = tpu.vector_load %arg14[%get3A_611] {strides = array<i32>} : memref<4512xf32, #tpu.memory_space<vmem>>, vector<16xf32>,
      %mul3A_613 = arith.mulf %gather3A_341, %get3A_612 : vector<16xf32>
      %add3A_614 = arith.addf %add3A_610, %mul3A_613 : vector<16xf32>
      %get3A_615 = arith.constant 1168 : index
      %get3A_616 = tpu.vector_load %arg14[%get3A_615] {strides = array<i32>} : memref<4512xf32, #tpu.memory_space<vmem>>, vector<16xf32>,
      %mul3A_617 = arith.mulf %gather3A_345, %get3A_616 : vector<16xf32>
      %add3A_618 = arith.addf %add3A_614, %mul3A_617 : vector<16xf32>
      %get3A_619 = arith.constant 1296 : index
      %get3A_620 = tpu.vector_load %arg14[%get3A_619] {strides = array<i32>} : memref<4512xf32, #tpu.memory_space<vmem>>, vector<16xf32>,
      %mul3A_621 = arith.mulf %gather3A_349, %get3A_620 : vector<16xf32>
      %add3A_622 = arith.addf %add3A_618, %mul3A_621 : vector<16xf32>
      %get3A_623 = arith.constant 1424 : index
      %get3A_624 = tpu.vector_load %arg14[%get3A_623] {strides = array<i32>} : memref<4512xf32, #tpu.memory_space<vmem>>, vector<16xf32>,
      %mul3A_625 = arith.mulf %gather3A_353, %get3A_624 : vector<16xf32>
      %add3A_626 = arith.addf %add3A_622, %mul3A_625 : vector<16xf32>
      %get3A_627 = arith.constant 1552 : index
      %get3A_628 = tpu.vector_load %arg14[%get3A_627] {strides = array<i32>} : memref<4512xf32, #tpu.memory_space<vmem>>, vector<16xf32>,
      %mul3A_629 = arith.mulf %gather3A_357, %get3A_628 : vector<16xf32>
      %add3A_630 = arith.addf %add3A_626, %mul3A_629 : vector<16xf32>
      %get3A_631 = arith.constant 1680 : index
      %get3A_632 = tpu.vector_load %arg14[%get3A_631] {strides = array<i32>} : memref<4512xf32, #tpu.memory_space<vmem>>, vector<16xf32>,
      %mul3A_633 = arith.mulf %gather3A_361, %get3A_632 : vector<16xf32>
      %add3A_634 = arith.addf %add3A_630, %mul3A_633 : vector<16xf32>
      %get3A_635 = arith.constant 1808 : index
      %get3A_636 = tpu.vector_load %arg14[%get3A_635] {strides = array<i32>} : memref<4512xf32, #tpu.memory_space<vmem>>, vector<16xf32>,
      %mul3A_637 = arith.mulf %gather3A_365, %get3A_636 : vector<16xf32>
      %add3A_638 = arith.addf %add3A_634, %mul3A_637 : vector<16xf32>
      %get3A_639 = arith.constant 1936 : index
      %get3A_640 = tpu.vector_load %arg14[%get3A_639] {strides = array<i32>} : memref<4512xf32, #tpu.memory_space<vmem>>, vector<16xf32>,
      %mul3A_641 = arith.mulf %gather3A_369, %get3A_640 : vector<16xf32>
      %add3A_642 = arith.addf %add3A_638, %mul3A_641 : vector<16xf32>
      %get3A_643 = arith.constant 2064 : index
      %get3A_644 = tpu.vector_load %arg14[%get3A_643] {strides = array<i32>} : memref<4512xf32, #tpu.memory_space<vmem>>, vector<16xf32>,
      %mul3A_645 = arith.mulf %gather3A_373, %get3A_644 : vector<16xf32>
      %add3A_646 = arith.addf %add3A_642, %mul3A_645 : vector<16xf32>
      %get3A_647 = arith.constant 2192 : index
      %get3A_648 = tpu.vector_load %arg14[%get3A_647] {strides = array<i32>} : memref<4512xf32, #tpu.memory_space<vmem>>, vector<16xf32>,
      %mul3A_649 = arith.mulf %gather3A_377, %get3A_648 : vector<16xf32>
      %add3A_650 = arith.addf %add3A_646, %mul3A_649 : vector<16xf32>
      %get3A_651 = arith.constant 2320 : index
      %get3A_652 = tpu.vector_load %arg14[%get3A_651] {strides = array<i32>} : memref<4512xf32, #tpu.memory_space<vmem>>, vector<16xf32>,
      %mul3A_653 = arith.mulf %gather3A_381, %get3A_652 : vector<16xf32>
      %add3A_654 = arith.addf %add3A_650, %mul3A_653 : vector<16xf32>
      %get3A_655 = arith.constant 2448 : index
      %get3A_656 = tpu.vector_load %arg14[%get3A_655] {strides = array<i32>} : memref<4512xf32, #tpu.memory_space<vmem>>, vector<16xf32>,
      %mul3A_657 = arith.mulf %gather3A_385, %get3A_656 : vector<16xf32>
      %add3A_658 = arith.addf %add3A_654, %mul3A_657 : vector<16xf32>
      %get3A_659 = arith.constant 2576 : index
      %get3A_660 = tpu.vector_load %arg14[%get3A_659] {strides = array<i32>} : memref<4512xf32, #tpu.memory_space<vmem>>, vector<16xf32>,
      %mul3A_661 = arith.mulf %gather3A_389, %get3A_660 : vector<16xf32>
      %add3A_662 = arith.addf %add3A_658, %mul3A_661 : vector<16xf32>
      %get3A_663 = arith.constant 2704 : index
      %get3A_664 = tpu.vector_load %arg14[%get3A_663] {strides = array<i32>} : memref<4512xf32, #tpu.memory_space<vmem>>, vector<16xf32>,
      %mul3A_665 = arith.mulf %gather3A_393, %get3A_664 : vector<16xf32>
      %add3A_666 = arith.addf %add3A_662, %mul3A_665 : vector<16xf32>
      %get3A_667 = arith.constant 2832 : index
      %get3A_668 = tpu.vector_load %arg14[%get3A_667] {strides = array<i32>} : memref<4512xf32, #tpu.memory_space<vmem>>, vector<16xf32>,
      %mul3A_669 = arith.mulf %gather3A_397, %get3A_668 : vector<16xf32>
      %add3A_670 = arith.addf %add3A_666, %mul3A_669 : vector<16xf32>
      %get3A_671 = arith.constant 2960 : index
      %get3A_672 = tpu.vector_load %arg14[%get3A_671] {strides = array<i32>} : memref<4512xf32, #tpu.memory_space<vmem>>, vector<16xf32>,
      %mul3A_673 = arith.mulf %gather3A_401, %get3A_672 : vector<16xf32>
      %add3A_674 = arith.addf %add3A_670, %mul3A_673 : vector<16xf32>
      %get3A_675 = arith.constant 3088 : index
      %get3A_676 = tpu.vector_load %arg14[%get3A_675] {strides = array<i32>} : memref<4512xf32, #tpu.memory_space<vmem>>, vector<16xf32>,
      %mul3A_677 = arith.mulf %gather3A_405, %get3A_676 : vector<16xf32>
      %add3A_678 = arith.addf %add3A_674, %mul3A_677 : vector<16xf32>
      %get3A_679 = arith.constant 3216 : index
      %get3A_680 = tpu.vector_load %arg14[%get3A_679] {strides = array<i32>} : memref<4512xf32, #tpu.memory_space<vmem>>, vector<16xf32>,
      %mul3A_681 = arith.mulf %gather3A_409, %get3A_680 : vector<16xf32>
      %add3A_682 = arith.addf %add3A_678, %mul3A_681 : vector<16xf32>
      %get3A_683 = arith.constant 3344 : index
      %get3A_684 = tpu.vector_load %arg14[%get3A_683] {strides = array<i32>} : memref<4512xf32, #tpu.memory_space<vmem>>, vector<16xf32>,
      %mul3A_685 = arith.mulf %gather3A_413, %get3A_684 : vector<16xf32>
      %add3A_686 = arith.addf %add3A_682, %mul3A_685 : vector<16xf32>
      %get3A_687 = arith.constant 3472 : index
      %get3A_688 = tpu.vector_load %arg14[%get3A_687] {strides = array<i32>} : memref<4512xf32, #tpu.memory_space<vmem>>, vector<16xf32>,
      %mul3A_689 = arith.mulf %gather3A_417, %get3A_688 : vector<16xf32>
      %add3A_690 = arith.addf %add3A_686, %mul3A_689 : vector<16xf32>
      %get3A_691 = arith.constant 3600 : index
      %get3A_692 = tpu.vector_load %arg14[%get3A_691] {strides = array<i32>} : memref<4512xf32, #tpu.memory_space<vmem>>, vector<16xf32>,
      %mul3A_693 = arith.mulf %gather3A_421, %get3A_692 : vector<16xf32>
      %add3A_694 = arith.addf %add3A_690, %mul3A_693 : vector<16xf32>
      %get3A_695 = arith.constant 3728 : index
      %get3A_696 = tpu.vector_load %arg14[%get3A_695] {strides = array<i32>} : memref<4512xf32, #tpu.memory_space<vmem>>, vector<16xf32>,
      %mul3A_697 = arith.mulf %gather3A_425, %get3A_696 : vector<16xf32>
      %add3A_698 = arith.addf %add3A_694, %mul3A_697 : vector<16xf32>
      %get3A_699 = arith.constant 3856 : index
      %get3A_700 = tpu.vector_load %arg14[%get3A_699] {strides = array<i32>} : memref<4512xf32, #tpu.memory_space<vmem>>, vector<16xf32>,
      %mul3A_701 = arith.mulf %gather3A_429, %get3A_700 : vector<16xf32>
      %add3A_702 = arith.addf %add3A_698, %mul3A_701 : vector<16xf32>
      %get3A_703 = arith.constant 3984 : index
      %get3A_704 = tpu.vector_load %arg14[%get3A_703] {strides = array<i32>} : memref<4512xf32, #tpu.memory_space<vmem>>, vector<16xf32>,
      %mul3A_705 = arith.mulf %gather3A_433, %get3A_704 : vector<16xf32>
      %add3A_706 = arith.addf %add3A_702, %mul3A_705 : vector<16xf32>
      %max3A_707 = arith.constant 0.000000e+00 : f32
      %max3A_708 = vector.broadcast %max3A_707 : f32 to vector<16xf32>
      %max3A_709 = arith.maximumf %add3A_706, %max3A_708 : vector<16xf32>
      %get3A_710 = arith.constant 4256 : index
      %get3A_711 = tpu.vector_load %arg14[%get3A_710] {strides = array<i32>} : memref<4512xf32, #tpu.memory_space<vmem>>, vector<16xf32>,
      %mul3A_712 = arith.mulf %max3A_709, %get3A_711 : vector<16xf32>
      %add3A_713 = arith.addf %add3A_572, %mul3A_712 : vector<16xf32>
      %get3A_714 = arith.constant 4272 : index
      %get3A_715 = tpu.vector_load %arg14[%get3A_714] {strides = array<i32>} : memref<4512xf32, #tpu.memory_space<vmem>>, vector<16xf32>,
      %mul3A_716 = arith.mulf %max3A_709, %get3A_715 : vector<16xf32>
      %add3A_717 = arith.addf %add3A_576, %mul3A_716 : vector<16xf32>
      %get3A_718 = arith.constant 4128 : index
      %get3A_719 = tpu.vector_load %arg14[%get3A_718] {strides = array<i32>} : memref<4512xf32, #tpu.memory_space<vmem>>, vector<16xf32>,
      %get3A_720 = arith.constant 32 : index
      %get3A_721 = tpu.vector_load %arg14[%get3A_720] {strides = array<i32>} : memref<4512xf32, #tpu.memory_space<vmem>>, vector<16xf32>,
      %mul3A_722 = arith.mulf %gather3A, %get3A_721 : vector<16xf32>
      %add3A_723 = arith.addf %get3A_719, %mul3A_722 : vector<16xf32>
      %get3A_724 = arith.constant 160 : index
      %get3A_725 = tpu.vector_load %arg14[%get3A_724] {strides = array<i32>} : memref<4512xf32, #tpu.memory_space<vmem>>, vector<16xf32>,
      %mul3A_726 = arith.mulf %gather3A_313, %get3A_725 : vector<16xf32>
      %add3A_727 = arith.addf %add3A_723, %mul3A_726 : vector<16xf32>
      %get3A_728 = arith.constant 288 : index
      %get3A_729 = tpu.vector_load %arg14[%get3A_728] {strides = array<i32>} : memref<4512xf32, #tpu.memory_space<vmem>>, vector<16xf32>,
      %mul3A_730 = arith.mulf %gather3A_317, %get3A_729 : vector<16xf32>
      %add3A_731 = arith.addf %add3A_727, %mul3A_730 : vector<16xf32>
      %get3A_732 = arith.constant 416 : index
      %get3A_733 = tpu.vector_load %arg14[%get3A_732] {strides = array<i32>} : memref<4512xf32, #tpu.memory_space<vmem>>, vector<16xf32>,
      %mul3A_734 = arith.mulf %gather3A_321, %get3A_733 : vector<16xf32>
      %add3A_735 = arith.addf %add3A_731, %mul3A_734 : vector<16xf32>
      %get3A_736 = arith.constant 544 : index
      %get3A_737 = tpu.vector_load %arg14[%get3A_736] {strides = array<i32>} : memref<4512xf32, #tpu.memory_space<vmem>>, vector<16xf32>,
      %mul3A_738 = arith.mulf %gather3A_325, %get3A_737 : vector<16xf32>
      %add3A_739 = arith.addf %add3A_735, %mul3A_738 : vector<16xf32>
      %get3A_740 = arith.constant 672 : index
      %get3A_741 = tpu.vector_load %arg14[%get3A_740] {strides = array<i32>} : memref<4512xf32, #tpu.memory_space<vmem>>, vector<16xf32>,
      %mul3A_742 = arith.mulf %gather3A_329, %get3A_741 : vector<16xf32>
      %add3A_743 = arith.addf %add3A_739, %mul3A_742 : vector<16xf32>
      %get3A_744 = arith.constant 800 : index
      %get3A_745 = tpu.vector_load %arg14[%get3A_744] {strides = array<i32>} : memref<4512xf32, #tpu.memory_space<vmem>>, vector<16xf32>,
      %mul3A_746 = arith.mulf %gather3A_333, %get3A_745 : vector<16xf32>
      %add3A_747 = arith.addf %add3A_743, %mul3A_746 : vector<16xf32>
      %get3A_748 = arith.constant 928 : index
      %get3A_749 = tpu.vector_load %arg14[%get3A_748] {strides = array<i32>} : memref<4512xf32, #tpu.memory_space<vmem>>, vector<16xf32>,
      %mul3A_750 = arith.mulf %gather3A_337, %get3A_749 : vector<16xf32>
      %add3A_751 = arith.addf %add3A_747, %mul3A_750 : vector<16xf32>
      %get3A_752 = arith.constant 1056 : index
      %get3A_753 = tpu.vector_load %arg14[%get3A_752] {strides = array<i32>} : memref<4512xf32, #tpu.memory_space<vmem>>, vector<16xf32>,
      %mul3A_754 = arith.mulf %gather3A_341, %get3A_753 : vector<16xf32>
      %add3A_755 = arith.addf %add3A_751, %mul3A_754 : vector<16xf32>
      %get3A_756 = arith.constant 1184 : index
      %get3A_757 = tpu.vector_load %arg14[%get3A_756] {strides = array<i32>} : memref<4512xf32, #tpu.memory_space<vmem>>, vector<16xf32>,
      %mul3A_758 = arith.mulf %gather3A_345, %get3A_757 : vector<16xf32>
      %add3A_759 = arith.addf %add3A_755, %mul3A_758 : vector<16xf32>
      %get3A_760 = arith.constant 1312 : index
      %get3A_761 = tpu.vector_load %arg14[%get3A_760] {strides = array<i32>} : memref<4512xf32, #tpu.memory_space<vmem>>, vector<16xf32>,
      %mul3A_762 = arith.mulf %gather3A_349, %get3A_761 : vector<16xf32>
      %add3A_763 = arith.addf %add3A_759, %mul3A_762 : vector<16xf32>
      %get3A_764 = arith.constant 1440 : index
      %get3A_765 = tpu.vector_load %arg14[%get3A_764] {strides = array<i32>} : memref<4512xf32, #tpu.memory_space<vmem>>, vector<16xf32>,
      %mul3A_766 = arith.mulf %gather3A_353, %get3A_765 : vector<16xf32>
      %add3A_767 = arith.addf %add3A_763, %mul3A_766 : vector<16xf32>
      %get3A_768 = arith.constant 1568 : index
      %get3A_769 = tpu.vector_load %arg14[%get3A_768] {strides = array<i32>} : memref<4512xf32, #tpu.memory_space<vmem>>, vector<16xf32>,
      %mul3A_770 = arith.mulf %gather3A_357, %get3A_769 : vector<16xf32>
      %add3A_771 = arith.addf %add3A_767, %mul3A_770 : vector<16xf32>
      %get3A_772 = arith.constant 1696 : index
      %get3A_773 = tpu.vector_load %arg14[%get3A_772] {strides = array<i32>} : memref<4512xf32, #tpu.memory_space<vmem>>, vector<16xf32>,
      %mul3A_774 = arith.mulf %gather3A_361, %get3A_773 : vector<16xf32>
      %add3A_775 = arith.addf %add3A_771, %mul3A_774 : vector<16xf32>
      %get3A_776 = arith.constant 1824 : index
      %get3A_777 = tpu.vector_load %arg14[%get3A_776] {strides = array<i32>} : memref<4512xf32, #tpu.memory_space<vmem>>, vector<16xf32>,
      %mul3A_778 = arith.mulf %gather3A_365, %get3A_777 : vector<16xf32>
      %add3A_779 = arith.addf %add3A_775, %mul3A_778 : vector<16xf32>
      %get3A_780 = arith.constant 1952 : index
      %get3A_781 = tpu.vector_load %arg14[%get3A_780] {strides = array<i32>} : memref<4512xf32, #tpu.memory_space<vmem>>, vector<16xf32>,
      %mul3A_782 = arith.mulf %gather3A_369, %get3A_781 : vector<16xf32>
      %add3A_783 = arith.addf %add3A_779, %mul3A_782 : vector<16xf32>
      %get3A_784 = arith.constant 2080 : index
      %get3A_785 = tpu.vector_load %arg14[%get3A_784] {strides = array<i32>} : memref<4512xf32, #tpu.memory_space<vmem>>, vector<16xf32>,
      %mul3A_786 = arith.mulf %gather3A_373, %get3A_785 : vector<16xf32>
      %add3A_787 = arith.addf %add3A_783, %mul3A_786 : vector<16xf32>
      %get3A_788 = arith.constant 2208 : index
      %get3A_789 = tpu.vector_load %arg14[%get3A_788] {strides = array<i32>} : memref<4512xf32, #tpu.memory_space<vmem>>, vector<16xf32>,
      %mul3A_790 = arith.mulf %gather3A_377, %get3A_789 : vector<16xf32>
      %add3A_791 = arith.addf %add3A_787, %mul3A_790 : vector<16xf32>
      %get3A_792 = arith.constant 2336 : index
      %get3A_793 = tpu.vector_load %arg14[%get3A_792] {strides = array<i32>} : memref<4512xf32, #tpu.memory_space<vmem>>, vector<16xf32>,
      %mul3A_794 = arith.mulf %gather3A_381, %get3A_793 : vector<16xf32>
      %add3A_795 = arith.addf %add3A_791, %mul3A_794 : vector<16xf32>
      %get3A_796 = arith.constant 2464 : index
      %get3A_797 = tpu.vector_load %arg14[%get3A_796] {strides = array<i32>} : memref<4512xf32, #tpu.memory_space<vmem>>, vector<16xf32>,
      %mul3A_798 = arith.mulf %gather3A_385, %get3A_797 : vector<16xf32>
      %add3A_799 = arith.addf %add3A_795, %mul3A_798 : vector<16xf32>
      %get3A_800 = arith.constant 2592 : index
      %get3A_801 = tpu.vector_load %arg14[%get3A_800] {strides = array<i32>} : memref<4512xf32, #tpu.memory_space<vmem>>, vector<16xf32>,
      %mul3A_802 = arith.mulf %gather3A_389, %get3A_801 : vector<16xf32>
      %add3A_803 = arith.addf %add3A_799, %mul3A_802 : vector<16xf32>
      %get3A_804 = arith.constant 2720 : index
      %get3A_805 = tpu.vector_load %arg14[%get3A_804] {strides = array<i32>} : memref<4512xf32, #tpu.memory_space<vmem>>, vector<16xf32>,
      %mul3A_806 = arith.mulf %gather3A_393, %get3A_805 : vector<16xf32>
      %add3A_807 = arith.addf %add3A_803, %mul3A_806 : vector<16xf32>
      %get3A_808 = arith.constant 2848 : index
      %get3A_809 = tpu.vector_load %arg14[%get3A_808] {strides = array<i32>} : memref<4512xf32, #tpu.memory_space<vmem>>, vector<16xf32>,
      %mul3A_810 = arith.mulf %gather3A_397, %get3A_809 : vector<16xf32>
      %add3A_811 = arith.addf %add3A_807, %mul3A_810 : vector<16xf32>
      %get3A_812 = arith.constant 2976 : index
      %get3A_813 = tpu.vector_load %arg14[%get3A_812] {strides = array<i32>} : memref<4512xf32, #tpu.memory_space<vmem>>, vector<16xf32>,
      %mul3A_814 = arith.mulf %gather3A_401, %get3A_813 : vector<16xf32>
      %add3A_815 = arith.addf %add3A_811, %mul3A_814 : vector<16xf32>
      %get3A_816 = arith.constant 3104 : index
      %get3A_817 = tpu.vector_load %arg14[%get3A_816] {strides = array<i32>} : memref<4512xf32, #tpu.memory_space<vmem>>, vector<16xf32>,
      %mul3A_818 = arith.mulf %gather3A_405, %get3A_817 : vector<16xf32>
      %add3A_819 = arith.addf %add3A_815, %mul3A_818 : vector<16xf32>
      %get3A_820 = arith.constant 3232 : index
      %get3A_821 = tpu.vector_load %arg14[%get3A_820] {strides = array<i32>} : memref<4512xf32, #tpu.memory_space<vmem>>, vector<16xf32>,
      %mul3A_822 = arith.mulf %gather3A_409, %get3A_821 : vector<16xf32>
      %add3A_823 = arith.addf %add3A_819, %mul3A_822 : vector<16xf32>
      %get3A_824 = arith.constant 3360 : index
      %get3A_825 = tpu.vector_load %arg14[%get3A_824] {strides = array<i32>} : memref<4512xf32, #tpu.memory_space<vmem>>, vector<16xf32>,
      %mul3A_826 = arith.mulf %gather3A_413, %get3A_825 : vector<16xf32>
      %add3A_827 = arith.addf %add3A_823, %mul3A_826 : vector<16xf32>
      %get3A_828 = arith.constant 3488 : index
      %get3A_829 = tpu.vector_load %arg14[%get3A_828] {strides = array<i32>} : memref<4512xf32, #tpu.memory_space<vmem>>, vector<16xf32>,
      %mul3A_830 = arith.mulf %gather3A_417, %get3A_829 : vector<16xf32>
      %add3A_831 = arith.addf %add3A_827, %mul3A_830 : vector<16xf32>
      %get3A_832 = arith.constant 3616 : index
      %get3A_833 = tpu.vector_load %arg14[%get3A_832] {strides = array<i32>} : memref<4512xf32, #tpu.memory_space<vmem>>, vector<16xf32>,
      %mul3A_834 = arith.mulf %gather3A_421, %get3A_833 : vector<16xf32>
      %add3A_835 = arith.addf %add3A_831, %mul3A_834 : vector<16xf32>
      %get3A_836 = arith.constant 3744 : index
      %get3A_837 = tpu.vector_load %arg14[%get3A_836] {strides = array<i32>} : memref<4512xf32, #tpu.memory_space<vmem>>, vector<16xf32>,
      %mul3A_838 = arith.mulf %gather3A_425, %get3A_837 : vector<16xf32>
      %add3A_839 = arith.addf %add3A_835, %mul3A_838 : vector<16xf32>
      %get3A_840 = arith.constant 3872 : index
      %get3A_841 = tpu.vector_load %arg14[%get3A_840] {strides = array<i32>} : memref<4512xf32, #tpu.memory_space<vmem>>, vector<16xf32>,
      %mul3A_842 = arith.mulf %gather3A_429, %get3A_841 : vector<16xf32>
      %add3A_843 = arith.addf %add3A_839, %mul3A_842 : vector<16xf32>
      %get3A_844 = arith.constant 4000 : index
      %get3A_845 = tpu.vector_load %arg14[%get3A_844] {strides = array<i32>} : memref<4512xf32, #tpu.memory_space<vmem>>, vector<16xf32>,
      %mul3A_846 = arith.mulf %gather3A_433, %get3A_845 : vector<16xf32>
      %add3A_847 = arith.addf %add3A_843, %mul3A_846 : vector<16xf32>
      %max3A_848 = arith.constant 0.000000e+00 : f32
      %max3A_849 = vector.broadcast %max3A_848 : f32 to vector<16xf32>
      %max3A_850 = arith.maximumf %add3A_847, %max3A_849 : vector<16xf32>
      %get3A_851 = arith.constant 4288 : index
      %get3A_852 = tpu.vector_load %arg14[%get3A_851] {strides = array<i32>} : memref<4512xf32, #tpu.memory_space<vmem>>, vector<16xf32>,
      %mul3A_853 = arith.mulf %max3A_850, %get3A_852 : vector<16xf32>
      %add3A_854 = arith.addf %add3A_713, %mul3A_853 : vector<16xf32>
      %get3A_855 = arith.constant 4304 : index
      %get3A_856 = tpu.vector_load %arg14[%get3A_855] {strides = array<i32>} : memref<4512xf32, #tpu.memory_space<vmem>>, vector<16xf32>,
      %mul3A_857 = arith.mulf %max3A_850, %get3A_856 : vector<16xf32>
      %add3A_858 = arith.addf %add3A_717, %mul3A_857 : vector<16xf32>
      %get3A_859 = arith.constant 4144 : index
      %get3A_860 = tpu.vector_load %arg14[%get3A_859] {strides = array<i32>} : memref<4512xf32, #tpu.memory_space<vmem>>, vector<16xf32>,
      %get3A_861 = arith.constant 48 : index
      %get3A_862 = tpu.vector_load %arg14[%get3A_861] {strides = array<i32>} : memref<4512xf32, #tpu.memory_space<vmem>>, vector<16xf32>,
      %mul3A_863 = arith.mulf %gather3A, %get3A_862 : vector<16xf32>
      %add3A_864 = arith.addf %get3A_860, %mul3A_863 : vector<16xf32>
      %get3A_865 = arith.constant 176 : index
      %get3A_866 = tpu.vector_load %arg14[%get3A_865] {strides = array<i32>} : memref<4512xf32, #tpu.memory_space<vmem>>, vector<16xf32>,
      %mul3A_867 = arith.mulf %gather3A_313, %get3A_866 : vector<16xf32>
      %add3A_868 = arith.addf %add3A_864, %mul3A_867 : vector<16xf32>
      %get3A_869 = arith.constant 304 : index
      %get3A_870 = tpu.vector_load %arg14[%get3A_869] {strides = array<i32>} : memref<4512xf32, #tpu.memory_space<vmem>>, vector<16xf32>,
      %mul3A_871 = arith.mulf %gather3A_317, %get3A_870 : vector<16xf32>
      %add3A_872 = arith.addf %add3A_868, %mul3A_871 : vector<16xf32>
      %get3A_873 = arith.constant 432 : index
      %get3A_874 = tpu.vector_load %arg14[%get3A_873] {strides = array<i32>} : memref<4512xf32, #tpu.memory_space<vmem>>, vector<16xf32>,
      %mul3A_875 = arith.mulf %gather3A_321, %get3A_874 : vector<16xf32>
      %add3A_876 = arith.addf %add3A_872, %mul3A_875 : vector<16xf32>
      %get3A_877 = arith.constant 560 : index
      %get3A_878 = tpu.vector_load %arg14[%get3A_877] {strides = array<i32>} : memref<4512xf32, #tpu.memory_space<vmem>>, vector<16xf32>,
      %mul3A_879 = arith.mulf %gather3A_325, %get3A_878 : vector<16xf32>
      %add3A_880 = arith.addf %add3A_876, %mul3A_879 : vector<16xf32>
      %get3A_881 = arith.constant 688 : index
      %get3A_882 = tpu.vector_load %arg14[%get3A_881] {strides = array<i32>} : memref<4512xf32, #tpu.memory_space<vmem>>, vector<16xf32>,
      %mul3A_883 = arith.mulf %gather3A_329, %get3A_882 : vector<16xf32>
      %add3A_884 = arith.addf %add3A_880, %mul3A_883 : vector<16xf32>
      %get3A_885 = arith.constant 816 : index
      %get3A_886 = tpu.vector_load %arg14[%get3A_885] {strides = array<i32>} : memref<4512xf32, #tpu.memory_space<vmem>>, vector<16xf32>,
      %mul3A_887 = arith.mulf %gather3A_333, %get3A_886 : vector<16xf32>
      %add3A_888 = arith.addf %add3A_884, %mul3A_887 : vector<16xf32>
      %get3A_889 = arith.constant 944 : index
      %get3A_890 = tpu.vector_load %arg14[%get3A_889] {strides = array<i32>} : memref<4512xf32, #tpu.memory_space<vmem>>, vector<16xf32>,
      %mul3A_891 = arith.mulf %gather3A_337, %get3A_890 : vector<16xf32>
      %add3A_892 = arith.addf %add3A_888, %mul3A_891 : vector<16xf32>
      %get3A_893 = arith.constant 1072 : index
      %get3A_894 = tpu.vector_load %arg14[%get3A_893] {strides = array<i32>} : memref<4512xf32, #tpu.memory_space<vmem>>, vector<16xf32>,
      %mul3A_895 = arith.mulf %gather3A_341, %get3A_894 : vector<16xf32>
      %add3A_896 = arith.addf %add3A_892, %mul3A_895 : vector<16xf32>
      %get3A_897 = arith.constant 1200 : index
      %get3A_898 = tpu.vector_load %arg14[%get3A_897] {strides = array<i32>} : memref<4512xf32, #tpu.memory_space<vmem>>, vector<16xf32>,
      %mul3A_899 = arith.mulf %gather3A_345, %get3A_898 : vector<16xf32>
      %add3A_900 = arith.addf %add3A_896, %mul3A_899 : vector<16xf32>
      %get3A_901 = arith.constant 1328 : index
      %get3A_902 = tpu.vector_load %arg14[%get3A_901] {strides = array<i32>} : memref<4512xf32, #tpu.memory_space<vmem>>, vector<16xf32>,
      %mul3A_903 = arith.mulf %gather3A_349, %get3A_902 : vector<16xf32>
      %add3A_904 = arith.addf %add3A_900, %mul3A_903 : vector<16xf32>
      %get3A_905 = arith.constant 1456 : index
      %get3A_906 = tpu.vector_load %arg14[%get3A_905] {strides = array<i32>} : memref<4512xf32, #tpu.memory_space<vmem>>, vector<16xf32>,
      %mul3A_907 = arith.mulf %gather3A_353, %get3A_906 : vector<16xf32>
      %add3A_908 = arith.addf %add3A_904, %mul3A_907 : vector<16xf32>
      %get3A_909 = arith.constant 1584 : index
      %get3A_910 = tpu.vector_load %arg14[%get3A_909] {strides = array<i32>} : memref<4512xf32, #tpu.memory_space<vmem>>, vector<16xf32>,
      %mul3A_911 = arith.mulf %gather3A_357, %get3A_910 : vector<16xf32>
      %add3A_912 = arith.addf %add3A_908, %mul3A_911 : vector<16xf32>
      %get3A_913 = arith.constant 1712 : index
      %get3A_914 = tpu.vector_load %arg14[%get3A_913] {strides = array<i32>} : memref<4512xf32, #tpu.memory_space<vmem>>, vector<16xf32>,
      %mul3A_915 = arith.mulf %gather3A_361, %get3A_914 : vector<16xf32>
      %add3A_916 = arith.addf %add3A_912, %mul3A_915 : vector<16xf32>
      %get3A_917 = arith.constant 1840 : index
      %get3A_918 = tpu.vector_load %arg14[%get3A_917] {strides = array<i32>} : memref<4512xf32, #tpu.memory_space<vmem>>, vector<16xf32>,
      %mul3A_919 = arith.mulf %gather3A_365, %get3A_918 : vector<16xf32>
      %add3A_920 = arith.addf %add3A_916, %mul3A_919 : vector<16xf32>
      %get3A_921 = arith.constant 1968 : index
      %get3A_922 = tpu.vector_load %arg14[%get3A_921] {strides = array<i32>} : memref<4512xf32, #tpu.memory_space<vmem>>, vector<16xf32>,
      %mul3A_923 = arith.mulf %gather3A_369, %get3A_922 : vector<16xf32>
      %add3A_924 = arith.addf %add3A_920, %mul3A_923 : vector<16xf32>
      %get3A_925 = arith.constant 2096 : index
      %get3A_926 = tpu.vector_load %arg14[%get3A_925] {strides = array<i32>} : memref<4512xf32, #tpu.memory_space<vmem>>, vector<16xf32>,
      %mul3A_927 = arith.mulf %gather3A_373, %get3A_926 : vector<16xf32>
      %add3A_928 = arith.addf %add3A_924, %mul3A_927 : vector<16xf32>
      %get3A_929 = arith.constant 2224 : index
      %get3A_930 = tpu.vector_load %arg14[%get3A_929] {strides = array<i32>} : memref<4512xf32, #tpu.memory_space<vmem>>, vector<16xf32>,
      %mul3A_931 = arith.mulf %gather3A_377, %get3A_930 : vector<16xf32>
      %add3A_932 = arith.addf %add3A_928, %mul3A_931 : vector<16xf32>
      %get3A_933 = arith.constant 2352 : index
      %get3A_934 = tpu.vector_load %arg14[%get3A_933] {strides = array<i32>} : memref<4512xf32, #tpu.memory_space<vmem>>, vector<16xf32>,
      %mul3A_935 = arith.mulf %gather3A_381, %get3A_934 : vector<16xf32>
      %add3A_936 = arith.addf %add3A_932, %mul3A_935 : vector<16xf32>
      %get3A_937 = arith.constant 2480 : index
      %get3A_938 = tpu.vector_load %arg14[%get3A_937] {strides = array<i32>} : memref<4512xf32, #tpu.memory_space<vmem>>, vector<16xf32>,
      %mul3A_939 = arith.mulf %gather3A_385, %get3A_938 : vector<16xf32>
      %add3A_940 = arith.addf %add3A_936, %mul3A_939 : vector<16xf32>
      %get3A_941 = arith.constant 2608 : index
      %get3A_942 = tpu.vector_load %arg14[%get3A_941] {strides = array<i32>} : memref<4512xf32, #tpu.memory_space<vmem>>, vector<16xf32>,
      %mul3A_943 = arith.mulf %gather3A_389, %get3A_942 : vector<16xf32>
      %add3A_944 = arith.addf %add3A_940, %mul3A_943 : vector<16xf32>
      %get3A_945 = arith.constant 2736 : index
      %get3A_946 = tpu.vector_load %arg14[%get3A_945] {strides = array<i32>} : memref<4512xf32, #tpu.memory_space<vmem>>, vector<16xf32>,
      %mul3A_947 = arith.mulf %gather3A_393, %get3A_946 : vector<16xf32>
      %add3A_948 = arith.addf %add3A_944, %mul3A_947 : vector<16xf32>
      %get3A_949 = arith.constant 2864 : index
      %get3A_950 = tpu.vector_load %arg14[%get3A_949] {strides = array<i32>} : memref<4512xf32, #tpu.memory_space<vmem>>, vector<16xf32>,
      %mul3A_951 = arith.mulf %gather3A_397, %get3A_950 : vector<16xf32>
      %add3A_952 = arith.addf %add3A_948, %mul3A_951 : vector<16xf32>
      %get3A_953 = arith.constant 2992 : index
      %get3A_954 = tpu.vector_load %arg14[%get3A_953] {strides = array<i32>} : memref<4512xf32, #tpu.memory_space<vmem>>, vector<16xf32>,
      %mul3A_955 = arith.mulf %gather3A_401, %get3A_954 : vector<16xf32>
      %add3A_956 = arith.addf %add3A_952, %mul3A_955 : vector<16xf32>
      %get3A_957 = arith.constant 3120 : index
      %get3A_958 = tpu.vector_load %arg14[%get3A_957] {strides = array<i32>} : memref<4512xf32, #tpu.memory_space<vmem>>, vector<16xf32>,
      %mul3A_959 = arith.mulf %gather3A_405, %get3A_958 : vector<16xf32>
      %add3A_960 = arith.addf %add3A_956, %mul3A_959 : vector<16xf32>
      %get3A_961 = arith.constant 3248 : index
      %get3A_962 = tpu.vector_load %arg14[%get3A_961] {strides = array<i32>} : memref<4512xf32, #tpu.memory_space<vmem>>, vector<16xf32>,
      %mul3A_963 = arith.mulf %gather3A_409, %get3A_962 : vector<16xf32>
      %add3A_964 = arith.addf %add3A_960, %mul3A_963 : vector<16xf32>
      %get3A_965 = arith.constant 3376 : index
      %get3A_966 = tpu.vector_load %arg14[%get3A_965] {strides = array<i32>} : memref<4512xf32, #tpu.memory_space<vmem>>, vector<16xf32>,
      %mul3A_967 = arith.mulf %gather3A_413, %get3A_966 : vector<16xf32>
      %add3A_968 = arith.addf %add3A_964, %mul3A_967 : vector<16xf32>
      %get3A_969 = arith.constant 3504 : index
      %get3A_970 = tpu.vector_load %arg14[%get3A_969] {strides = array<i32>} : memref<4512xf32, #tpu.memory_space<vmem>>, vector<16xf32>,
      %mul3A_971 = arith.mulf %gather3A_417, %get3A_970 : vector<16xf32>
      %add3A_972 = arith.addf %add3A_968, %mul3A_971 : vector<16xf32>
      %get3A_973 = arith.constant 3632 : index
      %get3A_974 = tpu.vector_load %arg14[%get3A_973] {strides = array<i32>} : memref<4512xf32, #tpu.memory_space<vmem>>, vector<16xf32>,
      %mul3A_975 = arith.mulf %gather3A_421, %get3A_974 : vector<16xf32>
      %add3A_976 = arith.addf %add3A_972, %mul3A_975 : vector<16xf32>
      %get3A_977 = arith.constant 3760 : index
      %get3A_978 = tpu.vector_load %arg14[%get3A_977] {strides = array<i32>} : memref<4512xf32, #tpu.memory_space<vmem>>, vector<16xf32>,
      %mul3A_979 = arith.mulf %gather3A_425, %get3A_978 : vector<16xf32>
      %add3A_980 = arith.addf %add3A_976, %mul3A_979 : vector<16xf32>
      %get3A_981 = arith.constant 3888 : index
      %get3A_982 = tpu.vector_load %arg14[%get3A_981] {strides = array<i32>} : memref<4512xf32, #tpu.memory_space<vmem>>, vector<16xf32>,
      %mul3A_983 = arith.mulf %gather3A_429, %get3A_982 : vector<16xf32>
      %add3A_984 = arith.addf %add3A_980, %mul3A_983 : vector<16xf32>
      %get3A_985 = arith.constant 4016 : index
      %get3A_986 = tpu.vector_load %arg14[%get3A_985] {strides = array<i32>} : memref<4512xf32, #tpu.memory_space<vmem>>, vector<16xf32>,
      %mul3A_987 = arith.mulf %gather3A_433, %get3A_986 : vector<16xf32>
      %add3A_988 = arith.addf %add3A_984, %mul3A_987 : vector<16xf32>
      %max3A_989 = arith.constant 0.000000e+00 : f32
      %max3A_990 = vector.broadcast %max3A_989 : f32 to vector<16xf32>
      %max3A_991 = arith.maximumf %add3A_988, %max3A_990 : vector<16xf32>
      %get3A_992 = arith.constant 4320 : index
      %get3A_993 = tpu.vector_load %arg14[%get3A_992] {strides = array<i32>} : memref<4512xf32, #tpu.memory_space<vmem>>, vector<16xf32>,
      %mul3A_994 = arith.mulf %max3A_991, %get3A_993 : vector<16xf32>
      %add3A_995 = arith.addf %add3A_854, %mul3A_994 : vector<16xf32>
      %get3A_996 = arith.constant 4336 : index
      %get3A_997 = tpu.vector_load %arg14[%get3A_996] {strides = array<i32>} : memref<4512xf32, #tpu.memory_space<vmem>>, vector<16xf32>,
      %mul3A_998 = arith.mulf %max3A_991, %get3A_997 : vector<16xf32>
      %add3A_999 = arith.addf %add3A_858, %mul3A_998 : vector<16xf32>
      %get3A_1000 = arith.constant 4160 : index
      %get3A_1001 = tpu.vector_load %arg14[%get3A_1000] {strides = array<i32>} : memref<4512xf32, #tpu.memory_space<vmem>>, vector<16xf32>,
      %get3A_1002 = arith.constant 64 : index
      %get3A_1003 = tpu.vector_load %arg14[%get3A_1002] {strides = array<i32>} : memref<4512xf32, #tpu.memory_space<vmem>>, vector<16xf32>,
      %mul3A_1004 = arith.mulf %gather3A, %get3A_1003 : vector<16xf32>
      %add3A_1005 = arith.addf %get3A_1001, %mul3A_1004 : vector<16xf32>
      %get3A_1006 = arith.constant 192 : index
      %get3A_1007 = tpu.vector_load %arg14[%get3A_1006] {strides = array<i32>} : memref<4512xf32, #tpu.memory_space<vmem>>, vector<16xf32>,
      %mul3A_1008 = arith.mulf %gather3A_313, %get3A_1007 : vector<16xf32>
      %add3A_1009 = arith.addf %add3A_1005, %mul3A_1008 : vector<16xf32>
      %get3A_1010 = arith.constant 320 : index
      %get3A_1011 = tpu.vector_load %arg14[%get3A_1010] {strides = array<i32>} : memref<4512xf32, #tpu.memory_space<vmem>>, vector<16xf32>,
      %mul3A_1012 = arith.mulf %gather3A_317, %get3A_1011 : vector<16xf32>
      %add3A_1013 = arith.addf %add3A_1009, %mul3A_1012 : vector<16xf32>
      %get3A_1014 = arith.constant 448 : index
      %get3A_1015 = tpu.vector_load %arg14[%get3A_1014] {strides = array<i32>} : memref<4512xf32, #tpu.memory_space<vmem>>, vector<16xf32>,
      %mul3A_1016 = arith.mulf %gather3A_321, %get3A_1015 : vector<16xf32>
      %add3A_1017 = arith.addf %add3A_1013, %mul3A_1016 : vector<16xf32>
      %get3A_1018 = arith.constant 576 : index
      %get3A_1019 = tpu.vector_load %arg14[%get3A_1018] {strides = array<i32>} : memref<4512xf32, #tpu.memory_space<vmem>>, vector<16xf32>,
      %mul3A_1020 = arith.mulf %gather3A_325, %get3A_1019 : vector<16xf32>
      %add3A_1021 = arith.addf %add3A_1017, %mul3A_1020 : vector<16xf32>
      %get3A_1022 = arith.constant 704 : index
      %get3A_1023 = tpu.vector_load %arg14[%get3A_1022] {strides = array<i32>} : memref<4512xf32, #tpu.memory_space<vmem>>, vector<16xf32>,
      %mul3A_1024 = arith.mulf %gather3A_329, %get3A_1023 : vector<16xf32>
      %add3A_1025 = arith.addf %add3A_1021, %mul3A_1024 : vector<16xf32>
      %get3A_1026 = arith.constant 832 : index
      %get3A_1027 = tpu.vector_load %arg14[%get3A_1026] {strides = array<i32>} : memref<4512xf32, #tpu.memory_space<vmem>>, vector<16xf32>,
      %mul3A_1028 = arith.mulf %gather3A_333, %get3A_1027 : vector<16xf32>
      %add3A_1029 = arith.addf %add3A_1025, %mul3A_1028 : vector<16xf32>
      %get3A_1030 = arith.constant 960 : index
      %get3A_1031 = tpu.vector_load %arg14[%get3A_1030] {strides = array<i32>} : memref<4512xf32, #tpu.memory_space<vmem>>, vector<16xf32>,
      %mul3A_1032 = arith.mulf %gather3A_337, %get3A_1031 : vector<16xf32>
      %add3A_1033 = arith.addf %add3A_1029, %mul3A_1032 : vector<16xf32>
      %get3A_1034 = arith.constant 1088 : index
      %get3A_1035 = tpu.vector_load %arg14[%get3A_1034] {strides = array<i32>} : memref<4512xf32, #tpu.memory_space<vmem>>, vector<16xf32>,
      %mul3A_1036 = arith.mulf %gather3A_341, %get3A_1035 : vector<16xf32>
      %add3A_1037 = arith.addf %add3A_1033, %mul3A_1036 : vector<16xf32>
      %get3A_1038 = arith.constant 1216 : index
      %get3A_1039 = tpu.vector_load %arg14[%get3A_1038] {strides = array<i32>} : memref<4512xf32, #tpu.memory_space<vmem>>, vector<16xf32>,
      %mul3A_1040 = arith.mulf %gather3A_345, %get3A_1039 : vector<16xf32>
      %add3A_1041 = arith.addf %add3A_1037, %mul3A_1040 : vector<16xf32>
      %get3A_1042 = arith.constant 1344 : index
      %get3A_1043 = tpu.vector_load %arg14[%get3A_1042] {strides = array<i32>} : memref<4512xf32, #tpu.memory_space<vmem>>, vector<16xf32>,
      %mul3A_1044 = arith.mulf %gather3A_349, %get3A_1043 : vector<16xf32>
      %add3A_1045 = arith.addf %add3A_1041, %mul3A_1044 : vector<16xf32>
      %get3A_1046 = arith.constant 1472 : index
      %get3A_1047 = tpu.vector_load %arg14[%get3A_1046] {strides = array<i32>} : memref<4512xf32, #tpu.memory_space<vmem>>, vector<16xf32>,
      %mul3A_1048 = arith.mulf %gather3A_353, %get3A_1047 : vector<16xf32>
      %add3A_1049 = arith.addf %add3A_1045, %mul3A_1048 : vector<16xf32>
      %get3A_1050 = arith.constant 1600 : index
      %get3A_1051 = tpu.vector_load %arg14[%get3A_1050] {strides = array<i32>} : memref<4512xf32, #tpu.memory_space<vmem>>, vector<16xf32>,
      %mul3A_1052 = arith.mulf %gather3A_357, %get3A_1051 : vector<16xf32>
      %add3A_1053 = arith.addf %add3A_1049, %mul3A_1052 : vector<16xf32>
      %get3A_1054 = arith.constant 1728 : index
      %get3A_1055 = tpu.vector_load %arg14[%get3A_1054] {strides = array<i32>} : memref<4512xf32, #tpu.memory_space<vmem>>, vector<16xf32>,
      %mul3A_1056 = arith.mulf %gather3A_361, %get3A_1055 : vector<16xf32>
      %add3A_1057 = arith.addf %add3A_1053, %mul3A_1056 : vector<16xf32>
      %get3A_1058 = arith.constant 1856 : index
      %get3A_1059 = tpu.vector_load %arg14[%get3A_1058] {strides = array<i32>} : memref<4512xf32, #tpu.memory_space<vmem>>, vector<16xf32>,
      %mul3A_1060 = arith.mulf %gather3A_365, %get3A_1059 : vector<16xf32>
      %add3A_1061 = arith.addf %add3A_1057, %mul3A_1060 : vector<16xf32>
      %get3A_1062 = arith.constant 1984 : index
      %get3A_1063 = tpu.vector_load %arg14[%get3A_1062] {strides = array<i32>} : memref<4512xf32, #tpu.memory_space<vmem>>, vector<16xf32>,
      %mul3A_1064 = arith.mulf %gather3A_369, %get3A_1063 : vector<16xf32>
      %add3A_1065 = arith.addf %add3A_1061, %mul3A_1064 : vector<16xf32>
      %get3A_1066 = arith.constant 2112 : index
      %get3A_1067 = tpu.vector_load %arg14[%get3A_1066] {strides = array<i32>} : memref<4512xf32, #tpu.memory_space<vmem>>, vector<16xf32>,
      %mul3A_1068 = arith.mulf %gather3A_373, %get3A_1067 : vector<16xf32>
      %add3A_1069 = arith.addf %add3A_1065, %mul3A_1068 : vector<16xf32>
      %get3A_1070 = arith.constant 2240 : index
      %get3A_1071 = tpu.vector_load %arg14[%get3A_1070] {strides = array<i32>} : memref<4512xf32, #tpu.memory_space<vmem>>, vector<16xf32>,
      %mul3A_1072 = arith.mulf %gather3A_377, %get3A_1071 : vector<16xf32>
      %add3A_1073 = arith.addf %add3A_1069, %mul3A_1072 : vector<16xf32>
      %get3A_1074 = arith.constant 2368 : index
      %get3A_1075 = tpu.vector_load %arg14[%get3A_1074] {strides = array<i32>} : memref<4512xf32, #tpu.memory_space<vmem>>, vector<16xf32>,
      %mul3A_1076 = arith.mulf %gather3A_381, %get3A_1075 : vector<16xf32>
      %add3A_1077 = arith.addf %add3A_1073, %mul3A_1076 : vector<16xf32>
      %get3A_1078 = arith.constant 2496 : index
      %get3A_1079 = tpu.vector_load %arg14[%get3A_1078] {strides = array<i32>} : memref<4512xf32, #tpu.memory_space<vmem>>, vector<16xf32>,
      %mul3A_1080 = arith.mulf %gather3A_385, %get3A_1079 : vector<16xf32>
      %add3A_1081 = arith.addf %add3A_1077, %mul3A_1080 : vector<16xf32>
      %get3A_1082 = arith.constant 2624 : index
      %get3A_1083 = tpu.vector_load %arg14[%get3A_1082] {strides = array<i32>} : memref<4512xf32, #tpu.memory_space<vmem>>, vector<16xf32>,
      %mul3A_1084 = arith.mulf %gather3A_389, %get3A_1083 : vector<16xf32>
      %add3A_1085 = arith.addf %add3A_1081, %mul3A_1084 : vector<16xf32>
      %get3A_1086 = arith.constant 2752 : index
      %get3A_1087 = tpu.vector_load %arg14[%get3A_1086] {strides = array<i32>} : memref<4512xf32, #tpu.memory_space<vmem>>, vector<16xf32>,
      %mul3A_1088 = arith.mulf %gather3A_393, %get3A_1087 : vector<16xf32>
      %add3A_1089 = arith.addf %add3A_1085, %mul3A_1088 : vector<16xf32>
      %get3A_1090 = arith.constant 2880 : index
      %get3A_1091 = tpu.vector_load %arg14[%get3A_1090] {strides = array<i32>} : memref<4512xf32, #tpu.memory_space<vmem>>, vector<16xf32>,
      %mul3A_1092 = arith.mulf %gather3A_397, %get3A_1091 : vector<16xf32>
      %add3A_1093 = arith.addf %add3A_1089, %mul3A_1092 : vector<16xf32>
      %get3A_1094 = arith.constant 3008 : index
      %get3A_1095 = tpu.vector_load %arg14[%get3A_1094] {strides = array<i32>} : memref<4512xf32, #tpu.memory_space<vmem>>, vector<16xf32>,
      %mul3A_1096 = arith.mulf %gather3A_401, %get3A_1095 : vector<16xf32>
      %add3A_1097 = arith.addf %add3A_1093, %mul3A_1096 : vector<16xf32>
      %get3A_1098 = arith.constant 3136 : index
      %get3A_1099 = tpu.vector_load %arg14[%get3A_1098] {strides = array<i32>} : memref<4512xf32, #tpu.memory_space<vmem>>, vector<16xf32>,
      %mul3A_1100 = arith.mulf %gather3A_405, %get3A_1099 : vector<16xf32>
      %add3A_1101 = arith.addf %add3A_1097, %mul3A_1100 : vector<16xf32>
      %get3A_1102 = arith.constant 3264 : index
      %get3A_1103 = tpu.vector_load %arg14[%get3A_1102] {strides = array<i32>} : memref<4512xf32, #tpu.memory_space<vmem>>, vector<16xf32>,
      %mul3A_1104 = arith.mulf %gather3A_409, %get3A_1103 : vector<16xf32>
      %add3A_1105 = arith.addf %add3A_1101, %mul3A_1104 : vector<16xf32>
      %get3A_1106 = arith.constant 3392 : index
      %get3A_1107 = tpu.vector_load %arg14[%get3A_1106] {strides = array<i32>} : memref<4512xf32, #tpu.memory_space<vmem>>, vector<16xf32>,
      %mul3A_1108 = arith.mulf %gather3A_413, %get3A_1107 : vector<16xf32>
      %add3A_1109 = arith.addf %add3A_1105, %mul3A_1108 : vector<16xf32>
      %get3A_1110 = arith.constant 3520 : index
      %get3A_1111 = tpu.vector_load %arg14[%get3A_1110] {strides = array<i32>} : memref<4512xf32, #tpu.memory_space<vmem>>, vector<16xf32>,
      %mul3A_1112 = arith.mulf %gather3A_417, %get3A_1111 : vector<16xf32>
      %add3A_1113 = arith.addf %add3A_1109, %mul3A_1112 : vector<16xf32>
      %get3A_1114 = arith.constant 3648 : index
      %get3A_1115 = tpu.vector_load %arg14[%get3A_1114] {strides = array<i32>} : memref<4512xf32, #tpu.memory_space<vmem>>, vector<16xf32>,
      %mul3A_1116 = arith.mulf %gather3A_421, %get3A_1115 : vector<16xf32>
      %add3A_1117 = arith.addf %add3A_1113, %mul3A_1116 : vector<16xf32>
      %get3A_1118 = arith.constant 3776 : index
      %get3A_1119 = tpu.vector_load %arg14[%get3A_1118] {strides = array<i32>} : memref<4512xf32, #tpu.memory_space<vmem>>, vector<16xf32>,
      %mul3A_1120 = arith.mulf %gather3A_425, %get3A_1119 : vector<16xf32>
      %add3A_1121 = arith.addf %add3A_1117, %mul3A_1120 : vector<16xf32>
      %get3A_1122 = arith.constant 3904 : index
      %get3A_1123 = tpu.vector_load %arg14[%get3A_1122] {strides = array<i32>} : memref<4512xf32, #tpu.memory_space<vmem>>, vector<16xf32>,
      %mul3A_1124 = arith.mulf %gather3A_429, %get3A_1123 : vector<16xf32>
      %add3A_1125 = arith.addf %add3A_1121, %mul3A_1124 : vector<16xf32>
      %get3A_1126 = arith.constant 4032 : index
      %get3A_1127 = tpu.vector_load %arg14[%get3A_1126] {strides = array<i32>} : memref<4512xf32, #tpu.memory_space<vmem>>, vector<16xf32>,
      %mul3A_1128 = arith.mulf %gather3A_433, %get3A_1127 : vector<16xf32>
      %add3A_1129 = arith.addf %add3A_1125, %mul3A_1128 : vector<16xf32>
      %max3A_1130 = arith.constant 0.000000e+00 : f32
      %max3A_1131 = vector.broadcast %max3A_1130 : f32 to vector<16xf32>
      %max3A_1132 = arith.maximumf %add3A_1129, %max3A_1131 : vector<16xf32>
      %get3A_1133 = arith.constant 4352 : index
      %get3A_1134 = tpu.vector_load %arg14[%get3A_1133] {strides = array<i32>} : memref<4512xf32, #tpu.memory_space<vmem>>, vector<16xf32>,
      %mul3A_1135 = arith.mulf %max3A_1132, %get3A_1134 : vector<16xf32>
      %add3A_1136 = arith.addf %add3A_995, %mul3A_1135 : vector<16xf32>
      %get3A_1137 = arith.constant 4368 : index
      %get3A_1138 = tpu.vector_load %arg14[%get3A_1137] {strides = array<i32>} : memref<4512xf32, #tpu.memory_space<vmem>>, vector<16xf32>,
      %mul3A_1139 = arith.mulf %max3A_1132, %get3A_1138 : vector<16xf32>
      %add3A_1140 = arith.addf %add3A_999, %mul3A_1139 : vector<16xf32>
      %get3A_1141 = arith.constant 4176 : index
      %get3A_1142 = tpu.vector_load %arg14[%get3A_1141] {strides = array<i32>} : memref<4512xf32, #tpu.memory_space<vmem>>, vector<16xf32>,
      %get3A_1143 = arith.constant 80 : index
      %get3A_1144 = tpu.vector_load %arg14[%get3A_1143] {strides = array<i32>} : memref<4512xf32, #tpu.memory_space<vmem>>, vector<16xf32>,
      %mul3A_1145 = arith.mulf %gather3A, %get3A_1144 : vector<16xf32>
      %add3A_1146 = arith.addf %get3A_1142, %mul3A_1145 : vector<16xf32>
      %get3A_1147 = arith.constant 208 : index
      %get3A_1148 = tpu.vector_load %arg14[%get3A_1147] {strides = array<i32>} : memref<4512xf32, #tpu.memory_space<vmem>>, vector<16xf32>,
      %mul3A_1149 = arith.mulf %gather3A_313, %get3A_1148 : vector<16xf32>
      %add3A_1150 = arith.addf %add3A_1146, %mul3A_1149 : vector<16xf32>
      %get3A_1151 = arith.constant 336 : index
      %get3A_1152 = tpu.vector_load %arg14[%get3A_1151] {strides = array<i32>} : memref<4512xf32, #tpu.memory_space<vmem>>, vector<16xf32>,
      %mul3A_1153 = arith.mulf %gather3A_317, %get3A_1152 : vector<16xf32>
      %add3A_1154 = arith.addf %add3A_1150, %mul3A_1153 : vector<16xf32>
      %get3A_1155 = arith.constant 464 : index
      %get3A_1156 = tpu.vector_load %arg14[%get3A_1155] {strides = array<i32>} : memref<4512xf32, #tpu.memory_space<vmem>>, vector<16xf32>,
      %mul3A_1157 = arith.mulf %gather3A_321, %get3A_1156 : vector<16xf32>
      %add3A_1158 = arith.addf %add3A_1154, %mul3A_1157 : vector<16xf32>
      %get3A_1159 = arith.constant 592 : index
      %get3A_1160 = tpu.vector_load %arg14[%get3A_1159] {strides = array<i32>} : memref<4512xf32, #tpu.memory_space<vmem>>, vector<16xf32>,
      %mul3A_1161 = arith.mulf %gather3A_325, %get3A_1160 : vector<16xf32>
      %add3A_1162 = arith.addf %add3A_1158, %mul3A_1161 : vector<16xf32>
      %get3A_1163 = arith.constant 720 : index
      %get3A_1164 = tpu.vector_load %arg14[%get3A_1163] {strides = array<i32>} : memref<4512xf32, #tpu.memory_space<vmem>>, vector<16xf32>,
      %mul3A_1165 = arith.mulf %gather3A_329, %get3A_1164 : vector<16xf32>
      %add3A_1166 = arith.addf %add3A_1162, %mul3A_1165 : vector<16xf32>
      %get3A_1167 = arith.constant 848 : index
      %get3A_1168 = tpu.vector_load %arg14[%get3A_1167] {strides = array<i32>} : memref<4512xf32, #tpu.memory_space<vmem>>, vector<16xf32>,
      %mul3A_1169 = arith.mulf %gather3A_333, %get3A_1168 : vector<16xf32>
      %add3A_1170 = arith.addf %add3A_1166, %mul3A_1169 : vector<16xf32>
      %get3A_1171 = arith.constant 976 : index
      %get3A_1172 = tpu.vector_load %arg14[%get3A_1171] {strides = array<i32>} : memref<4512xf32, #tpu.memory_space<vmem>>, vector<16xf32>,
      %mul3A_1173 = arith.mulf %gather3A_337, %get3A_1172 : vector<16xf32>
      %add3A_1174 = arith.addf %add3A_1170, %mul3A_1173 : vector<16xf32>
      %get3A_1175 = arith.constant 1104 : index
      %get3A_1176 = tpu.vector_load %arg14[%get3A_1175] {strides = array<i32>} : memref<4512xf32, #tpu.memory_space<vmem>>, vector<16xf32>,
      %mul3A_1177 = arith.mulf %gather3A_341, %get3A_1176 : vector<16xf32>
      %add3A_1178 = arith.addf %add3A_1174, %mul3A_1177 : vector<16xf32>
      %get3A_1179 = arith.constant 1232 : index
      %get3A_1180 = tpu.vector_load %arg14[%get3A_1179] {strides = array<i32>} : memref<4512xf32, #tpu.memory_space<vmem>>, vector<16xf32>,
      %mul3A_1181 = arith.mulf %gather3A_345, %get3A_1180 : vector<16xf32>
      %add3A_1182 = arith.addf %add3A_1178, %mul3A_1181 : vector<16xf32>
      %get3A_1183 = arith.constant 1360 : index
      %get3A_1184 = tpu.vector_load %arg14[%get3A_1183] {strides = array<i32>} : memref<4512xf32, #tpu.memory_space<vmem>>, vector<16xf32>,
      %mul3A_1185 = arith.mulf %gather3A_349, %get3A_1184 : vector<16xf32>
      %add3A_1186 = arith.addf %add3A_1182, %mul3A_1185 : vector<16xf32>
      %get3A_1187 = arith.constant 1488 : index
      %get3A_1188 = tpu.vector_load %arg14[%get3A_1187] {strides = array<i32>} : memref<4512xf32, #tpu.memory_space<vmem>>, vector<16xf32>,
      %mul3A_1189 = arith.mulf %gather3A_353, %get3A_1188 : vector<16xf32>
      %add3A_1190 = arith.addf %add3A_1186, %mul3A_1189 : vector<16xf32>
      %get3A_1191 = arith.constant 1616 : index
      %get3A_1192 = tpu.vector_load %arg14[%get3A_1191] {strides = array<i32>} : memref<4512xf32, #tpu.memory_space<vmem>>, vector<16xf32>,
      %mul3A_1193 = arith.mulf %gather3A_357, %get3A_1192 : vector<16xf32>
      %add3A_1194 = arith.addf %add3A_1190, %mul3A_1193 : vector<16xf32>
      %get3A_1195 = arith.constant 1744 : index
      %get3A_1196 = tpu.vector_load %arg14[%get3A_1195] {strides = array<i32>} : memref<4512xf32, #tpu.memory_space<vmem>>, vector<16xf32>,
      %mul3A_1197 = arith.mulf %gather3A_361, %get3A_1196 : vector<16xf32>
      %add3A_1198 = arith.addf %add3A_1194, %mul3A_1197 : vector<16xf32>
      %get3A_1199 = arith.constant 1872 : index
      %get3A_1200 = tpu.vector_load %arg14[%get3A_1199] {strides = array<i32>} : memref<4512xf32, #tpu.memory_space<vmem>>, vector<16xf32>,
      %mul3A_1201 = arith.mulf %gather3A_365, %get3A_1200 : vector<16xf32>
      %add3A_1202 = arith.addf %add3A_1198, %mul3A_1201 : vector<16xf32>
      %get3A_1203 = arith.constant 2000 : index
      %get3A_1204 = tpu.vector_load %arg14[%get3A_1203] {strides = array<i32>} : memref<4512xf32, #tpu.memory_space<vmem>>, vector<16xf32>,
      %mul3A_1205 = arith.mulf %gather3A_369, %get3A_1204 : vector<16xf32>
      %add3A_1206 = arith.addf %add3A_1202, %mul3A_1205 : vector<16xf32>
      %get3A_1207 = arith.constant 2128 : index
      %get3A_1208 = tpu.vector_load %arg14[%get3A_1207] {strides = array<i32>} : memref<4512xf32, #tpu.memory_space<vmem>>, vector<16xf32>,
      %mul3A_1209 = arith.mulf %gather3A_373, %get3A_1208 : vector<16xf32>
      %add3A_1210 = arith.addf %add3A_1206, %mul3A_1209 : vector<16xf32>
      %get3A_1211 = arith.constant 2256 : index
      %get3A_1212 = tpu.vector_load %arg14[%get3A_1211] {strides = array<i32>} : memref<4512xf32, #tpu.memory_space<vmem>>, vector<16xf32>,
      %mul3A_1213 = arith.mulf %gather3A_377, %get3A_1212 : vector<16xf32>
      %add3A_1214 = arith.addf %add3A_1210, %mul3A_1213 : vector<16xf32>
      %get3A_1215 = arith.constant 2384 : index
      %get3A_1216 = tpu.vector_load %arg14[%get3A_1215] {strides = array<i32>} : memref<4512xf32, #tpu.memory_space<vmem>>, vector<16xf32>,
      %mul3A_1217 = arith.mulf %gather3A_381, %get3A_1216 : vector<16xf32>
      %add3A_1218 = arith.addf %add3A_1214, %mul3A_1217 : vector<16xf32>
      %get3A_1219 = arith.constant 2512 : index
      %get3A_1220 = tpu.vector_load %arg14[%get3A_1219] {strides = array<i32>} : memref<4512xf32, #tpu.memory_space<vmem>>, vector<16xf32>,
      %mul3A_1221 = arith.mulf %gather3A_385, %get3A_1220 : vector<16xf32>
      %add3A_1222 = arith.addf %add3A_1218, %mul3A_1221 : vector<16xf32>
      %get3A_1223 = arith.constant 2640 : index
      %get3A_1224 = tpu.vector_load %arg14[%get3A_1223] {strides = array<i32>} : memref<4512xf32, #tpu.memory_space<vmem>>, vector<16xf32>,
      %mul3A_1225 = arith.mulf %gather3A_389, %get3A_1224 : vector<16xf32>
      %add3A_1226 = arith.addf %add3A_1222, %mul3A_1225 : vector<16xf32>
      %get3A_1227 = arith.constant 2768 : index
      %get3A_1228 = tpu.vector_load %arg14[%get3A_1227] {strides = array<i32>} : memref<4512xf32, #tpu.memory_space<vmem>>, vector<16xf32>,
      %mul3A_1229 = arith.mulf %gather3A_393, %get3A_1228 : vector<16xf32>
      %add3A_1230 = arith.addf %add3A_1226, %mul3A_1229 : vector<16xf32>
      %get3A_1231 = arith.constant 2896 : index
      %get3A_1232 = tpu.vector_load %arg14[%get3A_1231] {strides = array<i32>} : memref<4512xf32, #tpu.memory_space<vmem>>, vector<16xf32>,
      %mul3A_1233 = arith.mulf %gather3A_397, %get3A_1232 : vector<16xf32>
      %add3A_1234 = arith.addf %add3A_1230, %mul3A_1233 : vector<16xf32>
      %get3A_1235 = arith.constant 3024 : index
      %get3A_1236 = tpu.vector_load %arg14[%get3A_1235] {strides = array<i32>} : memref<4512xf32, #tpu.memory_space<vmem>>, vector<16xf32>,
      %mul3A_1237 = arith.mulf %gather3A_401, %get3A_1236 : vector<16xf32>
      %add3A_1238 = arith.addf %add3A_1234, %mul3A_1237 : vector<16xf32>
      %get3A_1239 = arith.constant 3152 : index
      %get3A_1240 = tpu.vector_load %arg14[%get3A_1239] {strides = array<i32>} : memref<4512xf32, #tpu.memory_space<vmem>>, vector<16xf32>,
      %mul3A_1241 = arith.mulf %gather3A_405, %get3A_1240 : vector<16xf32>
      %add3A_1242 = arith.addf %add3A_1238, %mul3A_1241 : vector<16xf32>
      %get3A_1243 = arith.constant 3280 : index
      %get3A_1244 = tpu.vector_load %arg14[%get3A_1243] {strides = array<i32>} : memref<4512xf32, #tpu.memory_space<vmem>>, vector<16xf32>,
      %mul3A_1245 = arith.mulf %gather3A_409, %get3A_1244 : vector<16xf32>
      %add3A_1246 = arith.addf %add3A_1242, %mul3A_1245 : vector<16xf32>
      %get3A_1247 = arith.constant 3408 : index
      %get3A_1248 = tpu.vector_load %arg14[%get3A_1247] {strides = array<i32>} : memref<4512xf32, #tpu.memory_space<vmem>>, vector<16xf32>,
      %mul3A_1249 = arith.mulf %gather3A_413, %get3A_1248 : vector<16xf32>
      %add3A_1250 = arith.addf %add3A_1246, %mul3A_1249 : vector<16xf32>
      %get3A_1251 = arith.constant 3536 : index
      %get3A_1252 = tpu.vector_load %arg14[%get3A_1251] {strides = array<i32>} : memref<4512xf32, #tpu.memory_space<vmem>>, vector<16xf32>,
      %mul3A_1253 = arith.mulf %gather3A_417, %get3A_1252 : vector<16xf32>
      %add3A_1254 = arith.addf %add3A_1250, %mul3A_1253 : vector<16xf32>
      %get3A_1255 = arith.constant 3664 : index
      %get3A_1256 = tpu.vector_load %arg14[%get3A_1255] {strides = array<i32>} : memref<4512xf32, #tpu.memory_space<vmem>>, vector<16xf32>,
      %mul3A_1257 = arith.mulf %gather3A_421, %get3A_1256 : vector<16xf32>
      %add3A_1258 = arith.addf %add3A_1254, %mul3A_1257 : vector<16xf32>
      %get3A_1259 = arith.constant 3792 : index
      %get3A_1260 = tpu.vector_load %arg14[%get3A_1259] {strides = array<i32>} : memref<4512xf32, #tpu.memory_space<vmem>>, vector<16xf32>,
      %mul3A_1261 = arith.mulf %gather3A_425, %get3A_1260 : vector<16xf32>
      %add3A_1262 = arith.addf %add3A_1258, %mul3A_1261 : vector<16xf32>
      %get3A_1263 = arith.constant 3920 : index
      %get3A_1264 = tpu.vector_load %arg14[%get3A_1263] {strides = array<i32>} : memref<4512xf32, #tpu.memory_space<vmem>>, vector<16xf32>,
      %mul3A_1265 = arith.mulf %gather3A_429, %get3A_1264 : vector<16xf32>
      %add3A_1266 = arith.addf %add3A_1262, %mul3A_1265 : vector<16xf32>
      %get3A_1267 = arith.constant 4048 : index
      %get3A_1268 = tpu.vector_load %arg14[%get3A_1267] {strides = array<i32>} : memref<4512xf32, #tpu.memory_space<vmem>>, vector<16xf32>,
      %mul3A_1269 = arith.mulf %gather3A_433, %get3A_1268 : vector<16xf32>
      %add3A_1270 = arith.addf %add3A_1266, %mul3A_1269 : vector<16xf32>
      %max3A_1271 = arith.constant 0.000000e+00 : f32
      %max3A_1272 = vector.broadcast %max3A_1271 : f32 to vector<16xf32>
      %max3A_1273 = arith.maximumf %add3A_1270, %max3A_1272 : vector<16xf32>
      %get3A_1274 = arith.constant 4384 : index
      %get3A_1275 = tpu.vector_load %arg14[%get3A_1274] {strides = array<i32>} : memref<4512xf32, #tpu.memory_space<vmem>>, vector<16xf32>,
      %mul3A_1276 = arith.mulf %max3A_1273, %get3A_1275 : vector<16xf32>
      %add3A_1277 = arith.addf %add3A_1136, %mul3A_1276 : vector<16xf32>
      %get3A_1278 = arith.constant 4400 : index
      %get3A_1279 = tpu.vector_load %arg14[%get3A_1278] {strides = array<i32>} : memref<4512xf32, #tpu.memory_space<vmem>>, vector<16xf32>,
      %mul3A_1280 = arith.mulf %max3A_1273, %get3A_1279 : vector<16xf32>
      %add3A_1281 = arith.addf %add3A_1140, %mul3A_1280 : vector<16xf32>
      %get3A_1282 = arith.constant 4192 : index
      %get3A_1283 = tpu.vector_load %arg14[%get3A_1282] {strides = array<i32>} : memref<4512xf32, #tpu.memory_space<vmem>>, vector<16xf32>,
      %get3A_1284 = arith.constant 96 : index
      %get3A_1285 = tpu.vector_load %arg14[%get3A_1284] {strides = array<i32>} : memref<4512xf32, #tpu.memory_space<vmem>>, vector<16xf32>,
      %mul3A_1286 = arith.mulf %gather3A, %get3A_1285 : vector<16xf32>
      %add3A_1287 = arith.addf %get3A_1283, %mul3A_1286 : vector<16xf32>
      %get3A_1288 = arith.constant 224 : index
      %get3A_1289 = tpu.vector_load %arg14[%get3A_1288] {strides = array<i32>} : memref<4512xf32, #tpu.memory_space<vmem>>, vector<16xf32>,
      %mul3A_1290 = arith.mulf %gather3A_313, %get3A_1289 : vector<16xf32>
      %add3A_1291 = arith.addf %add3A_1287, %mul3A_1290 : vector<16xf32>
      %get3A_1292 = arith.constant 352 : index
      %get3A_1293 = tpu.vector_load %arg14[%get3A_1292] {strides = array<i32>} : memref<4512xf32, #tpu.memory_space<vmem>>, vector<16xf32>,
      %mul3A_1294 = arith.mulf %gather3A_317, %get3A_1293 : vector<16xf32>
      %add3A_1295 = arith.addf %add3A_1291, %mul3A_1294 : vector<16xf32>
      %get3A_1296 = arith.constant 480 : index
      %get3A_1297 = tpu.vector_load %arg14[%get3A_1296] {strides = array<i32>} : memref<4512xf32, #tpu.memory_space<vmem>>, vector<16xf32>,
      %mul3A_1298 = arith.mulf %gather3A_321, %get3A_1297 : vector<16xf32>
      %add3A_1299 = arith.addf %add3A_1295, %mul3A_1298 : vector<16xf32>
      %get3A_1300 = arith.constant 608 : index
      %get3A_1301 = tpu.vector_load %arg14[%get3A_1300] {strides = array<i32>} : memref<4512xf32, #tpu.memory_space<vmem>>, vector<16xf32>,
      %mul3A_1302 = arith.mulf %gather3A_325, %get3A_1301 : vector<16xf32>
      %add3A_1303 = arith.addf %add3A_1299, %mul3A_1302 : vector<16xf32>
      %get3A_1304 = arith.constant 736 : index
      %get3A_1305 = tpu.vector_load %arg14[%get3A_1304] {strides = array<i32>} : memref<4512xf32, #tpu.memory_space<vmem>>, vector<16xf32>,
      %mul3A_1306 = arith.mulf %gather3A_329, %get3A_1305 : vector<16xf32>
      %add3A_1307 = arith.addf %add3A_1303, %mul3A_1306 : vector<16xf32>
      %get3A_1308 = arith.constant 864 : index
      %get3A_1309 = tpu.vector_load %arg14[%get3A_1308] {strides = array<i32>} : memref<4512xf32, #tpu.memory_space<vmem>>, vector<16xf32>,
      %mul3A_1310 = arith.mulf %gather3A_333, %get3A_1309 : vector<16xf32>
      %add3A_1311 = arith.addf %add3A_1307, %mul3A_1310 : vector<16xf32>
      %get3A_1312 = arith.constant 992 : index
      %get3A_1313 = tpu.vector_load %arg14[%get3A_1312] {strides = array<i32>} : memref<4512xf32, #tpu.memory_space<vmem>>, vector<16xf32>,
      %mul3A_1314 = arith.mulf %gather3A_337, %get3A_1313 : vector<16xf32>
      %add3A_1315 = arith.addf %add3A_1311, %mul3A_1314 : vector<16xf32>
      %get3A_1316 = arith.constant 1120 : index
      %get3A_1317 = tpu.vector_load %arg14[%get3A_1316] {strides = array<i32>} : memref<4512xf32, #tpu.memory_space<vmem>>, vector<16xf32>,
      %mul3A_1318 = arith.mulf %gather3A_341, %get3A_1317 : vector<16xf32>
      %add3A_1319 = arith.addf %add3A_1315, %mul3A_1318 : vector<16xf32>
      %get3A_1320 = arith.constant 1248 : index
      %get3A_1321 = tpu.vector_load %arg14[%get3A_1320] {strides = array<i32>} : memref<4512xf32, #tpu.memory_space<vmem>>, vector<16xf32>,
      %mul3A_1322 = arith.mulf %gather3A_345, %get3A_1321 : vector<16xf32>
      %add3A_1323 = arith.addf %add3A_1319, %mul3A_1322 : vector<16xf32>
      %get3A_1324 = arith.constant 1376 : index
      %get3A_1325 = tpu.vector_load %arg14[%get3A_1324] {strides = array<i32>} : memref<4512xf32, #tpu.memory_space<vmem>>, vector<16xf32>,
      %mul3A_1326 = arith.mulf %gather3A_349, %get3A_1325 : vector<16xf32>
      %add3A_1327 = arith.addf %add3A_1323, %mul3A_1326 : vector<16xf32>
      %get3A_1328 = arith.constant 1504 : index
      %get3A_1329 = tpu.vector_load %arg14[%get3A_1328] {strides = array<i32>} : memref<4512xf32, #tpu.memory_space<vmem>>, vector<16xf32>,
      %mul3A_1330 = arith.mulf %gather3A_353, %get3A_1329 : vector<16xf32>
      %add3A_1331 = arith.addf %add3A_1327, %mul3A_1330 : vector<16xf32>
      %get3A_1332 = arith.constant 1632 : index
      %get3A_1333 = tpu.vector_load %arg14[%get3A_1332] {strides = array<i32>} : memref<4512xf32, #tpu.memory_space<vmem>>, vector<16xf32>,
      %mul3A_1334 = arith.mulf %gather3A_357, %get3A_1333 : vector<16xf32>
      %add3A_1335 = arith.addf %add3A_1331, %mul3A_1334 : vector<16xf32>
      %get3A_1336 = arith.constant 1760 : index
      %get3A_1337 = tpu.vector_load %arg14[%get3A_1336] {strides = array<i32>} : memref<4512xf32, #tpu.memory_space<vmem>>, vector<16xf32>,
      %mul3A_1338 = arith.mulf %gather3A_361, %get3A_1337 : vector<16xf32>
      %add3A_1339 = arith.addf %add3A_1335, %mul3A_1338 : vector<16xf32>
      %get3A_1340 = arith.constant 1888 : index
      %get3A_1341 = tpu.vector_load %arg14[%get3A_1340] {strides = array<i32>} : memref<4512xf32, #tpu.memory_space<vmem>>, vector<16xf32>,
      %mul3A_1342 = arith.mulf %gather3A_365, %get3A_1341 : vector<16xf32>
      %add3A_1343 = arith.addf %add3A_1339, %mul3A_1342 : vector<16xf32>
      %get3A_1344 = arith.constant 2016 : index
      %get3A_1345 = tpu.vector_load %arg14[%get3A_1344] {strides = array<i32>} : memref<4512xf32, #tpu.memory_space<vmem>>, vector<16xf32>,
      %mul3A_1346 = arith.mulf %gather3A_369, %get3A_1345 : vector<16xf32>
      %add3A_1347 = arith.addf %add3A_1343, %mul3A_1346 : vector<16xf32>
      %get3A_1348 = arith.constant 2144 : index
      %get3A_1349 = tpu.vector_load %arg14[%get3A_1348] {strides = array<i32>} : memref<4512xf32, #tpu.memory_space<vmem>>, vector<16xf32>,
      %mul3A_1350 = arith.mulf %gather3A_373, %get3A_1349 : vector<16xf32>
      %add3A_1351 = arith.addf %add3A_1347, %mul3A_1350 : vector<16xf32>
      %get3A_1352 = arith.constant 2272 : index
      %get3A_1353 = tpu.vector_load %arg14[%get3A_1352] {strides = array<i32>} : memref<4512xf32, #tpu.memory_space<vmem>>, vector<16xf32>,
      %mul3A_1354 = arith.mulf %gather3A_377, %get3A_1353 : vector<16xf32>
      %add3A_1355 = arith.addf %add3A_1351, %mul3A_1354 : vector<16xf32>
      %get3A_1356 = arith.constant 2400 : index
      %get3A_1357 = tpu.vector_load %arg14[%get3A_1356] {strides = array<i32>} : memref<4512xf32, #tpu.memory_space<vmem>>, vector<16xf32>,
      %mul3A_1358 = arith.mulf %gather3A_381, %get3A_1357 : vector<16xf32>
      %add3A_1359 = arith.addf %add3A_1355, %mul3A_1358 : vector<16xf32>
      %get3A_1360 = arith.constant 2528 : index
      %get3A_1361 = tpu.vector_load %arg14[%get3A_1360] {strides = array<i32>} : memref<4512xf32, #tpu.memory_space<vmem>>, vector<16xf32>,
      %mul3A_1362 = arith.mulf %gather3A_385, %get3A_1361 : vector<16xf32>
      %add3A_1363 = arith.addf %add3A_1359, %mul3A_1362 : vector<16xf32>
      %get3A_1364 = arith.constant 2656 : index
      %get3A_1365 = tpu.vector_load %arg14[%get3A_1364] {strides = array<i32>} : memref<4512xf32, #tpu.memory_space<vmem>>, vector<16xf32>,
      %mul3A_1366 = arith.mulf %gather3A_389, %get3A_1365 : vector<16xf32>
      %add3A_1367 = arith.addf %add3A_1363, %mul3A_1366 : vector<16xf32>
      %get3A_1368 = arith.constant 2784 : index
      %get3A_1369 = tpu.vector_load %arg14[%get3A_1368] {strides = array<i32>} : memref<4512xf32, #tpu.memory_space<vmem>>, vector<16xf32>,
      %mul3A_1370 = arith.mulf %gather3A_393, %get3A_1369 : vector<16xf32>
      %add3A_1371 = arith.addf %add3A_1367, %mul3A_1370 : vector<16xf32>
      %get3A_1372 = arith.constant 2912 : index
      %get3A_1373 = tpu.vector_load %arg14[%get3A_1372] {strides = array<i32>} : memref<4512xf32, #tpu.memory_space<vmem>>, vector<16xf32>,
      %mul3A_1374 = arith.mulf %gather3A_397, %get3A_1373 : vector<16xf32>
      %add3A_1375 = arith.addf %add3A_1371, %mul3A_1374 : vector<16xf32>
      %get3A_1376 = arith.constant 3040 : index
      %get3A_1377 = tpu.vector_load %arg14[%get3A_1376] {strides = array<i32>} : memref<4512xf32, #tpu.memory_space<vmem>>, vector<16xf32>,
      %mul3A_1378 = arith.mulf %gather3A_401, %get3A_1377 : vector<16xf32>
      %add3A_1379 = arith.addf %add3A_1375, %mul3A_1378 : vector<16xf32>
      %get3A_1380 = arith.constant 3168 : index
      %get3A_1381 = tpu.vector_load %arg14[%get3A_1380] {strides = array<i32>} : memref<4512xf32, #tpu.memory_space<vmem>>, vector<16xf32>,
      %mul3A_1382 = arith.mulf %gather3A_405, %get3A_1381 : vector<16xf32>
      %add3A_1383 = arith.addf %add3A_1379, %mul3A_1382 : vector<16xf32>
      %get3A_1384 = arith.constant 3296 : index
      %get3A_1385 = tpu.vector_load %arg14[%get3A_1384] {strides = array<i32>} : memref<4512xf32, #tpu.memory_space<vmem>>, vector<16xf32>,
      %mul3A_1386 = arith.mulf %gather3A_409, %get3A_1385 : vector<16xf32>
      %add3A_1387 = arith.addf %add3A_1383, %mul3A_1386 : vector<16xf32>
      %get3A_1388 = arith.constant 3424 : index
      %get3A_1389 = tpu.vector_load %arg14[%get3A_1388] {strides = array<i32>} : memref<4512xf32, #tpu.memory_space<vmem>>, vector<16xf32>,
      %mul3A_1390 = arith.mulf %gather3A_413, %get3A_1389 : vector<16xf32>
      %add3A_1391 = arith.addf %add3A_1387, %mul3A_1390 : vector<16xf32>
      %get3A_1392 = arith.constant 3552 : index
      %get3A_1393 = tpu.vector_load %arg14[%get3A_1392] {strides = array<i32>} : memref<4512xf32, #tpu.memory_space<vmem>>, vector<16xf32>,
      %mul3A_1394 = arith.mulf %gather3A_417, %get3A_1393 : vector<16xf32>
      %add3A_1395 = arith.addf %add3A_1391, %mul3A_1394 : vector<16xf32>
      %get3A_1396 = arith.constant 3680 : index
      %get3A_1397 = tpu.vector_load %arg14[%get3A_1396] {strides = array<i32>} : memref<4512xf32, #tpu.memory_space<vmem>>, vector<16xf32>,
      %mul3A_1398 = arith.mulf %gather3A_421, %get3A_1397 : vector<16xf32>
      %add3A_1399 = arith.addf %add3A_1395, %mul3A_1398 : vector<16xf32>
      %get3A_1400 = arith.constant 3808 : index
      %get3A_1401 = tpu.vector_load %arg14[%get3A_1400] {strides = array<i32>} : memref<4512xf32, #tpu.memory_space<vmem>>, vector<16xf32>,
      %mul3A_1402 = arith.mulf %gather3A_425, %get3A_1401 : vector<16xf32>
      %add3A_1403 = arith.addf %add3A_1399, %mul3A_1402 : vector<16xf32>
      %get3A_1404 = arith.constant 3936 : index
      %get3A_1405 = tpu.vector_load %arg14[%get3A_1404] {strides = array<i32>} : memref<4512xf32, #tpu.memory_space<vmem>>, vector<16xf32>,
      %mul3A_1406 = arith.mulf %gather3A_429, %get3A_1405 : vector<16xf32>
      %add3A_1407 = arith.addf %add3A_1403, %mul3A_1406 : vector<16xf32>
      %get3A_1408 = arith.constant 4064 : index
      %get3A_1409 = tpu.vector_load %arg14[%get3A_1408] {strides = array<i32>} : memref<4512xf32, #tpu.memory_space<vmem>>, vector<16xf32>,
      %mul3A_1410 = arith.mulf %gather3A_433, %get3A_1409 : vector<16xf32>
      %add3A_1411 = arith.addf %add3A_1407, %mul3A_1410 : vector<16xf32>
      %max3A_1412 = arith.constant 0.000000e+00 : f32
      %max3A_1413 = vector.broadcast %max3A_1412 : f32 to vector<16xf32>
      %max3A_1414 = arith.maximumf %add3A_1411, %max3A_1413 : vector<16xf32>
      %get3A_1415 = arith.constant 4416 : index
      %get3A_1416 = tpu.vector_load %arg14[%get3A_1415] {strides = array<i32>} : memref<4512xf32, #tpu.memory_space<vmem>>, vector<16xf32>,
      %mul3A_1417 = arith.mulf %max3A_1414, %get3A_1416 : vector<16xf32>
      %add3A_1418 = arith.addf %add3A_1277, %mul3A_1417 : vector<16xf32>
      %get3A_1419 = arith.constant 4432 : index
      %get3A_1420 = tpu.vector_load %arg14[%get3A_1419] {strides = array<i32>} : memref<4512xf32, #tpu.memory_space<vmem>>, vector<16xf32>,
      %mul3A_1421 = arith.mulf %max3A_1414, %get3A_1420 : vector<16xf32>
      %add3A_1422 = arith.addf %add3A_1281, %mul3A_1421 : vector<16xf32>
      %get3A_1423 = arith.constant 4208 : index
      %get3A_1424 = tpu.vector_load %arg14[%get3A_1423] {strides = array<i32>} : memref<4512xf32, #tpu.memory_space<vmem>>, vector<16xf32>,
      %get3A_1425 = arith.constant 112 : index
      %get3A_1426 = tpu.vector_load %arg14[%get3A_1425] {strides = array<i32>} : memref<4512xf32, #tpu.memory_space<vmem>>, vector<16xf32>,
      %mul3A_1427 = arith.mulf %gather3A, %get3A_1426 : vector<16xf32>
      %add3A_1428 = arith.addf %get3A_1424, %mul3A_1427 : vector<16xf32>
      %get3A_1429 = arith.constant 240 : index
      %get3A_1430 = tpu.vector_load %arg14[%get3A_1429] {strides = array<i32>} : memref<4512xf32, #tpu.memory_space<vmem>>, vector<16xf32>,
      %mul3A_1431 = arith.mulf %gather3A_313, %get3A_1430 : vector<16xf32>
      %add3A_1432 = arith.addf %add3A_1428, %mul3A_1431 : vector<16xf32>
      %get3A_1433 = arith.constant 368 : index
      %get3A_1434 = tpu.vector_load %arg14[%get3A_1433] {strides = array<i32>} : memref<4512xf32, #tpu.memory_space<vmem>>, vector<16xf32>,
      %mul3A_1435 = arith.mulf %gather3A_317, %get3A_1434 : vector<16xf32>
      %add3A_1436 = arith.addf %add3A_1432, %mul3A_1435 : vector<16xf32>
      %get3A_1437 = arith.constant 496 : index
      %get3A_1438 = tpu.vector_load %arg14[%get3A_1437] {strides = array<i32>} : memref<4512xf32, #tpu.memory_space<vmem>>, vector<16xf32>,
      %mul3A_1439 = arith.mulf %gather3A_321, %get3A_1438 : vector<16xf32>
      %add3A_1440 = arith.addf %add3A_1436, %mul3A_1439 : vector<16xf32>
      %get3A_1441 = arith.constant 624 : index
      %get3A_1442 = tpu.vector_load %arg14[%get3A_1441] {strides = array<i32>} : memref<4512xf32, #tpu.memory_space<vmem>>, vector<16xf32>,
      %mul3A_1443 = arith.mulf %gather3A_325, %get3A_1442 : vector<16xf32>
      %add3A_1444 = arith.addf %add3A_1440, %mul3A_1443 : vector<16xf32>
      %get3A_1445 = arith.constant 752 : index
      %get3A_1446 = tpu.vector_load %arg14[%get3A_1445] {strides = array<i32>} : memref<4512xf32, #tpu.memory_space<vmem>>, vector<16xf32>,
      %mul3A_1447 = arith.mulf %gather3A_329, %get3A_1446 : vector<16xf32>
      %add3A_1448 = arith.addf %add3A_1444, %mul3A_1447 : vector<16xf32>
      %get3A_1449 = arith.constant 880 : index
      %get3A_1450 = tpu.vector_load %arg14[%get3A_1449] {strides = array<i32>} : memref<4512xf32, #tpu.memory_space<vmem>>, vector<16xf32>,
      %mul3A_1451 = arith.mulf %gather3A_333, %get3A_1450 : vector<16xf32>
      %add3A_1452 = arith.addf %add3A_1448, %mul3A_1451 : vector<16xf32>
      %get3A_1453 = arith.constant 1008 : index
      %get3A_1454 = tpu.vector_load %arg14[%get3A_1453] {strides = array<i32>} : memref<4512xf32, #tpu.memory_space<vmem>>, vector<16xf32>,
      %mul3A_1455 = arith.mulf %gather3A_337, %get3A_1454 : vector<16xf32>
      %add3A_1456 = arith.addf %add3A_1452, %mul3A_1455 : vector<16xf32>
      %get3A_1457 = arith.constant 1136 : index
      %get3A_1458 = tpu.vector_load %arg14[%get3A_1457] {strides = array<i32>} : memref<4512xf32, #tpu.memory_space<vmem>>, vector<16xf32>,
      %mul3A_1459 = arith.mulf %gather3A_341, %get3A_1458 : vector<16xf32>
      %add3A_1460 = arith.addf %add3A_1456, %mul3A_1459 : vector<16xf32>
      %get3A_1461 = arith.constant 1264 : index
      %get3A_1462 = tpu.vector_load %arg14[%get3A_1461] {strides = array<i32>} : memref<4512xf32, #tpu.memory_space<vmem>>, vector<16xf32>,
      %mul3A_1463 = arith.mulf %gather3A_345, %get3A_1462 : vector<16xf32>
      %add3A_1464 = arith.addf %add3A_1460, %mul3A_1463 : vector<16xf32>
      %get3A_1465 = arith.constant 1392 : index
      %get3A_1466 = tpu.vector_load %arg14[%get3A_1465] {strides = array<i32>} : memref<4512xf32, #tpu.memory_space<vmem>>, vector<16xf32>,
      %mul3A_1467 = arith.mulf %gather3A_349, %get3A_1466 : vector<16xf32>
      %add3A_1468 = arith.addf %add3A_1464, %mul3A_1467 : vector<16xf32>
      %get3A_1469 = arith.constant 1520 : index
      %get3A_1470 = tpu.vector_load %arg14[%get3A_1469] {strides = array<i32>} : memref<4512xf32, #tpu.memory_space<vmem>>, vector<16xf32>,
      %mul3A_1471 = arith.mulf %gather3A_353, %get3A_1470 : vector<16xf32>
      %add3A_1472 = arith.addf %add3A_1468, %mul3A_1471 : vector<16xf32>
      %get3A_1473 = arith.constant 1648 : index
      %get3A_1474 = tpu.vector_load %arg14[%get3A_1473] {strides = array<i32>} : memref<4512xf32, #tpu.memory_space<vmem>>, vector<16xf32>,
      %mul3A_1475 = arith.mulf %gather3A_357, %get3A_1474 : vector<16xf32>
      %add3A_1476 = arith.addf %add3A_1472, %mul3A_1475 : vector<16xf32>
      %get3A_1477 = arith.constant 1776 : index
      %get3A_1478 = tpu.vector_load %arg14[%get3A_1477] {strides = array<i32>} : memref<4512xf32, #tpu.memory_space<vmem>>, vector<16xf32>,
      %mul3A_1479 = arith.mulf %gather3A_361, %get3A_1478 : vector<16xf32>
      %add3A_1480 = arith.addf %add3A_1476, %mul3A_1479 : vector<16xf32>
      %get3A_1481 = arith.constant 1904 : index
      %get3A_1482 = tpu.vector_load %arg14[%get3A_1481] {strides = array<i32>} : memref<4512xf32, #tpu.memory_space<vmem>>, vector<16xf32>,
      %mul3A_1483 = arith.mulf %gather3A_365, %get3A_1482 : vector<16xf32>
      %add3A_1484 = arith.addf %add3A_1480, %mul3A_1483 : vector<16xf32>
      %get3A_1485 = arith.constant 2032 : index
      %get3A_1486 = tpu.vector_load %arg14[%get3A_1485] {strides = array<i32>} : memref<4512xf32, #tpu.memory_space<vmem>>, vector<16xf32>,
      %mul3A_1487 = arith.mulf %gather3A_369, %get3A_1486 : vector<16xf32>
      %add3A_1488 = arith.addf %add3A_1484, %mul3A_1487 : vector<16xf32>
      %get3A_1489 = arith.constant 2160 : index
      %get3A_1490 = tpu.vector_load %arg14[%get3A_1489] {strides = array<i32>} : memref<4512xf32, #tpu.memory_space<vmem>>, vector<16xf32>,
      %mul3A_1491 = arith.mulf %gather3A_373, %get3A_1490 : vector<16xf32>
      %add3A_1492 = arith.addf %add3A_1488, %mul3A_1491 : vector<16xf32>
      %get3A_1493 = arith.constant 2288 : index
      %get3A_1494 = tpu.vector_load %arg14[%get3A_1493] {strides = array<i32>} : memref<4512xf32, #tpu.memory_space<vmem>>, vector<16xf32>,
      %mul3A_1495 = arith.mulf %gather3A_377, %get3A_1494 : vector<16xf32>
      %add3A_1496 = arith.addf %add3A_1492, %mul3A_1495 : vector<16xf32>
      %get3A_1497 = arith.constant 2416 : index
      %get3A_1498 = tpu.vector_load %arg14[%get3A_1497] {strides = array<i32>} : memref<4512xf32, #tpu.memory_space<vmem>>, vector<16xf32>,
      %mul3A_1499 = arith.mulf %gather3A_381, %get3A_1498 : vector<16xf32>
      %add3A_1500 = arith.addf %add3A_1496, %mul3A_1499 : vector<16xf32>
      %get3A_1501 = arith.constant 2544 : index
      %get3A_1502 = tpu.vector_load %arg14[%get3A_1501] {strides = array<i32>} : memref<4512xf32, #tpu.memory_space<vmem>>, vector<16xf32>,
      %mul3A_1503 = arith.mulf %gather3A_385, %get3A_1502 : vector<16xf32>
      %add3A_1504 = arith.addf %add3A_1500, %mul3A_1503 : vector<16xf32>
      %get3A_1505 = arith.constant 2672 : index
      %get3A_1506 = tpu.vector_load %arg14[%get3A_1505] {strides = array<i32>} : memref<4512xf32, #tpu.memory_space<vmem>>, vector<16xf32>,
      %mul3A_1507 = arith.mulf %gather3A_389, %get3A_1506 : vector<16xf32>
      %add3A_1508 = arith.addf %add3A_1504, %mul3A_1507 : vector<16xf32>
      %get3A_1509 = arith.constant 2800 : index
      %get3A_1510 = tpu.vector_load %arg14[%get3A_1509] {strides = array<i32>} : memref<4512xf32, #tpu.memory_space<vmem>>, vector<16xf32>,
      %mul3A_1511 = arith.mulf %gather3A_393, %get3A_1510 : vector<16xf32>
      %add3A_1512 = arith.addf %add3A_1508, %mul3A_1511 : vector<16xf32>
      %get3A_1513 = arith.constant 2928 : index
      %get3A_1514 = tpu.vector_load %arg14[%get3A_1513] {strides = array<i32>} : memref<4512xf32, #tpu.memory_space<vmem>>, vector<16xf32>,
      %mul3A_1515 = arith.mulf %gather3A_397, %get3A_1514 : vector<16xf32>
      %add3A_1516 = arith.addf %add3A_1512, %mul3A_1515 : vector<16xf32>
      %get3A_1517 = arith.constant 3056 : index
      %get3A_1518 = tpu.vector_load %arg14[%get3A_1517] {strides = array<i32>} : memref<4512xf32, #tpu.memory_space<vmem>>, vector<16xf32>,
      %mul3A_1519 = arith.mulf %gather3A_401, %get3A_1518 : vector<16xf32>
      %add3A_1520 = arith.addf %add3A_1516, %mul3A_1519 : vector<16xf32>
      %get3A_1521 = arith.constant 3184 : index
      %get3A_1522 = tpu.vector_load %arg14[%get3A_1521] {strides = array<i32>} : memref<4512xf32, #tpu.memory_space<vmem>>, vector<16xf32>,
      %mul3A_1523 = arith.mulf %gather3A_405, %get3A_1522 : vector<16xf32>
      %add3A_1524 = arith.addf %add3A_1520, %mul3A_1523 : vector<16xf32>
      %get3A_1525 = arith.constant 3312 : index
      %get3A_1526 = tpu.vector_load %arg14[%get3A_1525] {strides = array<i32>} : memref<4512xf32, #tpu.memory_space<vmem>>, vector<16xf32>,
      %mul3A_1527 = arith.mulf %gather3A_409, %get3A_1526 : vector<16xf32>
      %add3A_1528 = arith.addf %add3A_1524, %mul3A_1527 : vector<16xf32>
      %get3A_1529 = arith.constant 3440 : index
      %get3A_1530 = tpu.vector_load %arg14[%get3A_1529] {strides = array<i32>} : memref<4512xf32, #tpu.memory_space<vmem>>, vector<16xf32>,
      %mul3A_1531 = arith.mulf %gather3A_413, %get3A_1530 : vector<16xf32>
      %add3A_1532 = arith.addf %add3A_1528, %mul3A_1531 : vector<16xf32>
      %get3A_1533 = arith.constant 3568 : index
      %get3A_1534 = tpu.vector_load %arg14[%get3A_1533] {strides = array<i32>} : memref<4512xf32, #tpu.memory_space<vmem>>, vector<16xf32>,
      %mul3A_1535 = arith.mulf %gather3A_417, %get3A_1534 : vector<16xf32>
      %add3A_1536 = arith.addf %add3A_1532, %mul3A_1535 : vector<16xf32>
      %get3A_1537 = arith.constant 3696 : index
      %get3A_1538 = tpu.vector_load %arg14[%get3A_1537] {strides = array<i32>} : memref<4512xf32, #tpu.memory_space<vmem>>, vector<16xf32>,
      %mul3A_1539 = arith.mulf %gather3A_421, %get3A_1538 : vector<16xf32>
      %add3A_1540 = arith.addf %add3A_1536, %mul3A_1539 : vector<16xf32>
      %get3A_1541 = arith.constant 3824 : index
      %get3A_1542 = tpu.vector_load %arg14[%get3A_1541] {strides = array<i32>} : memref<4512xf32, #tpu.memory_space<vmem>>, vector<16xf32>,
      %mul3A_1543 = arith.mulf %gather3A_425, %get3A_1542 : vector<16xf32>
      %add3A_1544 = arith.addf %add3A_1540, %mul3A_1543 : vector<16xf32>
      %get3A_1545 = arith.constant 3952 : index
      %get3A_1546 = tpu.vector_load %arg14[%get3A_1545] {strides = array<i32>} : memref<4512xf32, #tpu.memory_space<vmem>>, vector<16xf32>,
      %mul3A_1547 = arith.mulf %gather3A_429, %get3A_1546 : vector<16xf32>
      %add3A_1548 = arith.addf %add3A_1544, %mul3A_1547 : vector<16xf32>
      %get3A_1549 = arith.constant 4080 : index
      %get3A_1550 = tpu.vector_load %arg14[%get3A_1549] {strides = array<i32>} : memref<4512xf32, #tpu.memory_space<vmem>>, vector<16xf32>,
      %mul3A_1551 = arith.mulf %gather3A_433, %get3A_1550 : vector<16xf32>
      %add3A_1552 = arith.addf %add3A_1548, %mul3A_1551 : vector<16xf32>
      %max3A_1553 = arith.constant 0.000000e+00 : f32
      %max3A_1554 = vector.broadcast %max3A_1553 : f32 to vector<16xf32>
      %max3A_1555 = arith.maximumf %add3A_1552, %max3A_1554 : vector<16xf32>
      %get3A_1556 = arith.constant 4448 : index
      %get3A_1557 = tpu.vector_load %arg14[%get3A_1556] {strides = array<i32>} : memref<4512xf32, #tpu.memory_space<vmem>>, vector<16xf32>,
      %mul3A_1558 = arith.mulf %max3A_1555, %get3A_1557 : vector<16xf32>
      %add3A_1559 = arith.addf %add3A_1418, %mul3A_1558 : vector<16xf32>
      %get3A_1560 = arith.constant 4464 : index
      %get3A_1561 = tpu.vector_load %arg14[%get3A_1560] {strides = array<i32>} : memref<4512xf32, #tpu.memory_space<vmem>>, vector<16xf32>,
      %mul3A_1562 = arith.mulf %max3A_1555, %get3A_1561 : vector<16xf32>
      %add3A_1563 = arith.addf %add3A_1422, %mul3A_1562 : vector<16xf32>
      %mul3A_1564 = arith.constant 32 : i32
      %mul3A_1565 = arith.muli %scan3A_301, %mul3A_1564 : i32
      %add3A_1566 = vector.broadcast %mul3A_1565 : i32 to vector<16xi32>
      %add3A_1567 = arith.addi %add3A_1566, %mul3A_110 : vector<16xi32>
      %max3A_1568 = arith.constant 0.000000e+00 : f32
      %max3A_1569 = vector.broadcast %max3A_1568 : f32 to vector<16xf32>
      %max3A_1570 = arith.maximumf %add3A_1559, %max3A_1569 : vector<16xf32>
      tpu.vector_store_idx %arg15[%add3A_1567], %max3A_1570 : memref<256xf32, #tpu.memory_space<vmem>>[vector<16xi32>], vector<16xf32>,
      %add3A_1571 = arith.constant 1 : i32
      %add3A_1572 = vector.broadcast %add3A_1571 : i32 to vector<16xi32>
      %add3A_1573 = arith.addi %add3A_1567, %add3A_1572 : vector<16xi32>
      %max3A_1574 = arith.constant 0.000000e+00 : f32
      %max3A_1575 = vector.broadcast %max3A_1574 : f32 to vector<16xf32>
      %max3A_1576 = arith.maximumf %add3A_1563, %max3A_1575 : vector<16xf32>
      tpu.vector_store_idx %arg15[%add3A_1573], %max3A_1576 : memref<256xf32, #tpu.memory_space<vmem>>[vector<16xi32>], vector<16xf32>,
      %scan3A_1577 = arith.constant 0 : i32
      scf.yield %scan3A_1577 : i32
    }
    %scan3A_119 = arith.constant 8 : i32
    %mul3A_120 = arith.constant 128 : i32
    %mul3A_121 = arith.muli %arg1, %mul3A_120 : i32
    %mul3A_122 = arith.constant 2 : i32
    %mul3A_123 = arith.muli %mul3A_121, %mul3A_122 : i32
    "tpu.region"() ({
      %run_scoped3A = tpu.sem_alloc : memref<!tpu.dma_semaphore, #tpu.memory_space<semaphore_mem>>
      %dma_start3A_301 = tpu.memref_slice %arg19[%mul3A_123] : memref<4096xf32, #tpu.memory_space<vmem_shared>> -> memref<256xf32, #tpu.memory_space<vmem_shared>>
      %dma_start3A_302 = tpu.memref_slice %arg19[%mul3A_123] : memref<4096xf32, #tpu.memory_space<vmem_shared>> -> memref<256xf32, #tpu.memory_space<vmem_shared>>
      tpu.enqueue_dma source(%arg15 : memref<256xf32, #tpu.memory_space<vmem>>) target(%dma_start3A_302 : memref<256xf32, #tpu.memory_space<vmem_shared>>) target_semaphore(%run_scoped3A : memref<!tpu.dma_semaphore, #tpu.memory_space<semaphore_mem>>)
      %dma_wait3A_303 = tpu.memref_slice %arg19[%mul3A_123] : memref<4096xf32, #tpu.memory_space<vmem_shared>> -> memref<256xf32, #tpu.memory_space<vmem_shared>>
      %dma_wait3A_304 = tpu.memref_slice %arg19[%mul3A_123] : memref<4096xf32, #tpu.memory_space<vmem_shared>> -> memref<256xf32, #tpu.memory_space<vmem_shared>>
      tpu.wait_dma2 semaphore(%run_scoped3A : memref<!tpu.dma_semaphore, #tpu.memory_space<semaphore_mem>>) src(%arg15 : memref<256xf32, #tpu.memory_space<vmem>>) dst(%dma_wait3A_304 : memref<256xf32, #tpu.memory_space<vmem_shared>>)
      tpu.yield
    }) : () -> ()
    %barrier3A = arith.constant 0 : index
    tpu.barrier barrier_id(%barrier3A)
    "tpu.region"() ({
      %run_scoped3A = tpu.sem_alloc : memref<!tpu.dma_semaphore, #tpu.memory_space<semaphore_mem>>
      tpu.enqueue_dma source(%arg19 : memref<4096xf32, #tpu.memory_space<vmem_shared>>) target(%arg16 : memref<4096xf32, #tpu.memory_space<vmem>>) target_semaphore(%run_scoped3A : memref<!tpu.dma_semaphore, #tpu.memory_space<semaphore_mem>>)
      tpu.wait_dma2 semaphore(%run_scoped3A : memref<!tpu.dma_semaphore, #tpu.memory_space<semaphore_mem>>) src(%arg19 : memref<4096xf32, #tpu.memory_space<vmem_shared>>) dst(%arg16 : memref<4096xf32, #tpu.memory_space<vmem>>)
      tpu.yield
    }) : () -> ()
    %dma_wait3A = arith.constant 0 : i32
    %dma_wait3A_124 = arith.constant 0 : i32
    %dma_wait3A_125 = tpu.memref_slice %arg17[%dma_wait3A, %dma_wait3A_124] : memref<8x512xi32, #tpu.memory_space<vmem>> -> memref<1x512xi32, #tpu.memory_space<vmem>>
    %dma_wait3A_126 = tpu.memref_squeeze %dma_wait3A_125 : memref<1x512xi32, #tpu.memory_space<vmem>> -> memref<512xi32, #tpu.memory_space<vmem>>
    %dma_wait3A_127 = tpu.memref_slice %arg4[%mul3A_2] : memref<16384xi32, #tpu.memory_space<hbm>> -> memref<512xi32, #tpu.memory_space<hbm>>
    %dma_wait3A_128 = arith.constant 0 : i32
    %dma_wait3A_129 = tpu.memref_slice %arg17[%dma_wait3A, %dma_wait3A_128] : memref<8x512xi32, #tpu.memory_space<vmem>> -> memref<1x512xi32, #tpu.memory_space<vmem>>
    %dma_wait3A_130 = tpu.memref_squeeze %dma_wait3A_129 : memref<1x512xi32, #tpu.memory_space<vmem>> -> memref<512xi32, #tpu.memory_space<vmem>>
    %dma_wait3A_131 = tpu.memref_slice %arg4[%mul3A_2] : memref<16384xi32, #tpu.memory_space<hbm>> -> memref<512xi32, #tpu.memory_space<hbm>>
    tpu.wait_dma2 semaphore(%arg20 : memref<!tpu.dma_semaphore, #tpu.memory_space<semaphore_mem>>) src(%dma_wait3A_131 : memref<512xi32, #tpu.memory_space<hbm>>) dst(%dma_wait3A_130 : memref<512xi32, #tpu.memory_space<vmem>>)
    %dma_wait3A_132 = arith.constant 1 : i32
    %dma_wait3A_133 = arith.constant 0 : i32
    %dma_wait3A_134 = tpu.memref_slice %arg17[%dma_wait3A_132, %dma_wait3A_133] : memref<8x512xi32, #tpu.memory_space<vmem>> -> memref<1x512xi32, #tpu.memory_space<vmem>>
    %dma_wait3A_135 = tpu.memref_squeeze %dma_wait3A_134 : memref<1x512xi32, #tpu.memory_space<vmem>> -> memref<512xi32, #tpu.memory_space<vmem>>
    %dma_wait3A_136 = tpu.memref_slice %arg5[%mul3A_2] : memref<16384xi32, #tpu.memory_space<hbm>> -> memref<512xi32, #tpu.memory_space<hbm>>
    %dma_wait3A_137 = arith.constant 0 : i32
    %dma_wait3A_138 = tpu.memref_slice %arg17[%dma_wait3A_132, %dma_wait3A_137] : memref<8x512xi32, #tpu.memory_space<vmem>> -> memref<1x512xi32, #tpu.memory_space<vmem>>
    %dma_wait3A_139 = tpu.memref_squeeze %dma_wait3A_138 : memref<1x512xi32, #tpu.memory_space<vmem>> -> memref<512xi32, #tpu.memory_space<vmem>>
    %dma_wait3A_140 = tpu.memref_slice %arg5[%mul3A_2] : memref<16384xi32, #tpu.memory_space<hbm>> -> memref<512xi32, #tpu.memory_space<hbm>>
    tpu.wait_dma2 semaphore(%arg20 : memref<!tpu.dma_semaphore, #tpu.memory_space<semaphore_mem>>) src(%dma_wait3A_140 : memref<512xi32, #tpu.memory_space<hbm>>) dst(%dma_wait3A_139 : memref<512xi32, #tpu.memory_space<vmem>>)
    %dma_wait3A_141 = arith.constant 2 : i32
    %dma_wait3A_142 = arith.constant 0 : i32
    %dma_wait3A_143 = tpu.memref_slice %arg17[%dma_wait3A_141, %dma_wait3A_142] : memref<8x512xi32, #tpu.memory_space<vmem>> -> memref<1x512xi32, #tpu.memory_space<vmem>>
    %dma_wait3A_144 = tpu.memref_squeeze %dma_wait3A_143 : memref<1x512xi32, #tpu.memory_space<vmem>> -> memref<512xi32, #tpu.memory_space<vmem>>
    %dma_wait3A_145 = tpu.memref_slice %arg6[%mul3A_2] : memref<16384xi32, #tpu.memory_space<hbm>> -> memref<512xi32, #tpu.memory_space<hbm>>
    %dma_wait3A_146 = arith.constant 0 : i32
    %dma_wait3A_147 = tpu.memref_slice %arg17[%dma_wait3A_141, %dma_wait3A_146] : memref<8x512xi32, #tpu.memory_space<vmem>> -> memref<1x512xi32, #tpu.memory_space<vmem>>
    %dma_wait3A_148 = tpu.memref_squeeze %dma_wait3A_147 : memref<1x512xi32, #tpu.memory_space<vmem>> -> memref<512xi32, #tpu.memory_space<vmem>>
    %dma_wait3A_149 = tpu.memref_slice %arg6[%mul3A_2] : memref<16384xi32, #tpu.memory_space<hbm>> -> memref<512xi32, #tpu.memory_space<hbm>>
    tpu.wait_dma2 semaphore(%arg20 : memref<!tpu.dma_semaphore, #tpu.memory_space<semaphore_mem>>) src(%dma_wait3A_149 : memref<512xi32, #tpu.memory_space<hbm>>) dst(%dma_wait3A_148 : memref<512xi32, #tpu.memory_space<vmem>>)
    %dma_wait3A_150 = arith.constant 3 : i32
    %dma_wait3A_151 = arith.constant 0 : i32
    %dma_wait3A_152 = tpu.memref_slice %arg17[%dma_wait3A_150, %dma_wait3A_151] : memref<8x512xi32, #tpu.memory_space<vmem>> -> memref<1x512xi32, #tpu.memory_space<vmem>>
    %dma_wait3A_153 = tpu.memref_squeeze %dma_wait3A_152 : memref<1x512xi32, #tpu.memory_space<vmem>> -> memref<512xi32, #tpu.memory_space<vmem>>
    %dma_wait3A_154 = tpu.memref_slice %arg7[%mul3A_2] : memref<16384xi32, #tpu.memory_space<hbm>> -> memref<512xi32, #tpu.memory_space<hbm>>
    %dma_wait3A_155 = arith.constant 0 : i32
    %dma_wait3A_156 = tpu.memref_slice %arg17[%dma_wait3A_150, %dma_wait3A_155] : memref<8x512xi32, #tpu.memory_space<vmem>> -> memref<1x512xi32, #tpu.memory_space<vmem>>
    %dma_wait3A_157 = tpu.memref_squeeze %dma_wait3A_156 : memref<1x512xi32, #tpu.memory_space<vmem>> -> memref<512xi32, #tpu.memory_space<vmem>>
    %dma_wait3A_158 = tpu.memref_slice %arg7[%mul3A_2] : memref<16384xi32, #tpu.memory_space<hbm>> -> memref<512xi32, #tpu.memory_space<hbm>>
    tpu.wait_dma2 semaphore(%arg20 : memref<!tpu.dma_semaphore, #tpu.memory_space<semaphore_mem>>) src(%dma_wait3A_158 : memref<512xi32, #tpu.memory_space<hbm>>) dst(%dma_wait3A_157 : memref<512xi32, #tpu.memory_space<vmem>>)
    %dma_wait3A_159 = arith.constant 4 : i32
    %dma_wait3A_160 = arith.constant 0 : i32
    %dma_wait3A_161 = tpu.memref_slice %arg17[%dma_wait3A_159, %dma_wait3A_160] : memref<8x512xi32, #tpu.memory_space<vmem>> -> memref<1x512xi32, #tpu.memory_space<vmem>>
    %dma_wait3A_162 = tpu.memref_squeeze %dma_wait3A_161 : memref<1x512xi32, #tpu.memory_space<vmem>> -> memref<512xi32, #tpu.memory_space<vmem>>
    %dma_wait3A_163 = tpu.memref_slice %arg8[%mul3A_2] : memref<16384xi32, #tpu.memory_space<hbm>> -> memref<512xi32, #tpu.memory_space<hbm>>
    %dma_wait3A_164 = arith.constant 0 : i32
    %dma_wait3A_165 = tpu.memref_slice %arg17[%dma_wait3A_159, %dma_wait3A_164] : memref<8x512xi32, #tpu.memory_space<vmem>> -> memref<1x512xi32, #tpu.memory_space<vmem>>
    %dma_wait3A_166 = tpu.memref_squeeze %dma_wait3A_165 : memref<1x512xi32, #tpu.memory_space<vmem>> -> memref<512xi32, #tpu.memory_space<vmem>>
    %dma_wait3A_167 = tpu.memref_slice %arg8[%mul3A_2] : memref<16384xi32, #tpu.memory_space<hbm>> -> memref<512xi32, #tpu.memory_space<hbm>>
    tpu.wait_dma2 semaphore(%arg20 : memref<!tpu.dma_semaphore, #tpu.memory_space<semaphore_mem>>) src(%dma_wait3A_167 : memref<512xi32, #tpu.memory_space<hbm>>) dst(%dma_wait3A_166 : memref<512xi32, #tpu.memory_space<vmem>>)
    %dma_wait3A_168 = arith.constant 5 : i32
    %dma_wait3A_169 = arith.constant 0 : i32
    %dma_wait3A_170 = tpu.memref_slice %arg17[%dma_wait3A_168, %dma_wait3A_169] : memref<8x512xi32, #tpu.memory_space<vmem>> -> memref<1x512xi32, #tpu.memory_space<vmem>>
    %dma_wait3A_171 = tpu.memref_squeeze %dma_wait3A_170 : memref<1x512xi32, #tpu.memory_space<vmem>> -> memref<512xi32, #tpu.memory_space<vmem>>
    %dma_wait3A_172 = tpu.memref_slice %arg9[%mul3A_2] : memref<16384xi32, #tpu.memory_space<hbm>> -> memref<512xi32, #tpu.memory_space<hbm>>
    %dma_wait3A_173 = arith.constant 0 : i32
    %dma_wait3A_174 = tpu.memref_slice %arg17[%dma_wait3A_168, %dma_wait3A_173] : memref<8x512xi32, #tpu.memory_space<vmem>> -> memref<1x512xi32, #tpu.memory_space<vmem>>
    %dma_wait3A_175 = tpu.memref_squeeze %dma_wait3A_174 : memref<1x512xi32, #tpu.memory_space<vmem>> -> memref<512xi32, #tpu.memory_space<vmem>>
    %dma_wait3A_176 = tpu.memref_slice %arg9[%mul3A_2] : memref<16384xi32, #tpu.memory_space<hbm>> -> memref<512xi32, #tpu.memory_space<hbm>>
    tpu.wait_dma2 semaphore(%arg20 : memref<!tpu.dma_semaphore, #tpu.memory_space<semaphore_mem>>) src(%dma_wait3A_176 : memref<512xi32, #tpu.memory_space<hbm>>) dst(%dma_wait3A_175 : memref<512xi32, #tpu.memory_space<vmem>>)
    %dma_wait3A_177 = arith.constant 6 : i32
    %dma_wait3A_178 = arith.constant 0 : i32
    %dma_wait3A_179 = tpu.memref_slice %arg17[%dma_wait3A_177, %dma_wait3A_178] : memref<8x512xi32, #tpu.memory_space<vmem>> -> memref<1x512xi32, #tpu.memory_space<vmem>>
    %dma_wait3A_180 = tpu.memref_squeeze %dma_wait3A_179 : memref<1x512xi32, #tpu.memory_space<vmem>> -> memref<512xi32, #tpu.memory_space<vmem>>
    %dma_wait3A_181 = tpu.memref_slice %arg10[%mul3A_2] : memref<16384xi32, #tpu.memory_space<hbm>> -> memref<512xi32, #tpu.memory_space<hbm>>
    %dma_wait3A_182 = arith.constant 0 : i32
    %dma_wait3A_183 = tpu.memref_slice %arg17[%dma_wait3A_177, %dma_wait3A_182] : memref<8x512xi32, #tpu.memory_space<vmem>> -> memref<1x512xi32, #tpu.memory_space<vmem>>
    %dma_wait3A_184 = tpu.memref_squeeze %dma_wait3A_183 : memref<1x512xi32, #tpu.memory_space<vmem>> -> memref<512xi32, #tpu.memory_space<vmem>>
    %dma_wait3A_185 = tpu.memref_slice %arg10[%mul3A_2] : memref<16384xi32, #tpu.memory_space<hbm>> -> memref<512xi32, #tpu.memory_space<hbm>>
    tpu.wait_dma2 semaphore(%arg20 : memref<!tpu.dma_semaphore, #tpu.memory_space<semaphore_mem>>) src(%dma_wait3A_185 : memref<512xi32, #tpu.memory_space<hbm>>) dst(%dma_wait3A_184 : memref<512xi32, #tpu.memory_space<vmem>>)
    %dma_wait3A_186 = arith.constant 7 : i32
    %dma_wait3A_187 = arith.constant 0 : i32
    %dma_wait3A_188 = tpu.memref_slice %arg17[%dma_wait3A_186, %dma_wait3A_187] : memref<8x512xi32, #tpu.memory_space<vmem>> -> memref<1x512xi32, #tpu.memory_space<vmem>>
    %dma_wait3A_189 = tpu.memref_squeeze %dma_wait3A_188 : memref<1x512xi32, #tpu.memory_space<vmem>> -> memref<512xi32, #tpu.memory_space<vmem>>
    %dma_wait3A_190 = tpu.memref_slice %arg11[%mul3A_2] : memref<16384xi32, #tpu.memory_space<hbm>> -> memref<512xi32, #tpu.memory_space<hbm>>
    %dma_wait3A_191 = arith.constant 0 : i32
    %dma_wait3A_192 = tpu.memref_slice %arg17[%dma_wait3A_186, %dma_wait3A_191] : memref<8x512xi32, #tpu.memory_space<vmem>> -> memref<1x512xi32, #tpu.memory_space<vmem>>
    %dma_wait3A_193 = tpu.memref_squeeze %dma_wait3A_192 : memref<1x512xi32, #tpu.memory_space<vmem>> -> memref<512xi32, #tpu.memory_space<vmem>>
    %dma_wait3A_194 = tpu.memref_slice %arg11[%mul3A_2] : memref<16384xi32, #tpu.memory_space<hbm>> -> memref<512xi32, #tpu.memory_space<hbm>>
    tpu.wait_dma2 semaphore(%arg20 : memref<!tpu.dma_semaphore, #tpu.memory_space<semaphore_mem>>) src(%dma_wait3A_194 : memref<512xi32, #tpu.memory_space<hbm>>) dst(%dma_wait3A_193 : memref<512xi32, #tpu.memory_space<vmem>>)
    %mul3A_195 = arith.constant 16 : i32
    %mul3A_196 = vector.broadcast %mul3A_195 : i32 to vector<16xi32>
    %mul3A_197 = arith.muli %iota3A, %mul3A_196 : vector<16xi32>
    %add3A_198 = arith.constant 0 : i32
    %add3A_199 = vector.broadcast %add3A_198 : i32 to vector<16xi32>
    %add3A_200 = arith.addi %mul3A_197, %add3A_199 : vector<16xi32>
    %scan3A_201 = arith.constant 0 : i32
    %scan3A_202 = arith.constant 0 : i32
    %scan3A_203 = arith.constant 32 : i32
    %scan3A_204 = arith.addi %scan3A_202, %scan3A_203 : i32
    %scan3A_205 = arith.constant 4 : i32
    %scan3A_206 = scf.for %scan3A_301 = %scan3A_202 to %scan3A_204 step %scan3A_205 iter_args(%scan3A_302 = %scan3A_201) -> (i32)  : i32 {
      %mul3A_303 = arith.constant 16 : i32
      %mul3A_304 = arith.muli %scan3A_301, %mul3A_303 : i32
      %get3A = arith.constant 0 : i32
      %get3A_305 = arith.index_cast %get3A : i32 to index
      %get3A_306 = arith.index_cast %mul3A_304 : i32 to index
      %get3A_307 = tpu.vector_load %arg17[%get3A_305, %get3A_306] {strides = array<i32>} : memref<8x512xi32, #tpu.memory_space<vmem>>, vector<16xi32>,
      %add3A_308 = arith.constant 0 : i32
      %add3A_309 = vector.broadcast %add3A_308 : i32 to vector<16xi32>
      %add3A_310 = arith.addi %get3A_307, %add3A_309 : vector<16xi32>
      %mul3A_311 = arith.constant 2 : i32
      %mul3A_312 = vector.broadcast %mul3A_311 : i32 to vector<16xi32>
      %mul3A_313 = arith.muli %add3A_310, %mul3A_312 : vector<16xi32>
      %gather3A = tpu.vector_load_idx %arg16[%mul3A_313] : memref<4096xf32, #tpu.memory_space<vmem>>[vector<16xi32>], vector<16xf32>,
      %add3A_314 = arith.constant 1 : i32
      %add3A_315 = vector.broadcast %add3A_314 : i32 to vector<16xi32>
      %add3A_316 = arith.addi %mul3A_313, %add3A_315 : vector<16xi32>
      %gather3A_317 = tpu.vector_load_idx %arg16[%add3A_316] : memref<4096xf32, #tpu.memory_space<vmem>>[vector<16xi32>], vector<16xf32>,
      %mul3A_318 = arith.constant 256 : i32
      %mul3A_319 = arith.muli %scan3A_301, %mul3A_318 : i32
      %add3A_320 = vector.broadcast %mul3A_319 : i32 to vector<16xi32>
      %add3A_321 = arith.addi %add3A_200, %add3A_320 : vector<16xi32>
      tpu.vector_store_idx %arg18[%add3A_321], %gather3A : memref<8192xf32, #tpu.memory_space<vmem>>[vector<16xi32>], vector<16xf32>,
      %add3A_322 = arith.constant 1 : i32
      %add3A_323 = vector.broadcast %add3A_322 : i32 to vector<16xi32>
      %add3A_324 = arith.addi %add3A_321, %add3A_323 : vector<16xi32>
      tpu.vector_store_idx %arg18[%add3A_324], %gather3A_317 : memref<8192xf32, #tpu.memory_space<vmem>>[vector<16xi32>], vector<16xf32>,
      %scan3A_325 = arith.constant 0 : i32
      %scan3A_326 = arith.constant 1 : i32
      %scan3A_327 = arith.addi %scan3A_301, %scan3A_326 : i32
      %mul3A_328 = arith.constant 16 : i32
      %mul3A_329 = arith.muli %scan3A_327, %mul3A_328 : i32
      %get3A_330 = arith.constant 0 : i32
      %get3A_331 = arith.index_cast %get3A_330 : i32 to index
      %get3A_332 = arith.index_cast %mul3A_329 : i32 to index
      %get3A_333 = tpu.vector_load %arg17[%get3A_331, %get3A_332] {strides = array<i32>} : memref<8x512xi32, #tpu.memory_space<vmem>>, vector<16xi32>,
      %add3A_334 = arith.constant 0 : i32
      %add3A_335 = vector.broadcast %add3A_334 : i32 to vector<16xi32>
      %add3A_336 = arith.addi %get3A_333, %add3A_335 : vector<16xi32>
      %mul3A_337 = arith.constant 2 : i32
      %mul3A_338 = vector.broadcast %mul3A_337 : i32 to vector<16xi32>
      %mul3A_339 = arith.muli %add3A_336, %mul3A_338 : vector<16xi32>
      %gather3A_340 = tpu.vector_load_idx %arg16[%mul3A_339] : memref<4096xf32, #tpu.memory_space<vmem>>[vector<16xi32>], vector<16xf32>,
      %add3A_341 = arith.constant 1 : i32
      %add3A_342 = vector.broadcast %add3A_341 : i32 to vector<16xi32>
      %add3A_343 = arith.addi %mul3A_339, %add3A_342 : vector<16xi32>
      %gather3A_344 = tpu.vector_load_idx %arg16[%add3A_343] : memref<4096xf32, #tpu.memory_space<vmem>>[vector<16xi32>], vector<16xf32>,
      %mul3A_345 = arith.constant 256 : i32
      %mul3A_346 = arith.muli %scan3A_327, %mul3A_345 : i32
      %add3A_347 = vector.broadcast %mul3A_346 : i32 to vector<16xi32>
      %add3A_348 = arith.addi %add3A_200, %add3A_347 : vector<16xi32>
      tpu.vector_store_idx %arg18[%add3A_348], %gather3A_340 : memref<8192xf32, #tpu.memory_space<vmem>>[vector<16xi32>], vector<16xf32>,
      %add3A_349 = arith.constant 1 : i32
      %add3A_350 = vector.broadcast %add3A_349 : i32 to vector<16xi32>
      %add3A_351 = arith.addi %add3A_348, %add3A_350 : vector<16xi32>
      tpu.vector_store_idx %arg18[%add3A_351], %gather3A_344 : memref<8192xf32, #tpu.memory_space<vmem>>[vector<16xi32>], vector<16xf32>,
      %scan3A_352 = arith.constant 0 : i32
      %scan3A_353 = arith.constant 2 : i32
      %scan3A_354 = arith.addi %scan3A_301, %scan3A_353 : i32
      %mul3A_355 = arith.constant 16 : i32
      %mul3A_356 = arith.muli %scan3A_354, %mul3A_355 : i32
      %get3A_357 = arith.constant 0 : i32
      %get3A_358 = arith.index_cast %get3A_357 : i32 to index
      %get3A_359 = arith.index_cast %mul3A_356 : i32 to index
      %get3A_360 = tpu.vector_load %arg17[%get3A_358, %get3A_359] {strides = array<i32>} : memref<8x512xi32, #tpu.memory_space<vmem>>, vector<16xi32>,
      %add3A_361 = arith.constant 0 : i32
      %add3A_362 = vector.broadcast %add3A_361 : i32 to vector<16xi32>
      %add3A_363 = arith.addi %get3A_360, %add3A_362 : vector<16xi32>
      %mul3A_364 = arith.constant 2 : i32
      %mul3A_365 = vector.broadcast %mul3A_364 : i32 to vector<16xi32>
      %mul3A_366 = arith.muli %add3A_363, %mul3A_365 : vector<16xi32>
      %gather3A_367 = tpu.vector_load_idx %arg16[%mul3A_366] : memref<4096xf32, #tpu.memory_space<vmem>>[vector<16xi32>], vector<16xf32>,
      %add3A_368 = arith.constant 1 : i32
      %add3A_369 = vector.broadcast %add3A_368 : i32 to vector<16xi32>
      %add3A_370 = arith.addi %mul3A_366, %add3A_369 : vector<16xi32>
      %gather3A_371 = tpu.vector_load_idx %arg16[%add3A_370] : memref<4096xf32, #tpu.memory_space<vmem>>[vector<16xi32>], vector<16xf32>,
      %mul3A_372 = arith.constant 256 : i32
      %mul3A_373 = arith.muli %scan3A_354, %mul3A_372 : i32
      %add3A_374 = vector.broadcast %mul3A_373 : i32 to vector<16xi32>
      %add3A_375 = arith.addi %add3A_200, %add3A_374 : vector<16xi32>
      tpu.vector_store_idx %arg18[%add3A_375], %gather3A_367 : memref<8192xf32, #tpu.memory_space<vmem>>[vector<16xi32>], vector<16xf32>,
      %add3A_376 = arith.constant 1 : i32
      %add3A_377 = vector.broadcast %add3A_376 : i32 to vector<16xi32>
      %add3A_378 = arith.addi %add3A_375, %add3A_377 : vector<16xi32>
      tpu.vector_store_idx %arg18[%add3A_378], %gather3A_371 : memref<8192xf32, #tpu.memory_space<vmem>>[vector<16xi32>], vector<16xf32>,
      %scan3A_379 = arith.constant 0 : i32
      %scan3A_380 = arith.constant 3 : i32
      %scan3A_381 = arith.addi %scan3A_301, %scan3A_380 : i32
      %mul3A_382 = arith.constant 16 : i32
      %mul3A_383 = arith.muli %scan3A_381, %mul3A_382 : i32
      %get3A_384 = arith.constant 0 : i32
      %get3A_385 = arith.index_cast %get3A_384 : i32 to index
      %get3A_386 = arith.index_cast %mul3A_383 : i32 to index
      %get3A_387 = tpu.vector_load %arg17[%get3A_385, %get3A_386] {strides = array<i32>} : memref<8x512xi32, #tpu.memory_space<vmem>>, vector<16xi32>,
      %add3A_388 = arith.constant 0 : i32
      %add3A_389 = vector.broadcast %add3A_388 : i32 to vector<16xi32>
      %add3A_390 = arith.addi %get3A_387, %add3A_389 : vector<16xi32>
      %mul3A_391 = arith.constant 2 : i32
      %mul3A_392 = vector.broadcast %mul3A_391 : i32 to vector<16xi32>
      %mul3A_393 = arith.muli %add3A_390, %mul3A_392 : vector<16xi32>
      %gather3A_394 = tpu.vector_load_idx %arg16[%mul3A_393] : memref<4096xf32, #tpu.memory_space<vmem>>[vector<16xi32>], vector<16xf32>,
      %add3A_395 = arith.constant 1 : i32
      %add3A_396 = vector.broadcast %add3A_395 : i32 to vector<16xi32>
      %add3A_397 = arith.addi %mul3A_393, %add3A_396 : vector<16xi32>
      %gather3A_398 = tpu.vector_load_idx %arg16[%add3A_397] : memref<4096xf32, #tpu.memory_space<vmem>>[vector<16xi32>], vector<16xf32>,
      %mul3A_399 = arith.constant 256 : i32
      %mul3A_400 = arith.muli %scan3A_381, %mul3A_399 : i32
      %add3A_401 = vector.broadcast %mul3A_400 : i32 to vector<16xi32>
      %add3A_402 = arith.addi %add3A_200, %add3A_401 : vector<16xi32>
      tpu.vector_store_idx %arg18[%add3A_402], %gather3A_394 : memref<8192xf32, #tpu.memory_space<vmem>>[vector<16xi32>], vector<16xf32>,
      %add3A_403 = arith.constant 1 : i32
      %add3A_404 = vector.broadcast %add3A_403 : i32 to vector<16xi32>
      %add3A_405 = arith.addi %add3A_402, %add3A_404 : vector<16xi32>
      tpu.vector_store_idx %arg18[%add3A_405], %gather3A_398 : memref<8192xf32, #tpu.memory_space<vmem>>[vector<16xi32>], vector<16xf32>,
      %scan3A_406 = arith.constant 0 : i32
      scf.yield %scan3A_406 : i32
    }
    %scan3A_207 = arith.constant 32 : i32
    %mul3A_208 = arith.constant 16 : i32
    %mul3A_209 = vector.broadcast %mul3A_208 : i32 to vector<16xi32>
    %mul3A_210 = arith.muli %iota3A, %mul3A_209 : vector<16xi32>
    %add3A_211 = arith.constant 2 : i32
    %add3A_212 = vector.broadcast %add3A_211 : i32 to vector<16xi32>
    %add3A_213 = arith.addi %mul3A_210, %add3A_212 : vector<16xi32>
    %scan3A_214 = arith.constant 0 : i32
    %scan3A_215 = arith.constant 0 : i32
    %scan3A_216 = arith.constant 32 : i32
    %scan3A_217 = arith.addi %scan3A_215, %scan3A_216 : i32
    %scan3A_218 = arith.constant 4 : i32
    %scan3A_219 = scf.for %scan3A_301 = %scan3A_215 to %scan3A_217 step %scan3A_218 iter_args(%scan3A_302 = %scan3A_214) -> (i32)  : i32 {
      %mul3A_303 = arith.constant 16 : i32
      %mul3A_304 = arith.muli %scan3A_301, %mul3A_303 : i32
      %get3A = arith.constant 1 : i32
      %get3A_305 = arith.index_cast %get3A : i32 to index
      %get3A_306 = arith.index_cast %mul3A_304 : i32 to index
      %get3A_307 = tpu.vector_load %arg17[%get3A_305, %get3A_306] {strides = array<i32>} : memref<8x512xi32, #tpu.memory_space<vmem>>, vector<16xi32>,
      %add3A_308 = arith.constant 256 : i32
      %add3A_309 = vector.broadcast %add3A_308 : i32 to vector<16xi32>
      %add3A_310 = arith.addi %get3A_307, %add3A_309 : vector<16xi32>
      %mul3A_311 = arith.constant 2 : i32
      %mul3A_312 = vector.broadcast %mul3A_311 : i32 to vector<16xi32>
      %mul3A_313 = arith.muli %add3A_310, %mul3A_312 : vector<16xi32>
      %gather3A = tpu.vector_load_idx %arg16[%mul3A_313] : memref<4096xf32, #tpu.memory_space<vmem>>[vector<16xi32>], vector<16xf32>,
      %add3A_314 = arith.constant 1 : i32
      %add3A_315 = vector.broadcast %add3A_314 : i32 to vector<16xi32>
      %add3A_316 = arith.addi %mul3A_313, %add3A_315 : vector<16xi32>
      %gather3A_317 = tpu.vector_load_idx %arg16[%add3A_316] : memref<4096xf32, #tpu.memory_space<vmem>>[vector<16xi32>], vector<16xf32>,
      %mul3A_318 = arith.constant 256 : i32
      %mul3A_319 = arith.muli %scan3A_301, %mul3A_318 : i32
      %add3A_320 = vector.broadcast %mul3A_319 : i32 to vector<16xi32>
      %add3A_321 = arith.addi %add3A_213, %add3A_320 : vector<16xi32>
      tpu.vector_store_idx %arg18[%add3A_321], %gather3A : memref<8192xf32, #tpu.memory_space<vmem>>[vector<16xi32>], vector<16xf32>,
      %add3A_322 = arith.constant 1 : i32
      %add3A_323 = vector.broadcast %add3A_322 : i32 to vector<16xi32>
      %add3A_324 = arith.addi %add3A_321, %add3A_323 : vector<16xi32>
      tpu.vector_store_idx %arg18[%add3A_324], %gather3A_317 : memref<8192xf32, #tpu.memory_space<vmem>>[vector<16xi32>], vector<16xf32>,
      %scan3A_325 = arith.constant 0 : i32
      %scan3A_326 = arith.constant 1 : i32
      %scan3A_327 = arith.addi %scan3A_301, %scan3A_326 : i32
      %mul3A_328 = arith.constant 16 : i32
      %mul3A_329 = arith.muli %scan3A_327, %mul3A_328 : i32
      %get3A_330 = arith.constant 1 : i32
      %get3A_331 = arith.index_cast %get3A_330 : i32 to index
      %get3A_332 = arith.index_cast %mul3A_329 : i32 to index
      %get3A_333 = tpu.vector_load %arg17[%get3A_331, %get3A_332] {strides = array<i32>} : memref<8x512xi32, #tpu.memory_space<vmem>>, vector<16xi32>,
      %add3A_334 = arith.constant 256 : i32
      %add3A_335 = vector.broadcast %add3A_334 : i32 to vector<16xi32>
      %add3A_336 = arith.addi %get3A_333, %add3A_335 : vector<16xi32>
      %mul3A_337 = arith.constant 2 : i32
      %mul3A_338 = vector.broadcast %mul3A_337 : i32 to vector<16xi32>
      %mul3A_339 = arith.muli %add3A_336, %mul3A_338 : vector<16xi32>
      %gather3A_340 = tpu.vector_load_idx %arg16[%mul3A_339] : memref<4096xf32, #tpu.memory_space<vmem>>[vector<16xi32>], vector<16xf32>,
      %add3A_341 = arith.constant 1 : i32
      %add3A_342 = vector.broadcast %add3A_341 : i32 to vector<16xi32>
      %add3A_343 = arith.addi %mul3A_339, %add3A_342 : vector<16xi32>
      %gather3A_344 = tpu.vector_load_idx %arg16[%add3A_343] : memref<4096xf32, #tpu.memory_space<vmem>>[vector<16xi32>], vector<16xf32>,
      %mul3A_345 = arith.constant 256 : i32
      %mul3A_346 = arith.muli %scan3A_327, %mul3A_345 : i32
      %add3A_347 = vector.broadcast %mul3A_346 : i32 to vector<16xi32>
      %add3A_348 = arith.addi %add3A_213, %add3A_347 : vector<16xi32>
      tpu.vector_store_idx %arg18[%add3A_348], %gather3A_340 : memref<8192xf32, #tpu.memory_space<vmem>>[vector<16xi32>], vector<16xf32>,
      %add3A_349 = arith.constant 1 : i32
      %add3A_350 = vector.broadcast %add3A_349 : i32 to vector<16xi32>
      %add3A_351 = arith.addi %add3A_348, %add3A_350 : vector<16xi32>
      tpu.vector_store_idx %arg18[%add3A_351], %gather3A_344 : memref<8192xf32, #tpu.memory_space<vmem>>[vector<16xi32>], vector<16xf32>,
      %scan3A_352 = arith.constant 0 : i32
      %scan3A_353 = arith.constant 2 : i32
      %scan3A_354 = arith.addi %scan3A_301, %scan3A_353 : i32
      %mul3A_355 = arith.constant 16 : i32
      %mul3A_356 = arith.muli %scan3A_354, %mul3A_355 : i32
      %get3A_357 = arith.constant 1 : i32
      %get3A_358 = arith.index_cast %get3A_357 : i32 to index
      %get3A_359 = arith.index_cast %mul3A_356 : i32 to index
      %get3A_360 = tpu.vector_load %arg17[%get3A_358, %get3A_359] {strides = array<i32>} : memref<8x512xi32, #tpu.memory_space<vmem>>, vector<16xi32>,
      %add3A_361 = arith.constant 256 : i32
      %add3A_362 = vector.broadcast %add3A_361 : i32 to vector<16xi32>
      %add3A_363 = arith.addi %get3A_360, %add3A_362 : vector<16xi32>
      %mul3A_364 = arith.constant 2 : i32
      %mul3A_365 = vector.broadcast %mul3A_364 : i32 to vector<16xi32>
      %mul3A_366 = arith.muli %add3A_363, %mul3A_365 : vector<16xi32>
      %gather3A_367 = tpu.vector_load_idx %arg16[%mul3A_366] : memref<4096xf32, #tpu.memory_space<vmem>>[vector<16xi32>], vector<16xf32>,
      %add3A_368 = arith.constant 1 : i32
      %add3A_369 = vector.broadcast %add3A_368 : i32 to vector<16xi32>
      %add3A_370 = arith.addi %mul3A_366, %add3A_369 : vector<16xi32>
      %gather3A_371 = tpu.vector_load_idx %arg16[%add3A_370] : memref<4096xf32, #tpu.memory_space<vmem>>[vector<16xi32>], vector<16xf32>,
      %mul3A_372 = arith.constant 256 : i32
      %mul3A_373 = arith.muli %scan3A_354, %mul3A_372 : i32
      %add3A_374 = vector.broadcast %mul3A_373 : i32 to vector<16xi32>
      %add3A_375 = arith.addi %add3A_213, %add3A_374 : vector<16xi32>
      tpu.vector_store_idx %arg18[%add3A_375], %gather3A_367 : memref<8192xf32, #tpu.memory_space<vmem>>[vector<16xi32>], vector<16xf32>,
      %add3A_376 = arith.constant 1 : i32
      %add3A_377 = vector.broadcast %add3A_376 : i32 to vector<16xi32>
      %add3A_378 = arith.addi %add3A_375, %add3A_377 : vector<16xi32>
      tpu.vector_store_idx %arg18[%add3A_378], %gather3A_371 : memref<8192xf32, #tpu.memory_space<vmem>>[vector<16xi32>], vector<16xf32>,
      %scan3A_379 = arith.constant 0 : i32
      %scan3A_380 = arith.constant 3 : i32
      %scan3A_381 = arith.addi %scan3A_301, %scan3A_380 : i32
      %mul3A_382 = arith.constant 16 : i32
      %mul3A_383 = arith.muli %scan3A_381, %mul3A_382 : i32
      %get3A_384 = arith.constant 1 : i32
      %get3A_385 = arith.index_cast %get3A_384 : i32 to index
      %get3A_386 = arith.index_cast %mul3A_383 : i32 to index
      %get3A_387 = tpu.vector_load %arg17[%get3A_385, %get3A_386] {strides = array<i32>} : memref<8x512xi32, #tpu.memory_space<vmem>>, vector<16xi32>,
      %add3A_388 = arith.constant 256 : i32
      %add3A_389 = vector.broadcast %add3A_388 : i32 to vector<16xi32>
      %add3A_390 = arith.addi %get3A_387, %add3A_389 : vector<16xi32>
      %mul3A_391 = arith.constant 2 : i32
      %mul3A_392 = vector.broadcast %mul3A_391 : i32 to vector<16xi32>
      %mul3A_393 = arith.muli %add3A_390, %mul3A_392 : vector<16xi32>
      %gather3A_394 = tpu.vector_load_idx %arg16[%mul3A_393] : memref<4096xf32, #tpu.memory_space<vmem>>[vector<16xi32>], vector<16xf32>,
      %add3A_395 = arith.constant 1 : i32
      %add3A_396 = vector.broadcast %add3A_395 : i32 to vector<16xi32>
      %add3A_397 = arith.addi %mul3A_393, %add3A_396 : vector<16xi32>
      %gather3A_398 = tpu.vector_load_idx %arg16[%add3A_397] : memref<4096xf32, #tpu.memory_space<vmem>>[vector<16xi32>], vector<16xf32>,
      %mul3A_399 = arith.constant 256 : i32
      %mul3A_400 = arith.muli %scan3A_381, %mul3A_399 : i32
      %add3A_401 = vector.broadcast %mul3A_400 : i32 to vector<16xi32>
      %add3A_402 = arith.addi %add3A_213, %add3A_401 : vector<16xi32>
      tpu.vector_store_idx %arg18[%add3A_402], %gather3A_394 : memref<8192xf32, #tpu.memory_space<vmem>>[vector<16xi32>], vector<16xf32>,
      %add3A_403 = arith.constant 1 : i32
      %add3A_404 = vector.broadcast %add3A_403 : i32 to vector<16xi32>
      %add3A_405 = arith.addi %add3A_402, %add3A_404 : vector<16xi32>
      tpu.vector_store_idx %arg18[%add3A_405], %gather3A_398 : memref<8192xf32, #tpu.memory_space<vmem>>[vector<16xi32>], vector<16xf32>,
      %scan3A_406 = arith.constant 0 : i32
      scf.yield %scan3A_406 : i32
    }
    %scan3A_220 = arith.constant 32 : i32
    %mul3A_221 = arith.constant 16 : i32
    %mul3A_222 = vector.broadcast %mul3A_221 : i32 to vector<16xi32>
    %mul3A_223 = arith.muli %iota3A, %mul3A_222 : vector<16xi32>
    %add3A_224 = arith.constant 4 : i32
    %add3A_225 = vector.broadcast %add3A_224 : i32 to vector<16xi32>
    %add3A_226 = arith.addi %mul3A_223, %add3A_225 : vector<16xi32>
    %scan3A_227 = arith.constant 0 : i32
    %scan3A_228 = arith.constant 0 : i32
    %scan3A_229 = arith.constant 32 : i32
    %scan3A_230 = arith.addi %scan3A_228, %scan3A_229 : i32
    %scan3A_231 = arith.constant 4 : i32
    %scan3A_232 = scf.for %scan3A_301 = %scan3A_228 to %scan3A_230 step %scan3A_231 iter_args(%scan3A_302 = %scan3A_227) -> (i32)  : i32 {
      %mul3A_303 = arith.constant 16 : i32
      %mul3A_304 = arith.muli %scan3A_301, %mul3A_303 : i32
      %get3A = arith.constant 2 : i32
      %get3A_305 = arith.index_cast %get3A : i32 to index
      %get3A_306 = arith.index_cast %mul3A_304 : i32 to index
      %get3A_307 = tpu.vector_load %arg17[%get3A_305, %get3A_306] {strides = array<i32>} : memref<8x512xi32, #tpu.memory_space<vmem>>, vector<16xi32>,
      %add3A_308 = arith.constant 512 : i32
      %add3A_309 = vector.broadcast %add3A_308 : i32 to vector<16xi32>
      %add3A_310 = arith.addi %get3A_307, %add3A_309 : vector<16xi32>
      %mul3A_311 = arith.constant 2 : i32
      %mul3A_312 = vector.broadcast %mul3A_311 : i32 to vector<16xi32>
      %mul3A_313 = arith.muli %add3A_310, %mul3A_312 : vector<16xi32>
      %gather3A = tpu.vector_load_idx %arg16[%mul3A_313] : memref<4096xf32, #tpu.memory_space<vmem>>[vector<16xi32>], vector<16xf32>,
      %add3A_314 = arith.constant 1 : i32
      %add3A_315 = vector.broadcast %add3A_314 : i32 to vector<16xi32>
      %add3A_316 = arith.addi %mul3A_313, %add3A_315 : vector<16xi32>
      %gather3A_317 = tpu.vector_load_idx %arg16[%add3A_316] : memref<4096xf32, #tpu.memory_space<vmem>>[vector<16xi32>], vector<16xf32>,
      %mul3A_318 = arith.constant 256 : i32
      %mul3A_319 = arith.muli %scan3A_301, %mul3A_318 : i32
      %add3A_320 = vector.broadcast %mul3A_319 : i32 to vector<16xi32>
      %add3A_321 = arith.addi %add3A_226, %add3A_320 : vector<16xi32>
      tpu.vector_store_idx %arg18[%add3A_321], %gather3A : memref<8192xf32, #tpu.memory_space<vmem>>[vector<16xi32>], vector<16xf32>,
      %add3A_322 = arith.constant 1 : i32
      %add3A_323 = vector.broadcast %add3A_322 : i32 to vector<16xi32>
      %add3A_324 = arith.addi %add3A_321, %add3A_323 : vector<16xi32>
      tpu.vector_store_idx %arg18[%add3A_324], %gather3A_317 : memref<8192xf32, #tpu.memory_space<vmem>>[vector<16xi32>], vector<16xf32>,
      %scan3A_325 = arith.constant 0 : i32
      %scan3A_326 = arith.constant 1 : i32
      %scan3A_327 = arith.addi %scan3A_301, %scan3A_326 : i32
      %mul3A_328 = arith.constant 16 : i32
      %mul3A_329 = arith.muli %scan3A_327, %mul3A_328 : i32
      %get3A_330 = arith.constant 2 : i32
      %get3A_331 = arith.index_cast %get3A_330 : i32 to index
      %get3A_332 = arith.index_cast %mul3A_329 : i32 to index
      %get3A_333 = tpu.vector_load %arg17[%get3A_331, %get3A_332] {strides = array<i32>} : memref<8x512xi32, #tpu.memory_space<vmem>>, vector<16xi32>,
      %add3A_334 = arith.constant 512 : i32
      %add3A_335 = vector.broadcast %add3A_334 : i32 to vector<16xi32>
      %add3A_336 = arith.addi %get3A_333, %add3A_335 : vector<16xi32>
      %mul3A_337 = arith.constant 2 : i32
      %mul3A_338 = vector.broadcast %mul3A_337 : i32 to vector<16xi32>
      %mul3A_339 = arith.muli %add3A_336, %mul3A_338 : vector<16xi32>
      %gather3A_340 = tpu.vector_load_idx %arg16[%mul3A_339] : memref<4096xf32, #tpu.memory_space<vmem>>[vector<16xi32>], vector<16xf32>,
      %add3A_341 = arith.constant 1 : i32
      %add3A_342 = vector.broadcast %add3A_341 : i32 to vector<16xi32>
      %add3A_343 = arith.addi %mul3A_339, %add3A_342 : vector<16xi32>
      %gather3A_344 = tpu.vector_load_idx %arg16[%add3A_343] : memref<4096xf32, #tpu.memory_space<vmem>>[vector<16xi32>], vector<16xf32>,
      %mul3A_345 = arith.constant 256 : i32
      %mul3A_346 = arith.muli %scan3A_327, %mul3A_345 : i32
      %add3A_347 = vector.broadcast %mul3A_346 : i32 to vector<16xi32>
      %add3A_348 = arith.addi %add3A_226, %add3A_347 : vector<16xi32>
      tpu.vector_store_idx %arg18[%add3A_348], %gather3A_340 : memref<8192xf32, #tpu.memory_space<vmem>>[vector<16xi32>], vector<16xf32>,
      %add3A_349 = arith.constant 1 : i32
      %add3A_350 = vector.broadcast %add3A_349 : i32 to vector<16xi32>
      %add3A_351 = arith.addi %add3A_348, %add3A_350 : vector<16xi32>
      tpu.vector_store_idx %arg18[%add3A_351], %gather3A_344 : memref<8192xf32, #tpu.memory_space<vmem>>[vector<16xi32>], vector<16xf32>,
      %scan3A_352 = arith.constant 0 : i32
      %scan3A_353 = arith.constant 2 : i32
      %scan3A_354 = arith.addi %scan3A_301, %scan3A_353 : i32
      %mul3A_355 = arith.constant 16 : i32
      %mul3A_356 = arith.muli %scan3A_354, %mul3A_355 : i32
      %get3A_357 = arith.constant 2 : i32
      %get3A_358 = arith.index_cast %get3A_357 : i32 to index
      %get3A_359 = arith.index_cast %mul3A_356 : i32 to index
      %get3A_360 = tpu.vector_load %arg17[%get3A_358, %get3A_359] {strides = array<i32>} : memref<8x512xi32, #tpu.memory_space<vmem>>, vector<16xi32>,
      %add3A_361 = arith.constant 512 : i32
      %add3A_362 = vector.broadcast %add3A_361 : i32 to vector<16xi32>
      %add3A_363 = arith.addi %get3A_360, %add3A_362 : vector<16xi32>
      %mul3A_364 = arith.constant 2 : i32
      %mul3A_365 = vector.broadcast %mul3A_364 : i32 to vector<16xi32>
      %mul3A_366 = arith.muli %add3A_363, %mul3A_365 : vector<16xi32>
      %gather3A_367 = tpu.vector_load_idx %arg16[%mul3A_366] : memref<4096xf32, #tpu.memory_space<vmem>>[vector<16xi32>], vector<16xf32>,
      %add3A_368 = arith.constant 1 : i32
      %add3A_369 = vector.broadcast %add3A_368 : i32 to vector<16xi32>
      %add3A_370 = arith.addi %mul3A_366, %add3A_369 : vector<16xi32>
      %gather3A_371 = tpu.vector_load_idx %arg16[%add3A_370] : memref<4096xf32, #tpu.memory_space<vmem>>[vector<16xi32>], vector<16xf32>,
      %mul3A_372 = arith.constant 256 : i32
      %mul3A_373 = arith.muli %scan3A_354, %mul3A_372 : i32
      %add3A_374 = vector.broadcast %mul3A_373 : i32 to vector<16xi32>
      %add3A_375 = arith.addi %add3A_226, %add3A_374 : vector<16xi32>
      tpu.vector_store_idx %arg18[%add3A_375], %gather3A_367 : memref<8192xf32, #tpu.memory_space<vmem>>[vector<16xi32>], vector<16xf32>,
      %add3A_376 = arith.constant 1 : i32
      %add3A_377 = vector.broadcast %add3A_376 : i32 to vector<16xi32>
      %add3A_378 = arith.addi %add3A_375, %add3A_377 : vector<16xi32>
      tpu.vector_store_idx %arg18[%add3A_378], %gather3A_371 : memref<8192xf32, #tpu.memory_space<vmem>>[vector<16xi32>], vector<16xf32>,
      %scan3A_379 = arith.constant 0 : i32
      %scan3A_380 = arith.constant 3 : i32
      %scan3A_381 = arith.addi %scan3A_301, %scan3A_380 : i32
      %mul3A_382 = arith.constant 16 : i32
      %mul3A_383 = arith.muli %scan3A_381, %mul3A_382 : i32
      %get3A_384 = arith.constant 2 : i32
      %get3A_385 = arith.index_cast %get3A_384 : i32 to index
      %get3A_386 = arith.index_cast %mul3A_383 : i32 to index
      %get3A_387 = tpu.vector_load %arg17[%get3A_385, %get3A_386] {strides = array<i32>} : memref<8x512xi32, #tpu.memory_space<vmem>>, vector<16xi32>,
      %add3A_388 = arith.constant 512 : i32
      %add3A_389 = vector.broadcast %add3A_388 : i32 to vector<16xi32>
      %add3A_390 = arith.addi %get3A_387, %add3A_389 : vector<16xi32>
      %mul3A_391 = arith.constant 2 : i32
      %mul3A_392 = vector.broadcast %mul3A_391 : i32 to vector<16xi32>
      %mul3A_393 = arith.muli %add3A_390, %mul3A_392 : vector<16xi32>
      %gather3A_394 = tpu.vector_load_idx %arg16[%mul3A_393] : memref<4096xf32, #tpu.memory_space<vmem>>[vector<16xi32>], vector<16xf32>,
      %add3A_395 = arith.constant 1 : i32
      %add3A_396 = vector.broadcast %add3A_395 : i32 to vector<16xi32>
      %add3A_397 = arith.addi %mul3A_393, %add3A_396 : vector<16xi32>
      %gather3A_398 = tpu.vector_load_idx %arg16[%add3A_397] : memref<4096xf32, #tpu.memory_space<vmem>>[vector<16xi32>], vector<16xf32>,
      %mul3A_399 = arith.constant 256 : i32
      %mul3A_400 = arith.muli %scan3A_381, %mul3A_399 : i32
      %add3A_401 = vector.broadcast %mul3A_400 : i32 to vector<16xi32>
      %add3A_402 = arith.addi %add3A_226, %add3A_401 : vector<16xi32>
      tpu.vector_store_idx %arg18[%add3A_402], %gather3A_394 : memref<8192xf32, #tpu.memory_space<vmem>>[vector<16xi32>], vector<16xf32>,
      %add3A_403 = arith.constant 1 : i32
      %add3A_404 = vector.broadcast %add3A_403 : i32 to vector<16xi32>
      %add3A_405 = arith.addi %add3A_402, %add3A_404 : vector<16xi32>
      tpu.vector_store_idx %arg18[%add3A_405], %gather3A_398 : memref<8192xf32, #tpu.memory_space<vmem>>[vector<16xi32>], vector<16xf32>,
      %scan3A_406 = arith.constant 0 : i32
      scf.yield %scan3A_406 : i32
    }
    %scan3A_233 = arith.constant 32 : i32
    %mul3A_234 = arith.constant 16 : i32
    %mul3A_235 = vector.broadcast %mul3A_234 : i32 to vector<16xi32>
    %mul3A_236 = arith.muli %iota3A, %mul3A_235 : vector<16xi32>
    %add3A_237 = arith.constant 6 : i32
    %add3A_238 = vector.broadcast %add3A_237 : i32 to vector<16xi32>
    %add3A_239 = arith.addi %mul3A_236, %add3A_238 : vector<16xi32>
    %scan3A_240 = arith.constant 0 : i32
    %scan3A_241 = arith.constant 0 : i32
    %scan3A_242 = arith.constant 32 : i32
    %scan3A_243 = arith.addi %scan3A_241, %scan3A_242 : i32
    %scan3A_244 = arith.constant 4 : i32
    %scan3A_245 = scf.for %scan3A_301 = %scan3A_241 to %scan3A_243 step %scan3A_244 iter_args(%scan3A_302 = %scan3A_240) -> (i32)  : i32 {
      %mul3A_303 = arith.constant 16 : i32
      %mul3A_304 = arith.muli %scan3A_301, %mul3A_303 : i32
      %get3A = arith.constant 3 : i32
      %get3A_305 = arith.index_cast %get3A : i32 to index
      %get3A_306 = arith.index_cast %mul3A_304 : i32 to index
      %get3A_307 = tpu.vector_load %arg17[%get3A_305, %get3A_306] {strides = array<i32>} : memref<8x512xi32, #tpu.memory_space<vmem>>, vector<16xi32>,
      %add3A_308 = arith.constant 768 : i32
      %add3A_309 = vector.broadcast %add3A_308 : i32 to vector<16xi32>
      %add3A_310 = arith.addi %get3A_307, %add3A_309 : vector<16xi32>
      %mul3A_311 = arith.constant 2 : i32
      %mul3A_312 = vector.broadcast %mul3A_311 : i32 to vector<16xi32>
      %mul3A_313 = arith.muli %add3A_310, %mul3A_312 : vector<16xi32>
      %gather3A = tpu.vector_load_idx %arg16[%mul3A_313] : memref<4096xf32, #tpu.memory_space<vmem>>[vector<16xi32>], vector<16xf32>,
      %add3A_314 = arith.constant 1 : i32
      %add3A_315 = vector.broadcast %add3A_314 : i32 to vector<16xi32>
      %add3A_316 = arith.addi %mul3A_313, %add3A_315 : vector<16xi32>
      %gather3A_317 = tpu.vector_load_idx %arg16[%add3A_316] : memref<4096xf32, #tpu.memory_space<vmem>>[vector<16xi32>], vector<16xf32>,
      %mul3A_318 = arith.constant 256 : i32
      %mul3A_319 = arith.muli %scan3A_301, %mul3A_318 : i32
      %add3A_320 = vector.broadcast %mul3A_319 : i32 to vector<16xi32>
      %add3A_321 = arith.addi %add3A_239, %add3A_320 : vector<16xi32>
      tpu.vector_store_idx %arg18[%add3A_321], %gather3A : memref<8192xf32, #tpu.memory_space<vmem>>[vector<16xi32>], vector<16xf32>,
      %add3A_322 = arith.constant 1 : i32
      %add3A_323 = vector.broadcast %add3A_322 : i32 to vector<16xi32>
      %add3A_324 = arith.addi %add3A_321, %add3A_323 : vector<16xi32>
      tpu.vector_store_idx %arg18[%add3A_324], %gather3A_317 : memref<8192xf32, #tpu.memory_space<vmem>>[vector<16xi32>], vector<16xf32>,
      %scan3A_325 = arith.constant 0 : i32
      %scan3A_326 = arith.constant 1 : i32
      %scan3A_327 = arith.addi %scan3A_301, %scan3A_326 : i32
      %mul3A_328 = arith.constant 16 : i32
      %mul3A_329 = arith.muli %scan3A_327, %mul3A_328 : i32
      %get3A_330 = arith.constant 3 : i32
      %get3A_331 = arith.index_cast %get3A_330 : i32 to index
      %get3A_332 = arith.index_cast %mul3A_329 : i32 to index
      %get3A_333 = tpu.vector_load %arg17[%get3A_331, %get3A_332] {strides = array<i32>} : memref<8x512xi32, #tpu.memory_space<vmem>>, vector<16xi32>,
      %add3A_334 = arith.constant 768 : i32
      %add3A_335 = vector.broadcast %add3A_334 : i32 to vector<16xi32>
      %add3A_336 = arith.addi %get3A_333, %add3A_335 : vector<16xi32>
      %mul3A_337 = arith.constant 2 : i32
      %mul3A_338 = vector.broadcast %mul3A_337 : i32 to vector<16xi32>
      %mul3A_339 = arith.muli %add3A_336, %mul3A_338 : vector<16xi32>
      %gather3A_340 = tpu.vector_load_idx %arg16[%mul3A_339] : memref<4096xf32, #tpu.memory_space<vmem>>[vector<16xi32>], vector<16xf32>,
      %add3A_341 = arith.constant 1 : i32
      %add3A_342 = vector.broadcast %add3A_341 : i32 to vector<16xi32>
      %add3A_343 = arith.addi %mul3A_339, %add3A_342 : vector<16xi32>
      %gather3A_344 = tpu.vector_load_idx %arg16[%add3A_343] : memref<4096xf32, #tpu.memory_space<vmem>>[vector<16xi32>], vector<16xf32>,
      %mul3A_345 = arith.constant 256 : i32
      %mul3A_346 = arith.muli %scan3A_327, %mul3A_345 : i32
      %add3A_347 = vector.broadcast %mul3A_346 : i32 to vector<16xi32>
      %add3A_348 = arith.addi %add3A_239, %add3A_347 : vector<16xi32>
      tpu.vector_store_idx %arg18[%add3A_348], %gather3A_340 : memref<8192xf32, #tpu.memory_space<vmem>>[vector<16xi32>], vector<16xf32>,
      %add3A_349 = arith.constant 1 : i32
      %add3A_350 = vector.broadcast %add3A_349 : i32 to vector<16xi32>
      %add3A_351 = arith.addi %add3A_348, %add3A_350 : vector<16xi32>
      tpu.vector_store_idx %arg18[%add3A_351], %gather3A_344 : memref<8192xf32, #tpu.memory_space<vmem>>[vector<16xi32>], vector<16xf32>,
      %scan3A_352 = arith.constant 0 : i32
      %scan3A_353 = arith.constant 2 : i32
      %scan3A_354 = arith.addi %scan3A_301, %scan3A_353 : i32
      %mul3A_355 = arith.constant 16 : i32
      %mul3A_356 = arith.muli %scan3A_354, %mul3A_355 : i32
      %get3A_357 = arith.constant 3 : i32
      %get3A_358 = arith.index_cast %get3A_357 : i32 to index
      %get3A_359 = arith.index_cast %mul3A_356 : i32 to index
      %get3A_360 = tpu.vector_load %arg17[%get3A_358, %get3A_359] {strides = array<i32>} : memref<8x512xi32, #tpu.memory_space<vmem>>, vector<16xi32>,
      %add3A_361 = arith.constant 768 : i32
      %add3A_362 = vector.broadcast %add3A_361 : i32 to vector<16xi32>
      %add3A_363 = arith.addi %get3A_360, %add3A_362 : vector<16xi32>
      %mul3A_364 = arith.constant 2 : i32
      %mul3A_365 = vector.broadcast %mul3A_364 : i32 to vector<16xi32>
      %mul3A_366 = arith.muli %add3A_363, %mul3A_365 : vector<16xi32>
      %gather3A_367 = tpu.vector_load_idx %arg16[%mul3A_366] : memref<4096xf32, #tpu.memory_space<vmem>>[vector<16xi32>], vector<16xf32>,
      %add3A_368 = arith.constant 1 : i32
      %add3A_369 = vector.broadcast %add3A_368 : i32 to vector<16xi32>
      %add3A_370 = arith.addi %mul3A_366, %add3A_369 : vector<16xi32>
      %gather3A_371 = tpu.vector_load_idx %arg16[%add3A_370] : memref<4096xf32, #tpu.memory_space<vmem>>[vector<16xi32>], vector<16xf32>,
      %mul3A_372 = arith.constant 256 : i32
      %mul3A_373 = arith.muli %scan3A_354, %mul3A_372 : i32
      %add3A_374 = vector.broadcast %mul3A_373 : i32 to vector<16xi32>
      %add3A_375 = arith.addi %add3A_239, %add3A_374 : vector<16xi32>
      tpu.vector_store_idx %arg18[%add3A_375], %gather3A_367 : memref<8192xf32, #tpu.memory_space<vmem>>[vector<16xi32>], vector<16xf32>,
      %add3A_376 = arith.constant 1 : i32
      %add3A_377 = vector.broadcast %add3A_376 : i32 to vector<16xi32>
      %add3A_378 = arith.addi %add3A_375, %add3A_377 : vector<16xi32>
      tpu.vector_store_idx %arg18[%add3A_378], %gather3A_371 : memref<8192xf32, #tpu.memory_space<vmem>>[vector<16xi32>], vector<16xf32>,
      %scan3A_379 = arith.constant 0 : i32
      %scan3A_380 = arith.constant 3 : i32
      %scan3A_381 = arith.addi %scan3A_301, %scan3A_380 : i32
      %mul3A_382 = arith.constant 16 : i32
      %mul3A_383 = arith.muli %scan3A_381, %mul3A_382 : i32
      %get3A_384 = arith.constant 3 : i32
      %get3A_385 = arith.index_cast %get3A_384 : i32 to index
      %get3A_386 = arith.index_cast %mul3A_383 : i32 to index
      %get3A_387 = tpu.vector_load %arg17[%get3A_385, %get3A_386] {strides = array<i32>} : memref<8x512xi32, #tpu.memory_space<vmem>>, vector<16xi32>,
      %add3A_388 = arith.constant 768 : i32
      %add3A_389 = vector.broadcast %add3A_388 : i32 to vector<16xi32>
      %add3A_390 = arith.addi %get3A_387, %add3A_389 : vector<16xi32>
      %mul3A_391 = arith.constant 2 : i32
      %mul3A_392 = vector.broadcast %mul3A_391 : i32 to vector<16xi32>
      %mul3A_393 = arith.muli %add3A_390, %mul3A_392 : vector<16xi32>
      %gather3A_394 = tpu.vector_load_idx %arg16[%mul3A_393] : memref<4096xf32, #tpu.memory_space<vmem>>[vector<16xi32>], vector<16xf32>,
      %add3A_395 = arith.constant 1 : i32
      %add3A_396 = vector.broadcast %add3A_395 : i32 to vector<16xi32>
      %add3A_397 = arith.addi %mul3A_393, %add3A_396 : vector<16xi32>
      %gather3A_398 = tpu.vector_load_idx %arg16[%add3A_397] : memref<4096xf32, #tpu.memory_space<vmem>>[vector<16xi32>], vector<16xf32>,
      %mul3A_399 = arith.constant 256 : i32
      %mul3A_400 = arith.muli %scan3A_381, %mul3A_399 : i32
      %add3A_401 = vector.broadcast %mul3A_400 : i32 to vector<16xi32>
      %add3A_402 = arith.addi %add3A_239, %add3A_401 : vector<16xi32>
      tpu.vector_store_idx %arg18[%add3A_402], %gather3A_394 : memref<8192xf32, #tpu.memory_space<vmem>>[vector<16xi32>], vector<16xf32>,
      %add3A_403 = arith.constant 1 : i32
      %add3A_404 = vector.broadcast %add3A_403 : i32 to vector<16xi32>
      %add3A_405 = arith.addi %add3A_402, %add3A_404 : vector<16xi32>
      tpu.vector_store_idx %arg18[%add3A_405], %gather3A_398 : memref<8192xf32, #tpu.memory_space<vmem>>[vector<16xi32>], vector<16xf32>,
      %scan3A_406 = arith.constant 0 : i32
      scf.yield %scan3A_406 : i32
    }
    %scan3A_246 = arith.constant 32 : i32
    %mul3A_247 = arith.constant 16 : i32
    %mul3A_248 = vector.broadcast %mul3A_247 : i32 to vector<16xi32>
    %mul3A_249 = arith.muli %iota3A, %mul3A_248 : vector<16xi32>
    %add3A_250 = arith.constant 8 : i32
    %add3A_251 = vector.broadcast %add3A_250 : i32 to vector<16xi32>
    %add3A_252 = arith.addi %mul3A_249, %add3A_251 : vector<16xi32>
    %scan3A_253 = arith.constant 0 : i32
    %scan3A_254 = arith.constant 0 : i32
    %scan3A_255 = arith.constant 32 : i32
    %scan3A_256 = arith.addi %scan3A_254, %scan3A_255 : i32
    %scan3A_257 = arith.constant 4 : i32
    %scan3A_258 = scf.for %scan3A_301 = %scan3A_254 to %scan3A_256 step %scan3A_257 iter_args(%scan3A_302 = %scan3A_253) -> (i32)  : i32 {
      %mul3A_303 = arith.constant 16 : i32
      %mul3A_304 = arith.muli %scan3A_301, %mul3A_303 : i32
      %get3A = arith.constant 4 : i32
      %get3A_305 = arith.index_cast %get3A : i32 to index
      %get3A_306 = arith.index_cast %mul3A_304 : i32 to index
      %get3A_307 = tpu.vector_load %arg17[%get3A_305, %get3A_306] {strides = array<i32>} : memref<8x512xi32, #tpu.memory_space<vmem>>, vector<16xi32>,
      %add3A_308 = arith.constant 1024 : i32
      %add3A_309 = vector.broadcast %add3A_308 : i32 to vector<16xi32>
      %add3A_310 = arith.addi %get3A_307, %add3A_309 : vector<16xi32>
      %mul3A_311 = arith.constant 2 : i32
      %mul3A_312 = vector.broadcast %mul3A_311 : i32 to vector<16xi32>
      %mul3A_313 = arith.muli %add3A_310, %mul3A_312 : vector<16xi32>
      %gather3A = tpu.vector_load_idx %arg16[%mul3A_313] : memref<4096xf32, #tpu.memory_space<vmem>>[vector<16xi32>], vector<16xf32>,
      %add3A_314 = arith.constant 1 : i32
      %add3A_315 = vector.broadcast %add3A_314 : i32 to vector<16xi32>
      %add3A_316 = arith.addi %mul3A_313, %add3A_315 : vector<16xi32>
      %gather3A_317 = tpu.vector_load_idx %arg16[%add3A_316] : memref<4096xf32, #tpu.memory_space<vmem>>[vector<16xi32>], vector<16xf32>,
      %mul3A_318 = arith.constant 256 : i32
      %mul3A_319 = arith.muli %scan3A_301, %mul3A_318 : i32
      %add3A_320 = vector.broadcast %mul3A_319 : i32 to vector<16xi32>
      %add3A_321 = arith.addi %add3A_252, %add3A_320 : vector<16xi32>
      tpu.vector_store_idx %arg18[%add3A_321], %gather3A : memref<8192xf32, #tpu.memory_space<vmem>>[vector<16xi32>], vector<16xf32>,
      %add3A_322 = arith.constant 1 : i32
      %add3A_323 = vector.broadcast %add3A_322 : i32 to vector<16xi32>
      %add3A_324 = arith.addi %add3A_321, %add3A_323 : vector<16xi32>
      tpu.vector_store_idx %arg18[%add3A_324], %gather3A_317 : memref<8192xf32, #tpu.memory_space<vmem>>[vector<16xi32>], vector<16xf32>,
      %scan3A_325 = arith.constant 0 : i32
      %scan3A_326 = arith.constant 1 : i32
      %scan3A_327 = arith.addi %scan3A_301, %scan3A_326 : i32
      %mul3A_328 = arith.constant 16 : i32
      %mul3A_329 = arith.muli %scan3A_327, %mul3A_328 : i32
      %get3A_330 = arith.constant 4 : i32
      %get3A_331 = arith.index_cast %get3A_330 : i32 to index
      %get3A_332 = arith.index_cast %mul3A_329 : i32 to index
      %get3A_333 = tpu.vector_load %arg17[%get3A_331, %get3A_332] {strides = array<i32>} : memref<8x512xi32, #tpu.memory_space<vmem>>, vector<16xi32>,
      %add3A_334 = arith.constant 1024 : i32
      %add3A_335 = vector.broadcast %add3A_334 : i32 to vector<16xi32>
      %add3A_336 = arith.addi %get3A_333, %add3A_335 : vector<16xi32>
      %mul3A_337 = arith.constant 2 : i32
      %mul3A_338 = vector.broadcast %mul3A_337 : i32 to vector<16xi32>
      %mul3A_339 = arith.muli %add3A_336, %mul3A_338 : vector<16xi32>
      %gather3A_340 = tpu.vector_load_idx %arg16[%mul3A_339] : memref<4096xf32, #tpu.memory_space<vmem>>[vector<16xi32>], vector<16xf32>,
      %add3A_341 = arith.constant 1 : i32
      %add3A_342 = vector.broadcast %add3A_341 : i32 to vector<16xi32>
      %add3A_343 = arith.addi %mul3A_339, %add3A_342 : vector<16xi32>
      %gather3A_344 = tpu.vector_load_idx %arg16[%add3A_343] : memref<4096xf32, #tpu.memory_space<vmem>>[vector<16xi32>], vector<16xf32>,
      %mul3A_345 = arith.constant 256 : i32
      %mul3A_346 = arith.muli %scan3A_327, %mul3A_345 : i32
      %add3A_347 = vector.broadcast %mul3A_346 : i32 to vector<16xi32>
      %add3A_348 = arith.addi %add3A_252, %add3A_347 : vector<16xi32>
      tpu.vector_store_idx %arg18[%add3A_348], %gather3A_340 : memref<8192xf32, #tpu.memory_space<vmem>>[vector<16xi32>], vector<16xf32>,
      %add3A_349 = arith.constant 1 : i32
      %add3A_350 = vector.broadcast %add3A_349 : i32 to vector<16xi32>
      %add3A_351 = arith.addi %add3A_348, %add3A_350 : vector<16xi32>
      tpu.vector_store_idx %arg18[%add3A_351], %gather3A_344 : memref<8192xf32, #tpu.memory_space<vmem>>[vector<16xi32>], vector<16xf32>,
      %scan3A_352 = arith.constant 0 : i32
      %scan3A_353 = arith.constant 2 : i32
      %scan3A_354 = arith.addi %scan3A_301, %scan3A_353 : i32
      %mul3A_355 = arith.constant 16 : i32
      %mul3A_356 = arith.muli %scan3A_354, %mul3A_355 : i32
      %get3A_357 = arith.constant 4 : i32
      %get3A_358 = arith.index_cast %get3A_357 : i32 to index
      %get3A_359 = arith.index_cast %mul3A_356 : i32 to index
      %get3A_360 = tpu.vector_load %arg17[%get3A_358, %get3A_359] {strides = array<i32>} : memref<8x512xi32, #tpu.memory_space<vmem>>, vector<16xi32>,
      %add3A_361 = arith.constant 1024 : i32
      %add3A_362 = vector.broadcast %add3A_361 : i32 to vector<16xi32>
      %add3A_363 = arith.addi %get3A_360, %add3A_362 : vector<16xi32>
      %mul3A_364 = arith.constant 2 : i32
      %mul3A_365 = vector.broadcast %mul3A_364 : i32 to vector<16xi32>
      %mul3A_366 = arith.muli %add3A_363, %mul3A_365 : vector<16xi32>
      %gather3A_367 = tpu.vector_load_idx %arg16[%mul3A_366] : memref<4096xf32, #tpu.memory_space<vmem>>[vector<16xi32>], vector<16xf32>,
      %add3A_368 = arith.constant 1 : i32
      %add3A_369 = vector.broadcast %add3A_368 : i32 to vector<16xi32>
      %add3A_370 = arith.addi %mul3A_366, %add3A_369 : vector<16xi32>
      %gather3A_371 = tpu.vector_load_idx %arg16[%add3A_370] : memref<4096xf32, #tpu.memory_space<vmem>>[vector<16xi32>], vector<16xf32>,
      %mul3A_372 = arith.constant 256 : i32
      %mul3A_373 = arith.muli %scan3A_354, %mul3A_372 : i32
      %add3A_374 = vector.broadcast %mul3A_373 : i32 to vector<16xi32>
      %add3A_375 = arith.addi %add3A_252, %add3A_374 : vector<16xi32>
      tpu.vector_store_idx %arg18[%add3A_375], %gather3A_367 : memref<8192xf32, #tpu.memory_space<vmem>>[vector<16xi32>], vector<16xf32>,
      %add3A_376 = arith.constant 1 : i32
      %add3A_377 = vector.broadcast %add3A_376 : i32 to vector<16xi32>
      %add3A_378 = arith.addi %add3A_375, %add3A_377 : vector<16xi32>
      tpu.vector_store_idx %arg18[%add3A_378], %gather3A_371 : memref<8192xf32, #tpu.memory_space<vmem>>[vector<16xi32>], vector<16xf32>,
      %scan3A_379 = arith.constant 0 : i32
      %scan3A_380 = arith.constant 3 : i32
      %scan3A_381 = arith.addi %scan3A_301, %scan3A_380 : i32
      %mul3A_382 = arith.constant 16 : i32
      %mul3A_383 = arith.muli %scan3A_381, %mul3A_382 : i32
      %get3A_384 = arith.constant 4 : i32
      %get3A_385 = arith.index_cast %get3A_384 : i32 to index
      %get3A_386 = arith.index_cast %mul3A_383 : i32 to index
      %get3A_387 = tpu.vector_load %arg17[%get3A_385, %get3A_386] {strides = array<i32>} : memref<8x512xi32, #tpu.memory_space<vmem>>, vector<16xi32>,
      %add3A_388 = arith.constant 1024 : i32
      %add3A_389 = vector.broadcast %add3A_388 : i32 to vector<16xi32>
      %add3A_390 = arith.addi %get3A_387, %add3A_389 : vector<16xi32>
      %mul3A_391 = arith.constant 2 : i32
      %mul3A_392 = vector.broadcast %mul3A_391 : i32 to vector<16xi32>
      %mul3A_393 = arith.muli %add3A_390, %mul3A_392 : vector<16xi32>
      %gather3A_394 = tpu.vector_load_idx %arg16[%mul3A_393] : memref<4096xf32, #tpu.memory_space<vmem>>[vector<16xi32>], vector<16xf32>,
      %add3A_395 = arith.constant 1 : i32
      %add3A_396 = vector.broadcast %add3A_395 : i32 to vector<16xi32>
      %add3A_397 = arith.addi %mul3A_393, %add3A_396 : vector<16xi32>
      %gather3A_398 = tpu.vector_load_idx %arg16[%add3A_397] : memref<4096xf32, #tpu.memory_space<vmem>>[vector<16xi32>], vector<16xf32>,
      %mul3A_399 = arith.constant 256 : i32
      %mul3A_400 = arith.muli %scan3A_381, %mul3A_399 : i32
      %add3A_401 = vector.broadcast %mul3A_400 : i32 to vector<16xi32>
      %add3A_402 = arith.addi %add3A_252, %add3A_401 : vector<16xi32>
      tpu.vector_store_idx %arg18[%add3A_402], %gather3A_394 : memref<8192xf32, #tpu.memory_space<vmem>>[vector<16xi32>], vector<16xf32>,
      %add3A_403 = arith.constant 1 : i32
      %add3A_404 = vector.broadcast %add3A_403 : i32 to vector<16xi32>
      %add3A_405 = arith.addi %add3A_402, %add3A_404 : vector<16xi32>
      tpu.vector_store_idx %arg18[%add3A_405], %gather3A_398 : memref<8192xf32, #tpu.memory_space<vmem>>[vector<16xi32>], vector<16xf32>,
      %scan3A_406 = arith.constant 0 : i32
      scf.yield %scan3A_406 : i32
    }
    %scan3A_259 = arith.constant 32 : i32
    %mul3A_260 = arith.constant 16 : i32
    %mul3A_261 = vector.broadcast %mul3A_260 : i32 to vector<16xi32>
    %mul3A_262 = arith.muli %iota3A, %mul3A_261 : vector<16xi32>
    %add3A_263 = arith.constant 10 : i32
    %add3A_264 = vector.broadcast %add3A_263 : i32 to vector<16xi32>
    %add3A_265 = arith.addi %mul3A_262, %add3A_264 : vector<16xi32>
    %scan3A_266 = arith.constant 0 : i32
    %scan3A_267 = arith.constant 0 : i32
    %scan3A_268 = arith.constant 32 : i32
    %scan3A_269 = arith.addi %scan3A_267, %scan3A_268 : i32
    %scan3A_270 = arith.constant 4 : i32
    %scan3A_271 = scf.for %scan3A_301 = %scan3A_267 to %scan3A_269 step %scan3A_270 iter_args(%scan3A_302 = %scan3A_266) -> (i32)  : i32 {
      %mul3A_303 = arith.constant 16 : i32
      %mul3A_304 = arith.muli %scan3A_301, %mul3A_303 : i32
      %get3A = arith.constant 5 : i32
      %get3A_305 = arith.index_cast %get3A : i32 to index
      %get3A_306 = arith.index_cast %mul3A_304 : i32 to index
      %get3A_307 = tpu.vector_load %arg17[%get3A_305, %get3A_306] {strides = array<i32>} : memref<8x512xi32, #tpu.memory_space<vmem>>, vector<16xi32>,
      %add3A_308 = arith.constant 1280 : i32
      %add3A_309 = vector.broadcast %add3A_308 : i32 to vector<16xi32>
      %add3A_310 = arith.addi %get3A_307, %add3A_309 : vector<16xi32>
      %mul3A_311 = arith.constant 2 : i32
      %mul3A_312 = vector.broadcast %mul3A_311 : i32 to vector<16xi32>
      %mul3A_313 = arith.muli %add3A_310, %mul3A_312 : vector<16xi32>
      %gather3A = tpu.vector_load_idx %arg16[%mul3A_313] : memref<4096xf32, #tpu.memory_space<vmem>>[vector<16xi32>], vector<16xf32>,
      %add3A_314 = arith.constant 1 : i32
      %add3A_315 = vector.broadcast %add3A_314 : i32 to vector<16xi32>
      %add3A_316 = arith.addi %mul3A_313, %add3A_315 : vector<16xi32>
      %gather3A_317 = tpu.vector_load_idx %arg16[%add3A_316] : memref<4096xf32, #tpu.memory_space<vmem>>[vector<16xi32>], vector<16xf32>,
      %mul3A_318 = arith.constant 256 : i32
      %mul3A_319 = arith.muli %scan3A_301, %mul3A_318 : i32
      %add3A_320 = vector.broadcast %mul3A_319 : i32 to vector<16xi32>
      %add3A_321 = arith.addi %add3A_265, %add3A_320 : vector<16xi32>
      tpu.vector_store_idx %arg18[%add3A_321], %gather3A : memref<8192xf32, #tpu.memory_space<vmem>>[vector<16xi32>], vector<16xf32>,
      %add3A_322 = arith.constant 1 : i32
      %add3A_323 = vector.broadcast %add3A_322 : i32 to vector<16xi32>
      %add3A_324 = arith.addi %add3A_321, %add3A_323 : vector<16xi32>
      tpu.vector_store_idx %arg18[%add3A_324], %gather3A_317 : memref<8192xf32, #tpu.memory_space<vmem>>[vector<16xi32>], vector<16xf32>,
      %scan3A_325 = arith.constant 0 : i32
      %scan3A_326 = arith.constant 1 : i32
      %scan3A_327 = arith.addi %scan3A_301, %scan3A_326 : i32
      %mul3A_328 = arith.constant 16 : i32
      %mul3A_329 = arith.muli %scan3A_327, %mul3A_328 : i32
      %get3A_330 = arith.constant 5 : i32
      %get3A_331 = arith.index_cast %get3A_330 : i32 to index
      %get3A_332 = arith.index_cast %mul3A_329 : i32 to index
      %get3A_333 = tpu.vector_load %arg17[%get3A_331, %get3A_332] {strides = array<i32>} : memref<8x512xi32, #tpu.memory_space<vmem>>, vector<16xi32>,
      %add3A_334 = arith.constant 1280 : i32
      %add3A_335 = vector.broadcast %add3A_334 : i32 to vector<16xi32>
      %add3A_336 = arith.addi %get3A_333, %add3A_335 : vector<16xi32>
      %mul3A_337 = arith.constant 2 : i32
      %mul3A_338 = vector.broadcast %mul3A_337 : i32 to vector<16xi32>
      %mul3A_339 = arith.muli %add3A_336, %mul3A_338 : vector<16xi32>
      %gather3A_340 = tpu.vector_load_idx %arg16[%mul3A_339] : memref<4096xf32, #tpu.memory_space<vmem>>[vector<16xi32>], vector<16xf32>,
      %add3A_341 = arith.constant 1 : i32
      %add3A_342 = vector.broadcast %add3A_341 : i32 to vector<16xi32>
      %add3A_343 = arith.addi %mul3A_339, %add3A_342 : vector<16xi32>
      %gather3A_344 = tpu.vector_load_idx %arg16[%add3A_343] : memref<4096xf32, #tpu.memory_space<vmem>>[vector<16xi32>], vector<16xf32>,
      %mul3A_345 = arith.constant 256 : i32
      %mul3A_346 = arith.muli %scan3A_327, %mul3A_345 : i32
      %add3A_347 = vector.broadcast %mul3A_346 : i32 to vector<16xi32>
      %add3A_348 = arith.addi %add3A_265, %add3A_347 : vector<16xi32>
      tpu.vector_store_idx %arg18[%add3A_348], %gather3A_340 : memref<8192xf32, #tpu.memory_space<vmem>>[vector<16xi32>], vector<16xf32>,
      %add3A_349 = arith.constant 1 : i32
      %add3A_350 = vector.broadcast %add3A_349 : i32 to vector<16xi32>
      %add3A_351 = arith.addi %add3A_348, %add3A_350 : vector<16xi32>
      tpu.vector_store_idx %arg18[%add3A_351], %gather3A_344 : memref<8192xf32, #tpu.memory_space<vmem>>[vector<16xi32>], vector<16xf32>,
      %scan3A_352 = arith.constant 0 : i32
      %scan3A_353 = arith.constant 2 : i32
      %scan3A_354 = arith.addi %scan3A_301, %scan3A_353 : i32
      %mul3A_355 = arith.constant 16 : i32
      %mul3A_356 = arith.muli %scan3A_354, %mul3A_355 : i32
      %get3A_357 = arith.constant 5 : i32
      %get3A_358 = arith.index_cast %get3A_357 : i32 to index
      %get3A_359 = arith.index_cast %mul3A_356 : i32 to index
      %get3A_360 = tpu.vector_load %arg17[%get3A_358, %get3A_359] {strides = array<i32>} : memref<8x512xi32, #tpu.memory_space<vmem>>, vector<16xi32>,
      %add3A_361 = arith.constant 1280 : i32
      %add3A_362 = vector.broadcast %add3A_361 : i32 to vector<16xi32>
      %add3A_363 = arith.addi %get3A_360, %add3A_362 : vector<16xi32>
      %mul3A_364 = arith.constant 2 : i32
      %mul3A_365 = vector.broadcast %mul3A_364 : i32 to vector<16xi32>
      %mul3A_366 = arith.muli %add3A_363, %mul3A_365 : vector<16xi32>
      %gather3A_367 = tpu.vector_load_idx %arg16[%mul3A_366] : memref<4096xf32, #tpu.memory_space<vmem>>[vector<16xi32>], vector<16xf32>,
      %add3A_368 = arith.constant 1 : i32
      %add3A_369 = vector.broadcast %add3A_368 : i32 to vector<16xi32>
      %add3A_370 = arith.addi %mul3A_366, %add3A_369 : vector<16xi32>
      %gather3A_371 = tpu.vector_load_idx %arg16[%add3A_370] : memref<4096xf32, #tpu.memory_space<vmem>>[vector<16xi32>], vector<16xf32>,
      %mul3A_372 = arith.constant 256 : i32
      %mul3A_373 = arith.muli %scan3A_354, %mul3A_372 : i32
      %add3A_374 = vector.broadcast %mul3A_373 : i32 to vector<16xi32>
      %add3A_375 = arith.addi %add3A_265, %add3A_374 : vector<16xi32>
      tpu.vector_store_idx %arg18[%add3A_375], %gather3A_367 : memref<8192xf32, #tpu.memory_space<vmem>>[vector<16xi32>], vector<16xf32>,
      %add3A_376 = arith.constant 1 : i32
      %add3A_377 = vector.broadcast %add3A_376 : i32 to vector<16xi32>
      %add3A_378 = arith.addi %add3A_375, %add3A_377 : vector<16xi32>
      tpu.vector_store_idx %arg18[%add3A_378], %gather3A_371 : memref<8192xf32, #tpu.memory_space<vmem>>[vector<16xi32>], vector<16xf32>,
      %scan3A_379 = arith.constant 0 : i32
      %scan3A_380 = arith.constant 3 : i32
      %scan3A_381 = arith.addi %scan3A_301, %scan3A_380 : i32
      %mul3A_382 = arith.constant 16 : i32
      %mul3A_383 = arith.muli %scan3A_381, %mul3A_382 : i32
      %get3A_384 = arith.constant 5 : i32
      %get3A_385 = arith.index_cast %get3A_384 : i32 to index
      %get3A_386 = arith.index_cast %mul3A_383 : i32 to index
      %get3A_387 = tpu.vector_load %arg17[%get3A_385, %get3A_386] {strides = array<i32>} : memref<8x512xi32, #tpu.memory_space<vmem>>, vector<16xi32>,
      %add3A_388 = arith.constant 1280 : i32
      %add3A_389 = vector.broadcast %add3A_388 : i32 to vector<16xi32>
      %add3A_390 = arith.addi %get3A_387, %add3A_389 : vector<16xi32>
      %mul3A_391 = arith.constant 2 : i32
      %mul3A_392 = vector.broadcast %mul3A_391 : i32 to vector<16xi32>
      %mul3A_393 = arith.muli %add3A_390, %mul3A_392 : vector<16xi32>
      %gather3A_394 = tpu.vector_load_idx %arg16[%mul3A_393] : memref<4096xf32, #tpu.memory_space<vmem>>[vector<16xi32>], vector<16xf32>,
      %add3A_395 = arith.constant 1 : i32
      %add3A_396 = vector.broadcast %add3A_395 : i32 to vector<16xi32>
      %add3A_397 = arith.addi %mul3A_393, %add3A_396 : vector<16xi32>
      %gather3A_398 = tpu.vector_load_idx %arg16[%add3A_397] : memref<4096xf32, #tpu.memory_space<vmem>>[vector<16xi32>], vector<16xf32>,
      %mul3A_399 = arith.constant 256 : i32
      %mul3A_400 = arith.muli %scan3A_381, %mul3A_399 : i32
      %add3A_401 = vector.broadcast %mul3A_400 : i32 to vector<16xi32>
      %add3A_402 = arith.addi %add3A_265, %add3A_401 : vector<16xi32>
      tpu.vector_store_idx %arg18[%add3A_402], %gather3A_394 : memref<8192xf32, #tpu.memory_space<vmem>>[vector<16xi32>], vector<16xf32>,
      %add3A_403 = arith.constant 1 : i32
      %add3A_404 = vector.broadcast %add3A_403 : i32 to vector<16xi32>
      %add3A_405 = arith.addi %add3A_402, %add3A_404 : vector<16xi32>
      tpu.vector_store_idx %arg18[%add3A_405], %gather3A_398 : memref<8192xf32, #tpu.memory_space<vmem>>[vector<16xi32>], vector<16xf32>,
      %scan3A_406 = arith.constant 0 : i32
      scf.yield %scan3A_406 : i32
    }
    %scan3A_272 = arith.constant 32 : i32
    %mul3A_273 = arith.constant 16 : i32
    %mul3A_274 = vector.broadcast %mul3A_273 : i32 to vector<16xi32>
    %mul3A_275 = arith.muli %iota3A, %mul3A_274 : vector<16xi32>
    %add3A_276 = arith.constant 12 : i32
    %add3A_277 = vector.broadcast %add3A_276 : i32 to vector<16xi32>
    %add3A_278 = arith.addi %mul3A_275, %add3A_277 : vector<16xi32>
    %scan3A_279 = arith.constant 0 : i32
    %scan3A_280 = arith.constant 0 : i32
    %scan3A_281 = arith.constant 32 : i32
    %scan3A_282 = arith.addi %scan3A_280, %scan3A_281 : i32
    %scan3A_283 = arith.constant 4 : i32
    %scan3A_284 = scf.for %scan3A_301 = %scan3A_280 to %scan3A_282 step %scan3A_283 iter_args(%scan3A_302 = %scan3A_279) -> (i32)  : i32 {
      %mul3A_303 = arith.constant 16 : i32
      %mul3A_304 = arith.muli %scan3A_301, %mul3A_303 : i32
      %get3A = arith.constant 6 : i32
      %get3A_305 = arith.index_cast %get3A : i32 to index
      %get3A_306 = arith.index_cast %mul3A_304 : i32 to index
      %get3A_307 = tpu.vector_load %arg17[%get3A_305, %get3A_306] {strides = array<i32>} : memref<8x512xi32, #tpu.memory_space<vmem>>, vector<16xi32>,
      %add3A_308 = arith.constant 1536 : i32
      %add3A_309 = vector.broadcast %add3A_308 : i32 to vector<16xi32>
      %add3A_310 = arith.addi %get3A_307, %add3A_309 : vector<16xi32>
      %mul3A_311 = arith.constant 2 : i32
      %mul3A_312 = vector.broadcast %mul3A_311 : i32 to vector<16xi32>
      %mul3A_313 = arith.muli %add3A_310, %mul3A_312 : vector<16xi32>
      %gather3A = tpu.vector_load_idx %arg16[%mul3A_313] : memref<4096xf32, #tpu.memory_space<vmem>>[vector<16xi32>], vector<16xf32>,
      %add3A_314 = arith.constant 1 : i32
      %add3A_315 = vector.broadcast %add3A_314 : i32 to vector<16xi32>
      %add3A_316 = arith.addi %mul3A_313, %add3A_315 : vector<16xi32>
      %gather3A_317 = tpu.vector_load_idx %arg16[%add3A_316] : memref<4096xf32, #tpu.memory_space<vmem>>[vector<16xi32>], vector<16xf32>,
      %mul3A_318 = arith.constant 256 : i32
      %mul3A_319 = arith.muli %scan3A_301, %mul3A_318 : i32
      %add3A_320 = vector.broadcast %mul3A_319 : i32 to vector<16xi32>
      %add3A_321 = arith.addi %add3A_278, %add3A_320 : vector<16xi32>
      tpu.vector_store_idx %arg18[%add3A_321], %gather3A : memref<8192xf32, #tpu.memory_space<vmem>>[vector<16xi32>], vector<16xf32>,
      %add3A_322 = arith.constant 1 : i32
      %add3A_323 = vector.broadcast %add3A_322 : i32 to vector<16xi32>
      %add3A_324 = arith.addi %add3A_321, %add3A_323 : vector<16xi32>
      tpu.vector_store_idx %arg18[%add3A_324], %gather3A_317 : memref<8192xf32, #tpu.memory_space<vmem>>[vector<16xi32>], vector<16xf32>,
      %scan3A_325 = arith.constant 0 : i32
      %scan3A_326 = arith.constant 1 : i32
      %scan3A_327 = arith.addi %scan3A_301, %scan3A_326 : i32
      %mul3A_328 = arith.constant 16 : i32
      %mul3A_329 = arith.muli %scan3A_327, %mul3A_328 : i32
      %get3A_330 = arith.constant 6 : i32
      %get3A_331 = arith.index_cast %get3A_330 : i32 to index
      %get3A_332 = arith.index_cast %mul3A_329 : i32 to index
      %get3A_333 = tpu.vector_load %arg17[%get3A_331, %get3A_332] {strides = array<i32>} : memref<8x512xi32, #tpu.memory_space<vmem>>, vector<16xi32>,
      %add3A_334 = arith.constant 1536 : i32
      %add3A_335 = vector.broadcast %add3A_334 : i32 to vector<16xi32>
      %add3A_336 = arith.addi %get3A_333, %add3A_335 : vector<16xi32>
      %mul3A_337 = arith.constant 2 : i32
      %mul3A_338 = vector.broadcast %mul3A_337 : i32 to vector<16xi32>
      %mul3A_339 = arith.muli %add3A_336, %mul3A_338 : vector<16xi32>
      %gather3A_340 = tpu.vector_load_idx %arg16[%mul3A_339] : memref<4096xf32, #tpu.memory_space<vmem>>[vector<16xi32>], vector<16xf32>,
      %add3A_341 = arith.constant 1 : i32
      %add3A_342 = vector.broadcast %add3A_341 : i32 to vector<16xi32>
      %add3A_343 = arith.addi %mul3A_339, %add3A_342 : vector<16xi32>
      %gather3A_344 = tpu.vector_load_idx %arg16[%add3A_343] : memref<4096xf32, #tpu.memory_space<vmem>>[vector<16xi32>], vector<16xf32>,
      %mul3A_345 = arith.constant 256 : i32
      %mul3A_346 = arith.muli %scan3A_327, %mul3A_345 : i32
      %add3A_347 = vector.broadcast %mul3A_346 : i32 to vector<16xi32>
      %add3A_348 = arith.addi %add3A_278, %add3A_347 : vector<16xi32>
      tpu.vector_store_idx %arg18[%add3A_348], %gather3A_340 : memref<8192xf32, #tpu.memory_space<vmem>>[vector<16xi32>], vector<16xf32>,
      %add3A_349 = arith.constant 1 : i32
      %add3A_350 = vector.broadcast %add3A_349 : i32 to vector<16xi32>
      %add3A_351 = arith.addi %add3A_348, %add3A_350 : vector<16xi32>
      tpu.vector_store_idx %arg18[%add3A_351], %gather3A_344 : memref<8192xf32, #tpu.memory_space<vmem>>[vector<16xi32>], vector<16xf32>,
      %scan3A_352 = arith.constant 0 : i32
      %scan3A_353 = arith.constant 2 : i32
      %scan3A_354 = arith.addi %scan3A_301, %scan3A_353 : i32
      %mul3A_355 = arith.constant 16 : i32
      %mul3A_356 = arith.muli %scan3A_354, %mul3A_355 : i32
      %get3A_357 = arith.constant 6 : i32
      %get3A_358 = arith.index_cast %get3A_357 : i32 to index
      %get3A_359 = arith.index_cast %mul3A_356 : i32 to index
      %get3A_360 = tpu.vector_load %arg17[%get3A_358, %get3A_359] {strides = array<i32>} : memref<8x512xi32, #tpu.memory_space<vmem>>, vector<16xi32>,
      %add3A_361 = arith.constant 1536 : i32
      %add3A_362 = vector.broadcast %add3A_361 : i32 to vector<16xi32>
      %add3A_363 = arith.addi %get3A_360, %add3A_362 : vector<16xi32>
      %mul3A_364 = arith.constant 2 : i32
      %mul3A_365 = vector.broadcast %mul3A_364 : i32 to vector<16xi32>
      %mul3A_366 = arith.muli %add3A_363, %mul3A_365 : vector<16xi32>
      %gather3A_367 = tpu.vector_load_idx %arg16[%mul3A_366] : memref<4096xf32, #tpu.memory_space<vmem>>[vector<16xi32>], vector<16xf32>,
      %add3A_368 = arith.constant 1 : i32
      %add3A_369 = vector.broadcast %add3A_368 : i32 to vector<16xi32>
      %add3A_370 = arith.addi %mul3A_366, %add3A_369 : vector<16xi32>
      %gather3A_371 = tpu.vector_load_idx %arg16[%add3A_370] : memref<4096xf32, #tpu.memory_space<vmem>>[vector<16xi32>], vector<16xf32>,
      %mul3A_372 = arith.constant 256 : i32
      %mul3A_373 = arith.muli %scan3A_354, %mul3A_372 : i32
      %add3A_374 = vector.broadcast %mul3A_373 : i32 to vector<16xi32>
      %add3A_375 = arith.addi %add3A_278, %add3A_374 : vector<16xi32>
      tpu.vector_store_idx %arg18[%add3A_375], %gather3A_367 : memref<8192xf32, #tpu.memory_space<vmem>>[vector<16xi32>], vector<16xf32>,
      %add3A_376 = arith.constant 1 : i32
      %add3A_377 = vector.broadcast %add3A_376 : i32 to vector<16xi32>
      %add3A_378 = arith.addi %add3A_375, %add3A_377 : vector<16xi32>
      tpu.vector_store_idx %arg18[%add3A_378], %gather3A_371 : memref<8192xf32, #tpu.memory_space<vmem>>[vector<16xi32>], vector<16xf32>,
      %scan3A_379 = arith.constant 0 : i32
      %scan3A_380 = arith.constant 3 : i32
      %scan3A_381 = arith.addi %scan3A_301, %scan3A_380 : i32
      %mul3A_382 = arith.constant 16 : i32
      %mul3A_383 = arith.muli %scan3A_381, %mul3A_382 : i32
      %get3A_384 = arith.constant 6 : i32
      %get3A_385 = arith.index_cast %get3A_384 : i32 to index
      %get3A_386 = arith.index_cast %mul3A_383 : i32 to index
      %get3A_387 = tpu.vector_load %arg17[%get3A_385, %get3A_386] {strides = array<i32>} : memref<8x512xi32, #tpu.memory_space<vmem>>, vector<16xi32>,
      %add3A_388 = arith.constant 1536 : i32
      %add3A_389 = vector.broadcast %add3A_388 : i32 to vector<16xi32>
      %add3A_390 = arith.addi %get3A_387, %add3A_389 : vector<16xi32>
      %mul3A_391 = arith.constant 2 : i32
      %mul3A_392 = vector.broadcast %mul3A_391 : i32 to vector<16xi32>
      %mul3A_393 = arith.muli %add3A_390, %mul3A_392 : vector<16xi32>
      %gather3A_394 = tpu.vector_load_idx %arg16[%mul3A_393] : memref<4096xf32, #tpu.memory_space<vmem>>[vector<16xi32>], vector<16xf32>,
      %add3A_395 = arith.constant 1 : i32
      %add3A_396 = vector.broadcast %add3A_395 : i32 to vector<16xi32>
      %add3A_397 = arith.addi %mul3A_393, %add3A_396 : vector<16xi32>
      %gather3A_398 = tpu.vector_load_idx %arg16[%add3A_397] : memref<4096xf32, #tpu.memory_space<vmem>>[vector<16xi32>], vector<16xf32>,
      %mul3A_399 = arith.constant 256 : i32
      %mul3A_400 = arith.muli %scan3A_381, %mul3A_399 : i32
      %add3A_401 = vector.broadcast %mul3A_400 : i32 to vector<16xi32>
      %add3A_402 = arith.addi %add3A_278, %add3A_401 : vector<16xi32>
      tpu.vector_store_idx %arg18[%add3A_402], %gather3A_394 : memref<8192xf32, #tpu.memory_space<vmem>>[vector<16xi32>], vector<16xf32>,
      %add3A_403 = arith.constant 1 : i32
      %add3A_404 = vector.broadcast %add3A_403 : i32 to vector<16xi32>
      %add3A_405 = arith.addi %add3A_402, %add3A_404 : vector<16xi32>
      tpu.vector_store_idx %arg18[%add3A_405], %gather3A_398 : memref<8192xf32, #tpu.memory_space<vmem>>[vector<16xi32>], vector<16xf32>,
      %scan3A_406 = arith.constant 0 : i32
      scf.yield %scan3A_406 : i32
    }
    %scan3A_285 = arith.constant 32 : i32
    %mul3A_286 = arith.constant 16 : i32
    %mul3A_287 = vector.broadcast %mul3A_286 : i32 to vector<16xi32>
    %mul3A_288 = arith.muli %iota3A, %mul3A_287 : vector<16xi32>
    %add3A_289 = arith.constant 14 : i32
    %add3A_290 = vector.broadcast %add3A_289 : i32 to vector<16xi32>
    %add3A_291 = arith.addi %mul3A_288, %add3A_290 : vector<16xi32>
    %scan3A_292 = arith.constant 0 : i32
    %scan3A_293 = arith.constant 0 : i32
    %scan3A_294 = arith.constant 32 : i32
    %scan3A_295 = arith.addi %scan3A_293, %scan3A_294 : i32
    %scan3A_296 = arith.constant 4 : i32
    %scan3A_297 = scf.for %scan3A_301 = %scan3A_293 to %scan3A_295 step %scan3A_296 iter_args(%scan3A_302 = %scan3A_292) -> (i32)  : i32 {
      %mul3A_303 = arith.constant 16 : i32
      %mul3A_304 = arith.muli %scan3A_301, %mul3A_303 : i32
      %get3A = arith.constant 7 : i32
      %get3A_305 = arith.index_cast %get3A : i32 to index
      %get3A_306 = arith.index_cast %mul3A_304 : i32 to index
      %get3A_307 = tpu.vector_load %arg17[%get3A_305, %get3A_306] {strides = array<i32>} : memref<8x512xi32, #tpu.memory_space<vmem>>, vector<16xi32>,
      %add3A_308 = arith.constant 1792 : i32
      %add3A_309 = vector.broadcast %add3A_308 : i32 to vector<16xi32>
      %add3A_310 = arith.addi %get3A_307, %add3A_309 : vector<16xi32>
      %mul3A_311 = arith.constant 2 : i32
      %mul3A_312 = vector.broadcast %mul3A_311 : i32 to vector<16xi32>
      %mul3A_313 = arith.muli %add3A_310, %mul3A_312 : vector<16xi32>
      %gather3A = tpu.vector_load_idx %arg16[%mul3A_313] : memref<4096xf32, #tpu.memory_space<vmem>>[vector<16xi32>], vector<16xf32>,
      %add3A_314 = arith.constant 1 : i32
      %add3A_315 = vector.broadcast %add3A_314 : i32 to vector<16xi32>
      %add3A_316 = arith.addi %mul3A_313, %add3A_315 : vector<16xi32>
      %gather3A_317 = tpu.vector_load_idx %arg16[%add3A_316] : memref<4096xf32, #tpu.memory_space<vmem>>[vector<16xi32>], vector<16xf32>,
      %mul3A_318 = arith.constant 256 : i32
      %mul3A_319 = arith.muli %scan3A_301, %mul3A_318 : i32
      %add3A_320 = vector.broadcast %mul3A_319 : i32 to vector<16xi32>
      %add3A_321 = arith.addi %add3A_291, %add3A_320 : vector<16xi32>
      tpu.vector_store_idx %arg18[%add3A_321], %gather3A : memref<8192xf32, #tpu.memory_space<vmem>>[vector<16xi32>], vector<16xf32>,
      %add3A_322 = arith.constant 1 : i32
      %add3A_323 = vector.broadcast %add3A_322 : i32 to vector<16xi32>
      %add3A_324 = arith.addi %add3A_321, %add3A_323 : vector<16xi32>
      tpu.vector_store_idx %arg18[%add3A_324], %gather3A_317 : memref<8192xf32, #tpu.memory_space<vmem>>[vector<16xi32>], vector<16xf32>,
      %scan3A_325 = arith.constant 0 : i32
      %scan3A_326 = arith.constant 1 : i32
      %scan3A_327 = arith.addi %scan3A_301, %scan3A_326 : i32
      %mul3A_328 = arith.constant 16 : i32
      %mul3A_329 = arith.muli %scan3A_327, %mul3A_328 : i32
      %get3A_330 = arith.constant 7 : i32
      %get3A_331 = arith.index_cast %get3A_330 : i32 to index
      %get3A_332 = arith.index_cast %mul3A_329 : i32 to index
      %get3A_333 = tpu.vector_load %arg17[%get3A_331, %get3A_332] {strides = array<i32>} : memref<8x512xi32, #tpu.memory_space<vmem>>, vector<16xi32>,
      %add3A_334 = arith.constant 1792 : i32
      %add3A_335 = vector.broadcast %add3A_334 : i32 to vector<16xi32>
      %add3A_336 = arith.addi %get3A_333, %add3A_335 : vector<16xi32>
      %mul3A_337 = arith.constant 2 : i32
      %mul3A_338 = vector.broadcast %mul3A_337 : i32 to vector<16xi32>
      %mul3A_339 = arith.muli %add3A_336, %mul3A_338 : vector<16xi32>
      %gather3A_340 = tpu.vector_load_idx %arg16[%mul3A_339] : memref<4096xf32, #tpu.memory_space<vmem>>[vector<16xi32>], vector<16xf32>,
      %add3A_341 = arith.constant 1 : i32
      %add3A_342 = vector.broadcast %add3A_341 : i32 to vector<16xi32>
      %add3A_343 = arith.addi %mul3A_339, %add3A_342 : vector<16xi32>
      %gather3A_344 = tpu.vector_load_idx %arg16[%add3A_343] : memref<4096xf32, #tpu.memory_space<vmem>>[vector<16xi32>], vector<16xf32>,
      %mul3A_345 = arith.constant 256 : i32
      %mul3A_346 = arith.muli %scan3A_327, %mul3A_345 : i32
      %add3A_347 = vector.broadcast %mul3A_346 : i32 to vector<16xi32>
      %add3A_348 = arith.addi %add3A_291, %add3A_347 : vector<16xi32>
      tpu.vector_store_idx %arg18[%add3A_348], %gather3A_340 : memref<8192xf32, #tpu.memory_space<vmem>>[vector<16xi32>], vector<16xf32>,
      %add3A_349 = arith.constant 1 : i32
      %add3A_350 = vector.broadcast %add3A_349 : i32 to vector<16xi32>
      %add3A_351 = arith.addi %add3A_348, %add3A_350 : vector<16xi32>
      tpu.vector_store_idx %arg18[%add3A_351], %gather3A_344 : memref<8192xf32, #tpu.memory_space<vmem>>[vector<16xi32>], vector<16xf32>,
      %scan3A_352 = arith.constant 0 : i32
      %scan3A_353 = arith.constant 2 : i32
      %scan3A_354 = arith.addi %scan3A_301, %scan3A_353 : i32
      %mul3A_355 = arith.constant 16 : i32
      %mul3A_356 = arith.muli %scan3A_354, %mul3A_355 : i32
      %get3A_357 = arith.constant 7 : i32
      %get3A_358 = arith.index_cast %get3A_357 : i32 to index
      %get3A_359 = arith.index_cast %mul3A_356 : i32 to index
      %get3A_360 = tpu.vector_load %arg17[%get3A_358, %get3A_359] {strides = array<i32>} : memref<8x512xi32, #tpu.memory_space<vmem>>, vector<16xi32>,
      %add3A_361 = arith.constant 1792 : i32
      %add3A_362 = vector.broadcast %add3A_361 : i32 to vector<16xi32>
      %add3A_363 = arith.addi %get3A_360, %add3A_362 : vector<16xi32>
      %mul3A_364 = arith.constant 2 : i32
      %mul3A_365 = vector.broadcast %mul3A_364 : i32 to vector<16xi32>
      %mul3A_366 = arith.muli %add3A_363, %mul3A_365 : vector<16xi32>
      %gather3A_367 = tpu.vector_load_idx %arg16[%mul3A_366] : memref<4096xf32, #tpu.memory_space<vmem>>[vector<16xi32>], vector<16xf32>,
      %add3A_368 = arith.constant 1 : i32
      %add3A_369 = vector.broadcast %add3A_368 : i32 to vector<16xi32>
      %add3A_370 = arith.addi %mul3A_366, %add3A_369 : vector<16xi32>
      %gather3A_371 = tpu.vector_load_idx %arg16[%add3A_370] : memref<4096xf32, #tpu.memory_space<vmem>>[vector<16xi32>], vector<16xf32>,
      %mul3A_372 = arith.constant 256 : i32
      %mul3A_373 = arith.muli %scan3A_354, %mul3A_372 : i32
      %add3A_374 = vector.broadcast %mul3A_373 : i32 to vector<16xi32>
      %add3A_375 = arith.addi %add3A_291, %add3A_374 : vector<16xi32>
      tpu.vector_store_idx %arg18[%add3A_375], %gather3A_367 : memref<8192xf32, #tpu.memory_space<vmem>>[vector<16xi32>], vector<16xf32>,
      %add3A_376 = arith.constant 1 : i32
      %add3A_377 = vector.broadcast %add3A_376 : i32 to vector<16xi32>
      %add3A_378 = arith.addi %add3A_375, %add3A_377 : vector<16xi32>
      tpu.vector_store_idx %arg18[%add3A_378], %gather3A_371 : memref<8192xf32, #tpu.memory_space<vmem>>[vector<16xi32>], vector<16xf32>,
      %scan3A_379 = arith.constant 0 : i32
      %scan3A_380 = arith.constant 3 : i32
      %scan3A_381 = arith.addi %scan3A_301, %scan3A_380 : i32
      %mul3A_382 = arith.constant 16 : i32
      %mul3A_383 = arith.muli %scan3A_381, %mul3A_382 : i32
      %get3A_384 = arith.constant 7 : i32
      %get3A_385 = arith.index_cast %get3A_384 : i32 to index
      %get3A_386 = arith.index_cast %mul3A_383 : i32 to index
      %get3A_387 = tpu.vector_load %arg17[%get3A_385, %get3A_386] {strides = array<i32>} : memref<8x512xi32, #tpu.memory_space<vmem>>, vector<16xi32>,
      %add3A_388 = arith.constant 1792 : i32
      %add3A_389 = vector.broadcast %add3A_388 : i32 to vector<16xi32>
      %add3A_390 = arith.addi %get3A_387, %add3A_389 : vector<16xi32>
      %mul3A_391 = arith.constant 2 : i32
      %mul3A_392 = vector.broadcast %mul3A_391 : i32 to vector<16xi32>
      %mul3A_393 = arith.muli %add3A_390, %mul3A_392 : vector<16xi32>
      %gather3A_394 = tpu.vector_load_idx %arg16[%mul3A_393] : memref<4096xf32, #tpu.memory_space<vmem>>[vector<16xi32>], vector<16xf32>,
      %add3A_395 = arith.constant 1 : i32
      %add3A_396 = vector.broadcast %add3A_395 : i32 to vector<16xi32>
      %add3A_397 = arith.addi %mul3A_393, %add3A_396 : vector<16xi32>
      %gather3A_398 = tpu.vector_load_idx %arg16[%add3A_397] : memref<4096xf32, #tpu.memory_space<vmem>>[vector<16xi32>], vector<16xf32>,
      %mul3A_399 = arith.constant 256 : i32
      %mul3A_400 = arith.muli %scan3A_381, %mul3A_399 : i32
      %add3A_401 = vector.broadcast %mul3A_400 : i32 to vector<16xi32>
      %add3A_402 = arith.addi %add3A_291, %add3A_401 : vector<16xi32>
      tpu.vector_store_idx %arg18[%add3A_402], %gather3A_394 : memref<8192xf32, #tpu.memory_space<vmem>>[vector<16xi32>], vector<16xf32>,
      %add3A_403 = arith.constant 1 : i32
      %add3A_404 = vector.broadcast %add3A_403 : i32 to vector<16xi32>
      %add3A_405 = arith.addi %add3A_402, %add3A_404 : vector<16xi32>
      tpu.vector_store_idx %arg18[%add3A_405], %gather3A_398 : memref<8192xf32, #tpu.memory_space<vmem>>[vector<16xi32>], vector<16xf32>,
      %scan3A_406 = arith.constant 0 : i32
      scf.yield %scan3A_406 : i32
    }
    %scan3A_298 = arith.constant 32 : i32
    %mul3A_299 = arith.constant 16 : i32
    %mul3A_300 = arith.muli %mul3A_2, %mul3A_299 : i32
    "tpu.region"() ({
      %run_scoped3A = tpu.sem_alloc : memref<!tpu.dma_semaphore, #tpu.memory_space<semaphore_mem>>
      %dma_start3A_301 = tpu.memref_slice %arg12[%mul3A_300] : memref<262144xf32, #tpu.memory_space<hbm>> -> memref<8192xf32, #tpu.memory_space<hbm>>
      %dma_start3A_302 = tpu.memref_slice %arg12[%mul3A_300] : memref<262144xf32, #tpu.memory_space<hbm>> -> memref<8192xf32, #tpu.memory_space<hbm>>
      tpu.enqueue_dma source(%arg18 : memref<8192xf32, #tpu.memory_space<vmem>>) target(%dma_start3A_302 : memref<8192xf32, #tpu.memory_space<hbm>>) target_semaphore(%run_scoped3A : memref<!tpu.dma_semaphore, #tpu.memory_space<semaphore_mem>>)
      %dma_wait3A_303 = tpu.memref_slice %arg12[%mul3A_300] : memref<262144xf32, #tpu.memory_space<hbm>> -> memref<8192xf32, #tpu.memory_space<hbm>>
      %dma_wait3A_304 = tpu.memref_slice %arg12[%mul3A_300] : memref<262144xf32, #tpu.memory_space<hbm>> -> memref<8192xf32, #tpu.memory_space<hbm>>
      tpu.wait_dma2 semaphore(%run_scoped3A : memref<!tpu.dma_semaphore, #tpu.memory_space<semaphore_mem>>) src(%arg18 : memref<8192xf32, #tpu.memory_space<vmem>>) dst(%dma_wait3A_304 : memref<8192xf32, #tpu.memory_space<hbm>>)
      tpu.yield
    }) : () -> ()
    return
  }
}

</mosaic_0001>

<sc_bundles>
// kernel: kernel.3.cloned.1.call-start
scs
__scs_entry_jumppad:
0x0: {  	(pc) =	sbr.rel $0x88, $3  }
0x1: {  	(tag) =	ssettag $0x0;
	lr =	simm.s32 $0x1  }
0x2: {  	[smem:$0x3F83] =	sst lr;
	_ =	strace $0xD0000000  }
0x3: {  	_ = 	snop  }
0x4: {  	_ = 	snop  }
0x5: {  	_ = 	snop  }
0x6: {  	_ = 	snop  }
0x7: {  	_ = 	snop  }
__scs_overlays_trampoline_lowered:
0x8: {  	[smem:$0x3F92] =	sst s0  }
0x9: {  	[smem:$0x3F93] =	sst s1  }
0xa: {  	[smem:$0x3F94] =	sst s2  }
0xb: {  	[smem:$0x3F95] =	sst s3  }
0xc: {  	[smem:$0x3F96] =	sst s4  }
0xd: {  	[smem:$0x3F97] =	sst s5  }
0xe: {  	[smem:$0x3F98] =	sst s6  }
0xf: {  	[smem:$0x3F99] =	sst s7  }
0x10: {  	[smem:$0x3F9A] =	sst s8  }
0x11: {  	[smem:$0x3F9B] =	sst s9;
	s0 =	simm.s32 @!p0 $0x0  }
0x12: {  	s1 =	sld [smem:$0x3F81];
	s0 =	simm.s32 @p0 $0x1  }
0x13: {  	[smem:$0x3F9C] =	sst s0;
	s0 =	simm.s32 @!p1 $0x0  }
0x14: {  	s2 =	sld [smem:$0x3F80];
	s0 =	simm.s32 @p1 $0x1  }
0x15: {  	[smem:$0x3F9D] =	sst s0;
	s0 =	simm.s32 @!p2 $0x0  }
0x16: {  	s3 =	sld [smem:$0x3FDB];
	s0 =	simm.s32 @p2 $0x1  }
0x17: {  	s4 =	simm.s32 $0x1BF5;
	[smem:$0x3F9F] =	sst s0  }
0x18: {  	s0 =	sld [smem:$0x3F82];
	_ =	swait.ge [sflag:s4], $0x0  }
0x19: {  	s7 =	sld [smem:$0x3F83]  }
0x1a: {  	s8 =	sadd.s32 $0xFFFFE003, lr  }
0x1b: {  	s9 =	sadd.s32 $0xFFFFFEF7, lr;
	s5 =	simm.s32 $0xFFFFFFFF;
	p2 =	slt.u32 s8, $0xFFFFF086  }
0x1c: {  	p1 =	slt.u32 s9, $0xF7A;
	s5 =	simm.s32 @!p2 $0x0  }
0x1d: {  	s5 =	simm.s32 @p1 $0x1;
	p0 =	seq.s32 s7, s2  }
0x1e: {  	s7 =	smul.u32 @!p0 $0xF7A, s2;
	p2 =	seq.s32 @!p0 s5, $0x0  }
0x1f: {  	s9 =	smul.u32 $0xF7A, s1;
	s8 =	simm.s32 @!p0 $0x1BF5;
	p2 =	por !p2, p0  }
0x20: {  	[sflag:s8] =	ssyncset.s32 @!p0 $0xFFFFF086;
	s6 =	sadd.s32 @!p0 s3, s7;
	s7 =	simm.s32 @!p0 $0x108  }
0x21: {  	s3 =	sadd.s32 s3, s9;
	s6 =	sadd.s32 @!p0 $0x88, s6;
	s7 =	simm.s32 @p2 $0x1082  }
0x22: {  	[simem:s7], [sflag:s8] =	dma.local @!p0 [hbm:s6], $0xF7A  }
0x23: {  	s9 =	sor.u32 $0xD0000000, s2;
	s6 =	simm.s32 $0x108;
	_ =	swait.ge @!p0 [sflag:s8], $0x0  }
0x24: {  	s3 =	sadd.s32 $0x88, s3;
	s6 =	simm.s32 @!p1 $0x1082;
	[sflag:s4] =	ssyncset.s32 $0xFFFFF086  }
0x25: {  	[simem:s6], [sflag:s4] =	dma.local [hbm:s3], $0xF7A  }
0x26: {  	[smem:$0x3F83] =	sst s1;
	(tag) =	ssettag s2;
	_ =	strace s9  }
0x27: {  	s1 =	sld [smem:$0x3F93]  }
0x28: {  	s2 =	sld [smem:$0x3F94]  }
0x29: {  	s4 =	sld [smem:$0x3F96]  }
0x2a: {  	p0 =	seq.s32 s5, $0x0;
	s5 =	sld [smem:$0x3F97]  }
0x2b: {  	s6 =	sld [smem:$0x3F98]  }
0x2c: {  	s7 =	sld [smem:$0x3F99]  }
0x2d: {  	s3 =	simm.s32 $0x108;
	s8 =	sld [smem:$0x3F9A]  }
0x2e: {  	s3 =	simm.s32 @!p0 $0x1082;
	s9 =	sld [smem:$0x3F9B]  }
0x2f: {  	lr =	sadd.s32 s0, s3;
	s0 =	sld [smem:$0x3F92]  }
0x30: {  	s3 =	sld [smem:$0x3F95]  }
0x31: {  	[smem:$0x3F9E] =	sst s10  }
0x32: {  	s10 =	sld [smem:$0x3F9C];
	_ =	sdelay $0x3  }
0x33: {  	p0 =	seq.s32 s10, $0x1;
	s10 =	sld [smem:$0x3F9E];
	_ =	sdelay $0x3  }
0x34: {  	[smem:$0x3F9E] =	sst s10  }
0x35: {  	s10 =	sld [smem:$0x3F9D];
	_ =	sdelay $0x3  }
0x36: {  	p1 =	seq.s32 s10, $0x1;
	s10 =	sld [smem:$0x3F9E];
	_ =	sdelay $0x3  }
0x37: {  	[smem:$0x3F9E] =	sst s10  }
0x38: {  	s10 =	sld [smem:$0x3F9F]  }
0x39: {  	_ = 	snop;
	(pc) =	sbr.ind lr, $3  }
0x3a: {  	_ = 	snop  }
0x3b: {  	_ = 	snop  }
0x3c: {  	p2 =	seq.s32 s10, $0x1;
	s10 =	sld [smem:$0x3F9E]  }
0x3d: {  	_ =	shalt  }
0x3e: {  	_ =	shalt  }
0x3f: {  	_ =	shalt  }
0x40: {  	_ =	shalt  }
0x41: {  	_ =	shalt  }
0x42: {  	_ =	shalt  }
0x43: {  	_ =	shalt  }
0x44: {  	_ =	shalt  }
0x45: {  	_ =	shalt  }
0x46: {  	_ =	shalt  }
0x47: {  	_ =	shalt  }
0x48: {  	_ =	shalt  }
0x49: {  	_ =	shalt  }
0x4a: {  	_ =	shalt  }
0x4b: {  	_ =	shalt  }
0x4c: {  	_ =	shalt  }
0x4d: {  	_ =	shalt  }
0x4e: {  	_ =	shalt  }
0x4f: {  	_ =	shalt  }
0x50: {  	_ =	shalt  }
0x51: {  	_ =	shalt  }
0x52: {  	_ =	shalt  }
0x53: {  	_ =	shalt  }
0x54: {  	_ =	shalt  }
0x55: {  	_ =	shalt  }
0x56: {  	_ =	shalt  }
0x57: {  	_ =	shalt  }
0x58: {  	_ =	shalt  }
0x59: {  	_ =	shalt  }
0x5a: {  	_ =	shalt  }
0x5b: {  	_ =	shalt  }
0x5c: {  	_ =	shalt  }
0x5d: {  	_ =	shalt  }
0x5e: {  	_ =	shalt  }
0x5f: {  	_ =	shalt  }
0x60: {  	_ =	shalt  }
0x61: {  	_ =	shalt  }
0x62: {  	_ =	shalt  }
0x63: {  	_ =	shalt  }
0x64: {  	_ =	shalt  }
0x65: {  	_ =	shalt  }
0x66: {  	_ =	shalt  }
0x67: {  	_ =	shalt  }
0x68: {  	_ =	shalt  }
0x69: {  	_ =	shalt  }
0x6a: {  	_ =	shalt  }
0x6b: {  	_ =	shalt  }
0x6c: {  	_ =	shalt  }
0x6d: {  	_ =	shalt  }
0x6e: {  	_ =	shalt  }
0x6f: {  	_ =	shalt  }
0x70: {  	_ =	shalt  }
0x71: {  	_ =	shalt  }
0x72: {  	_ =	shalt  }
0x73: {  	_ =	shalt  }
0x74: {  	_ =	shalt  }
0x75: {  	_ =	shalt  }
0x76: {  	_ =	shalt  }
0x77: {  	_ =	shalt  }
0x78: {  	_ =	shalt  }
0x79: {  	_ =	shalt  }
0x7a: {  	_ =	shalt  }
0x7b: {  	_ =	shalt  }
0x7c: {  	_ =	shalt  }
0x7d: {  	_ =	shalt  }
0x7e: {  	_ =	shalt  }
0x7f: {  	_ =	shalt  }
0x80: {  	_ =	shalt  }
0x81: {  	_ =	shalt  }
0x82: {  	_ =	shalt  }
0x83: {  	_ =	shalt  }
0x84: {  	_ =	shalt  }
0x85: {  	_ =	shalt  }
0x86: {  	_ =	shalt  }
0x87: {  	_ =	shalt  }
.Lfunc_end0:
.L_simem_size_0:
called_computation_lowered:
.L_overlay_start_0:
0x88: {  	s2 =	sld [smem:$0x3FD9]  }
0x89: {  	s3 =	sld [smem:$0x3FFE];
	_ =	sdelay $0x1  }
0x8a: {  	s1 =	srdreg.scid  }
0x8b: {  	s0 =	sand.u32 $0x1, s1  }
0x8c: {  	s17 =	sshll.u32 s0, $0xA;
	s2 =	sadd.s32 s3, s2  }
0x8d: {  	s2 =	sadd.s32 s2, s17  }
0x8e: {  	[smem:$0x3FAA] =	sst s2  }
0x8f: {  	_ = 	snop  }
0x90: {  	s2 =	sld [smem:$0x3FC9]  }
0x91: {  	s18 =	sld [smem:$0x3FC8]  }
0x92: {  	s4 =	sld [smem:$0x3FC7]  }
0x93: {  	s5 =	sld [smem:$0x3FC6]  }
0x94: {  	s6 =	sld [smem:$0x3FC5]  }
0x95: {  	s7 =	sld [smem:$0x3FC4]  }
0x96: {  	s8 =	sld [smem:$0x3FC3]  }
0x97: {  	s9 =	sld [smem:$0x3FC2]  }
0x98: {  	s10 =	sld [smem:$0x3FD0];
	(tm) =	ssettm $0x1  }
0x99: {  	s11 =	sld [smem:$0x3FFB];
	_ =	sdelay $0x3  }
0x9a: {  	_ =	strace s11  }
0x9b: {  	s11 =	sld [smem:$0x3FFC];
	_ =	sdelay $0x3  }
0x9c: {  	_ =	strace s11  }
0x9d: {  	s11 =	sld [smem:$0x3FFD];
	_ =	sdelay $0x3  }
0x9e: {  	_ =	strace s11  }
0x9f: {  	_ =	strace $0x8FFFFFFF  }
0xa0: {  	s19 =	sld [smem:$0x3FDB];
	_ =	sdelay $0x1  }
0xa1: {  	s12 =	simm.s32 $_scs_section_size  }
0xa2: {  	s13 =	simm.s32 $_size__tile_overlayer_lowered;
	s14 =	simm.s32 $_tile_overlayer_lowered  }
0xa3: {  	s22 =	simm.s32 $0x1BFF;
	s21 =	sshll.u32 s14, $0x1;
	s11 =	sadd.s32 s12, s19  }
0xa4: {  	s15 =	simm.s32 $0x0;
	s20 =	sshll.u32 s13, $0x1;
	s13 =	sadd.s32 s21, s11  }
0xa5: {  	[timem:s15], [sflag:s22] =	dma.local [hbm:s13], s20  }
0xa6: {  	_ =	swait.ge [sflag:s22], s20  }
0xa7: {  	s12 =	ssub.s32 $0x0, s20;
	[sflag:s22] =	ssyncset.done $0x0  }
0xa8: {  	[sflag:s22] =	ssyncadd.s32 s12;
	_ =	sdelay $0x1  }
0xa9: {  	s23 =	simm.s32 $0x1B8B  }
0xaa: {  	_ =	swait.ge [sflag:s23], $0x1  }
0xab: {  	[sflag:s23] =	ssyncset.done $0x0  }
0xac: {  	s25 =	simm.s32 $0x1B8E;
	s24 =	sld [smem:$0x3FFE];
	[sflag:s23] =	ssyncadd.s32 $0xFFFFFFFF  }
0xad: {  	s26 =	simm.s32 $execute0_lowered;
	[smem:$0x3FD2] =	sst s25  }
0xae: {  	s13 =	sshll.u32 s26, $0x1;
	_ =	strace $0x80000046;
	[dreg:$0x1] =	wrdreg $0xFFFFFFFF  }
0xaf: {  	s28 =	simm.s32 $_size_execute0_lowered;
	s11 =	sadd.s32 s11, s13;
	[dreg:$0x0] =	wrdreg $0x0  }
0xb0: {  	s13 =	sshll.u32 s28, $0x1;
	[dreg:$0x2] =	wrdreg s11  }
0xb1: {  	[dreg:$0x3] =	wrdreg s13  }
0xb2: {  	[dreg:$0x4] =	wrdreg $0xC0  }
0xb3: {  	_ =	task [dreg:s15], $0x5FFFF  }
0xb4: {  	[dreg:$0x1] =	wrdreg $0xFFFFFFFF  }
0xb5: {  	[dreg:$0x0] =	wrdreg $0x60  }
0xb6: {  	[dreg:$0x2] =	wrdreg s24  }
0xb7: {  	[dreg:$0x3] =	wrdreg s2  }
0xb8: {  	[dreg:$0x4] =	wrdreg s18  }
0xb9: {  	[dreg:$0x5] =	wrdreg s4  }
0xba: {  	[dreg:$0x6] =	wrdreg s5  }
0xbb: {  	[dreg:$0x7] =	wrdreg s6  }
0xbc: {  	[dreg:$0x8] =	wrdreg s7  }
0xbd: {  	[dreg:$0x9] =	wrdreg s8  }
0xbe: {  	[dreg:$0xa] =	wrdreg s9  }
0xbf: {  	[dreg:$0xb] =	wrdreg s10  }
0xc0: {  	[dreg:$0xc] =	wrdreg $0x63000  }
0xc1: {  	[dreg:$0xd] =	wrdreg $0x9  }
0xc2: {  	_ =	task.clear_ibuf [dreg:s15], $0xEFFFF;
	_ =	strace $0x90000046  }
0xc3: {  	s29 =	simm.s32 $0x9;
	_ =	strace $0x80000048  }
0xc4: {  	_ =	swait.ge [sflag:s29], $0x1  }
0xc5: {  	[sflag:s29] =	ssyncadd.s32 $0xFFFFFFFF  }
0xc6: {  	_ =	strace $0x90000048  }
0xc7: {  	_ =	sfence  }
0xc8: {  	s30 =	sld [smem:$0x0];
	_ =	sdelay $0x2  }
0xc9: {  	s31 =	sshll.u32 s1, $0xD;
	s1 =	sshrl.u32 s1, $0x2  }
0xca: {  	s3 =	sand.u32 $0x4000, s31;
	s1 =	sadd.s32 s1, s30  }
0xcb: {  	s0 =	sor.u32 s3, s0;
	s1 =	sshll.u32 s1, $0x11  }
0xcc: {  	s0 =	sor.u32 s1, s0  }
0xcd: {  	s0 =	sadd.s32 $0x8F2B, s0  }
0xce: {  	[sflag:s0] =	ssyncadd.remote.s32 $0x1  }
0xcf: {  	_ =	sfence.sel $0xFFFF  }
0xd0: {  	[dreg:$0x0] =	wrdreg $0xFFFFFFFF;
	(pc) =	sbr.abs _section_cstart, $3  }
0xd1: {  	[dreg:$0x1] =	wrdreg $0xFFFFFFFF  }
0xd2: {  	_ =	task.clear_ibuf [dreg:s15], $0x2FFFF;
	_ =	strace $0x9FFFFFFF  }
0xd3: {  	(tm) =	ssettm $0x7FFFFFFF  }
tec
execute0_lowered:
.L_overlay_start_1:
0x0: {  	(tag) =	ssettag $0x1  }
0x1: {  	s0 =	rddreg [dreg:$0x0]  }
0x2: {  	s1 =	rddreg [dreg:$0x1]  }
0x3: {  	s2 =	rddreg [dreg:$0x2]  }
0x4: {  	s6 =	rddreg [dreg:$0x3]  }
0x5: {  	s7 =	rddreg [dreg:$0x4]  }
0x6: {  	s8 =	rddreg [dreg:$0x5]  }
0x7: {  	s9 =	rddreg [dreg:$0x6]  }
0x8: {  	s10 =	rddreg [dreg:$0x7];
	s17 =	stileid.u32  }
0x9: {  	s11 =	rddreg [dreg:$0x8];
	v0 =	vlaneseq.u32;
	s3 =	sshll.u32 s17, $0xF;
	s4 =	sshll.u32 s17, $0x6  }
0xa: {  	s12 =	rddreg [dreg:$0x9];
	v6 =	vmul.u32 $0x20, v0;
	s4 =	sor.u32 s4, s3;
	s3 =	simm.s32 $0x0  }
0xb: {  	[smem:$0x7FF] =	sst s3  }
0xc: {  	s18 =	rddreg [dreg:$0xa];
	v8 =	vor.u32 $0x1, v6;
	_ =	strace $0x80000047;
	[tilespmem:$0x1FC80] =	vst v6  }
0xd: {  	v9 =	vor.u32 $0x2, v6;
	[tilespmem:$0x1FCA0] =	vst v8  }
0xe: {  	v10 =	vor.u32 $0x3, v6;
	[tilespmem:$0x1FCB0] =	vst v9  }
0xf: {  	v11 =	vor.u32 $0x4, v6;
	[tilespmem:$0x1FCC0] =	vst v10  }
0x10: {  	v12 =	vor.u32 $0x5, v6;
	[tilespmem:$0x1FCD0] =	vst v11  }
0x11: {  	v13 =	vor.u32 $0x6, v6;
	[tilespmem:$0x1FCE0] =	vst v12  }
0x12: {  	v14 =	vor.u32 $0x7, v6;
	[tilespmem:$0x1FCF0] =	vst v13  }
0x13: {  	v15 =	vor.u32 $0x8, v6;
	[tilespmem:$0x1FD00] =	vst v14  }
0x14: {  	v16 =	vor.u32 $0x9, v6;
	[tilespmem:$0x1FD10] =	vst v15  }
0x15: {  	v17 =	vor.u32 $0xA, v6;
	[tilespmem:$0x1FD20] =	vst v16  }
0x16: {  	v24 =	vor.u32 $0xB, v6;
	[tilespmem:$0x1FD30] =	vst v17  }
0x17: {  	v25 =	vor.u32 $0xC, v6;
	[tilespmem:$0x1FD40] =	vst v24  }
0x18: {  	v26 =	vor.u32 $0xD, v6;
	[tilespmem:$0x1FD50] =	vst v25  }
0x19: {  	v27 =	vor.u32 $0xE, v6;
	[tilespmem:$0x1FD60] =	vst v26  }
0x1a: {  	v28 =	vor.u32 $0xF, v6;
	[tilespmem:$0x1FD70] =	vst v27  }
0x1b: {  	v29 =	vor.u32 $0x10, v6;
	[tilespmem:$0x1FD80] =	vst v28  }
0x1c: {  	v30 =	vor.u32 $0x11, v6;
	[tilespmem:$0x1FD90] =	vst v29  }
0x1d: {  	v31 =	vor.u32 $0x12, v6;
	[tilespmem:$0x1FDA0] =	vst v30  }
0x1e: {  	v32 =	vor.u32 $0x13, v6;
	[tilespmem:$0x1FDB0] =	vst v31  }
0x1f: {  	v33 =	vor.u32 $0x14, v6;
	[tilespmem:$0x1FDC0] =	vst v32  }
0x20: {  	v34 =	vor.u32 $0x15, v6;
	[tilespmem:$0x1FDD0] =	vst v33  }
0x21: {  	v35 =	vor.u32 $0x16, v6;
	[tilespmem:$0x1FDE0] =	vst v34  }
0x22: {  	s22 =	srdreg.scid;
	s5 =	sshll.u32 s17, $0x3;
	v37 =	vor.u32 $0x17, v6;
	[tilespmem:$0x1FDF0] =	vst v35  }
0x23: {  	s14 =	sshll.u32 s17, $0x1;
	s25 =	sshll.u32 s17, $0x8;
	s4 =	sand.u32 $0x8380, s4;
	v38 =	vor.u32 $0x18, v6;
	[tilespmem:$0x1FE00] =	vst v37  }
0x24: {  	s5 =	sand.u32 $0x70, s5;
	s28 =	sadd.s32 s25, s18;
	v39 =	vor.u32 $0x19, v6;
	s4 =	sshrl.u32 s4, $0x3;
	[tilespmem:$0x1FE10] =	vst v38  }
0x25: {  	v40 =	vor.u32 $0x1A, v6;
	[dreg:$0xe] =	wrdreg s28;
	[tilespmem:$0x1FE20] =	vst v39;
	s13 =	sadd.s32 s4, s0;
	s4 =	sand.u32 $0x1, s22  }
0x26: {  	v42 =	vor.u32 $0x1B, v6;
	[tilespmem:$0x1FE30] =	vst v40;
	s0 =	sadd.s32 s5, s0;
	s15 =	ssub.s32 $0x2, s4;
	s14 =	sor.u32 s4, s14  }
0x27: {  	v63 =	vand.u32 $0x7, v0;
	v18 =	vmul.u32 $0x2, v0;
	v43 =	vor.u32 $0x1C, v6;
	[tilespmem:$0x1FE40] =	vst v42;
	s24 =	sadd.s32 $0x1600, s13;
	s0 =	sadd.s32 $0x400, s0;
	s23 =	sshrl.u32 s15, $0x1  }
0x28: {  	v19 =	vmul.u32 $0x10, v63;
	[tilespmem:$0x1FE50] =	vst v43;
	s16 =	sshll.u32 s14, $0x6;
	[dreg:$0xc] =	wrdreg s24;
	s26 =	sshll.u32 s14, $0xA  }
0x29: {  	[tilespmem:$0x1FE60] =	vst v18;
	[dreg:$0xd] =	wrdreg s0;
	s15 =	ssub.s32 s15, s23;
	s29 =	sadd.s32 s12, s26  }
0x2a: {  	v45 =	vor.u32 $0x1D, v6;
	[tilespmem:$0x1FE70] =	vst v19;
	s4 =	sadd.s32 s1, s16;
	[dreg:$0xf] =	wrdreg s29;
	s30 =	smax.u32 s15, $0x1  }
0x2b: {  	v20 =	vmul.u32 $0x10, v0;
	v46 =	vor.u32 $0x1E, v6;
	[tilespmem:$0x1FE80] =	vst v45;
	s31 =	sadd.s32 $0x10, s4;
	[dreg:$0x10] =	wrdreg s30  }
0x2c: {  	[tilespmem:$0x1FE90] =	vst v46;
	s5 =	sadd.s32 s2, s16;
	s1 =	sadd.s32 $0x20, s4;
	[dreg:$0x11] =	wrdreg s31  }
0x2d: {  	v47 =	vor.u32 $0x1F, v6;
	[tilespmem:$0x1FEA0] =	vst v20;
	s6 =	sadd.s32 s6, s16;
	s2 =	sadd.s32 $0x30, s4;
	[dreg:$0x12] =	wrdreg s1  }
0x2e: {  	v21 =	vor.u32 $0x1, v18;
	[tilespmem:$0x1FEB0] =	vst v47;
	s7 =	sadd.s32 s7, s16;
	s12 =	sadd.s32 $0x10, s5;
	[dreg:$0x13] =	wrdreg s2  }
0x2f: {  	v23 =	vor.u32 $0x1, v20;
	[tilespmem:$0x1FEC0] =	vst v21;
	s8 =	sadd.s32 s8, s16;
	s13 =	sadd.s32 $0x20, s5;
	[dreg:$0x14] =	wrdreg s12  }
0x30: {  	v48 =	vor.u32 $0x2, v20;
	[tilespmem:$0x1FEE0] =	vst v23;
	s9 =	sadd.s32 s9, s16;
	s14 =	sadd.s32 $0x30, s5;
	[dreg:$0x15] =	wrdreg s13  }
0x31: {  	v50 =	vor.u32 $0x3, v20;
	[tilespmem:$0x1FF20] =	vst v48;
	s10 =	sadd.s32 s10, s16;
	s15 =	sadd.s32 $0x10, s6;
	[dreg:$0x16] =	wrdreg s14  }
0x32: {  	v1 =	vand.u32 $0x3, v0;
	v54 =	vor.u32 $0x4, v20;
	[tilespmem:$0x1FF40] =	vst v50;
	s11 =	sadd.s32 s11, s16;
	s16 =	sadd.s32 $0x20, s6;
	[dreg:$0x17] =	wrdreg s15  }
0x33: {  	v1 =	vmul.u32 $0x20, v1;
	v56 =	vor.u32 $0x5, v20;
	[tilespmem:$0x1FF80] =	vst v54;
	s17 =	sadd.s32 $0x30, s6;
	[dreg:$0x18] =	wrdreg s16  }
0x34: {  	v60 =	vor.u32 $0x6, v20;
	[tilespmem:$0x1FFA0] =	vst v56;
	s18 =	sadd.s32 $0x10, s7;
	[dreg:$0x19] =	wrdreg s17  }
0x35: {  	v7 =	vor.u32 $0xFFFFFF80, v1;
	[tilespmem:$0x1FFE0] =	vst v60;
	s19 =	sadd.s32 $0x20, s7;
	[dreg:$0x1a] =	wrdreg s18  }
0x36: {  	v22 =	vor.u32 $0xFFFFFC80, v19;
	[tilespmem:$0x1FC90] =	vst v7;
	s20 =	sadd.s32 $0x30, s7;
	[dreg:$0x1b] =	wrdreg s19  }
0x37: {  	v36 =	vor.u32 $0xFFFFFD80, v19;
	[tilespmem:$0x1FED0] =	vst v22;
	s21 =	sadd.s32 $0x10, s8;
	[dreg:$0x1c] =	wrdreg s20  }
0x38: {  	v41 =	vor.u32 $0xFFFFFE80, v19;
	[tilespmem:$0x1FEF0] =	vst v36;
	s22 =	sadd.s32 $0x20, s8;
	[dreg:$0x1d] =	wrdreg s21  }
0x39: {  	v44 =	vor.u32 $0xFFFFFF80, v19;
	[tilespmem:$0x1FF00] =	vst v41;
	s23 =	sadd.s32 $0x30, s8;
	[dreg:$0x1e] =	wrdreg s22  }
0x3a: {  	v49 =	vor.u32 $0xFFFFFC82, v19;
	[tilespmem:$0x1FF10] =	vst v44;
	s24 =	sadd.s32 $0x10, s9;
	[dreg:$0x1f] =	wrdreg s23  }
0x3b: {  	v51 =	vor.u32 $0xFFFFFD82, v19;
	[tilespmem:$0x1FF30] =	vst v49;
	s25 =	sadd.s32 $0x20, s9;
	[smem:$0x7F7] =	sst s24  }
0x3c: {  	v52 =	vor.u32 $0xFFFFFE82, v19;
	[tilespmem:$0x1FF50] =	vst v51;
	s26 =	sadd.s32 $0x30, s9;
	[smem:$0x7F8] =	sst s25  }
0x3d: {  	v53 =	vor.u32 $0xFFFFFF82, v19;
	[tilespmem:$0x1FF60] =	vst v52;
	s28 =	sadd.s32 $0x10, s10;
	[smem:$0x7F9] =	sst s26  }
0x3e: {  	v55 =	vor.u32 $0xFFFFFC84, v19;
	[tilespmem:$0x1FF70] =	vst v53;
	s29 =	sadd.s32 $0x20, s10;
	[smem:$0x7FA] =	sst s28  }
0x3f: {  	v57 =	vor.u32 $0xFFFFFD84, v19;
	[tilespmem:$0x1FF90] =	vst v55;
	[smem:$0x7FB] =	sst s29;
	s30 =	sadd.s32 $0x30, s10;
	s31 =	sadd.s32 $0x10, s11  }
0x40: {  	v58 =	vor.u32 $0xFFFFFE84, v19;
	[tilespmem:$0x1FFB0] =	vst v57;
	s17 =	sadd.s32 $0x20, s11;
	s18 =	sadd.s32 $0x30, s11;
	s19 =	simm.s32 $0x80  }
0x41: {  	v59 =	vor.u32 $0xFFFFFF84, v19;
	[tilespmem:$0x1FFC0] =	vst v58;
	s20 =	simm.s32 $0x400;
	s21 =	simm.s32 $0x2;
	s22 =	simm.s32 $0x2200  }
0x42: {  	v61 =	vor.u32 $0xFFFFFC86, v19;
	[tilespmem:$0x1FFD0] =	vst v59;
	s23 =	simm.s32 $0x2300;
	s24 =	simm.s32 $0x1;
	[smem:$0x7FC] =	sst s30  }
0x43: {  	[tilespmem:$0x1FFF0] =	vst v61;
	s25 =	simm.s32 $0x4300;
	s26 =	simm.s32 $0x0;
	[smem:$0x7FD] =	sst s31  }
.LBB2_1:
0x44: {  	s0 =	simm.s32 $0x3300  }
0x45: {  	[tilespmem:s0], [sflag:$0x1] =	stream.linear.gather [hbm4b:s4+s3], $0x80, $0x38;
	[tilespmem:$0x6400] =	vst v63  }
0x46: {  	s16 =	rddreg [dreg:$0x11];
	s1 =	simm.s32 $0x3700  }
0x47: {  	[tilespmem:s1], [sflag:$0x1] =	stream.linear.gather [hbm4b:s16+s3], $0x80, $0x38;
	[tilespmem:$0x6400] =	vst v63  }
0x48: {  	s30 =	rddreg [dreg:$0x12];
	s31 =	simm.s32 $0x3B00  }
0x49: {  	[tilespmem:s31], [sflag:$0x1] =	stream.linear.gather [hbm4b:s30+s3], $0x80, $0x38;
	[tilespmem:$0x6400] =	vst v63  }
0x4a: {  	s2 =	simm.s32 $0x3F00;
	s1 =	rddreg [dreg:$0x13]  }
0x4b: {  	[tilespmem:s2], [sflag:$0x1] =	stream.linear.gather [hbm4b:s1+s3], $0x80, $0x38;
	[tilespmem:$0x6400] =	vst v63  }
0x4c: {  	s12 =	simm.s32 $0x3380  }
0x4d: {  	[tilespmem:s12], [sflag:$0x1] =	stream.linear.gather [hbm4b:s5+s3], $0x80, $0x38;
	[tilespmem:$0x6400] =	vst v63  }
0x4e: {  	s13 =	rddreg [dreg:$0x14];
	s14 =	simm.s32 $0x3780  }
0x4f: {  	[tilespmem:s14], [sflag:$0x1] =	stream.linear.gather [hbm4b:s13+s3], $0x80, $0x38;
	[tilespmem:$0x6400] =	vst v63  }
0x50: {  	s15 =	rddreg [dreg:$0x15];
	s16 =	simm.s32 $0x3B80  }
0x51: {  	[tilespmem:s16], [sflag:$0x1] =	stream.linear.gather [hbm4b:s15+s3], $0x80, $0x38;
	[tilespmem:$0x6400] =	vst v63  }
0x52: {  	s30 =	rddreg [dreg:$0x16];
	s31 =	simm.s32 $0x3F80  }
0x53: {  	[tilespmem:s31], [sflag:$0x1] =	stream.linear.gather [hbm4b:s30+s3], $0x80, $0x38;
	[tilespmem:$0x6400] =	vst v63  }
0x54: {  	s2 =	simm.s32 $0x3400  }
0x55: {  	[tilespmem:s2], [sflag:$0x1] =	stream.linear.gather [hbm4b:s6+s3], $0x80, $0x38;
	[tilespmem:$0x6400] =	vst v63  }
0x56: {  	s12 =	rddreg [dreg:$0x17];
	s13 =	simm.s32 $0x3800  }
0x57: {  	[tilespmem:s13], [sflag:$0x1] =	stream.linear.gather [hbm4b:s12+s3], $0x80, $0x38;
	[tilespmem:$0x6400] =	vst v63  }
0x58: {  	s14 =	rddreg [dreg:$0x18];
	s15 =	simm.s32 $0x3C00  }
0x59: {  	[tilespmem:s15], [sflag:$0x1] =	stream.linear.gather [hbm4b:s14+s3], $0x80, $0x38;
	[tilespmem:$0x6400] =	vst v63  }
0x5a: {  	s16 =	rddreg [dreg:$0x19];
	s30 =	simm.s32 $0x4000  }
0x5b: {  	[tilespmem:s30], [sflag:$0x1] =	stream.linear.gather [hbm4b:s16+s3], $0x80, $0x38;
	[tilespmem:$0x6400] =	vst v63  }
0x5c: {  	s31 =	simm.s32 $0x3480  }
0x5d: {  	[tilespmem:s31], [sflag:$0x1] =	stream.linear.gather [hbm4b:s7+s3], $0x80, $0x38;
	[tilespmem:$0x6400] =	vst v63  }
0x5e: {  	s1 =	rddreg [dreg:$0x1a];
	s2 =	simm.s32 $0x3880  }
0x5f: {  	[tilespmem:s2], [sflag:$0x1] =	stream.linear.gather [hbm4b:s1+s3], $0x80, $0x38;
	[tilespmem:$0x6400] =	vst v63  }
0x60: {  	s12 =	rddreg [dreg:$0x1b];
	s13 =	simm.s32 $0x3C80  }
0x61: {  	[tilespmem:s13], [sflag:$0x1] =	stream.linear.gather [hbm4b:s12+s3], $0x80, $0x38;
	[tilespmem:$0x6400] =	vst v63  }
0x62: {  	s14 =	rddreg [dreg:$0x1c];
	s15 =	simm.s32 $0x4080  }
0x63: {  	[tilespmem:s15], [sflag:$0x1] =	stream.linear.gather [hbm4b:s14+s3], $0x80, $0x38;
	[tilespmem:$0x6400] =	vst v63  }
0x64: {  	s16 =	simm.s32 $0x3500  }
0x65: {  	[tilespmem:s16], [sflag:$0x1] =	stream.linear.gather [hbm4b:s8+s3], $0x80, $0x38;
	[tilespmem:$0x6400] =	vst v63  }
0x66: {  	s30 =	rddreg [dreg:$0x1d];
	s31 =	simm.s32 $0x3900  }
0x67: {  	[tilespmem:s31], [sflag:$0x1] =	stream.linear.gather [hbm4b:s30+s3], $0x80, $0x38;
	[tilespmem:$0x6400] =	vst v63  }
0x68: {  	s1 =	rddreg [dreg:$0x1e];
	s2 =	simm.s32 $0x3D00  }
0x69: {  	[tilespmem:s2], [sflag:$0x1] =	stream.linear.gather [hbm4b:s1+s3], $0x80, $0x38;
	[tilespmem:$0x6400] =	vst v63  }
0x6a: {  	s12 =	rddreg [dreg:$0x1f];
	s13 =	simm.s32 $0x4100  }
0x6b: {  	[tilespmem:s13], [sflag:$0x1] =	stream.linear.gather [hbm4b:s12+s3], $0x80, $0x38;
	[tilespmem:$0x6400] =	vst v63  }
0x6c: {  	s14 =	simm.s32 $0x3580;
	s15 =	sld [smem:$0x7F7]  }
0x6d: {  	[tilespmem:s14], [sflag:$0x1] =	stream.linear.gather [hbm4b:s9+s3], $0x80, $0x38;
	[tilespmem:$0x6400] =	vst v63  }
0x6e: {  	s16 =	simm.s32 $0x3980;
	s30 =	sld [smem:$0x7F8]  }
0x6f: {  	[tilespmem:s16], [sflag:$0x1] =	stream.linear.gather [hbm4b:s15+s3], $0x80, $0x38;
	[tilespmem:$0x6400] =	vst v63  }
0x70: {  	s31 =	simm.s32 $0x3D80;
	s1 =	sld [smem:$0x7F9]  }
0x71: {  	[tilespmem:s31], [sflag:$0x1] =	stream.linear.gather [hbm4b:s30+s3], $0x80, $0x38;
	[tilespmem:$0x6400] =	vst v63  }
0x72: {  	s2 =	simm.s32 $0x4180  }
0x73: {  	[tilespmem:s2], [sflag:$0x1] =	stream.linear.gather [hbm4b:s1+s3], $0x80, $0x38;
	[tilespmem:$0x6400] =	vst v63  }
0x74: {  	s12 =	simm.s32 $0x3600;
	s13 =	sld [smem:$0x7FA]  }
0x75: {  	[tilespmem:s12], [sflag:$0x1] =	stream.linear.gather [hbm4b:s10+s3], $0x80, $0x38;
	[tilespmem:$0x6400] =	vst v63  }
0x76: {  	s14 =	simm.s32 $0x3A00;
	s15 =	sld [smem:$0x7FB]  }
0x77: {  	[tilespmem:s14], [sflag:$0x1] =	stream.linear.gather [hbm4b:s13+s3], $0x80, $0x38;
	[tilespmem:$0x6400] =	vst v63  }
0x78: {  	s16 =	simm.s32 $0x3E00;
	s30 =	sld [smem:$0x7FC]  }
0x79: {  	[tilespmem:s16], [sflag:$0x1] =	stream.linear.gather [hbm4b:s15+s3], $0x80, $0x38;
	[tilespmem:$0x6400] =	vst v63  }
0x7a: {  	s31 =	simm.s32 $0x4200  }
0x7b: {  	[tilespmem:s31], [sflag:$0x1] =	stream.linear.gather [hbm4b:s30+s3], $0x80, $0x38;
	[tilespmem:$0x6400] =	vst v63  }
0x7c: {  	s2 =	simm.s32 $0x3680;
	s12 =	sld [smem:$0x7FD]  }
0x7d: {  	[tilespmem:s2], [sflag:$0x1] =	stream.linear.gather [hbm4b:s11+s3], $0x80, $0x38;
	[tilespmem:$0x6400] =	vst v63  }
0x7e: {  	s13 =	simm.s32 $0x3A80  }
0x7f: {  	[tilespmem:s13], [sflag:$0x1] =	stream.linear.gather [hbm4b:s12+s3], $0x80, $0x38;
	[tilespmem:$0x6400] =	vst v63  }
0x80: {  	s14 =	simm.s32 $0x3E80  }
0x81: {  	[tilespmem:s14], [sflag:$0x1] =	stream.linear.gather [hbm4b:s17+s3], $0x80, $0x38;
	[tilespmem:$0x6400] =	vst v63  }
0x82: {  	s15 =	simm.s32 $0x4280  }
0x83: {  	[tilespmem:s15], [sflag:$0x1] =	stream.linear.gather [hbm4b:s18+s3], $0x80, $0x38;
	[tilespmem:$0x6400] =	vst v63  }
0x84: {  	s16 =	rddreg [dreg:$0xc]  }
0x85: {  	[tilespmem:s3], [sflag:$0x2] =	stream.strided.gather [hbm4b:s16+s19], $0x1000, s20, s19, $0x38;
	[tilespmem:$0x6400] =	vst v63  }
0x86: {  	_ =	swait.ge [sflag:s21], $0x1000  }
0x87: {  	[sflag:s21] =	ssyncset.done $0x0  }
0x88: {  	s31 =	simm.s32 $0x1000;
	s30 =	rddreg [dreg:$0xd];
	[sflag:s21] =	ssyncadd.s32 $0xFFFFF000  }
0x89: {  	[tilespmem:s31], [sflag:$0x2] =	stream.strided.gather [hbm4b:s30+s19], $0x1200, s20, s19, $0x38;
	[tilespmem:$0x6400] =	vst v63  }
0x8a: {  	_ =	swait.ge [sflag:s21], $0x1200  }
0x8b: {  	[sflag:s21] =	ssyncset.done $0x0  }
0x8c: {  	s28 =	simm.s32 $0x0;
	s29 =	simm.s32 $0x0;
	[sflag:s21] =	ssyncadd.s32 $0xFFFFEE00  }
.LBB2_2:
0x8d: {  	v48 =	vld [tilespmem:$0x2180]  }
0x8e: {  	v49 =	vld [tilespmem:$0x2190]  }
0x8f: {  	v52 =	vld [tilespmem:$0x1080]  }
0x90: {  	v54 =	vld [tilespmem:$0x1100]  }
0x91: {  	v51 =	vld [tilespmem:$0x1280]  }
0x92: {  	v50 =	vld [tilespmem:$0x1780]  }
0x93: {  	v53 =	vld [tilespmem:$0x1800]  }
0x94: {  	v1 =	vor.u32 s29, v8;
	v58 =	vor.u32 s29, v24;
	v24 =	vor.u32 s29, v33;
	v33 =	vld [tilespmem:$0x1400]  }
0x95: {  	v2 =	vor.u32 s29, v9;
	v61 =	vor.u32 s29, v29;
	v29 =	vld [tilespmem:$0x1480]  }
0x96: {  	v3 =	vor.u32 s29, v10;
	v63 =	vor.u32 s29, v31;
	v31 =	vld [tilespmem:$0x1680]  }
0x97: {  	v4 =	vor.u32 s29, v11;
	[tilespmem:$0x1F950] =	vst v48;
	v48 =	vld [tilespmem:$0x1580]  }
0x98: {  	v5 =	vor.u32 s29, v12;
	[tilespmem:$0x1F9B0] =	vst v49;
	v49 =	vld [tilespmem:$0x1600]  }
0x99: {  	v55 =	vor.u32 s29, v13;
	v23 =	vld.idx.msk [tilespmem:v1+s3+$0x0], $0xffff  }
0x9a: {  	v56 =	vor.u32 s29, v14;
	v22 =	vld.idx.msk [tilespmem:v2+s3+$0x0], $0xffff  }
0x9b: {  	v57 =	vor.u32 s29, v15;
	v21 =	vld.idx.msk [tilespmem:v3+s3+$0x0], $0xffff  }
0x9c: {  	v20 =	vld.idx.msk [tilespmem:v4+s3+$0x0], $0xffff  }
0x9d: {  	v59 =	vor.u32 s29, v25;
	v19 =	vld.idx.msk [tilespmem:v5+s3+$0x0], $0xffff  }
0x9e: {  	v60 =	vor.u32 s29, v26;
	v18 =	vld.idx.msk [tilespmem:v55+s3+$0x0], $0xffff  }
0x9f: {  	v5 =	vor.u32 s29, v17;
	v17 =	vld.idx.msk [tilespmem:v56+s3+$0x0], $0xffff  }
0xa0: {  	v62 =	vor.u32 s29, v30;
	v4 =	vor.u32 s29, v16;
	v16 =	vld.idx.msk [tilespmem:v57+s3+$0x0], $0xffff  }
0xa1: {  	v13 =	vld.idx.msk [tilespmem:v58+s3+$0x0], $0xffff  }
0xa2: {  	v12 =	vld.idx.msk [tilespmem:v59+s3+$0x0], $0xffff  }
0xa3: {  	v34 =	vor.u32 s29, v34;
	v11 =	vld.idx.msk [tilespmem:v60+s3+$0x0], $0xffff  }
0xa4: {  	v35 =	vor.u32 s29, v35;
	v8 =	vld.idx.msk [tilespmem:v61+s3+$0x0], $0xffff  }
0xa5: {  	v25 =	vor.u32 s29, v37;
	v30 =	vld.idx.msk [tilespmem:v62+s3+$0x0], $0xffff  }
0xa6: {  	v26 =	vor.u32 s29, v38;
	v36 =	vld.idx.msk [tilespmem:v63+s3+$0x0], $0xffff  }
0xa7: {  	v0 =	vor.u32 s29, v6;
	v44 =	vld.idx.msk [tilespmem:v24+s3+$0x0], $0xffff  }
0xa8: {  	v0 =	vand.u32 v7, v0;
	v62 =	vld.idx.msk [tilespmem:v34+s3+$0x0], $0xffff  }
0xa9: {  	v63 =	vld.idx.msk [tilespmem:v35+s3+$0x0], $0xffff  }
0xaa: {  	v37 =	vld.idx.msk [tilespmem:v25+s3+$0x0], $0xffff  }
0xab: {  	v24 =	vor.u32 s29, v39;
	v38 =	vld.idx.msk [tilespmem:v26+s3+$0x0], $0xffff  }
0xac: {  	v25 =	vor.u32 s29, v43;
	v35 =	vld [tilespmem:$0x1300]  }
0xad: {  	v26 =	vor.u32 s29, v45;
	v6 =	vld.idx.msk [tilespmem:v0+s3+$0x0], $0xffff  }
0xae: {  	v15 =	vld.idx.msk [tilespmem:v4+s3+$0x0], $0xffff  }
0xaf: {  	v14 =	vld.idx.msk [tilespmem:v5+s3+$0x0], $0xffff  }
0xb0: {  	v39 =	vld.idx.msk [tilespmem:v24+s3+$0x0], $0xffff  }
0xb1: {  	v4 =	vor.u32 s29, v27;
	v27 =	vor.u32 s29, v40;
	v43 =	vld.idx.msk [tilespmem:v25+s3+$0x0], $0xffff  }
0xb2: {  	v45 =	vld.idx.msk [tilespmem:v26+s3+$0x0], $0xffff  }
0xb3: {  	v5 =	vor.u32 s29, v28;
	[tilespmem:$0x1FBA0] =	vst v37;
	v37 =	vld [tilespmem:$0x1200]  }
0xb4: {  	v28 =	vor.u32 s29, v42;
	[tilespmem:$0x1FBC0] =	vst v38;
	v38 =	vld [tilespmem:$0x1500]  }
0xb5: {  	v24 =	vor.u32 s29, v46;
	v26 =	vld [tilespmem:$0x1700]  }
0xb6: {  	v40 =	vld.idx.msk [tilespmem:v27+s3+$0x0], $0xffff;
	v27 =	vor.u32 s29, v47  }
0xb7: {  	v10 =	vld.idx.msk [tilespmem:v4+s3+$0x0], $0xffff  }
0xb8: {  	[tilespmem:$0x1F5F0] =	vst v50;
	v9 =	vld.idx.msk [tilespmem:v5+s3+$0x0], $0xffff  }
0xb9: {  	[tilespmem:$0x1F600] =	vst v53;
	v4 =	vor.u32 s29, v32;
	v42 =	vld.idx.msk [tilespmem:v28+s3+$0x0], $0xffff  }
0xba: {  	[tilespmem:$0x1FBE0] =	vst v39;
	v46 =	vld.idx.msk [tilespmem:v24+s3+$0x0], $0xffff  }
0xbb: {  	[tilespmem:$0x1F7E0] =	vst v43;
	v47 =	vld.idx.msk [tilespmem:v27+s3+$0x0], $0xffff  }
0xbc: {  	[tilespmem:$0x1F830] =	vst v45;
	v39 =	vld [tilespmem:$0x1180]  }
0xbd: {  	v45 =	vld [tilespmem:$0x1380];
	[tilespmem:$0x1FC00] =	vst v40  }
0xbe: {  	v41 =	vld.idx.msk [tilespmem:v4+s3+$0x0], $0xffff;
	[tilespmem:$0x1F790] =	vst v42  }
0xbf: {  	[tilespmem:$0x1F880] =	vst v46;
	v46 =	vld [tilespmem:$0x2000]  }
0xc0: {  	v42 =	vld [tilespmem:$0x1000];
	[tilespmem:$0x1F8D0] =	vst v47  }
0xc1: {  	v0 =	vld [tilespmem:$0x1880]  }
0xc2: {  	v55 =	vld [tilespmem:$0x1900]  }
0xc3: {  	v56 =	vld [tilespmem:$0x1980]  }
0xc4: {  	v57 =	vld [tilespmem:$0x1A00]  }
0xc5: {  	v58 =	vld [tilespmem:$0x1A80]  }
0xc6: {  	v59 =	vld [tilespmem:$0x1B00]  }
0xc7: {  	v60 =	vld [tilespmem:$0x1B80]  }
0xc8: {  	v61 =	vld [tilespmem:$0x1C00]  }
0xc9: {  	v32 =	vld [tilespmem:$0x1C80]  }
0xca: {  	v34 =	vld [tilespmem:$0x1D00]  }
0xcb: {  	v40 =	vld [tilespmem:$0x1D80]  }
0xcc: {  	v43 =	vld [tilespmem:$0x1E00]  }
0xcd: {  	v47 =	vld [tilespmem:$0x1E80]  }
0xce: {  	v50 =	vld [tilespmem:$0x1F00]  }
0xcf: {  	v53 =	vld [tilespmem:$0x1F80]  }
0xd0: {  	v42 =	vmul.f32 v42, v6;
	v1 =	vld [tilespmem:$0x1490]  }
0xd1: {  	v2 =	vld [tilespmem:$0x1510]  }
0xd2: {  	v42 =	vadd.f32 v42, v46;
	v46 =	vmul.f32 v52, v23;
	v52 =	vld [tilespmem:$0x1720]  }
0xd3: {  	v24 =	vld [tilespmem:$0x1990]  }
0xd4: {  	v28 =	vld [tilespmem:$0x11A0]  }
0xd5: {  	v42 =	vadd.f32 v46, v42;
	v46 =	vmul.f32 v54, v22;
	v54 =	vld [tilespmem:$0x1920];
	[tilespmem:$0x1F630] =	vst v56  }
0xd6: {  	[tilespmem:$0x1F640] =	vst v57;
	v56 =	vld [tilespmem:$0x2090]  }
0xd7: {  	[tilespmem:$0x1F820] =	vst v52;
	v52 =	vld [tilespmem:$0x17A0]  }
0xd8: {  	[tilespmem:$0x1F660] =	vst v24;
	v24 =	vld [tilespmem:$0x1A10]  }
0xd9: {  	[tilespmem:$0x1F650] =	vst v58;
	v57 =	vld [tilespmem:$0x1010]  }
0xda: {  	[tilespmem:$0x1F7A0] =	vst v40;
	v40 =	vld [tilespmem:$0x1090]  }
0xdb: {  	[tilespmem:$0x1F670] =	vst v59;
	v58 =	vld [tilespmem:$0x1110]  }
0xdc: {  	[tilespmem:$0x1F860] =	vst v52;
	v52 =	vld [tilespmem:$0x1820]  }
0xdd: {  	[tilespmem:$0x1F680] =	vst v24;
	v24 =	vld [tilespmem:$0x1A90]  }
0xde: {  	[tilespmem:$0x1F990] =	vst v56;
	v56 =	vld [tilespmem:$0x2010]  }
0xdf: {  	[tilespmem:$0x1F7F0] =	vst v43;
	v43 =	vld [tilespmem:$0x1190]  }
0xe0: {  	v39 =	vmul.f32 v39, v21;
	[tilespmem:$0x1F710] =	vst v32;
	v32 =	vld [tilespmem:$0x1210];
	v42 =	vadd.f32 v46, v42  }
0xe1: {  	[tilespmem:$0x1F870] =	vst v52;
	v52 =	vmul.f32 v57, v6;
	v57 =	vld [tilespmem:$0x18A0]  }
0xe2: {  	v37 =	vmul.f32 v37, v20;
	v39 =	vadd.f32 v39, v42;
	[tilespmem:$0x1F6A0] =	vst v24;
	v24 =	vld [tilespmem:$0x1B10]  }
0xe3: {  	[tilespmem:$0x1F6B0] =	vst v28;
	v46 =	vadd.f32 v52, v56;
	v52 =	vld [tilespmem:$0x1AA0]  }
0xe4: {  	v28 =	vld [tilespmem:$0x1220];
	[tilespmem:$0x1F8C0] =	vst v54;
	v54 =	vmul.f32 v51, v19;
	v37 =	vadd.f32 v37, v39  }
0xe5: {  	[tilespmem:$0x1F690] =	vst v60;
	v56 =	vld [tilespmem:$0x19A0]  }
0xe6: {  	v35 =	vmul.f32 v35, v18;
	v37 =	vadd.f32 v54, v37;
	[tilespmem:$0x1F8B0] =	vst v57;
	v57 =	vld [tilespmem:$0x1A20]  }
0xe7: {  	v59 =	vld [tilespmem:$0x1290];
	v40 =	vmul.f32 v40, v23;
	[tilespmem:$0x1F6E0] =	vst v24  }
0xe8: {  	v35 =	vadd.f32 v35, v37;
	v24 =	vld [tilespmem:$0x1B90];
	[tilespmem:$0x1F930] =	vst v52;
	v52 =	vmul.f32 v45, v17  }
0xe9: {  	v60 =	vld [tilespmem:$0x1310];
	[tilespmem:$0x1F6C0] =	vst v28;
	v58 =	vmul.f32 v58, v22;
	v40 =	vadd.f32 v40, v46  }
0xea: {  	v33 =	vmul.f32 v33, v16;
	[tilespmem:$0x1F900] =	vst v56;
	v56 =	vld [tilespmem:$0x1B20];
	v35 =	vadd.f32 v52, v35  }
0xeb: {  	v28 =	vld [tilespmem:$0x12A0];
	v40 =	vadd.f32 v58, v40;
	[tilespmem:$0x1F910] =	vst v57;
	v57 =	vmul.f32 v43, v21  }
0xec: {  	v29 =	vmul.f32 v29, v15;
	v54 =	vld [tilespmem:$0x1D20];
	v33 =	vadd.f32 v33, v35  }
0xed: {  	v32 =	vmul.f32 v32, v20;
	[tilespmem:$0x1F720] =	vst v24;
	v24 =	vld [tilespmem:$0x1C10];
	v46 =	vadd.f32 v57, v40  }
0xee: {  	v4 =	vld [tilespmem:$0x1610];
	v45 =	vmul.f32 v38, v14;
	v29 =	vadd.f32 v29, v33  }
0xef: {  	[tilespmem:$0x1F960] =	vst v56;
	v56 =	vmul.f32 v59, v19;
	v57 =	vld [tilespmem:$0x1DA0];
	v32 =	vadd.f32 v32, v46  }
0xf0: {  	v3 =	vld [tilespmem:$0x1590];
	[tilespmem:$0x1F6F0] =	vst v28;
	v52 =	vmul.f32 v48, v13;
	v29 =	vadd.f32 v45, v29  }
0xf1: {  	v28 =	vld [tilespmem:$0x1320];
	[tilespmem:$0x1F9F0] =	vst v54;
	v59 =	vmul.f32 v60, v18;
	v32 =	vadd.f32 v56, v32  }
0xf2: {  	v54 =	vmul.f32 v49, v12;
	[tilespmem:$0x1F760] =	vst v24;
	v24 =	vld [tilespmem:$0x1C90];
	v29 =	vadd.f32 v52, v29  }
0xf3: {  	v32 =	vadd.f32 v59, v32;
	v59 =	vmul.f32 v4, v12;
	v4 =	vld [tilespmem:$0x1F5F0]  }
0xf4: {  	v5 =	vld [tilespmem:$0x1690];
	[tilespmem:$0x1FA10] =	vst v57;
	v57 =	vadd.f32 v54, v29;
	v29 =	vmul.f32 v31, v11  }
0xf5: {  	v7 =	vld [tilespmem:$0x1710]  }
0xf6: {  	v26 =	vmul.f32 v26, v10;
	[tilespmem:$0x1F700] =	vst v28;
	v28 =	vld [tilespmem:$0x13A0];
	v56 =	vmul.f32 v2, v14;
	v2 =	vadd.f32 v29, v57  }
0xf7: {  	v25 =	vld [tilespmem:$0x2020]  }
0xf8: {  	[tilespmem:$0x1F7B0] =	vst v24;
	v24 =	vld [tilespmem:$0x1D10];
	v2 =	vadd.f32 v26, v2;
	v4 =	vmul.f32 v4, v9  }
0xf9: {  	v27 =	vld [tilespmem:$0x1120]  }
0xfa: {  	v2 =	vadd.f32 v4, v2;
	v4 =	vld [tilespmem:$0x1F600]  }
0xfb: {  	[tilespmem:$0x1F730] =	vst v28;
	v28 =	vld [tilespmem:$0x1420]  }
0xfc: {  	[tilespmem:$0x1F620] =	vst v55;
	v55 =	vld [tilespmem:$0x2080]  }
0xfd: {  	[tilespmem:$0x1F800] =	vst v24;
	v24 =	vld [tilespmem:$0x1D90]  }
0xfe: {  	[tilespmem:$0x1F6D0] =	vst v61;
	v61 =	vld [tilespmem:$0x1390]  }
0xff: {  	[tilespmem:$0x1F610] =	vst v0;
	v0 =	vld [tilespmem:$0x1410];
	v4 =	vmul.f32 v4, v8  }
0x100: {  	[tilespmem:$0x1F740] =	vst v28;
	v28 =	vld [tilespmem:$0x14A0]  }
0x101: {  	v2 =	vadd.f32 v4, v2;
	v4 =	vld [tilespmem:$0x1F610]  }
0x102: {  	[tilespmem:$0x1F850] =	vst v24;
	v24 =	vld [tilespmem:$0x1E10]  }
0x103: {  	[tilespmem:$0x1F890] =	vst v50;
	v50 =	vld [tilespmem:$0x1790]  }
0x104: {  	[tilespmem:$0x1F840] =	vst v47;
	v47 =	vld [tilespmem:$0x1810]  }
0x105: {  	v58 =	vld [tilespmem:$0x1BA0]  }
0x106: {  	[tilespmem:$0x1F770] =	vst v28;
	v28 =	vld [tilespmem:$0x1520];
	v4 =	vmul.f32 v4, v30  }
0x107: {  	[tilespmem:$0x1F8A0] =	vst v24;
	v24 =	vld [tilespmem:$0x1E90]  }
0x108: {  	v2 =	vadd.f32 v4, v2;
	v4 =	vld [tilespmem:$0x1F620]  }
0x109: {  	[tilespmem:$0x1F8E0] =	vst v53;
	v53 =	vld [tilespmem:$0x1890]  }
0x10a: {  	v51 =	vld [tilespmem:$0x1CA0];
	v42 =	vmul.f32 v61, v17  }
0x10b: {  	[tilespmem:$0x1F980] =	vst v58;
	v58 =	vld [tilespmem:$0x1E20]  }
0x10c: {  	v0 =	vmul.f32 v0, v16;
	v32 =	vadd.f32 v42, v32;
	[tilespmem:$0x1F8F0] =	vst v24;
	v24 =	vld [tilespmem:$0x1F10]  }
0x10d: {  	[tilespmem:$0x1F780] =	vst v28;
	v28 =	vld [tilespmem:$0x15A0];
	v4 =	vmul.f32 v4, v36  }
0x10e: {  	v1 =	vmul.f32 v1, v15;
	v38 =	vmul.f32 v47, v8;
	v47 =	vld [tilespmem:$0x1F640];
	v0 =	vadd.f32 v0, v32  }
0x10f: {  	[tilespmem:$0x1F750] =	vst v34;
	v2 =	vadd.f32 v4, v2;
	v4 =	vld [tilespmem:$0x1F630]  }
0x110: {  	v60 =	vld [tilespmem:$0x1EA0];
	[tilespmem:$0x1FA30] =	vst v58;
	v0 =	vadd.f32 v1, v0  }
0x111: {  	[tilespmem:$0x1F940] =	vst v24;
	v24 =	vld [tilespmem:$0x1F90]  }
0x112: {  	v58 =	vmul.f32 v3, v13;
	v0 =	vadd.f32 v56, v0;
	[tilespmem:$0x1F7C0] =	vst v28;
	v28 =	vld [tilespmem:$0x1620]  }
0x113: {  	v34 =	vld [tilespmem:$0x1910];
	[tilespmem:$0x1F920] =	vst v55  }
0x114: {  	v55 =	vld [tilespmem:$0x1020];
	[tilespmem:$0x1F9C0] =	vst v51;
	v0 =	vadd.f32 v58, v0;
	v4 =	vmul.f32 v4, v41  }
0x115: {  	v51 =	vld [tilespmem:$0x20D0];
	[tilespmem:$0x1FA50] =	vst v60;
	v60 =	vmul.f32 v5, v11  }
0x116: {  	v26 =	vmul.f32 v47, v44;
	v0 =	vadd.f32 v59, v0;
	[tilespmem:$0x1F970] =	vst v24;
	v24 =	vld [tilespmem:$0x20A0];
	v4 =	vadd.f32 v4, v2  }
0x117: {  	[tilespmem:$0x1F7D0] =	vst v28;
	v28 =	vld [tilespmem:$0x16A0]  }
0x118: {  	v61 =	vmul.f32 v7, v10;
	v0 =	vadd.f32 v60, v0;
	v4 =	vadd.f32 v26, v4;
	v26 =	vld [tilespmem:$0x1F650]  }
0x119: {  	v37 =	vld [tilespmem:$0x1030]  }
0x11a: {  	v43 =	vld [tilespmem:$0x1C20];
	v32 =	vmul.f32 v50, v9;
	v0 =	vadd.f32 v61, v0  }
0x11b: {  	[tilespmem:$0x1F9D0] =	vst v24;
	v24 =	vld [tilespmem:$0x20B0]  }
0x11c: {  	v35 =	vld [tilespmem:$0x2030];
	v0 =	vadd.f32 v32, v0  }
0x11d: {  	[tilespmem:$0x1F810] =	vst v28;
	v28 =	vld [tilespmem:$0x1F660];
	v26 =	vmul.f32 v26, v62  }
0x11e: {  	v39 =	vmul.f32 v53, v30;
	v40 =	vld [tilespmem:$0x1F20];
	v0 =	vadd.f32 v38, v0  }
0x11f: {  	v26 =	vadd.f32 v26, v4;
	v4 =	vld [tilespmem:$0x1F670]  }
0x120: {  	v34 =	vmul.f32 v34, v36;
	v0 =	vadd.f32 v39, v0;
	[tilespmem:$0x1F9E0] =	vst v24;
	v24 =	vld [tilespmem:$0x10A0]  }
0x121: {  	v33 =	vld [tilespmem:$0x10B0]  }
0x122: {  	v61 =	vld [tilespmem:$0x1F690];
	v0 =	vadd.f32 v34, v0;
	v28 =	vmul.f32 v28, v41  }
0x123: {  	v50 =	vmul.f32 v55, v6;
	v38 =	vld [tilespmem:$0x1FBA0]  }
0x124: {  	v0 =	vadd.f32 v28, v0;
	v28 =	vmul.f32 v4, v63;
	v4 =	vld [tilespmem:$0x1F680]  }
0x125: {  	[tilespmem:$0x1FA70] =	vst v40;
	v40 =	vld [tilespmem:$0x1130];
	v25 =	vadd.f32 v50, v25;
	v24 =	vmul.f32 v24, v23  }
0x126: {  	v3 =	vld [tilespmem:$0x1230];
	v26 =	vadd.f32 v28, v26;
	v28 =	vmul.f32 v37, v6  }
0x127: {  	v42 =	vld [tilespmem:$0x11B0];
	v24 =	vadd.f32 v24, v25  }
0x128: {  	v25 =	vmul.f32 v27, v22;
	v37 =	vld [tilespmem:$0x1F6A0];
	v27 =	vadd.f32 v28, v35;
	v28 =	vmul.f32 v61, v38  }
0x129: {  	[tilespmem:$0x1FAF0] =	vst v51;
	v51 =	vmul.f32 v4, v44;
	v4 =	vld [tilespmem:$0x1FBC0]  }
0x12a: {  	v33 =	vmul.f32 v33, v23;
	v26 =	vadd.f32 v28, v26;
	v28 =	vmul.f32 v40, v22;
	v40 =	vld [tilespmem:$0x1F6D0]  }
0x12b: {  	v59 =	vld [tilespmem:$0x1CB0]  }
0x12c: {  	v50 =	vld [tilespmem:$0x1F6B0];
	v27 =	vadd.f32 v33, v27  }
0x12d: {  	[tilespmem:$0x1F9A0] =	vst v43;
	v43 =	vld [tilespmem:$0x1FA0];
	v24 =	vadd.f32 v25, v24;
	v47 =	vadd.f32 v51, v0;
	v25 =	vmul.f32 v37, v62  }
0x12e: {  	v54 =	vld [tilespmem:$0x1DB0];
	v27 =	vadd.f32 v28, v27  }
0x12f: {  	v58 =	vld [tilespmem:$0x1E30];
	v25 =	vadd.f32 v25, v47;
	v47 =	vmul.f32 v42, v21;
	v28 =	vmul.f32 v40, v4  }
0x130: {  	v3 =	vmul.f32 v3, v20;
	[tilespmem:$0x1FA00] =	vst v59;
	v59 =	vld [tilespmem:$0x1F6C0]  }
0x131: {  	v51 =	vmul.f32 v50, v21;
	v50 =	vld [tilespmem:$0x1F30];
	v28 =	vadd.f32 v28, v26;
	v26 =	vadd.f32 v47, v27  }
0x132: {  	v0 =	vld [tilespmem:$0x1FBE0]  }
0x133: {  	v3 =	vadd.f32 v3, v26;
	v26 =	vld [tilespmem:$0x1F710]  }
0x134: {  	[tilespmem:$0x1FA60] =	vst v58;
	v58 =	vld [tilespmem:$0x1F6F0]  }
0x135: {  	v24 =	vadd.f32 v51, v24;
	v51 =	vld [tilespmem:$0x1F6E0]  }
0x136: {  	v42 =	vld [tilespmem:$0x1F700]  }
0x137: {  	v45 =	vld [tilespmem:$0x13B0];
	v61 =	vmul.f32 v59, v20  }
0x138: {  	[tilespmem:$0x1FAC0] =	vst v50;
	v50 =	vmul.f32 v26, v0;
	v26 =	vld [tilespmem:$0x1F720]  }
0x139: {  	v5 =	vld [tilespmem:$0x1430];
	v59 =	vmul.f32 v58, v19;
	v24 =	vadd.f32 v61, v24  }
0x13a: {  	[tilespmem:$0x1FAB0] =	vst v43;
	v29 =	vld [tilespmem:$0x12B0]  }
0x13b: {  	v43 =	vld [tilespmem:$0x1330];
	[tilespmem:$0x1FA40] =	vst v54;
	v24 =	vadd.f32 v59, v24;
	v54 =	vmul.f32 v51, v63;
	v27 =	vmul.f32 v42, v18  }
0x13c: {  	v37 =	vld [tilespmem:$0x1EB0]  }
0x13d: {  	v25 =	vadd.f32 v54, v25;
	v24 =	vadd.f32 v27, v24;
	v27 =	vmul.f32 v26, v38;
	v26 =	vld [tilespmem:$0x1F730]  }
0x13e: {  	v52 =	vld [tilespmem:$0x14B0]  }
0x13f: {  	v29 =	vmul.f32 v29, v19;
	v25 =	vadd.f32 v27, v25;
	v27 =	vld [tilespmem:$0x1F740]  }
0x140: {  	v61 =	vld [tilespmem:$0x1FB0]  }
0x141: {  	[tilespmem:$0x1FA80] =	vst v37;
	v37 =	vld [tilespmem:$0x20E0];
	v3 =	vadd.f32 v29, v3;
	v29 =	vmul.f32 v43, v18  }
0x142: {  	v47 =	vld [tilespmem:$0x20F0];
	v51 =	vmul.f32 v26, v17  }
0x143: {  	v3 =	vadd.f32 v29, v3;
	v29 =	vld [tilespmem:$0x1F750]  }
0x144: {  	v24 =	vadd.f32 v51, v24;
	v27 =	vmul.f32 v27, v16;
	v51 =	vld [tilespmem:$0x1FC00]  }
0x145: {  	v59 =	vld [tilespmem:$0x1F770]  }
0x146: {  	v24 =	vadd.f32 v27, v24;
	v27 =	vld [tilespmem:$0x1F760]  }
0x147: {  	v58 =	vmul.f32 v45, v17;
	[tilespmem:$0x1FB00] =	vst v37;
	v37 =	vld [tilespmem:$0x1F780]  }
0x148: {  	[tilespmem:$0x1FB20] =	vst v47;
	v47 =	vld [tilespmem:$0x1F7A0]  }
0x149: {  	v43 =	vadd.f32 v58, v3;
	v58 =	vld [tilespmem:$0x1F7C0];
	v54 =	vadd.f32 v50, v28;
	v29 =	vmul.f32 v29, v51  }
0x14a: {  	v50 =	vld [tilespmem:$0x13C0]  }
0x14b: {  	[tilespmem:$0x1FAE0] =	vst v61;
	v61 =	vmul.f32 v59, v15;
	v27 =	vmul.f32 v27, v4;
	v42 =	vadd.f32 v29, v54;
	v54 =	vld [tilespmem:$0x1F790]  }
0x14c: {  	v7 =	vld [tilespmem:$0x1530]  }
0x14d: {  	v24 =	vadd.f32 v61, v24;
	v61 =	vld [tilespmem:$0x1440];
	v25 =	vadd.f32 v27, v25;
	v27 =	vmul.f32 v37, v14  }
0x14e: {  	v46 =	vld [tilespmem:$0x20C0];
	v5 =	vmul.f32 v5, v16  }
0x14f: {  	v59 =	vmul.f32 v58, v13;
	[tilespmem:$0x1FA90] =	vst v50;
	v50 =	vld [tilespmem:$0x1F7D0];
	v24 =	vadd.f32 v27, v24  }
0x150: {  	v5 =	vadd.f32 v5, v43;
	v43 =	vmul.f32 v47, v54;
	v47 =	vmul.f32 v52, v15;
	v52 =	vld [tilespmem:$0x1F7B0]  }
0x151: {  	v24 =	vadd.f32 v59, v24;
	v59 =	vld [tilespmem:$0x1F800]  }
0x152: {  	[tilespmem:$0x1FAA0] =	vst v61;
	v61 =	vld [tilespmem:$0x1F810]  }
0x153: {  	v7 =	vmul.f32 v7, v14;
	v57 =	vld [tilespmem:$0x15B0];
	v5 =	vadd.f32 v47, v5  }
0x154: {  	v3 =	vld [tilespmem:$0x1F7E0]  }
0x155: {  	v5 =	vadd.f32 v7, v5;
	v7 =	vld [tilespmem:$0x1F7F0];
	v27 =	vmul.f32 v52, v0;
	v52 =	vmul.f32 v50, v12  }
0x156: {  	v58 =	vmul.f32 v59, v51;
	v59 =	vld [tilespmem:$0x1F820]  }
0x157: {  	v24 =	vadd.f32 v52, v24;
	v52 =	vmul.f32 v61, v11;
	v61 =	vld [tilespmem:$0x1740]  }
0x158: {  	v48 =	vld [tilespmem:$0x16B0]  }
0x159: {  	[tilespmem:$0x1FAD0] =	vst v46;
	v46 =	vld [tilespmem:$0x1630];
	v57 =	vmul.f32 v57, v13  }
0x15a: {  	v24 =	vadd.f32 v52, v24;
	v52 =	vld [tilespmem:$0x1F840]  }
0x15b: {  	v5 =	vadd.f32 v57, v5;
	v57 =	vmul.f32 v59, v10;
	v59 =	vld [tilespmem:$0x1F860]  }
0x15c: {  	v43 =	vadd.f32 v43, v42;
	v7 =	vmul.f32 v7, v3;
	[tilespmem:$0x1FB10] =	vst v61;
	v61 =	vld [tilespmem:$0x1F830]  }
0x15d: {  	v25 =	vadd.f32 v27, v25  }
0x15e: {  	v7 =	vadd.f32 v7, v43;
	v43 =	vmul.f32 v46, v12;
	v24 =	vadd.f32 v57, v24;
	v57 =	vld [tilespmem:$0x1F850];
	_ =	sdelay $0x1  }
0x15f: {  	v49 =	vld [tilespmem:$0x1730];
	v25 =	vadd.f32 v58, v25;
	v58 =	vmul.f32 v48, v11;
	v5 =	vadd.f32 v43, v5  }
0x160: {  	v59 =	vmul.f32 v59, v9;
	v43 =	vmul.f32 v52, v61;
	v52 =	vld [tilespmem:$0x1840]  }
0x161: {  	v5 =	vadd.f32 v58, v5;
	v58 =	vld [tilespmem:$0x1F870]  }
0x162: {  	v57 =	vmul.f32 v57, v54;
	v24 =	vadd.f32 v59, v24;
	v59 =	vld [tilespmem:$0x1940]  }
0x163: {  	v53 =	vld [tilespmem:$0x1AB0]  }
0x164: {  	v25 =	vadd.f32 v57, v25;
	v57 =	vld [tilespmem:$0x1F890]  }
0x165: {  	[tilespmem:$0x1FB30] =	vst v52;
	v52 =	vld [tilespmem:$0x18C0]  }
0x166: {  	v7 =	vadd.f32 v43, v7;
	v43 =	vmul.f32 v49, v10;
	v49 =	vmul.f32 v58, v8;
	v58 =	vld [tilespmem:$0x19C0]  }
0x167: {  	[tilespmem:$0x1FB50] =	vst v59;
	v59 =	vld [tilespmem:$0x1F880]  }
0x168: {  	v31 =	vld [tilespmem:$0x17B0]  }
0x169: {  	v32 =	vld [tilespmem:$0x1830]  }
0x16a: {  	[tilespmem:$0x1FB40] =	vst v52;
	v52 =	vld [tilespmem:$0x1F8A0]  }
0x16b: {  	[tilespmem:$0x1FB60] =	vst v58;
	v58 =	vld [tilespmem:$0x1A40]  }
0x16c: {  	v5 =	vadd.f32 v43, v5;
	v43 =	vmul.f32 v57, v59;
	v57 =	vld [tilespmem:$0x1F8B0]  }
0x16d: {  	v55 =	vld [tilespmem:$0x1B30]  }
0x16e: {  	v31 =	vmul.f32 v31, v9;
	v2 =	vld [tilespmem:$0x18B0]  }
0x16f: {  	v24 =	vadd.f32 v49, v24;
	v49 =	vmul.f32 v52, v3;
	v52 =	vld [tilespmem:$0x1F8C0]  }
0x170: {  	v5 =	vadd.f32 v31, v5;
	v31 =	vmul.f32 v32, v8;
	[tilespmem:$0x1FB70] =	vst v58;
	v58 =	vld [tilespmem:$0x1BC0]  }
0x171: {  	v57 =	vmul.f32 v57, v30;
	v25 =	vadd.f32 v49, v25;
	v49 =	vld [tilespmem:$0x1F8F0]  }
0x172: {  	v5 =	vadd.f32 v31, v5;
	v31 =	vld [tilespmem:$0x1F8E0]  }
0x173: {  	v24 =	vadd.f32 v57, v24;
	v57 =	vld [tilespmem:$0x1B40]  }
0x174: {  	v32 =	vmul.f32 v52, v36;
	v52 =	vld [tilespmem:$0x1F8D0]  }
0x175: {  	v1 =	vld [tilespmem:$0x1930]  }
0x176: {  	[tilespmem:$0x1FBB0] =	vst v58;
	v58 =	vmov v61;
	v24 =	vadd.f32 v32, v24;
	v32 =	vmul.f32 v49, v61;
	v61 =	vld [tilespmem:$0x1C40]  }
0x177: {  	v56 =	vld [tilespmem:$0x1BB0]  }
0x178: {  	v7 =	vadd.f32 v43, v7;
	v43 =	vld [tilespmem:$0x1AC0]  }
0x179: {  	v2 =	vmul.f32 v2, v30;
	[tilespmem:$0x1FB90] =	vst v57;
	v57 =	vld [tilespmem:$0x1F900];
	v31 =	vmul.f32 v31, v52  }
0x17a: {  	v60 =	vld [tilespmem:$0x1C30]  }
0x17b: {  	v2 =	vadd.f32 v2, v5;
	v5 =	vmul.f32 v1, v36;
	[tilespmem:$0x1FBD0] =	vst v61;
	v7 =	vadd.f32 v31, v7;
	v61 =	vld [tilespmem:$0x1F910]  }
0x17c: {  	v39 =	vld [tilespmem:$0x19B0]  }
0x17d: {  	v2 =	vadd.f32 v5, v2;
	v5 =	vmax.f32 v7, $0.0e+00;
	v7 =	vld [tilespmem:$0x1DC0]  }
0x17e: {  	v34 =	vld [tilespmem:$0x1A30];
	[tilespmem:$0x1FB80] =	vst v43;
	v43 =	vmul.f32 v57, v41  }
0x17f: {  	v35 =	vld [tilespmem:$0x1D30]  }
0x180: {  	v45 =	vld [tilespmem:$0x11C0];
	v24 =	vadd.f32 v43, v24;
	v31 =	vmul.f32 v61, v44  }
0x181: {  	v49 =	vld [tilespmem:$0x1E40]  }
0x182: {  	[tilespmem:$0x1FC20] =	vst v7;
	v7 =	vadd.f32 v31, v24;
	v31 =	vld [tilespmem:$0x1F930]  }
0x183: {  	v57 =	vld [tilespmem:$0x1CC0]  }
0x184: {  	v33 =	vld [tilespmem:$0x1140]  }
0x185: {  	[tilespmem:$0x1FA20] =	vst v35;
	v35 =	vld [tilespmem:$0x1240]  }
0x186: {  	v25 =	vadd.f32 v32, v25;
	v32 =	vld [tilespmem:$0x1D40]  }
0x187: {  	[tilespmem:$0x1FC30] =	vst v49;
	v49 =	vld [tilespmem:$0x1F40];
	v31 =	vmul.f32 v31, v62  }
0x188: {  	[tilespmem:$0x1FBF0] =	vst v57;
	v57 =	vld [tilespmem:$0x1F940]  }
0x189: {  	v7 =	vadd.f32 v31, v7;
	v31 =	vld [tilespmem:$0x1F960]  }
0x18a: {  	v43 =	vmul.f32 v39, v41;
	v24 =	vld [tilespmem:$0x1F920]  }
0x18b: {  	v39 =	vld [tilespmem:$0x1EC0]  }
0x18c: {  	v1 =	vadd.f32 v43, v2;
	v61 =	vmul.f32 v34, v44;
	v43 =	vld [tilespmem:$0x1F950]  }
0x18d: {  	[tilespmem:$0x1FC50] =	vst v49;
	v49 =	vmov v4;
	v4 =	vld [tilespmem:$0x1F9A0]  }
0x18e: {  	v1 =	vadd.f32 v61, v1;
	v61 =	vld [tilespmem:$0x1F980];
	v31 =	vmul.f32 v31, v63  }
0x18f: {  	v2 =	vmul.f32 v57, v59;
	v57 =	vld [tilespmem:$0x1FC0];
	v24 =	vmul.f32 v5, v24  }
0x190: {  	v7 =	vadd.f32 v31, v7;
	v31 =	vld [tilespmem:$0x1F970]  }
0x191: {  	v24 =	vadd.f32 v24, v43;
	v43 =	vld [tilespmem:$0x1F990]  }
0x192: {  	[tilespmem:$0x1FC40] =	vst v39;
	v39 =	vld [tilespmem:$0x2100];
	v2 =	vadd.f32 v2, v25;
	v25 =	vmul.f32 v53, v62  }
0x193: {  	v53 =	vld [tilespmem:$0x1F9B0]  }
0x194: {  	[tilespmem:$0x1FC10] =	vst v32;
	v32 =	vmul.f32 v61, v38;
	v1 =	vadd.f32 v25, v1;
	v25 =	vmul.f32 v55, v63;
	v55 =	vld [tilespmem:$0x1F9C0]  }
0x195: {  	v61 =	vld [tilespmem:$0x1F9F0];
	v31 =	vmul.f32 v31, v52  }
0x196: {  	[tilespmem:$0x1FC60] =	vst v57;
	v57 =	vmul.f32 v60, v49;
	v60 =	vld [tilespmem:$0x1F9E0];
	v5 =	vmul.f32 v5, v43;
	v7 =	vadd.f32 v32, v7  }
0x197: {  	v2 =	vadd.f32 v31, v2;
	v31 =	vmul.f32 v4, v49;
	v4 =	vmul.f32 v56, v38;
	v56 =	vld [tilespmem:$0x1F9D0]  }
0x198: {  	v40 =	vld [tilespmem:$0x2040];
	v5 =	vadd.f32 v5, v53;
	v53 =	vmov v0  }
0x199: {  	v26 =	vld [tilespmem:$0x1040];
	v7 =	vadd.f32 v31, v7;
	v31 =	vmul.f32 v55, v53  }
0x19a: {  	[tilespmem:$0x1FC70] =	vst v39;
	v39 =	vld [tilespmem:$0x1FA00];
	v1 =	vadd.f32 v25, v1  }
0x19b: {  	v28 =	vld [tilespmem:$0x10C0];
	v2 =	vmax.f32 v2, $0.0e+00;
	v7 =	vadd.f32 v31, v7;
	v31 =	vmul.f32 v61, v51  }
0x19c: {  	v29 =	vld [tilespmem:$0x12C0];
	v1 =	vadd.f32 v4, v1;
	v4 =	vmul.f32 v2, v56;
	v2 =	vmul.f32 v2, v60  }
0x19d: {  	v55 =	vld [tilespmem:$0x1FA20]  }
0x19e: {  	v32 =	vld [tilespmem:$0x1050];
	v2 =	vadd.f32 v2, v5;
	v5 =	vadd.f32 v31, v7;
	v7 =	vmul.f32 v26, v6  }
0x19f: {  	v0 =	vmul.f32 v39, v53;
	v1 =	vadd.f32 v57, v1;
	v57 =	vld [tilespmem:$0x1FA40]  }
0x1a0: {  	v28 =	vmul.f32 v28, v23;
	v53 =	vld [tilespmem:$0x1FA10];
	v7 =	vadd.f32 v7, v40  }
0x1a1: {  	v34 =	vld [tilespmem:$0x2050];
	v0 =	vadd.f32 v0, v1  }
0x1a2: {  	v25 =	vld [tilespmem:$0x10D0];
	v39 =	vmul.f32 v55, v51;
	v7 =	vadd.f32 v28, v7;
	v28 =	vmul.f32 v33, v22  }
0x1a3: {  	v38 =	vld [tilespmem:$0x1150];
	v60 =	vmul.f32 v45, v21  }
0x1a4: {  	v56 =	vld [tilespmem:$0x1FA30];
	v0 =	vadd.f32 v39, v0;
	v7 =	vadd.f32 v28, v7;
	v28 =	vmul.f32 v57, v54  }
0x1a5: {  	v37 =	vld [tilespmem:$0x1340];
	v1 =	vmul.f32 v53, v54;
	v31 =	vmul.f32 v32, v6  }
0x1a6: {  	v43 =	vld [tilespmem:$0x11D0];
	v0 =	vadd.f32 v28, v0;
	v7 =	vadd.f32 v60, v7;
	v28 =	vmul.f32 v35, v20  }
0x1a7: {  	v25 =	vmul.f32 v25, v23;
	v49 =	vld [tilespmem:$0x1250];
	v1 =	vadd.f32 v1, v5;
	v5 =	vadd.f32 v31, v34  }
0x1a8: {  	v61 =	vmovc v3;
	v4 =	vadd.f32 v4, v24;
	v24 =	vld [tilespmem:$0x12D0];
	v39 =	vmul.f32 v29, v19;
	v7 =	vadd.f32 v28, v7  }
0x1a9: {  	v31 =	vmul.f32 v38, v22;
	v34 =	vld [tilespmem:$0x1FA50];
	v5 =	vadd.f32 v25, v5;
	v25 =	vmul.f32 v56, v61  }
0x1aa: {  	v38 =	vld [tilespmem:$0x1FA60];
	v3 =	vadd.f32 v39, v7;
	v7 =	vmul.f32 v37, v18  }
0x1ab: {  	v26 =	vld [tilespmem:$0x1350];
	v1 =	vadd.f32 v25, v1;
	v5 =	vadd.f32 v31, v5;
	v25 =	vmul.f32 v43, v21  }
0x1ac: {  	v3 =	vadd.f32 v7, v3;
	v7 =	vld [tilespmem:$0x1FA80]  }
0x1ad: {  	v31 =	vmul.f32 v49, v20;
	v5 =	vadd.f32 v25, v5  }
0x1ae: {  	v25 =	vmul.f32 v34, v58  }
0x1af: {  	v42 =	vld [tilespmem:$0x14C0];
	v24 =	vmul.f32 v24, v19;
	v28 =	vmul.f32 v38, v61;
	v5 =	vadd.f32 v31, v5  }
0x1b0: {  	v60 =	vmov v58;
	v1 =	vadd.f32 v25, v1;
	v25 =	vmul.f32 v26, v18;
	v26 =	vld [tilespmem:$0x1FA90]  }
0x1b1: {  	v0 =	vadd.f32 v28, v0;
	v5 =	vadd.f32 v24, v5;
	v24 =	vld [tilespmem:$0x1FA70];
	v7 =	vmul.f32 v7, v60  }
0x1b2: {  	v32 =	vld [tilespmem:$0x13D0]  }
0x1b3: {  	v0 =	vadd.f32 v7, v0;
	v7 =	vld [tilespmem:$0x1FAA0]  }
0x1b4: {  	v47 =	vld [tilespmem:$0x1640]  }
0x1b5: {  	v50 =	vld [tilespmem:$0x1540];
	v26 =	vmul.f32 v26, v17  }
0x1b6: {  	v27 =	vld [tilespmem:$0x15C0];
	v24 =	vmul.f32 v24, v59  }
0x1b7: {  	v40 =	vld [tilespmem:$0x1450];
	v5 =	vadd.f32 v25, v5;
	v3 =	vadd.f32 v26, v3  }
0x1b8: {  	v46 =	vld [tilespmem:$0x16C0];
	v1 =	vadd.f32 v24, v1;
	v24 =	vmul.f32 v32, v17;
	v7 =	vmul.f32 v7, v16  }
0x1b9: {  	v51 =	vld [tilespmem:$0x14D0]  }
0x1ba: {  	v26 =	vmul.f32 v42, v15;
	v5 =	vadd.f32 v24, v5;
	v24 =	vld [tilespmem:$0x1FAB0];
	v3 =	vadd.f32 v7, v3  }
0x1bb: {  	v33 =	vld [tilespmem:$0x1550]  }
0x1bc: {  	v25 =	vmul.f32 v40, v16;
	v40 =	vmul.f32 v50, v14;
	v7 =	vld [tilespmem:$0x1FAC0];
	v32 =	vadd.f32 v26, v3  }
0x1bd: {  	v27 =	vmul.f32 v27, v13;
	v45 =	vld [tilespmem:$0x1650]  }
0x1be: {  	v53 =	vld [tilespmem:$0x15D0];
	v5 =	vadd.f32 v25, v5;
	v25 =	vmul.f32 v51, v15;
	v3 =	vadd.f32 v40, v32  }
0x1bf: {  	v51 =	vld [tilespmem:$0x1FAE0];
	v24 =	vmul.f32 v24, v52  }
0x1c0: {  	v28 =	vmovc v59;
	v42 =	vld [tilespmem:$0x1FAD0];
	v5 =	vadd.f32 v25, v5;
	v3 =	vadd.f32 v27, v3;
	v27 =	vmul.f32 v47, v12  }
0x1c1: {  	v43 =	vld [tilespmem:$0x16D0];
	v56 =	vmovc v28;
	v24 =	vadd.f32 v24, v1;
	v7 =	vmul.f32 v7, v28;
	v28 =	vmul.f32 v33, v14  }
0x1c2: {  	v35 =	vld [tilespmem:$0x1750];
	v3 =	vadd.f32 v27, v3;
	v27 =	vmul.f32 v46, v11  }
0x1c3: {  	v53 =	vmul.f32 v53, v13;
	v24 =	vmax.f32 v24, $0.0e+00;
	v47 =	vld [tilespmem:$0x1FAF0];
	v5 =	vadd.f32 v28, v5  }
0x1c4: {  	v7 =	vadd.f32 v7, v0;
	v28 =	vmul.f32 v51, v52;
	v3 =	vadd.f32 v27, v3;
	v27 =	vld [tilespmem:$0x1FB00]  }
0x1c5: {  	v45 =	vmul.f32 v45, v12;
	v50 =	vmul.f32 v24, v42;
	v51 =	vld [tilespmem:$0x1FB10];
	v5 =	vadd.f32 v53, v5  }
0x1c6: {  	v49 =	vld [tilespmem:$0x17D0];
	v7 =	vadd.f32 v28, v7  }
0x1c7: {  	v48 =	vld [tilespmem:$0x17C0];
	v4 =	vadd.f32 v50, v4;
	v50 =	vmul.f32 v43, v11;
	v5 =	vadd.f32 v45, v5  }
0x1c8: {  	v55 =	vmov v54;
	v54 =	vld [tilespmem:$0x1850];
	v24 =	vmul.f32 v24, v47;
	v7 =	vmax.f32 v7, $0.0e+00  }
0x1c9: {  	v53 =	vmul.f32 v35, v10;
	v5 =	vadd.f32 v50, v5;
	v50 =	vld [tilespmem:$0x1FB20];
	v27 =	vmul.f32 v7, v27  }
0x1ca: {  	v42 =	vld [tilespmem:$0x1060];
	v43 =	vmul.f32 v51, v10;
	v2 =	vadd.f32 v24, v2  }
0x1cb: {  	v51 =	vmul.f32 v49, v9;
	v5 =	vadd.f32 v53, v5;
	v24 =	vadd.f32 v27, v4;
	v27 =	vld [tilespmem:$0x1070]  }
0x1cc: {  	v57 =	vld [tilespmem:$0x18D0];
	v3 =	vadd.f32 v43, v3;
	v4 =	vmul.f32 v48, v9  }
0x1cd: {  	v40 =	vld [tilespmem:$0x2060];
	v53 =	vadd.f32 v51, v5  }
0x1ce: {  	v5 =	vmul.f32 v54, v8;
	v7 =	vmul.f32 v7, v50;
	v3 =	vadd.f32 v4, v3;
	v4 =	vld [tilespmem:$0x1FB30]  }
0x1cf: {  	v42 =	vmul.f32 v42, v6;
	v45 =	vld [tilespmem:$0x10E0]  }
0x1d0: {  	v35 =	vadd.f32 v7, v2;
	v2 =	vadd.f32 v5, v53;
	v5 =	vmul.f32 v27, v6;
	v6 =	vld [tilespmem:$0x1FB40]  }
0x1d1: {  	v47 =	vld [tilespmem:$0x10F0]  }
0x1d2: {  	v43 =	vld [tilespmem:$0x2070]  }
0x1d3: {  	v46 =	vld [tilespmem:$0x1160];
	v4 =	vmul.f32 v4, v8  }
0x1d4: {  	v49 =	vld [tilespmem:$0x1170]  }
0x1d5: {  	v7 =	vld [tilespmem:$0x11E0];
	v3 =	vadd.f32 v4, v3;
	v6 =	vmul.f32 v6, v30  }
0x1d6: {  	v48 =	vmul.f32 v45, v23;
	v53 =	vld [tilespmem:$0x11F0];
	v4 =	vadd.f32 v42, v40  }
0x1d7: {  	v58 =	vld [tilespmem:$0x1950];
	v5 =	vadd.f32 v5, v43;
	v3 =	vadd.f32 v6, v3;
	v6 =	vmul.f32 v47, v23  }
0x1d8: {  	v51 =	vmul.f32 v46, v22;
	v50 =	vmul.f32 v57, v30;
	v57 =	vld [tilespmem:$0x1270];
	v4 =	vadd.f32 v48, v4  }
0x1d9: {  	v54 =	vld [tilespmem:$0x12E0];
	v5 =	vadd.f32 v6, v5;
	v6 =	vmul.f32 v49, v22  }
0x1da: {  	v2 =	vadd.f32 v50, v2;
	v50 =	vld [tilespmem:$0x12F0];
	v7 =	vmul.f32 v7, v21;
	v4 =	vadd.f32 v51, v4  }
0x1db: {  	v5 =	vadd.f32 v6, v5;
	v6 =	vmul.f32 v53, v21  }
0x1dc: {  	v27 =	vld [tilespmem:$0x1260];
	v4 =	vadd.f32 v7, v4;
	v7 =	vmul.f32 v58, v36  }
0x1dd: {  	v48 =	vld [tilespmem:$0x1FB50];
	v5 =	vadd.f32 v6, v5;
	v6 =	vmul.f32 v57, v20  }
0x1de: {  	v49 =	vld [tilespmem:$0x1360];
	v2 =	vadd.f32 v7, v2  }
0x1df: {  	v7 =	vmul.f32 v54, v19;
	v54 =	vld [tilespmem:$0x1FB60];
	v5 =	vadd.f32 v6, v5;
	v6 =	vmul.f32 v50, v19  }
0x1e0: {  	v53 =	vld [tilespmem:$0x1370]  }
0x1e1: {  	v5 =	vadd.f32 v6, v5;
	v6 =	vld [tilespmem:$0x1FB70]  }
0x1e2: {  	v29 =	vld [tilespmem:$0x1D50];
	v22 =	vmul.f32 v48, v36  }
0x1e3: {  	v27 =	vmul.f32 v27, v20;
	v58 =	vld [tilespmem:$0x13F0]  }
0x1e4: {  	v59 =	vld [tilespmem:$0x19D0];
	v3 =	vadd.f32 v22, v3;
	v20 =	vmul.f32 v54, v41  }
0x1e5: {  	v34 =	vld [tilespmem:$0x1A50];
	v4 =	vadd.f32 v27, v4;
	v27 =	vmul.f32 v49, v18  }
0x1e6: {  	v31 =	vld [tilespmem:$0x1AD0];
	v18 =	vmul.f32 v53, v18;
	v3 =	vadd.f32 v20, v3;
	v6 =	vmul.f32 v6, v44  }
0x1e7: {  	v51 =	vld [tilespmem:$0x13E0]  }
0x1e8: {  	v57 =	vld [tilespmem:$0x1460];
	v5 =	vadd.f32 v18, v5;
	v3 =	vadd.f32 v6, v3;
	v6 =	vmul.f32 v58, v17  }
0x1e9: {  	v4 =	vadd.f32 v7, v4;
	v7 =	vmul.f32 v59, v41;
	v59 =	vld [tilespmem:$0x1470]  }
0x1ea: {  	v5 =	vadd.f32 v6, v5;
	v6 =	vld [tilespmem:$0x1FB80]  }
0x1eb: {  	v38 =	vld [tilespmem:$0x1BD0]  }
0x1ec: {  	v50 =	vld [tilespmem:$0x14F0];
	v2 =	vadd.f32 v7, v2;
	v4 =	vadd.f32 v27, v4;
	v7 =	vmul.f32 v51, v17  }
0x1ed: {  	v39 =	vld [tilespmem:$0x1B50]  }
0x1ee: {  	v37 =	vld [tilespmem:$0x1C50];
	v4 =	vadd.f32 v7, v4;
	v7 =	vmul.f32 v57, v16  }
0x1ef: {  	v25 =	vld [tilespmem:$0x1DD0];
	v16 =	vmul.f32 v59, v16;
	v6 =	vmul.f32 v6, v62  }
0x1f0: {  	v19 =	vld [tilespmem:$0x14E0]  }
0x1f1: {  	v48 =	vld [tilespmem:$0x1560];
	v5 =	vadd.f32 v16, v5;
	v3 =	vadd.f32 v6, v3;
	v6 =	vmul.f32 v50, v15  }
0x1f2: {  	v18 =	vld [tilespmem:$0x1570]  }
0x1f3: {  	v5 =	vadd.f32 v6, v5;
	v6 =	vld [tilespmem:$0x1FB90]  }
0x1f4: {  	v1 =	vld [tilespmem:$0x1CD0]  }
0x1f5: {  	v53 =	vld [tilespmem:$0x15F0];
	v4 =	vadd.f32 v7, v4;
	v7 =	vmul.f32 v19, v15  }
0x1f6: {  	v26 =	vld [tilespmem:$0x1E50]  }
0x1f7: {  	v4 =	vadd.f32 v7, v4;
	v7 =	vmul.f32 v48, v14;
	v17 =	vld [tilespmem:$0x15E0]  }
0x1f8: {  	v32 =	vld [tilespmem:$0x1FDC0];
	v14 =	vmul.f32 v18, v14;
	v6 =	vmul.f32 v6, v63  }
0x1f9: {  	v19 =	vld [tilespmem:$0x1660]  }
0x1fa: {  	v54 =	vld [tilespmem:$0x1FBA0];
	v5 =	vadd.f32 v14, v5;
	v3 =	vadd.f32 v6, v3;
	v6 =	vmul.f32 v53, v13  }
0x1fb: {  	v16 =	vld [tilespmem:$0x1670]  }
0x1fc: {  	v4 =	vadd.f32 v7, v4;
	v7 =	vmul.f32 v17, v13;
	v5 =	vadd.f32 v6, v5;
	v6 =	vld [tilespmem:$0x1FBB0]  }
0x1fd: {  	v33 =	vld [tilespmem:$0x1F50]  }
0x1fe: {  	v4 =	vadd.f32 v7, v4;
	v7 =	vmul.f32 v19, v12;
	v19 =	vld [tilespmem:$0x16F0]  }
0x1ff: {  	v0 =	vld [tilespmem:$0x1ED0]  }
0x200: {  	v15 =	vld [tilespmem:$0x16E0]  }
0x201: {  	v28 =	vld [tilespmem:$0x1FD0];
	v12 =	vmul.f32 v16, v12;
	v6 =	vmul.f32 v6, v54  }
0x202: {  	v17 =	vld [tilespmem:$0x1760]  }
0x203: {  	v57 =	vld [tilespmem:$0x1FBC0];
	v5 =	vadd.f32 v12, v5;
	v3 =	vadd.f32 v6, v3;
	v6 =	vmul.f32 v19, v11  }
0x204: {  	v14 =	vld [tilespmem:$0x1770]  }
0x205: {  	v4 =	vadd.f32 v7, v4;
	v7 =	vmul.f32 v15, v11;
	v5 =	vadd.f32 v6, v5;
	v6 =	vld [tilespmem:$0x1FBD0]  }
0x206: {  	v46 =	vld [tilespmem:$0x1FE90]  }
0x207: {  	v4 =	vadd.f32 v7, v4;
	v7 =	vmul.f32 v17, v10;
	v17 =	vld [tilespmem:$0x17F0]  }
0x208: {  	v45 =	vld [tilespmem:$0x1FE80]  }
0x209: {  	v13 =	vld [tilespmem:$0x17E0]  }
0x20a: {  	v43 =	vld [tilespmem:$0x1FE50];
	v10 =	vmul.f32 v14, v10;
	v6 =	vmul.f32 v6, v57  }
0x20b: {  	v15 =	vld [tilespmem:$0x1860]  }
0x20c: {  	v58 =	vld [tilespmem:$0x1FBE0];
	v5 =	vadd.f32 v10, v5;
	v3 =	vadd.f32 v6, v3;
	v6 =	vmul.f32 v17, v9  }
0x20d: {  	v12 =	vld [tilespmem:$0x1870]  }
0x20e: {  	v4 =	vadd.f32 v7, v4;
	v7 =	vmul.f32 v13, v9;
	v5 =	vadd.f32 v6, v5;
	v6 =	vld [tilespmem:$0x1FBF0]  }
0x20f: {  	v40 =	vld [tilespmem:$0x1FE30]  }
0x210: {  	v4 =	vadd.f32 v7, v4;
	v7 =	vmul.f32 v15, v8;
	v15 =	vld [tilespmem:$0x18F0]  }
0x211: {  	v42 =	vld [tilespmem:$0x1FE40]  }
0x212: {  	v11 =	vld [tilespmem:$0x18E0]  }
0x213: {  	v50 =	vld [tilespmem:$0x1FC00];
	v8 =	vmul.f32 v12, v8;
	v6 =	vmul.f32 v6, v58  }
0x214: {  	v49 =	vmul.f32 v34, v44;
	v13 =	vld [tilespmem:$0x1960]  }
0x215: {  	v10 =	vld [tilespmem:$0x1970];
	v5 =	vadd.f32 v8, v5;
	v3 =	vadd.f32 v6, v3;
	v6 =	vmul.f32 v15, v30  }
0x216: {  	v51 =	vmul.f32 v31, v62;
	v2 =	vadd.f32 v49, v2;
	v9 =	vld [tilespmem:$0x19E0]  }
0x217: {  	v4 =	vadd.f32 v7, v4;
	v7 =	vmul.f32 v11, v30;
	v5 =	vadd.f32 v6, v5;
	v6 =	vld [tilespmem:$0x1FC10]  }
0x218: {  	v47 =	vld [tilespmem:$0x1FEB0];
	v2 =	vadd.f32 v51, v2;
	v18 =	vmul.f32 v39, v63  }
0x219: {  	v12 =	vld [tilespmem:$0x19F0];
	v4 =	vadd.f32 v7, v4;
	v7 =	vmul.f32 v13, v36  }
0x21a: {  	v21 =	vld [tilespmem:$0x1FEC0];
	v2 =	vadd.f32 v18, v2  }
0x21b: {  	v34 =	vld [tilespmem:$0x1FDE0];
	v16 =	vmul.f32 v38, v54;
	v59 =	vadd.f32 v7, v4;
	v4 =	vmul.f32 v9, v41  }
0x21c: {  	v27 =	vld [tilespmem:$0x1FD70];
	v9 =	vmul.f32 v10, v36;
	v6 =	vmul.f32 v6, v50  }
0x21d: {  	v2 =	vadd.f32 v16, v2;
	v14 =	vmul.f32 v37, v57;
	v11 =	vld [tilespmem:$0x1A60]  }
0x21e: {  	v31 =	vld [tilespmem:$0x1FDB0];
	v5 =	vadd.f32 v9, v5;
	v3 =	vadd.f32 v6, v3;
	v6 =	vmul.f32 v12, v41  }
0x21f: {  	v7 =	vld [tilespmem:$0x1A70]  }
0x220: {  	v1 =	vmul.f32 v1, v58;
	v2 =	vadd.f32 v14, v2;
	v5 =	vadd.f32 v6, v5;
	v6 =	vld [tilespmem:$0x1FC20]  }
0x221: {  	v39 =	vld [tilespmem:$0x1FE20]  }
0x222: {  	v1 =	vadd.f32 v1, v2;
	v2 =	vadd.f32 v4, v59;
	v4 =	vmul.f32 v11, v44;
	v11 =	vld [tilespmem:$0x1AF0]  }
0x223: {  	v8 =	vld [tilespmem:$0x1AE0]  }
0x224: {  	v18 =	vld [tilespmem:$0x1FE60]  }
0x225: {  	v38 =	vld [tilespmem:$0x1FE10];
	v7 =	vmul.f32 v7, v44;
	v6 =	vmul.f32 v6, v55  }
0x226: {  	v10 =	vld [tilespmem:$0x1B60]  }
0x227: {  	v16 =	vld [tilespmem:$0x1FD20];
	v5 =	vadd.f32 v7, v5;
	v3 =	vadd.f32 v6, v3;
	v6 =	vmul.f32 v11, v62  }
0x228: {  	v2 =	vadd.f32 v4, v2;
	v4 =	vmul.f32 v8, v62;
	v8 =	vld [tilespmem:$0x1B70]  }
0x229: {  	v5 =	vadd.f32 v6, v5;
	v6 =	vld [tilespmem:$0x1FC30]  }
0x22a: {  	v37 =	vld [tilespmem:$0x1FE00]  }
0x22b: {  	v2 =	vadd.f32 v4, v2;
	v4 =	vmul.f32 v10, v63;
	v10 =	vld [tilespmem:$0x1BF0]  }
0x22c: {  	v9 =	vld [tilespmem:$0x1BE0]  }
0x22d: {  	v14 =	vld [tilespmem:$0x1FD00];
	v13 =	vmul.f32 v29, v50  }
0x22e: {  	v29 =	vld [tilespmem:$0x1FD90];
	v8 =	vmul.f32 v8, v63;
	v6 =	vmul.f32 v6, v61  }
0x22f: {  	v12 =	vld [tilespmem:$0x1C60]  }
0x230: {  	v17 =	vld [tilespmem:$0x1FD30];
	v5 =	vadd.f32 v8, v5;
	v3 =	vadd.f32 v6, v3;
	v6 =	vmul.f32 v10, v54  }
0x231: {  	v2 =	vadd.f32 v4, v2;
	v4 =	vmul.f32 v9, v54;
	v9 =	vld [tilespmem:$0x1C70]  }
0x232: {  	v5 =	vadd.f32 v6, v5;
	v6 =	vld [tilespmem:$0x1FC40]  }
0x233: {  	v1 =	vadd.f32 v13, v1;
	v13 =	vmul.f32 v25, v55;
	v7 =	vld [tilespmem:$0x1CE0]  }
0x234: {  	v2 =	vadd.f32 v4, v2;
	v4 =	vmul.f32 v12, v57;
	v12 =	vld [tilespmem:$0x1CF0]  }
0x235: {  	v25 =	vld [tilespmem:$0x1FD50];
	v1 =	vadd.f32 v13, v1;
	v13 =	vmul.f32 v26, v61  }
0x236: {  	v26 =	vld [tilespmem:$0x1FD60]  }
0x237: {  	v1 =	vadd.f32 v13, v1;
	v13 =	vld [tilespmem:$0x1FCF0];
	v9 =	vmul.f32 v9, v57;
	v6 =	vmul.f32 v6, v60  }
0x238: {  	v2 =	vadd.f32 v4, v2;
	v11 =	vld [tilespmem:$0x1D60];
	v4 =	vmul.f32 v7, v58  }
0x239: {  	v7 =	vld [tilespmem:$0x1D70];
	v5 =	vadd.f32 v9, v5;
	v3 =	vadd.f32 v6, v3;
	v6 =	vmul.f32 v12, v58  }
0x23a: {  	v8 =	vld [tilespmem:$0x1DE0]  }
0x23b: {  	v5 =	vadd.f32 v6, v5;
	v6 =	vld [tilespmem:$0x1FC50]  }
0x23c: {  	v30 =	vld [tilespmem:$0x1FDA0]  }
0x23d: {  	v2 =	vadd.f32 v4, v2;
	v4 =	vmul.f32 v11, v50;
	v11 =	vld [tilespmem:$0x1DF0]  }
0x23e: {  	v10 =	vld [tilespmem:$0x1E60]  }
0x23f: {  	v15 =	vld [tilespmem:$0x1FD10];
	v7 =	vmul.f32 v7, v50  }
0x240: {  	v53 =	vmul.f32 v8, v55;
	v8 =	vld [tilespmem:$0x1F60];
	v6 =	vmul.f32 v6, v56  }
0x241: {  	v51 =	vadd.f32 v4, v2;
	v4 =	vld [tilespmem:$0x1E70]  }
0x242: {  	v9 =	vld [tilespmem:$0x1EE0];
	v5 =	vadd.f32 v7, v5;
	v3 =	vadd.f32 v6, v3;
	v6 =	vmul.f32 v11, v55  }
0x243: {  	v54 =	vmul.f32 v10, v61;
	v10 =	vld [tilespmem:$0x1EF0]  }
0x244: {  	v0 =	vmul.f32 v0, v60;
	v5 =	vadd.f32 v6, v5;
	v6 =	vld [tilespmem:$0x1FC60]  }
0x245: {  	v57 =	vmul.f32 v8, v56;
	v8 =	vld [tilespmem:$0x1FF0]  }
0x246: {  	v0 =	vadd.f32 v0, v1;
	v1 =	vadd.f32 v53, v51;
	v12 =	vmul.f32 v33, v56;
	v33 =	vld [tilespmem:$0x1FDD0]  }
0x247: {  	v4 =	vmul.f32 v4, v61;
	v7 =	vld [tilespmem:$0x1FE0]  }
0x248: {  	v1 =	vadd.f32 v54, v1;
	v55 =	vmul.f32 v9, v60;
	v9 =	vld [tilespmem:$0x1F70]  }
0x249: {  	v4 =	vadd.f32 v4, v5;
	v5 =	vmul.f32 v10, v60;
	v10 =	vld [tilespmem:$0x1FC70];
	v6 =	vmul.f32 v6, v52  }
0x24a: {  	v0 =	vadd.f32 v12, v0;
	v12 =	vmul.f32 v28, v52;
	v11 =	vld [tilespmem:$0x2110];
	v1 =	vadd.f32 v55, v1  }
0x24b: {  	v3 =	vadd.f32 v6, v3;
	v6 =	vld [tilespmem:$0x2120]  }
0x24c: {  	v58 =	vld [tilespmem:$0x2130];
	v0 =	vadd.f32 v12, v0;
	v7 =	vmul.f32 v7, v52;
	v1 =	vadd.f32 v57, v1  }
0x24d: {  	v4 =	vadd.f32 v5, v4;
	v5 =	vmul.f32 v9, v56;
	v9 =	vld [tilespmem:$0x2140];
	v3 =	vmax.f32 v3, $0.0e+00  }
0x24e: {  	v0 =	vmax.f32 v0, $0.0e+00;
	v1 =	vadd.f32 v7, v1;
	v7 =	vld [tilespmem:$0x2150];
	v10 =	vmul.f32 v3, v10  }
0x24f: {  	v4 =	vadd.f32 v5, v4;
	v5 =	vmul.f32 v8, v52;
	v8 =	vld [tilespmem:$0x2160];
	v3 =	vmul.f32 v3, v11  }
0x250: {  	v1 =	vmax.f32 v1, $0.0e+00;
	v11 =	vld [tilespmem:$0x2170];
	v10 =	vadd.f32 v10, v24;
	v6 =	vmul.f32 v0, v6  }
0x251: {  	v28 =	vld [tilespmem:$0x1FD80];
	v59 =	vadd.f32 v5, v4;
	v3 =	vadd.f32 v3, v35;
	v0 =	vmul.f32 v0, v58  }
0x252: {  	v12 =	vld [tilespmem:$0x1FCE0];
	v5 =	vmul.f32 v1, v9;
	v4 =	vadd.f32 v6, v10  }
0x253: {  	v9 =	vld [tilespmem:$0x1FCB0];
	v1 =	vmul.f32 v1, v7;
	v2 =	vmax.f32 v59, $0.0e+00;
	v0 =	vadd.f32 v0, v3  }
0x254: {  	v7 =	vld [tilespmem:$0x1FC90];
	v60 =	vadd.f32 v5, v4;
	v4 =	vmul.f32 v2, v8;
	v5 =	vor.u32 s28, v18  }
0x255: {  	p0 =	sne.s32 s29, $0xE00;
	v62 =	vor.u32 s28, v21;
	v24 =	vld [tilespmem:$0x1FD40];
	v61 =	vmul.f32 v2, v11;
	v0 =	vadd.f32 v1, v0  }
.Ltmp0:
0x256: {  	v35 =	vld [tilespmem:$0x1FDF0];
	v3 =	vadd.f32 v4, v60;
	(pc) =	sbr.rel @p0 .LBB2_2-.Ltmp0, $4  }
0x257: {  	v10 =	vld [tilespmem:$0x1FCC0];
	v0 =	vadd.f32 v61, v0  }
0x258: {  	v6 =	vld [tilespmem:$0x1FC80];
	v63 =	vmax.f32 v3, $0.0e+00  }
0x259: {  	v11 =	vld [tilespmem:$0x1FCD0];
	v0 =	vmax.f32 v0, $0.0e+00;
	[tilespmem:v5+s22+$0x0] =	vst.idx.msk $0xffff, v63  }
0x25a: {  	s29 =	sadd.s32 $0x200, s29;
	v8 =	vld [tilespmem:$0x1FCA0];
	s28 =	sadd.s32 $0x20, s28;
	[tilespmem:v62+s22+$0x0] =	vst.idx.msk $0xffff, v0  }
0x25b: {  	s0 =	rddreg [dreg:$0xe]  }
0x25c: {  	[spmem:s0] =	stream.linear.scatter [tilespmem:s22], [sflag:$0x2], $0x100, $0x38;
	[tilespmem:$0x6400] =	vst v63  }
0x25d: {  	_ =	swait.ge [sflag:s21], $0x100  }
0x25e: {  	[sflag:s21] =	ssyncset.done $0x0  }
0x25f: {  	[sflag:s21] =	ssyncadd.s32 $0xFFFFFF00  }
0x260: {  	[bflag:$0x0] =	sbarrier.arrive $0xFFFF  }
0x261: {  	s16 =	rddreg [dreg:$0xa]  }
0x262: {  	[tilespmem:s23], [sflag:$0x2] =	stream.linear.gather [spmem:s16], $0x1000, $0x38;
	[tilespmem:$0x6400] =	vst v63  }
0x263: {  	_ =	swait.ge [sflag:s21], $0x1000  }
0x264: {  	[sflag:s21] =	ssyncset.done $0x0  }
0x265: {  	[sflag:s21] =	ssyncadd.s32 $0xFFFFF000  }
0x266: {  	_ =	swait.ge [sflag:s24], $0x200  }
0x267: {  	[sflag:s24] =	ssyncset.done $0x0  }
0x268: {  	[sflag:s24] =	ssyncadd.s32 $0xFFFFFE00  }
0x269: {  	_ =	swait.ge [sflag:s24], $0x200  }
0x26a: {  	[sflag:s24] =	ssyncset.done $0x0  }
0x26b: {  	[sflag:s24] =	ssyncadd.s32 $0xFFFFFE00  }
0x26c: {  	_ =	swait.ge [sflag:s24], $0x200  }
0x26d: {  	[sflag:s24] =	ssyncset.done $0x0  }
0x26e: {  	[sflag:s24] =	ssyncadd.s32 $0xFFFFFE00  }
0x26f: {  	_ =	swait.ge [sflag:s24], $0x200  }
0x270: {  	[sflag:s24] =	ssyncset.done $0x0  }
0x271: {  	[sflag:s24] =	ssyncadd.s32 $0xFFFFFE00  }
0x272: {  	_ =	swait.ge [sflag:s24], $0x200  }
0x273: {  	[sflag:s24] =	ssyncset.done $0x0  }
0x274: {  	[sflag:s24] =	ssyncadd.s32 $0xFFFFFE00  }
0x275: {  	_ =	swait.ge [sflag:s24], $0x200  }
0x276: {  	[sflag:s24] =	ssyncset.done $0x0  }
0x277: {  	[sflag:s24] =	ssyncadd.s32 $0xFFFFFE00  }
0x278: {  	_ =	swait.ge [sflag:s24], $0x200  }
0x279: {  	[sflag:s24] =	ssyncset.done $0x0  }
0x27a: {  	[sflag:s24] =	ssyncadd.s32 $0xFFFFFE00  }
0x27b: {  	_ =	swait.ge [sflag:s24], $0x200  }
0x27c: {  	v20 =	vld [tilespmem:$0x1FEA0]  }
0x27d: {  	v22 =	vld [tilespmem:$0x1FED0]  }
0x27e: {  	s28 =	simm.s32 $0xFFFFFFFC;
	v23 =	vld [tilespmem:$0x1FEE0]  }
0x27f: {  	s29 =	simm.s32 $0x300;
	s30 =	simm.s32 $0x30;
	s31 =	simm.s32 $0x0;
	v36 =	vld [tilespmem:$0x1FEF0]  }
0x280: {  	s1 =	simm.s32 $0x30;
	s2 =	simm.s32 $0x300;
	[sflag:s24] =	ssyncset.done $0x0;
	v41 =	vld [tilespmem:$0x1FF00]  }
0x281: {  	s12 =	simm.s32 $0xFFFFFFFC;
	s0 =	simm.s32 $0x0;
	v44 =	vld [tilespmem:$0x1FF10];
	[sflag:s24] =	ssyncadd.s32 $0xFFFFFE00  }
.LBB2_4:
0x282: {  	s13 =	sadd.s32 $0xFFFFFFD0, s1;
	s14 =	sand.u32 $0xC00, s0  }
0x283: {  	s13 =	sand.u32 $0x40, s13;
	s14 =	sor.u32 $0x3300, s14  }
0x284: {  	s13 =	sor.u32 s13, s14  }
0x285: {  	v0 =	vld [tilespmem:s13+$0x0];
	_ =	sdelay $0x4  }
0x286: {  	v0 =	vshll.u32 v0, $0x1  }
0x287: {  	v1 =	vor.u32 $0x1, v0;
	_ =	sdelay $0x1  }
0x288: {  	s15 =	sadd.s32 $0xFFFFFD00, s2  }
0x289: {  	v2 =	vor.u32 s15, v20  }
0x28a: {  	v2 =	vand.u32 v22, v2;
	v0 =	vld.idx.msk [tilespmem:v0+s23+$0x0], $0xffff  }
0x28b: {  	v3 =	vor.u32 s15, v23;
	v1 =	vld.idx.msk [tilespmem:v1+s23+$0x0], $0xffff;
	_ =	sdelay $0x2  }
0x28c: {  	s16 =	sadd.s32 $0xFFFFFFE0, s1  }
0x28d: {  	s13 =	sand.u32 $0x50, s16;
	[tilespmem:v2+s25+$0x0] =	vst.idx.msk $0xffff, v0  }
0x28e: {  	s13 =	sor.u32 s13, s14;
	[tilespmem:v3+s25+$0x0] =	vst.idx.msk $0xffff, v1  }
0x28f: {  	v0 =	vld [tilespmem:s13+$0x0];
	_ =	sdelay $0x4  }
0x290: {  	v0 =	vshll.u32 v0, $0x1  }
0x291: {  	v55 =	vor.u32 $0x1, v0;
	_ =	sdelay $0x1  }
0x292: {  	s15 =	sadd.s32 $0xFFFFFE00, s2  }
0x293: {  	v56 =	vor.u32 s15, v20  }
0x294: {  	v2 =	vand.u32 v36, v56;
	v0 =	vld.idx.msk [tilespmem:v0+s23+$0x0], $0xffff  }
0x295: {  	v57 =	vor.u32 s15, v23;
	v1 =	vld.idx.msk [tilespmem:v55+s23+$0x0], $0xffff;
	_ =	sdelay $0x2  }
0x296: {  	s16 =	sadd.s32 $0xFFFFFFF0, s1  }
0x297: {  	s13 =	sand.u32 $0x60, s16;
	[tilespmem:v2+s25+$0x0] =	vst.idx.msk $0xffff, v0  }
0x298: {  	s13 =	sor.u32 s13, s14;
	[tilespmem:v57+s25+$0x0] =	vst.idx.msk $0xffff, v1  }
0x299: {  	v0 =	vld [tilespmem:s13+$0x0];
	_ =	sdelay $0x4  }
0x29a: {  	v0 =	vshll.u32 v0, $0x1  }
0x29b: {  	v58 =	vor.u32 $0x1, v0;
	_ =	sdelay $0x1  }
0x29c: {  	s15 =	sadd.s32 $0xFFFFFF00, s2  }
0x29d: {  	v59 =	vor.u32 s15, v20  }
0x29e: {  	v2 =	vand.u32 v41, v59;
	v0 =	vld.idx.msk [tilespmem:v0+s23+$0x0], $0xffff  }
0x29f: {  	v60 =	vor.u32 s15, v23;
	v1 =	vld.idx.msk [tilespmem:v58+s23+$0x0], $0xffff;
	_ =	sdelay $0x3  }
0x2a0: {  	s16 =	sand.u32 $0x70, s1;
	[tilespmem:v2+s25+$0x0] =	vst.idx.msk $0xffff, v0  }
0x2a1: {  	s13 =	sor.u32 s16, s14;
	[tilespmem:v60+s25+$0x0] =	vst.idx.msk $0xffff, v1  }
0x2a2: {  	v0 =	vld [tilespmem:s13+$0x0];
	_ =	sdelay $0x4  }
0x2a3: {  	v0 =	vshll.u32 v0, $0x1  }
0x2a4: {  	v61 =	vor.u32 $0x1, v0;
	_ =	sdelay $0x2  }
0x2a5: {  	v62 =	vor.u32 s2, v20  }
0x2a6: {  	s12 =	sadd.s32 $0x4, s12;
	v2 =	vand.u32 v44, v62;
	v0 =	vld.idx.msk [tilespmem:v0+s23+$0x0], $0xffff  }
0x2a7: {  	v63 =	vor.u32 s2, v23;
	p0 =	slt.u32 s12, $0x1C;
	v1 =	vld.idx.msk [tilespmem:v61+s23+$0x0], $0xffff  }
.Ltmp1:
0x2a8: {  	_ = 	snop;
	(pc) =	sbr.rel @p0 .LBB2_4-.Ltmp1, $3  }
0x2a9: {  	_ =	sdelay $0x1  }
0x2aa: {  	[tilespmem:v2+s25+$0x0] =	vst.idx.msk $0xffff, v0  }
0x2ab: {  	s0 =	sadd.s32 $0x200, s0;
	s2 =	sadd.s32 $0x400, s2;
	s1 =	sadd.s32 $0x40, s1;
	[tilespmem:v63+s25+$0x0] =	vst.idx.msk $0xffff, v1  }
0x2ac: {  	v48 =	vld [tilespmem:$0x1FF20]  }
0x2ad: {  	v49 =	vld [tilespmem:$0x1FF30]  }
0x2ae: {  	v50 =	vld [tilespmem:$0x1FF40]  }
0x2af: {  	v51 =	vld [tilespmem:$0x1FF50]  }
0x2b0: {  	v52 =	vld [tilespmem:$0x1FF60]  }
0x2b1: {  	v53 =	vld [tilespmem:$0x1FF70]  }
0x2b2: {  	v54 =	vld [tilespmem:$0x1FF80]  }
0x2b3: {  	v55 =	vld [tilespmem:$0x1FF90]  }
0x2b4: {  	v56 =	vld [tilespmem:$0x1FFA0]  }
0x2b5: {  	v57 =	vld [tilespmem:$0x1FFB0]  }
0x2b6: {  	v58 =	vld [tilespmem:$0x1FFC0]  }
0x2b7: {  	v59 =	vld [tilespmem:$0x1FFD0]  }
.LBB2_6:
0x2b8: {  	s0 =	sadd.s32 $0xFFFFFFD0, s30;
	s1 =	sand.u32 $0xC00, s31  }
0x2b9: {  	s0 =	sand.u32 $0x40, s0;
	s1 =	sor.u32 $0x3300, s1  }
0x2ba: {  	s0 =	sor.u32 s0, s1  }
0x2bb: {  	v0 =	vld [tilespmem:s0+$0x80];
	_ =	sdelay $0x4  }
0x2bc: {  	v0 =	vshll.u32 v0, $0x1  }
0x2bd: {  	v1 =	vadd.s32 $0x200, v0  }
0x2be: {  	v0 =	vadd.s32 $0x201, v0;
	_ =	sdelay $0x1  }
0x2bf: {  	s2 =	sadd.s32 $0xFFFFFD00, s29  }
0x2c0: {  	v2 =	vor.u32 s2, v48  }
0x2c1: {  	v2 =	vand.u32 v49, v2;
	v1 =	vld.idx.msk [tilespmem:v1+s23+$0x0], $0xffff  }
0x2c2: {  	v3 =	vor.u32 s2, v50;
	v0 =	vld.idx.msk [tilespmem:v0+s23+$0x0], $0xffff;
	_ =	sdelay $0x2  }
0x2c3: {  	s12 =	sadd.s32 $0xFFFFFFE0, s30  }
0x2c4: {  	s0 =	sand.u32 $0x50, s12;
	[tilespmem:v2+s25+$0x0] =	vst.idx.msk $0xffff, v1  }
0x2c5: {  	s0 =	sor.u32 s0, s1;
	[tilespmem:v3+s25+$0x0] =	vst.idx.msk $0xffff, v0  }
0x2c6: {  	v0 =	vld [tilespmem:s0+$0x80];
	_ =	sdelay $0x4  }
0x2c7: {  	v0 =	vshll.u32 v0, $0x1  }
0x2c8: {  	v62 =	vadd.s32 $0x200, v0  }
0x2c9: {  	v0 =	vadd.s32 $0x201, v0;
	_ =	sdelay $0x1  }
0x2ca: {  	s13 =	sadd.s32 $0xFFFFFE00, s29  }
0x2cb: {  	v63 =	vor.u32 s13, v48  }
0x2cc: {  	v2 =	vand.u32 v51, v63;
	v1 =	vld.idx.msk [tilespmem:v62+s23+$0x0], $0xffff  }
0x2cd: {  	v36 =	vor.u32 s13, v50;
	v0 =	vld.idx.msk [tilespmem:v0+s23+$0x0], $0xffff;
	_ =	sdelay $0x2  }
0x2ce: {  	s14 =	sadd.s32 $0xFFFFFFF0, s30  }
0x2cf: {  	s0 =	sand.u32 $0x60, s14;
	[tilespmem:v2+s25+$0x0] =	vst.idx.msk $0xffff, v1  }
0x2d0: {  	s0 =	sor.u32 s0, s1;
	[tilespmem:v36+s25+$0x0] =	vst.idx.msk $0xffff, v0  }
0x2d1: {  	v0 =	vld [tilespmem:s0+$0x80];
	_ =	sdelay $0x4  }
0x2d2: {  	v0 =	vshll.u32 v0, $0x1  }
0x2d3: {  	v41 =	vadd.s32 $0x200, v0  }
0x2d4: {  	v0 =	vadd.s32 $0x201, v0;
	_ =	sdelay $0x1  }
0x2d5: {  	s15 =	sadd.s32 $0xFFFFFF00, s29  }
0x2d6: {  	v44 =	vor.u32 s15, v48  }
0x2d7: {  	v2 =	vand.u32 v52, v44;
	v1 =	vld.idx.msk [tilespmem:v41+s23+$0x0], $0xffff  }
0x2d8: {  	v60 =	vor.u32 s15, v50;
	v0 =	vld.idx.msk [tilespmem:v0+s23+$0x0], $0xffff;
	_ =	sdelay $0x3  }
0x2d9: {  	s16 =	sand.u32 $0x70, s30;
	[tilespmem:v2+s25+$0x0] =	vst.idx.msk $0xffff, v1  }
0x2da: {  	s0 =	sor.u32 s16, s1;
	[tilespmem:v60+s25+$0x0] =	vst.idx.msk $0xffff, v0  }
0x2db: {  	v0 =	vld [tilespmem:s0+$0x80];
	_ =	sdelay $0x4  }
0x2dc: {  	v0 =	vshll.u32 v0, $0x1  }
0x2dd: {  	v61 =	vadd.s32 $0x200, v0  }
0x2de: {  	v0 =	vadd.s32 $0x201, v0;
	_ =	sdelay $0x2  }
0x2df: {  	v62 =	vor.u32 s29, v48  }
0x2e0: {  	s28 =	sadd.s32 $0x4, s28;
	v2 =	vand.u32 v53, v62;
	v1 =	vld.idx.msk [tilespmem:v61+s23+$0x0], $0xffff  }
0x2e1: {  	p0 =	slt.u32 s28, $0x1C;
	v63 =	vor.u32 s29, v50;
	v0 =	vld.idx.msk [tilespmem:v0+s23+$0x0], $0xffff  }
.Ltmp2:
0x2e2: {  	_ = 	snop;
	(pc) =	sbr.rel @p0 .LBB2_6-.Ltmp2, $4  }
0x2e3: {  	_ = 	snop  }
0x2e4: {  	s30 =	sadd.s32 $0x40, s30  }
0x2e5: {  	s31 =	sadd.s32 $0x200, s31;
	s2 =	simm.s32 $0x30;
	s12 =	simm.s32 $0x0;
	[tilespmem:v2+s25+$0x0] =	vst.idx.msk $0xffff, v1  }
0x2e6: {  	s29 =	sadd.s32 $0x400, s29;
	s1 =	simm.s32 $0x300;
	s0 =	simm.s32 $0xFFFFFFFC;
	[tilespmem:v63+s25+$0x0] =	vst.idx.msk $0xffff, v0  }
0x2e7: {  	v19 =	vld [tilespmem:$0x1FE70]  }
0x2e8: {  	s13 =	simm.s32 $0x0;
	v60 =	vld [tilespmem:$0x1FFE0]  }
0x2e9: {  	s14 =	simm.s32 $0x30;
	s28 =	simm.s32 $0x300;
	s29 =	simm.s32 $0xFFFFFFFC;
	v61 =	vld [tilespmem:$0x1FFF0]  }
.LBB2_8:
0x2ea: {  	s30 =	sadd.s32 $0xFFFFFFD0, s14;
	s31 =	sand.u32 $0xC00, s13  }
0x2eb: {  	s30 =	sand.u32 $0x40, s30;
	s31 =	sor.u32 $0x3300, s31  }
0x2ec: {  	s30 =	sor.u32 s30, s31  }
0x2ed: {  	v0 =	vld [tilespmem:s30+$0x100];
	_ =	sdelay $0x4  }
0x2ee: {  	v0 =	vshll.u32 v0, $0x1  }
0x2ef: {  	v1 =	vadd.s32 $0x400, v0  }
0x2f0: {  	v0 =	vadd.s32 $0x401, v0;
	_ =	sdelay $0x1  }
0x2f1: {  	s15 =	sadd.s32 $0xFFFFFD00, s28  }
0x2f2: {  	v2 =	vor.u32 s15, v54  }
0x2f3: {  	v2 =	vand.u32 v55, v2;
	v1 =	vld.idx.msk [tilespmem:v1+s23+$0x0], $0xffff  }
0x2f4: {  	v3 =	vor.u32 s15, v56;
	v0 =	vld.idx.msk [tilespmem:v0+s23+$0x0], $0xffff;
	_ =	sdelay $0x2  }
0x2f5: {  	s16 =	sadd.s32 $0xFFFFFFE0, s14  }
0x2f6: {  	s30 =	sand.u32 $0x50, s16;
	[tilespmem:v2+s25+$0x0] =	vst.idx.msk $0xffff, v1  }
0x2f7: {  	s30 =	sor.u32 s30, s31;
	[tilespmem:v3+s25+$0x0] =	vst.idx.msk $0xffff, v0  }
0x2f8: {  	v0 =	vld [tilespmem:s30+$0x100];
	_ =	sdelay $0x4  }
0x2f9: {  	v0 =	vshll.u32 v0, $0x1  }
0x2fa: {  	v44 =	vadd.s32 $0x400, v0  }
0x2fb: {  	v0 =	vadd.s32 $0x401, v0;
	_ =	sdelay $0x1  }
0x2fc: {  	s15 =	sadd.s32 $0xFFFFFE00, s28  }
0x2fd: {  	v48 =	vor.u32 s15, v54  }
0x2fe: {  	v2 =	vand.u32 v57, v48;
	v1 =	vld.idx.msk [tilespmem:v44+s23+$0x0], $0xffff  }
0x2ff: {  	v49 =	vor.u32 s15, v56;
	v0 =	vld.idx.msk [tilespmem:v0+s23+$0x0], $0xffff;
	_ =	sdelay $0x2  }
0x300: {  	s16 =	sadd.s32 $0xFFFFFFF0, s14  }
0x301: {  	s30 =	sand.u32 $0x60, s16;
	[tilespmem:v2+s25+$0x0] =	vst.idx.msk $0xffff, v1  }
0x302: {  	s30 =	sor.u32 s30, s31;
	[tilespmem:v49+s25+$0x0] =	vst.idx.msk $0xffff, v0  }
0x303: {  	v0 =	vld [tilespmem:s30+$0x100];
	_ =	sdelay $0x4  }
0x304: {  	v0 =	vshll.u32 v0, $0x1  }
0x305: {  	v50 =	vadd.s32 $0x400, v0  }
0x306: {  	v0 =	vadd.s32 $0x401, v0;
	_ =	sdelay $0x1  }
0x307: {  	s15 =	sadd.s32 $0xFFFFFF00, s28  }
0x308: {  	v51 =	vor.u32 s15, v54  }
0x309: {  	v2 =	vand.u32 v58, v51;
	v1 =	vld.idx.msk [tilespmem:v50+s23+$0x0], $0xffff  }
0x30a: {  	v52 =	vor.u32 s15, v56;
	v0 =	vld.idx.msk [tilespmem:v0+s23+$0x0], $0xffff;
	_ =	sdelay $0x3  }
0x30b: {  	s16 =	sand.u32 $0x70, s14;
	[tilespmem:v2+s25+$0x0] =	vst.idx.msk $0xffff, v1  }
0x30c: {  	s30 =	sor.u32 s16, s31;
	[tilespmem:v52+s25+$0x0] =	vst.idx.msk $0xffff, v0  }
0x30d: {  	v0 =	vld [tilespmem:s30+$0x100];
	_ =	sdelay $0x4  }
0x30e: {  	v0 =	vshll.u32 v0, $0x1  }
0x30f: {  	v53 =	vadd.s32 $0x400, v0  }
0x310: {  	v0 =	vadd.s32 $0x401, v0;
	_ =	sdelay $0x2  }
0x311: {  	v62 =	vor.u32 s28, v54  }
0x312: {  	s29 =	sadd.s32 $0x4, s29;
	v2 =	vand.u32 v59, v62;
	v1 =	vld.idx.msk [tilespmem:v53+s23+$0x0], $0xffff  }
0x313: {  	v63 =	vor.u32 s28, v56;
	p0 =	slt.u32 s29, $0x1C;
	v0 =	vld.idx.msk [tilespmem:v0+s23+$0x0], $0xffff  }
.Ltmp3:
0x314: {  	_ = 	snop;
	(pc) =	sbr.rel @p0 .LBB2_8-.Ltmp3, $3  }
0x315: {  	_ =	sdelay $0x1  }
0x316: {  	[tilespmem:v2+s25+$0x0] =	vst.idx.msk $0xffff, v1  }
0x317: {  	s13 =	sadd.s32 $0x200, s13;
	s28 =	sadd.s32 $0x400, s28;
	s14 =	sadd.s32 $0x40, s14;
	[tilespmem:v63+s25+$0x0] =	vst.idx.msk $0xffff, v0  }
.LBB2_9:
0x318: {  	s13 =	sadd.s32 $0xFFFFFFD0, s2;
	s14 =	sand.u32 $0xC00, s12  }
0x319: {  	s13 =	sand.u32 $0x40, s13;
	s14 =	sor.u32 $0x3300, s14  }
0x31a: {  	s13 =	sor.u32 s13, s14  }
0x31b: {  	v0 =	vld [tilespmem:s13+$0x180];
	_ =	sdelay $0x4  }
0x31c: {  	v0 =	vshll.u32 v0, $0x1  }
0x31d: {  	v1 =	vadd.s32 $0x600, v0  }
0x31e: {  	v0 =	vadd.s32 $0x601, v0;
	_ =	sdelay $0x1  }
0x31f: {  	s15 =	sadd.s32 $0xFFFFFD00, s1  }
0x320: {  	v2 =	vor.u32 s15, v60  }
0x321: {  	v3 =	vor.u32 $0x7, v20;
	v2 =	vand.u32 v61, v2;
	v1 =	vld.idx.msk [tilespmem:v1+s23+$0x0], $0xffff  }
0x322: {  	v4 =	vor.u32 s15, v3;
	v0 =	vld.idx.msk [tilespmem:v0+s23+$0x0], $0xffff;
	_ =	sdelay $0x2  }
0x323: {  	s16 =	sadd.s32 $0xFFFFFFE0, s2  }
0x324: {  	s13 =	sand.u32 $0x50, s16;
	[tilespmem:v2+s25+$0x0] =	vst.idx.msk $0xffff, v1  }
0x325: {  	s13 =	sor.u32 s13, s14;
	[tilespmem:v4+s25+$0x0] =	vst.idx.msk $0xffff, v0  }
0x326: {  	v0 =	vld [tilespmem:s13+$0x180];
	_ =	sdelay $0x4  }
0x327: {  	v0 =	vshll.u32 v0, $0x1  }
0x328: {  	v56 =	vadd.s32 $0x600, v0  }
0x329: {  	v0 =	vadd.s32 $0x601, v0;
	_ =	sdelay $0x1  }
0x32a: {  	s15 =	sadd.s32 $0xFFFFFE00, s1  }
0x32b: {  	v57 =	vor.u32 s15, v60;
	v4 =	vor.u32 $0xFFFFFD86, v19  }
0x32c: {  	v2 =	vand.u32 v4, v57;
	v1 =	vld.idx.msk [tilespmem:v56+s23+$0x0], $0xffff  }
0x32d: {  	v4 =	vor.u32 s15, v3;
	v0 =	vld.idx.msk [tilespmem:v0+s23+$0x0], $0xffff;
	_ =	sdelay $0x2  }
0x32e: {  	s16 =	sadd.s32 $0xFFFFFFF0, s2  }
0x32f: {  	s13 =	sand.u32 $0x60, s16;
	[tilespmem:v2+s25+$0x0] =	vst.idx.msk $0xffff, v1  }
0x330: {  	s13 =	sor.u32 s13, s14;
	[tilespmem:v4+s25+$0x0] =	vst.idx.msk $0xffff, v0  }
0x331: {  	v0 =	vld [tilespmem:s13+$0x180];
	_ =	sdelay $0x4  }
0x332: {  	v0 =	vshll.u32 v0, $0x1  }
0x333: {  	v58 =	vadd.s32 $0x600, v0  }
0x334: {  	v0 =	vadd.s32 $0x601, v0;
	_ =	sdelay $0x1  }
0x335: {  	s15 =	sadd.s32 $0xFFFFFF00, s1  }
0x336: {  	v59 =	vor.u32 s15, v60;
	v4 =	vor.u32 $0xFFFFFE86, v19  }
0x337: {  	v2 =	vand.u32 v4, v59;
	v1 =	vld.idx.msk [tilespmem:v58+s23+$0x0], $0xffff  }
0x338: {  	v4 =	vor.u32 s15, v3;
	v0 =	vld.idx.msk [tilespmem:v0+s23+$0x0], $0xffff;
	_ =	sdelay $0x3  }
0x339: {  	s16 =	sand.u32 $0x70, s2;
	[tilespmem:v2+s25+$0x0] =	vst.idx.msk $0xffff, v1  }
0x33a: {  	s13 =	sor.u32 s16, s14;
	[tilespmem:v4+s25+$0x0] =	vst.idx.msk $0xffff, v0  }
0x33b: {  	v0 =	vld [tilespmem:s13+$0x180];
	_ =	sdelay $0x4  }
0x33c: {  	v0 =	vshll.u32 v0, $0x1  }
0x33d: {  	v62 =	vadd.s32 $0x600, v0  }
0x33e: {  	v0 =	vadd.s32 $0x601, v0;
	_ =	sdelay $0x2  }
0x33f: {  	v63 =	vor.u32 s1, v60;
	v4 =	vor.u32 $0xFFFFFF86, v19  }
0x340: {  	s0 =	sadd.s32 $0x4, s0;
	v2 =	vand.u32 v4, v63;
	v1 =	vld.idx.msk [tilespmem:v62+s23+$0x0], $0xffff  }
0x341: {  	p1 =	slt.u32 s0, $0x1C;
	v3 =	vor.u32 s1, v3;
	v0 =	vld.idx.msk [tilespmem:v0+s23+$0x0], $0xffff  }
.Ltmp4:
0x342: {  	_ = 	snop;
	(pc) =	sbr.rel @p1 .LBB2_9-.Ltmp4, $4  }
0x343: {  	_ = 	snop  }
0x344: {  	s12 =	sadd.s32 $0x200, s12;
	s28 =	simm.s32 $0xFFFFFFFC  }
0x345: {  	s29 =	simm.s32 $0x300;
	s30 =	simm.s32 $0x0;
	s31 =	simm.s32 $0x20;
	[tilespmem:v2+s25+$0x0] =	vst.idx.msk $0xffff, v1  }
0x346: {  	p0 =	por $0x0, $0x0;
	s2 =	sadd.s32 $0x40, s2;
	s1 =	sadd.s32 $0x400, s1;
	[tilespmem:v3+s25+$0x0] =	vst.idx.msk $0xffff, v0  }
0x347: {  	p1 =	por $0x0, $0x0  }
0x348: {  	s0 =	simm.s32 $0x0;
	s1 =	simm.s32 $0x20;
	s2 =	simm.s32 $0x0  }
0x349: {  	s12 =	simm.s32 $0x0;
	s13 =	simm.s32 $0x300;
	s14 =	simm.s32 $0xFFFFFFFC  }
.LBB2_11:
0x34a: {  	s15 =	simm.s32 $0x1  }
0x34b: {  	s15 =	simm.s32 @!p1 $0x0  }
0x34c: {  	s15 =	sshll.u32 s15, $0x6  }
0x34d: {  	s15 =	sadd.s32 s15, s12  }
0x34e: {  	s15 =	sor.u32 $0x200, s15  }
0x34f: {  	v0 =	vld [tilespmem:s15+$0x3300];
	_ =	sdelay $0x4  }
0x350: {  	v0 =	vshll.u32 v0, $0x1  }
0x351: {  	v1 =	vadd.s32 $0x800, v0  }
0x352: {  	v0 =	vadd.s32 $0x801, v0;
	_ =	sdelay $0x1  }
0x353: {  	s16 =	sadd.s32 $0xFFFFFD00, s13;
	v2 =	vor.u32 $0x8, v20  }
0x354: {  	v4 =	vor.u32 $0xFFFFFC88, v19;
	v3 =	vor.u32 s16, v2  }
0x355: {  	v3 =	vand.u32 v4, v3;
	v4 =	vor.u32 $0x9, v20;
	v1 =	vld.idx.msk [tilespmem:v1+s23+$0x0], $0xffff  }
0x356: {  	v5 =	vor.u32 s16, v4;
	v0 =	vld.idx.msk [tilespmem:v0+s23+$0x0], $0xffff  }
0x357: {  	s16 =	sand.u32 $0x7, s2  }
0x358: {  	s15 =	sshll.u32 s16, $0x4  }
0x359: {  	s15 =	sadd.s32 s15, s12  }
0x35a: {  	s16 =	sadd.s32 $0x10, s15;
	[tilespmem:v3+s25+$0x0] =	vst.idx.msk $0xffff, v1  }
0x35b: {  	s16 =	sor.u32 $0x200, s16;
	[tilespmem:v5+s25+$0x0] =	vst.idx.msk $0xffff, v0  }
0x35c: {  	v0 =	vld [tilespmem:s16+$0x3300];
	_ =	sdelay $0x4  }
0x35d: {  	v0 =	vshll.u32 v0, $0x1  }
0x35e: {  	v57 =	vadd.s32 $0x800, v0  }
0x35f: {  	v0 =	vadd.s32 $0x801, v0;
	_ =	sdelay $0x1  }
0x360: {  	s16 =	sadd.s32 $0xFFFFFE00, s13  }
0x361: {  	v5 =	vor.u32 $0xFFFFFD88, v19;
	v58 =	vor.u32 s16, v2  }
0x362: {  	v3 =	vand.u32 v5, v58;
	v1 =	vld.idx.msk [tilespmem:v57+s23+$0x0], $0xffff  }
0x363: {  	v5 =	vor.u32 s16, v4;
	v0 =	vld.idx.msk [tilespmem:v0+s23+$0x0], $0xffff;
	_ =	sdelay $0x1  }
0x364: {  	s16 =	sand.u32 $0x3, s0  }
0x365: {  	s16 =	sshll.u32 s16, $0x5  }
0x366: {  	s16 =	sadd.s32 s16, s1;
	[tilespmem:v3+s25+$0x0] =	vst.idx.msk $0xffff, v1  }
0x367: {  	s16 =	sor.u32 $0x200, s16;
	[tilespmem:v5+s25+$0x0] =	vst.idx.msk $0xffff, v0  }
0x368: {  	v0 =	vld [tilespmem:s16+$0x3300];
	_ =	sdelay $0x4  }
0x369: {  	v0 =	vshll.u32 v0, $0x1  }
0x36a: {  	v59 =	vadd.s32 $0x800, v0  }
0x36b: {  	v0 =	vadd.s32 $0x801, v0;
	_ =	sdelay $0x1  }
0x36c: {  	s16 =	sadd.s32 $0xFFFFFF00, s13  }
0x36d: {  	v5 =	vor.u32 $0xFFFFFE88, v19;
	v60 =	vor.u32 s16, v2  }
0x36e: {  	v3 =	vand.u32 v5, v60;
	v1 =	vld.idx.msk [tilespmem:v59+s23+$0x0], $0xffff  }
0x36f: {  	v5 =	vor.u32 s16, v4;
	v0 =	vld.idx.msk [tilespmem:v0+s23+$0x0], $0xffff;
	_ =	sdelay $0x3  }
0x370: {  	s15 =	sadd.s32 $0x30, s15;
	[tilespmem:v3+s25+$0x0] =	vst.idx.msk $0xffff, v1  }
0x371: {  	s15 =	sor.u32 $0x200, s15;
	[tilespmem:v5+s25+$0x0] =	vst.idx.msk $0xffff, v0  }
0x372: {  	v0 =	vld [tilespmem:s15+$0x3300];
	_ =	sdelay $0x4  }
0x373: {  	v0 =	vshll.u32 v0, $0x1  }
0x374: {  	v61 =	vadd.s32 $0x800, v0  }
0x375: {  	v0 =	vadd.s32 $0x801, v0;
	_ =	sdelay $0x2  }
0x376: {  	v62 =	vor.u32 $0xFFFFFF88, v19;
	v2 =	vor.u32 s13, v2  }
0x377: {  	s14 =	sadd.s32 $0x4, s14;
	v2 =	vand.u32 v62, v2;
	v1 =	vld.idx.msk [tilespmem:v61+s23+$0x0], $0xffff  }
0x378: {  	p2 =	slt.u32 s14, $0x1C;
	v63 =	vor.u32 s13, v4;
	v0 =	vld.idx.msk [tilespmem:v0+s23+$0x0], $0xffff  }
.Ltmp5:
0x379: {  	_ = 	snop;
	(pc) =	sbr.rel @p2 .LBB2_11-.Ltmp5, $3  }
0x37a: {  	_ =	sdelay $0x1  }
0x37b: {  	p1 =	por !p1, !p1;
	s2 =	sadd.s32 $0x4, s2;
	s12 =	sadd.s32 $0x200, s12;
	[tilespmem:v2+s25+$0x0] =	vst.idx.msk $0xffff, v1  }
0x37c: {  	s0 =	sadd.s32 $0x2, s0;
	s1 =	sadd.s32 $0x200, s1;
	s13 =	sadd.s32 $0x400, s13;
	[tilespmem:v63+s25+$0x0] =	vst.idx.msk $0xffff, v0  }
0x37d: {  	s13 =	simm.s32 $0x0;
	s14 =	simm.s32 $0x0  }
.LBB2_13:
0x37e: {  	s0 =	simm.s32 $0x1  }
0x37f: {  	s0 =	simm.s32 @!p0 $0x0  }
0x380: {  	s0 =	sshll.u32 s0, $0x6  }
0x381: {  	s0 =	sadd.s32 s0, s14  }
0x382: {  	s0 =	sor.u32 $0x280, s0  }
0x383: {  	v0 =	vld [tilespmem:s0+$0x3300];
	_ =	sdelay $0x4  }
0x384: {  	v0 =	vshll.u32 v0, $0x1  }
0x385: {  	v1 =	vadd.s32 $0xA00, v0  }
0x386: {  	v0 =	vadd.s32 $0xA01, v0;
	_ =	sdelay $0x1  }
0x387: {  	s1 =	sadd.s32 $0xFFFFFD00, s29;
	v2 =	vor.u32 $0xA, v20  }
0x388: {  	v4 =	vor.u32 $0xFFFFFC8A, v19;
	v3 =	vor.u32 s1, v2  }
0x389: {  	v3 =	vand.u32 v4, v3;
	v4 =	vor.u32 $0xB, v20;
	v1 =	vld.idx.msk [tilespmem:v1+s23+$0x0], $0xffff  }
0x38a: {  	v5 =	vor.u32 s1, v4;
	v0 =	vld.idx.msk [tilespmem:v0+s23+$0x0], $0xffff  }
0x38b: {  	s2 =	sand.u32 $0x7, s13  }
0x38c: {  	s0 =	sshll.u32 s2, $0x4  }
0x38d: {  	s0 =	sadd.s32 s0, s14  }
0x38e: {  	s1 =	sadd.s32 $0x10, s0;
	[tilespmem:v3+s25+$0x0] =	vst.idx.msk $0xffff, v1  }
0x38f: {  	s1 =	sor.u32 $0x280, s1;
	[tilespmem:v5+s25+$0x0] =	vst.idx.msk $0xffff, v0  }
0x390: {  	v0 =	vld [tilespmem:s1+$0x3300];
	_ =	sdelay $0x4  }
0x391: {  	v0 =	vshll.u32 v0, $0x1  }
0x392: {  	v57 =	vadd.s32 $0xA00, v0  }
0x393: {  	v0 =	vadd.s32 $0xA01, v0;
	_ =	sdelay $0x1  }
0x394: {  	s12 =	sadd.s32 $0xFFFFFE00, s29  }
0x395: {  	v58 =	vor.u32 s12, v2;
	v5 =	vor.u32 $0xFFFFFD8A, v19  }
0x396: {  	v3 =	vand.u32 v5, v58;
	v1 =	vld.idx.msk [tilespmem:v57+s23+$0x0], $0xffff  }
0x397: {  	v5 =	vor.u32 s12, v4;
	v0 =	vld.idx.msk [tilespmem:v0+s23+$0x0], $0xffff;
	_ =	sdelay $0x1  }
0x398: {  	s15 =	sand.u32 $0x3, s30  }
0x399: {  	s1 =	sshll.u32 s15, $0x5  }
0x39a: {  	s1 =	sadd.s32 s1, s31;
	[tilespmem:v3+s25+$0x0] =	vst.idx.msk $0xffff, v1  }
0x39b: {  	s1 =	sor.u32 $0x280, s1;
	[tilespmem:v5+s25+$0x0] =	vst.idx.msk $0xffff, v0  }
0x39c: {  	v0 =	vld [tilespmem:s1+$0x3300];
	_ =	sdelay $0x4  }
0x39d: {  	v0 =	vshll.u32 v0, $0x1  }
0x39e: {  	v59 =	vadd.s32 $0xA00, v0  }
0x39f: {  	v0 =	vadd.s32 $0xA01, v0;
	_ =	sdelay $0x1  }
0x3a0: {  	s16 =	sadd.s32 $0xFFFFFF00, s29  }
0x3a1: {  	v60 =	vor.u32 s16, v2;
	v5 =	vor.u32 $0xFFFFFE8A, v19  }
0x3a2: {  	v3 =	vand.u32 v5, v60;
	v1 =	vld.idx.msk [tilespmem:v59+s23+$0x0], $0xffff  }
0x3a3: {  	v5 =	vor.u32 s16, v4;
	v0 =	vld.idx.msk [tilespmem:v0+s23+$0x0], $0xffff;
	_ =	sdelay $0x3  }
0x3a4: {  	s0 =	sadd.s32 $0x30, s0;
	[tilespmem:v3+s25+$0x0] =	vst.idx.msk $0xffff, v1  }
0x3a5: {  	s0 =	sor.u32 $0x280, s0;
	[tilespmem:v5+s25+$0x0] =	vst.idx.msk $0xffff, v0  }
0x3a6: {  	v0 =	vld [tilespmem:s0+$0x3300];
	_ =	sdelay $0x4  }
0x3a7: {  	v0 =	vshll.u32 v0, $0x1  }
0x3a8: {  	v61 =	vadd.s32 $0xA00, v0  }
0x3a9: {  	v0 =	vadd.s32 $0xA01, v0;
	_ =	sdelay $0x2  }
0x3aa: {  	v62 =	vor.u32 $0xFFFFFF8A, v19;
	v2 =	vor.u32 s29, v2  }
0x3ab: {  	s28 =	sadd.s32 $0x4, s28;
	v2 =	vand.u32 v62, v2;
	v1 =	vld.idx.msk [tilespmem:v61+s23+$0x0], $0xffff  }
0x3ac: {  	p2 =	slt.u32 s28, $0x1C;
	v63 =	vor.u32 s29, v4;
	v0 =	vld.idx.msk [tilespmem:v0+s23+$0x0], $0xffff  }
.Ltmp6:
0x3ad: {  	_ = 	snop;
	(pc) =	sbr.rel @p2 .LBB2_13-.Ltmp6, $4  }
0x3ae: {  	s13 =	sadd.s32 $0x4, s13;
	s30 =	sadd.s32 $0x2, s30  }
0x3af: {  	p1 =	por $0x0, $0x0;
	p0 =	por !p0, !p0;
	s29 =	sadd.s32 $0x400, s29  }
0x3b0: {  	s2 =	simm.s32 $0x0;
	s14 =	sadd.s32 $0x200, s14;
	s12 =	simm.s32 $0x20;
	[tilespmem:v2+s25+$0x0] =	vst.idx.msk $0xffff, v1  }
0x3b1: {  	s31 =	sadd.s32 $0x200, s31;
	s1 =	simm.s32 $0xFFFFFFFC;
	s0 =	simm.s32 $0x300;
	[tilespmem:v63+s25+$0x0] =	vst.idx.msk $0xffff, v0  }
0x3b2: {  	s13 =	simm.s32 $0x0;
	s14 =	simm.s32 $0x0  }
0x3b3: {  	s28 =	simm.s32 $0x0;
	s29 =	simm.s32 $0x300;
	s30 =	simm.s32 $0xFFFFFFFC  }
.LBB2_15:
0x3b4: {  	s15 =	simm.s32 $0x1  }
0x3b5: {  	s15 =	simm.s32 @!p1 $0x0  }
0x3b6: {  	s15 =	sshll.u32 s15, $0x6  }
0x3b7: {  	s15 =	sadd.s32 s15, s28  }
0x3b8: {  	s15 =	sor.u32 $0x300, s15  }
0x3b9: {  	v0 =	vld [tilespmem:s15+$0x3300];
	_ =	sdelay $0x4  }
0x3ba: {  	v0 =	vshll.u32 v0, $0x1  }
0x3bb: {  	v1 =	vadd.s32 $0xC00, v0  }
0x3bc: {  	v0 =	vadd.s32 $0xC01, v0;
	_ =	sdelay $0x1  }
0x3bd: {  	s31 =	sadd.s32 $0xFFFFFD00, s29;
	v2 =	vor.u32 $0xC, v20  }
0x3be: {  	v4 =	vor.u32 $0xFFFFFC8C, v19;
	v3 =	vor.u32 s31, v2  }
0x3bf: {  	v3 =	vand.u32 v4, v3;
	v4 =	vor.u32 $0xD, v20;
	v1 =	vld.idx.msk [tilespmem:v1+s23+$0x0], $0xffff  }
0x3c0: {  	v5 =	vor.u32 s31, v4;
	v0 =	vld.idx.msk [tilespmem:v0+s23+$0x0], $0xffff  }
0x3c1: {  	s16 =	sand.u32 $0x7, s14  }
0x3c2: {  	s15 =	sshll.u32 s16, $0x4  }
0x3c3: {  	s15 =	sadd.s32 s15, s28  }
0x3c4: {  	s16 =	sadd.s32 $0x10, s15;
	[tilespmem:v3+s25+$0x0] =	vst.idx.msk $0xffff, v1  }
0x3c5: {  	s16 =	sor.u32 $0x300, s16;
	[tilespmem:v5+s25+$0x0] =	vst.idx.msk $0xffff, v0  }
0x3c6: {  	v0 =	vld [tilespmem:s16+$0x3300];
	_ =	sdelay $0x4  }
0x3c7: {  	v0 =	vshll.u32 v0, $0x1  }
0x3c8: {  	v57 =	vadd.s32 $0xC00, v0  }
0x3c9: {  	v0 =	vadd.s32 $0xC01, v0;
	_ =	sdelay $0x1  }
0x3ca: {  	s31 =	sadd.s32 $0xFFFFFE00, s29  }
0x3cb: {  	v58 =	vor.u32 s31, v2;
	v5 =	vor.u32 $0xFFFFFD8C, v19  }
0x3cc: {  	v3 =	vand.u32 v5, v58;
	v1 =	vld.idx.msk [tilespmem:v57+s23+$0x0], $0xffff  }
0x3cd: {  	v5 =	vor.u32 s31, v4;
	v0 =	vld.idx.msk [tilespmem:v0+s23+$0x0], $0xffff;
	_ =	sdelay $0x1  }
0x3ce: {  	s31 =	sand.u32 $0x3, s13  }
0x3cf: {  	s16 =	sshll.u32 s31, $0x5  }
0x3d0: {  	s16 =	sadd.s32 s16, s12;
	[tilespmem:v3+s25+$0x0] =	vst.idx.msk $0xffff, v1  }
0x3d1: {  	s16 =	sor.u32 $0x300, s16;
	[tilespmem:v5+s25+$0x0] =	vst.idx.msk $0xffff, v0  }
0x3d2: {  	v0 =	vld [tilespmem:s16+$0x3300];
	_ =	sdelay $0x4  }
0x3d3: {  	v0 =	vshll.u32 v0, $0x1  }
0x3d4: {  	v59 =	vadd.s32 $0xC00, v0  }
0x3d5: {  	v0 =	vadd.s32 $0xC01, v0;
	_ =	sdelay $0x1  }
0x3d6: {  	s31 =	sadd.s32 $0xFFFFFF00, s29  }
0x3d7: {  	v60 =	vor.u32 s31, v2;
	v5 =	vor.u32 $0xFFFFFE8C, v19  }
0x3d8: {  	v3 =	vand.u32 v5, v60;
	v1 =	vld.idx.msk [tilespmem:v59+s23+$0x0], $0xffff  }
0x3d9: {  	v5 =	vor.u32 s31, v4;
	v0 =	vld.idx.msk [tilespmem:v0+s23+$0x0], $0xffff;
	_ =	sdelay $0x3  }
0x3da: {  	s15 =	sadd.s32 $0x30, s15;
	[tilespmem:v3+s25+$0x0] =	vst.idx.msk $0xffff, v1  }
0x3db: {  	s15 =	sor.u32 $0x300, s15;
	[tilespmem:v5+s25+$0x0] =	vst.idx.msk $0xffff, v0  }
0x3dc: {  	v0 =	vld [tilespmem:s15+$0x3300];
	_ =	sdelay $0x4  }
0x3dd: {  	v0 =	vshll.u32 v0, $0x1  }
0x3de: {  	v61 =	vadd.s32 $0xC00, v0  }
0x3df: {  	v0 =	vadd.s32 $0xC01, v0;
	_ =	sdelay $0x2  }
0x3e0: {  	v62 =	vor.u32 $0xFFFFFF8C, v19;
	v2 =	vor.u32 s29, v2  }
0x3e1: {  	s30 =	sadd.s32 $0x4, s30;
	v2 =	vand.u32 v62, v2;
	v1 =	vld.idx.msk [tilespmem:v61+s23+$0x0], $0xffff  }
0x3e2: {  	p0 =	slt.u32 s30, $0x1C;
	v63 =	vor.u32 s29, v4;
	v0 =	vld.idx.msk [tilespmem:v0+s23+$0x0], $0xffff  }
.Ltmp7:
0x3e3: {  	_ = 	snop;
	(pc) =	sbr.rel @p0 .LBB2_15-.Ltmp7, $3  }
0x3e4: {  	_ =	sdelay $0x1  }
0x3e5: {  	s14 =	sadd.s32 $0x4, s14;
	p1 =	por !p1, !p1;
	s28 =	sadd.s32 $0x200, s28;
	[tilespmem:v2+s25+$0x0] =	vst.idx.msk $0xffff, v1  }
0x3e6: {  	s13 =	sadd.s32 $0x2, s13;
	s29 =	sadd.s32 $0x400, s29;
	s12 =	sadd.s32 $0x200, s12;
	[tilespmem:v63+s25+$0x0] =	vst.idx.msk $0xffff, v0  }
.LBB2_16:
0x3e7: {  	s12 =	sor.u32 $0x380, s2  }
0x3e8: {  	v0 =	vld [tilespmem:s12+$0x3300];
	_ =	sdelay $0x4  }
0x3e9: {  	v0 =	vshll.u32 v0, $0x1  }
0x3ea: {  	v1 =	vadd.s32 $0xE00, v0  }
0x3eb: {  	v0 =	vadd.s32 $0xE01, v0;
	_ =	sdelay $0x1  }
0x3ec: {  	s15 =	sadd.s32 $0xFFFFFD00, s0;
	v2 =	vor.u32 $0xE, v20  }
0x3ed: {  	v4 =	vor.u32 $0xFFFFFC8E, v19;
	v3 =	vor.u32 s15, v2  }
0x3ee: {  	v3 =	vand.u32 v4, v3;
	v4 =	vor.u32 $0xF, v20;
	v1 =	vld.idx.msk [tilespmem:v1+s23+$0x0], $0xffff  }
0x3ef: {  	v5 =	vor.u32 s15, v4;
	v0 =	vld.idx.msk [tilespmem:v0+s23+$0x0], $0xffff;
	_ =	sdelay $0x3  }
0x3f0: {  	s16 =	sadd.s32 $0x10, s2;
	[tilespmem:v3+s25+$0x0] =	vst.idx.msk $0xffff, v1  }
0x3f1: {  	s12 =	sor.u32 $0x380, s16;
	[tilespmem:v5+s25+$0x0] =	vst.idx.msk $0xffff, v0  }
0x3f2: {  	v0 =	vld [tilespmem:s12+$0x3300];
	_ =	sdelay $0x4  }
0x3f3: {  	v0 =	vshll.u32 v0, $0x1  }
0x3f4: {  	v57 =	vadd.s32 $0xE00, v0  }
0x3f5: {  	v0 =	vadd.s32 $0xE01, v0;
	_ =	sdelay $0x1  }
0x3f6: {  	s28 =	sadd.s32 $0xFFFFFE00, s0  }
0x3f7: {  	v58 =	vor.u32 s28, v2;
	v5 =	vor.u32 $0xFFFFFD8E, v19  }
0x3f8: {  	v3 =	vand.u32 v5, v58;
	v1 =	vld.idx.msk [tilespmem:v57+s23+$0x0], $0xffff  }
0x3f9: {  	v5 =	vor.u32 s28, v4;
	v0 =	vld.idx.msk [tilespmem:v0+s23+$0x0], $0xffff;
	_ =	sdelay $0x3  }
0x3fa: {  	s29 =	sadd.s32 $0x20, s2;
	[tilespmem:v3+s25+$0x0] =	vst.idx.msk $0xffff, v1  }
0x3fb: {  	s12 =	sor.u32 $0x380, s29;
	[tilespmem:v5+s25+$0x0] =	vst.idx.msk $0xffff, v0  }
0x3fc: {  	v0 =	vld [tilespmem:s12+$0x3300];
	_ =	sdelay $0x4  }
0x3fd: {  	v0 =	vshll.u32 v0, $0x1  }
0x3fe: {  	v59 =	vadd.s32 $0xE00, v0  }
0x3ff: {  	v0 =	vadd.s32 $0xE01, v0;
	_ =	sdelay $0x1  }
0x400: {  	s30 =	sadd.s32 $0xFFFFFF00, s0  }
0x401: {  	v60 =	vor.u32 s30, v2;
	v5 =	vor.u32 $0xFFFFFE8E, v19  }
0x402: {  	v3 =	vand.u32 v5, v60;
	v1 =	vld.idx.msk [tilespmem:v59+s23+$0x0], $0xffff  }
0x403: {  	v5 =	vor.u32 s30, v4;
	v0 =	vld.idx.msk [tilespmem:v0+s23+$0x0], $0xffff;
	_ =	sdelay $0x3  }
0x404: {  	s31 =	sadd.s32 $0x30, s2;
	[tilespmem:v3+s25+$0x0] =	vst.idx.msk $0xffff, v1  }
0x405: {  	s12 =	sor.u32 $0x380, s31;
	[tilespmem:v5+s25+$0x0] =	vst.idx.msk $0xffff, v0  }
0x406: {  	v0 =	vld [tilespmem:s12+$0x3300];
	_ =	sdelay $0x4  }
0x407: {  	v0 =	vshll.u32 v0, $0x1  }
0x408: {  	v61 =	vadd.s32 $0xE00, v0  }
0x409: {  	v0 =	vadd.s32 $0xE01, v0;
	_ =	sdelay $0x2  }
0x40a: {  	v62 =	vor.u32 $0xFFFFFF8E, v19;
	v2 =	vor.u32 s0, v2  }
0x40b: {  	s1 =	sadd.s32 $0x4, s1;
	v2 =	vand.u32 v62, v2;
	v1 =	vld.idx.msk [tilespmem:v61+s23+$0x0], $0xffff  }
0x40c: {  	p0 =	slt.u32 s1, $0x1C;
	v63 =	vor.u32 s0, v4;
	v0 =	vld.idx.msk [tilespmem:v0+s23+$0x0], $0xffff  }
.Ltmp8:
0x40d: {  	_ = 	snop;
	(pc) =	sbr.rel @p0 .LBB2_16-.Ltmp8, $3  }
0x40e: {  	_ =	sdelay $0x1  }
0x40f: {  	[tilespmem:v2+s25+$0x0] =	vst.idx.msk $0xffff, v1  }
0x410: {  	s2 =	sadd.s32 $0x240, s2;
	s0 =	sadd.s32 $0x400, s0;
	[tilespmem:v63+s25+$0x0] =	vst.idx.msk $0xffff, v0  }
0x411: {  	s0 =	rddreg [dreg:$0xf]  }
0x412: {  	[hbm4b:s0+s3] =	stream.linear.scatter [tilespmem:s25], [sflag:$0x2], $0x2000, $0x38;
	[tilespmem:$0x6400] =	vst v63  }
0x413: {  	_ =	swait.ge [sflag:s21], $0x2000  }
0x414: {  	s26 =	sadd.s32 $0x1, s26;
	s31 =	rddreg [dreg:$0x10]  }
0x415: {  	p0 =	sne.s32 s26, s31  }
.Ltmp9:
0x416: {  	_ = 	snop;
	(pc) =	sbr.rel @p0 .LBB2_1-.Ltmp9, $3  }
0x417: {  	_ =	sdelay $0x1  }
0x418: {  	[sflag:s21] =	ssyncset.done $0x0  }
0x419: {  	[sflag:s21] =	ssyncadd.s32 $0xFFFFE000  }
0x41a: {  	_ =	sfence.sel $0x180000  }
0x41b: {  	[bflag:$0x0] =	sbarrier.arrive $0xFFFF  }
0x41c: {  	_ =	strace $0x90000047  }
0x41d: {  	s0 =	stileid.u32;
	[bflag:$0x2] =	sbarrier.arrive $0xFFFF  }
0x41e: {  	p0 =	sne.s32 s0, $0x0;
	s0 =	rddreg [dreg:$0xb]  }
0x41f: {  	s0 =	sadd.s32 @!p0 $0x100000, s0  }
0x420: {  	[sflag:s0] =	ssyncadd.tile.s32 @!p0 $0x1;
	_ =	shalt  }
.Lfunc_end2:
_tile_overlayer_lowered:
.L_overlay_start_2:
0x421: {  	(tag) =	ssettag $0x2  }
0x422: {  	s0 =	rddreg [dreg:$0x0];
	s2 =	stileid.u32  }
0x423: {  	s1 =	rddreg [dreg:$0x1];
	p0 =	sne.s32 s2, $0x0  }
0x424: {  	s3 =	rddreg [dreg:$0x2];
	[bflag:$0x3] =	sbarrier.arrive $0xFFFF;
	s2 =	simm.s32 @!p0 $0x1C02  }
0x425: {  	[timem:s3], [sflag:s2] =	dma.local @!p0 [hbm:s0], s1  }
0x426: {  	s0 =	simm.s32 @!p0 $0x2  }
0x427: {  	_ =	swait.ge @!p0 [sflag:s0], s1  }
0x428: {  	s1 =	ssub.s32 @!p0 $0x0, s1;
	[sflag:s0] =	ssyncset.done @!p0 $0x0  }
0x429: {  	[sflag:s0] =	ssyncadd.s32 @!p0 s1  }
0x42a: {  	[bflag:$0x3] =	sbarrier.arrive $0xFFFF  }
0x42b: {  	_ =	shalt  }

</sc_bundles>
